<compile_context>
chip_gen: v7x
topology: tpu7x:2x2x1
jax: 0.10.2.dev20260603
libtpu: 0.0.44.dev20260713+nightly
codegen_flags: <defaults>
</compile_context>

<pallas_src>
import jax
import jax.numpy as jnp
from jax import lax
from jax.experimental import pallas as pl
from jax.experimental.pallas import tpu as pltpu
from jax.experimental.pallas import tpu_sc as plsc

N = 10000
E = 320000
D = 128
R = 6
G = 128
NSL = 8
SL = D // NSL
NK = R * N
NC = 2
NS = 16
LANES = 16
PPC = NSL // NC

_CB = 2000
_C_BLOCKS = (E // (NC * NS)) // _CB
_C_STRIPE = NK // NS


def _counts_body(eg_h, out_h, keyb0, keyb1, ones_v, zb, cacc, se0, se1):
    c = lax.axis_index("c")
    s = lax.axis_index("s")

    zeros16 = jnp.zeros((LANES,), jnp.float32)
    ones16 = jnp.ones((LANES,), jnp.float32)

    cbase = c * (E // 2) + s * (E // (NC * NS))

    def _start_k(b, keyb, sem):
        base = pl.multiple_of(cbase + b * _CB, 8)
        return pltpu.async_copy(eg_h.at[1].at[pl.ds(base, _CB)], keyb, sem)

    def _wait_k(keyb, sem):
        pltpu.make_async_copy(eg_h.at[1].at[pl.ds(0, _CB)], keyb, sem).wait()

    _start_k(0, keyb0, se0)

    def _fill(i, _):
        zb[i, :] = zeros16
        return ()
    lax.fori_loop(0, zb.shape[0], _fill, ())

    def _fill1(i, _):
        ones_v[i, :] = ones16
        return ()
    lax.fori_loop(0, _CB, _fill1, ())

    for k in range(_C_STRIPE // zb.shape[0]):
        pltpu.sync_copy(zb, cacc.at[pl.ds(s * _C_STRIPE + k * zb.shape[0],
                                          zb.shape[0])])
    plsc.subcore_barrier()

    for b in range(_C_BLOCKS):
        kb, sem = (keyb0, se0) if b % 2 == 0 else (keyb1, se1)
        kn, semn = (keyb1, se1) if b % 2 == 0 else (keyb0, se0)
        _wait_k(kb, sem)
        if b + 1 < _C_BLOCKS:
            _start_k(b + 1, kn, semn)
        pltpu.sync_copy(ones_v, cacc.at[kb], add=True)

    plsc.subcore_barrier()

    @pl.when((s == 0) & (c == 0))
    def _():
        pltpu.sync_copy(cacc, out_h.at[0])

    @pl.when((s == 0) & (c == 1))
    def _():
        pltpu.sync_copy(cacc, out_h.at[1])


_counts_fn = pl.kernel(
    _counts_body,
    out_type=jax.ShapeDtypeStruct((NC, NK, LANES), jnp.float32),
    mesh=plsc.VectorSubcoreMesh(core_axis_name="c", subcore_axis_name="s"),
    compiler_params=pltpu.CompilerParams(use_tc_tiling_on_sc=False),
    scratch_types=[
        pltpu.VMEM((_CB,), jnp.int32),
        pltpu.VMEM((_CB,), jnp.int32),
        pltpu.VMEM((_CB, LANES), jnp.float32),
        pltpu.VMEM((750, LANES), jnp.float32),
        pltpu.VMEM_SHARED((NK, LANES), jnp.float32),
        pltpu.SemaphoreType.DMA,
        pltpu.SemaphoreType.DMA,
    ],
)


_EB = 800
_S_BLOCKS = (E // NS) // _EB
_S_PAIRS = (_S_BLOCKS - 1) // 2
_S_STRIPE = NK // NS


def _scatter_body(xs_h, eg_h, out_h,
                  ebuf0, ebuf1, idxb0, keyb0, idxb1, keyb1,
                  rows0, rows1, zb, acc, xsl, se0, se1, sg0, sg1):
    c = lax.axis_index("c")
    s = lax.axis_index("s")

    zeros16 = jnp.zeros((LANES,), jnp.float32)

    def _fill(i, _):
        zb[i, :] = zeros16
        return ()
    lax.fori_loop(0, zb.shape[0], _fill, ())

    ebase = s * (E // NS)

    def _start_e(b, ebuf, sem):
        base = pl.multiple_of(ebase + b * _EB, 8)
        return pltpu.async_copy(eg_h.at[:, pl.ds(base, _EB)], ebuf, sem)

    def _wait_e(ebuf, sem):
        pltpu.make_async_copy(eg_h.at[:, pl.ds(0, _EB)], ebuf, sem).wait()

    def _start_g(idxb, rows, sem):
        return pltpu.async_copy(xsl.at[idxb], rows, sem)

    def _wait_g(idxb, rows, sem):
        pltpu.make_async_copy(xsl.at[idxb], rows, sem).wait()

    def _zero_stripe():
        for k in range(_S_STRIPE // zb.shape[0]):
            pltpu.sync_copy(zb, acc.at[pl.ds(s * _S_STRIPE + k * zb.shape[0],
                                             zb.shape[0])])

    def _stage(p):
        pltpu.sync_copy(xs_h.at[:, pl.ds(p * SL, SL)], xsl)

    for p_local in range(PPC):
        p = PPC * c + p_local
        col = p * SL

        _start_e(0, ebuf0, se0)

        if p_local == 0:
            @pl.when(s == 0)
            def _():
                _stage(p)

            _zero_stripe()
        plsc.subcore_barrier()

        def _compute(ebuf, idxb, keyb):
            def _vec(j, _):
                s16 = ebuf[0, pl.ds(j * LANES, LANES)]
                k16 = ebuf[1, pl.ds(j * LANES, LANES)]
                idxb[pl.ds(j * LANES, LANES)] = s16
                keyb[pl.ds(j * LANES, LANES)] = k16
                return ()
            lax.fori_loop(0, _EB // LANES, _vec, ())

        _wait_e(ebuf0, se0)
        _compute(ebuf0, idxb0, keyb0)
        _start_e(1, ebuf1, se1)
        _start_g(idxb0, rows0, sg0)

        def _pair(k, _):
            _wait_e(ebuf1, se1)
            _compute(ebuf1, idxb1, keyb1)
            _start_e(2 * k + 2, ebuf0, se0)
            _wait_g(idxb0, rows0, sg0)
            _start_g(idxb1, rows1, sg1)
            pltpu.sync_copy(rows0, acc.at[keyb0], add=True)
            _wait_e(ebuf0, se0)
            _compute(ebuf0, idxb0, keyb0)

            @pl.when(k < _S_PAIRS - 1)
            def _():
                _start_e(2 * k + 3, ebuf1, se1)

            _wait_g(idxb1, rows1, sg1)
            _start_g(idxb0, rows0, sg0)
            pltpu.sync_copy(rows1, acc.at[keyb1], add=True)
            return ()
        lax.fori_loop(0, _S_PAIRS, _pair, ())

        _wait_g(idxb0, rows0, sg0)
        pltpu.sync_copy(rows0, acc.at[keyb0], add=True)

        plsc.subcore_barrier()

        stripe = pl.ds(s * _S_STRIPE, _S_STRIPE)
        pltpu.sync_copy(acc.at[stripe], out_h.at[stripe, pl.ds(col, SL)])
        if p_local < PPC - 1:
            _zero_stripe()

            @pl.when(s == 0)
            def _():
                _stage(p + 1)


_scatter_fn = pl.kernel(
    _scatter_body,
    out_type=jax.ShapeDtypeStruct((NK, D), jnp.float32),
    mesh=plsc.VectorSubcoreMesh(core_axis_name="c", subcore_axis_name="s"),
    compiler_params=pltpu.CompilerParams(use_tc_tiling_on_sc=False),
    scratch_types=[
        pltpu.VMEM((2, _EB), jnp.int32),
        pltpu.VMEM((2, _EB), jnp.int32),
        pltpu.VMEM((_EB,), jnp.int32),
        pltpu.VMEM((_EB,), jnp.int32),
        pltpu.VMEM((_EB,), jnp.int32),
        pltpu.VMEM((_EB,), jnp.int32),
        pltpu.VMEM((_EB, SL), jnp.float32),
        pltpu.VMEM((_EB, SL), jnp.float32),
        pltpu.VMEM((750, SL), jnp.float32),
        pltpu.VMEM_SHARED((NK, SL), jnp.float32),
        pltpu.VMEM_SHARED((N, SL), jnp.float32),
        pltpu.SemaphoreType.DMA,
        pltpu.SemaphoreType.DMA,
        pltpu.SemaphoreType.DMA,
        pltpu.SemaphoreType.DMA,
    ],
)


_BN = 1000


def _layer_math(xb, s_ref, c_ref, root_ref, w_ref, b_ref):
    acc = jnp.dot(xb, root_ref[...], preferred_element_type=jnp.float32)
    acc = acc + b_ref[...]
    for r in range(R):
        cnt = c_ref[0, r][:, 0:1] + c_ref[1, r][:, 0:1]
        inv = 1.0 / jnp.maximum(cnt, 1.0)
        acc = acc + jnp.dot(s_ref[r] * inv, w_ref[r],
                            preferred_element_type=jnp.float32)
    return jnp.maximum(acc, 0.0)


def _l1_body(x_ref, s_ref, c_ref, root_ref, w_ref, b_ref, o_ref):
    o_ref[...] = _layer_math(x_ref[...], s_ref, c_ref, root_ref, w_ref, b_ref)


def _l2_body(h_ref, s_ref, c_ref, root_ref, w_ref, b_ref, batch_ref, o_ref,
             sum_s, cnt_s):
    i = pl.program_id(0)
    h2 = _layer_math(h_ref[...], s_ref, c_ref, root_ref, w_ref, b_ref)

    bids = batch_ref[0]
    p_oh = (bids == lax.broadcasted_iota(jnp.int32, (G, _BN), 0))
    p_oh = p_oh.astype(jnp.float32)

    @pl.when(i == 0)
    def _():
        sum_s[...] = jnp.zeros_like(sum_s)
        cnt_s[...] = jnp.zeros_like(cnt_s)

    sum_s[...] += jnp.dot(p_oh, h2, preferred_element_type=jnp.float32)
    cnt_s[...] += jnp.sum(p_oh, axis=1, keepdims=True)

    @pl.when(i == pl.num_programs(0) - 1)
    def _():
        o_ref[...] = sum_s[...] / jnp.maximum(cnt_s[...], 1.0)


def _run_l1(x, s1, cnt, root1, w1, b1):
    return pl.pallas_call(
        _l1_body,
        grid=(N // _BN,),
        in_specs=[
            pl.BlockSpec((_BN, D), lambda i: (i, 0)),
            pl.BlockSpec((R, _BN, D), lambda i: (0, i, 0)),
            pl.BlockSpec((NC, R, _BN, LANES), lambda i: (0, 0, i, 0)),
            pl.BlockSpec((D, D), lambda i: (0, 0)),
            pl.BlockSpec((R, D, D), lambda i: (0, 0, 0)),
            pl.BlockSpec((1, D), lambda i: (0, 0)),
        ],
        out_specs=pl.BlockSpec((_BN, D), lambda i: (i, 0)),
        out_shape=jax.ShapeDtypeStruct((N, D), jnp.float32),
    )(x, s1, cnt, root1, w1, b1)


def _run_l2(h, s2, cnt, root2, w2, b2, batch3):
    return pl.pallas_call(
        _l2_body,
        grid=(N // _BN,),
        in_specs=[
            pl.BlockSpec((_BN, D), lambda i: (i, 0)),
            pl.BlockSpec((R, _BN, D), lambda i: (0, i, 0)),
            pl.BlockSpec((NC, R, _BN, LANES), lambda i: (0, 0, i, 0)),
            pl.BlockSpec((D, D), lambda i: (0, 0)),
            pl.BlockSpec((R, D, D), lambda i: (0, 0, 0)),
            pl.BlockSpec((1, D), lambda i: (0, 0)),
            pl.BlockSpec((1, 1, _BN), lambda i: (i, 0, 0)),
        ],
        out_specs=pl.BlockSpec((G, D), lambda i: (0, 0)),
        out_shape=jax.ShapeDtypeStruct((G, D), jnp.float32),
        scratch_shapes=[
            pltpu.VMEM((G, D), jnp.float32),
            pltpu.VMEM((G, 1), jnp.float32),
        ],
    )(h, s2, cnt, root2, w2, b2, batch3)


def kernel(x, edge_index, edge_type, batch, W1, root1, b1, W2, root2, b2):
    src = edge_index[0].astype(jnp.int32)
    dst = edge_index[1].astype(jnp.int32)
    et = edge_type.astype(jnp.int32)
    batch3 = batch.astype(jnp.int32).reshape(N // _BN, 1, _BN)

    edges = jnp.stack([src, et * N + dst])

    cnt = _counts_fn(edges)
    cnt = cnt.reshape(NC, R, N, LANES)

    s1 = _scatter_fn(x, edges)
    s1 = s1.reshape(R, N, D)

    h = _run_l1(x, s1, cnt, root1, W1, b1.reshape(1, D))

    s2 = _scatter_fn(h, edges)
    s2 = s2.reshape(R, N, D)

    return _run_l2(h, s2, cnt, root2, W2, b2.reshape(1, D), batch3)

# --- scband reference (transcript-rebuilt; emitter-appended) ---
"""Pipeline reference for scband-gnnencoder-25563645346147 (READ-ONLY COPY).

The authoritative reference and input builder live on the scoring server;
editing this copy changes nothing except your own understanding.
"""

import jax, jax.numpy as jnp
import numpy as np

N_NODES = 10000
N_EDGES = 320000
D_IN = 128
D_HID = 128
NUM_REL = 6
NUM_GRAPHS = 128


def setup_inputs(seed: int = 0) -> dict:
    key = jax.random.key(seed)
    ks = jax.random.split(key, 12)
    x = jax.random.normal(ks[0], (N_NODES, D_IN), dtype=jnp.float32)
    edge_index = jax.random.randint(ks[1], (2, N_EDGES), 0, N_NODES, dtype=jnp.int64)
    edge_type = jax.random.randint(ks[2], (N_EDGES,), 0, NUM_REL, dtype=jnp.int64)
    batch = jnp.sort(jax.random.randint(ks[3], (N_NODES,), 0, NUM_GRAPHS, dtype=jnp.int64))
    s1 = 1.0 / np.sqrt(D_IN)
    s2 = 1.0 / np.sqrt(D_HID)
    W1 = jax.random.normal(ks[4], (NUM_REL, D_IN, D_HID), dtype=jnp.float32) * s1
    root1 = jax.random.normal(ks[5], (D_IN, D_HID), dtype=jnp.float32) * s1
    b1 = jnp.zeros((D_HID,), dtype=jnp.float32)
    W2 = jax.random.normal(ks[6], (NUM_REL, D_HID, D_HID), dtype=jnp.float32) * s2
    root2 = jax.random.normal(ks[7], (D_HID, D_HID), dtype=jnp.float32) * s2
    b2 = jnp.zeros((D_HID,), dtype=jnp.float32)
    return {"x": x, "edge_index": edge_index, "edge_type": edge_type, "batch": batch,
            "W1": W1, "root1": root1, "b1": b1, "W2": W2, "root2": root2, "b2": b2}


def _rgcn_layer(x, W, root, b, src, dst, etype):
    # RGCNConv with mean aggregation per relation (PyG semantics)
    out = x @ root + b
    h_src = jnp.take(x, src, axis=0)  # gather (E, d_in)
    for r in range(NUM_REL):
        mask = (etype == r)
        msgs = (h_src @ W[r]) * mask.astype(x.dtype)[:, None]
        s = jax.ops.segment_sum(msgs, dst, num_segments=N_NODES)
        cnt = jax.ops.segment_sum(mask.astype(x.dtype), dst, num_segments=N_NODES)
        out = out + s / jnp.maximum(cnt, 1.0)[:, None]
    return out


def reference(x, edge_index, edge_type, batch, W1, root1, b1, W2, root2, b2):
    src = edge_index[0]
    dst = edge_index[1]
    h = jax.nn.relu(_rgcn_layer(x, W1, root1, b1, src, dst, edge_type))
    h = jax.nn.relu(_rgcn_layer(h, W2, root2, b2, src, dst, edge_type))
    # global_mean_pool over graph ids
    sums = jax.ops.segment_sum(h, batch, num_segments=NUM_GRAPHS)
    counts = jax.ops.segment_sum(jnp.ones((N_NODES,), dtype=h.dtype), batch, num_segments=NUM_GRAPHS)
    return sums / jnp.maximum(counts, 1.0)[:, None]

if __name__ == "__main__":
    import jax
    _d = setup_inputs()
    print(jax.jit(kernel)(*tuple(_d.values())))

</pallas_src>

<mosaic_0001>
#map = affine_map<(d0, d1) -> (0, 0)>
#map1 = affine_map<(d0, d1) -> (0, 0, 0)>
module attributes {stable_mosaic.version = 14 : i64} {
  func.func @_counts_body(%arg0: i32, %arg1: i32, %arg2: memref<2x320000xi32, #tpu.memory_space<hbm>>, %arg3: memref<2x60000x16xf32, #tpu.memory_space<hbm>>, %arg4: memref<2000xi32, #tpu.memory_space<vmem>>, %arg5: memref<2000xi32, #tpu.memory_space<vmem>>, %arg6: memref<2000x16xf32, #tpu.memory_space<vmem>>, %arg7: memref<750x16xf32, #tpu.memory_space<vmem>>, %arg8: memref<60000x16xf32, #tpu.memory_space<vmem_shared>>, %arg9: memref<!tpu.dma_semaphore, #tpu.memory_space<semaphore_mem>>, %arg10: memref<!tpu.dma_semaphore, #tpu.memory_space<semaphore_mem>>) attributes {dimension_semantics = [#tpu.dimension_semantics<core_parallel>, #tpu.dimension_semantics<subcore_parallel>], iteration_bounds = array<i64: 2, 16>, scalar_prefetch = 0 : i64, scratch_operands = 7 : i64, tpu.core_type = #tpu.core_type<sc_vector_subcore>, window_params = [{transform_indices = #map}, {transform_indices = #map1}]} {
    %broadcast_in_dim3A = arith.constant 0.000000e+00 : f32
    %broadcast_in_dim3A_0 = vector.broadcast %broadcast_in_dim3A : f32 to vector<16xf32>
    %broadcast_in_dim3A_1 = arith.constant 1.000000e+00 : f32
    %broadcast_in_dim3A_2 = vector.broadcast %broadcast_in_dim3A_1 : f32 to vector<16xf32>
    %mul3A = arith.constant 160000 : i32
    %mul3A_3 = arith.muli %arg0, %mul3A : i32
    %mul3A_4 = arith.constant 10000 : i32
    %mul3A_5 = arith.muli %arg1, %mul3A_4 : i32
    %add3A = arith.addi %mul3A_3, %mul3A_5 : i32
    %add3A_6 = arith.constant 0 : i32
    %add3A_7 = arith.addi %add3A, %add3A_6 : i32
    %multiple_of3A = tpu.assume_multiple %add3A_7, 8 : i32
    %dma_start3A = arith.constant 1 : i32
    %dma_start3A_8 = arith.constant 0 : i32
    %dma_start3A_9 = tpu.memref_slice %arg2[%dma_start3A, %dma_start3A_8] : memref<2x320000xi32, #tpu.memory_space<hbm>> -> memref<1x320000xi32, #tpu.memory_space<hbm>>
    %dma_start3A_10 = tpu.memref_squeeze %dma_start3A_9 : memref<1x320000xi32, #tpu.memory_space<hbm>> -> memref<320000xi32, #tpu.memory_space<hbm>>
    %dma_start3A_11 = tpu.memref_slice %dma_start3A_10[%multiple_of3A] : memref<320000xi32, #tpu.memory_space<hbm>> -> memref<2000xi32, #tpu.memory_space<hbm>>
    %dma_start3A_12 = arith.constant 0 : i32
    %dma_start3A_13 = tpu.memref_slice %arg2[%dma_start3A, %dma_start3A_12] : memref<2x320000xi32, #tpu.memory_space<hbm>> -> memref<1x320000xi32, #tpu.memory_space<hbm>>
    %dma_start3A_14 = tpu.memref_squeeze %dma_start3A_13 : memref<1x320000xi32, #tpu.memory_space<hbm>> -> memref<320000xi32, #tpu.memory_space<hbm>>
    %dma_start3A_15 = tpu.memref_slice %dma_start3A_14[%multiple_of3A] : memref<320000xi32, #tpu.memory_space<hbm>> -> memref<2000xi32, #tpu.memory_space<hbm>>
    tpu.enqueue_dma source(%dma_start3A_15 : memref<2000xi32, #tpu.memory_space<hbm>>) target(%arg4 : memref<2000xi32, #tpu.memory_space<vmem>>) target_semaphore(%arg9 : memref<!tpu.dma_semaphore, #tpu.memory_space<semaphore_mem>>)
    %scan3A = arith.constant 0 : i32
    %scan3A_16 = arith.constant 750 : i32
    %scan3A_17 = arith.addi %scan3A, %scan3A_16 : i32
    %scan3A_18 = arith.constant 1 : i32
    scf.for %scan3A_160 = %scan3A to %scan3A_17 step %scan3A_18  : i32 {
      %swap3A = arith.index_cast %scan3A_160 : i32 to index
      %swap3A_161 = arith.constant 0 : index
      %swap3A_162 = tpu.vector_load %arg7[%swap3A, %swap3A_161] {strides = array<i32>} : memref<750x16xf32, #tpu.memory_space<vmem>>, vector<1x16xf32>,
      %swap3A_163 = vector.shape_cast %swap3A_162 : vector<1x16xf32> to vector<16xf32>
      %swap3A_164 = vector.shape_cast %broadcast_in_dim3A_0 : vector<16xf32> to vector<1x16xf32>
      tpu.vector_store %arg7[%swap3A, %swap3A_161], %swap3A_164 {strides = array<i32>} : memref<750x16xf32, #tpu.memory_space<vmem>>, vector<1x16xf32>,
    }
    %scan3A_19 = arith.constant 750 : i32
    %scan3A_20 = arith.constant 0 : i32
    %scan3A_21 = arith.constant 2000 : i32
    %scan3A_22 = arith.addi %scan3A_20, %scan3A_21 : i32
    %scan3A_23 = arith.constant 1 : i32
    scf.for %scan3A_160 = %scan3A_20 to %scan3A_22 step %scan3A_23  : i32 {
      %swap3A = arith.index_cast %scan3A_160 : i32 to index
      %swap3A_161 = arith.constant 0 : index
      %swap3A_162 = tpu.vector_load %arg6[%swap3A, %swap3A_161] {strides = array<i32>} : memref<2000x16xf32, #tpu.memory_space<vmem>>, vector<1x16xf32>,
      %swap3A_163 = vector.shape_cast %swap3A_162 : vector<1x16xf32> to vector<16xf32>
      %swap3A_164 = vector.shape_cast %broadcast_in_dim3A_2 : vector<16xf32> to vector<1x16xf32>
      tpu.vector_store %arg6[%swap3A, %swap3A_161], %swap3A_164 {strides = array<i32>} : memref<2000x16xf32, #tpu.memory_space<vmem>>, vector<1x16xf32>,
    }
    %scan3A_24 = arith.constant 2000 : i32
    %mul3A_25 = arith.constant 3750 : i32
    %mul3A_26 = arith.muli %arg1, %mul3A_25 : i32
    %add3A_27 = arith.constant 0 : i32
    %add3A_28 = arith.addi %mul3A_26, %add3A_27 : i32
    "tpu.region"() ({
      %run_scoped3A = tpu.sem_alloc : memref<!tpu.dma_semaphore, #tpu.memory_space<semaphore_mem>>
      %dma_start3A_160 = arith.constant 0 : i32
      %dma_start3A_161 = tpu.memref_slice %arg8[%add3A_28, %dma_start3A_160] : memref<60000x16xf32, #tpu.memory_space<vmem_shared>> -> memref<750x16xf32, #tpu.memory_space<vmem_shared>>
      %dma_start3A_162 = arith.constant 0 : i32
      %dma_start3A_163 = tpu.memref_slice %arg8[%add3A_28, %dma_start3A_162] : memref<60000x16xf32, #tpu.memory_space<vmem_shared>> -> memref<750x16xf32, #tpu.memory_space<vmem_shared>>
      tpu.enqueue_dma source(%arg7 : memref<750x16xf32, #tpu.memory_space<vmem>>) target(%dma_start3A_163 : memref<750x16xf32, #tpu.memory_space<vmem_shared>>) target_semaphore(%run_scoped3A : memref<!tpu.dma_semaphore, #tpu.memory_space<semaphore_mem>>)
      %dma_wait3A_164 = arith.constant 0 : i32
      %dma_wait3A_165 = tpu.memref_slice %arg8[%add3A_28, %dma_wait3A_164] : memref<60000x16xf32, #tpu.memory_space<vmem_shared>> -> memref<750x16xf32, #tpu.memory_space<vmem_shared>>
      %dma_wait3A_166 = arith.constant 0 : i32
      %dma_wait3A_167 = tpu.memref_slice %arg8[%add3A_28, %dma_wait3A_166] : memref<60000x16xf32, #tpu.memory_space<vmem_shared>> -> memref<750x16xf32, #tpu.memory_space<vmem_shared>>
      tpu.wait_dma2 semaphore(%run_scoped3A : memref<!tpu.dma_semaphore, #tpu.memory_space<semaphore_mem>>) src(%arg7 : memref<750x16xf32, #tpu.memory_space<vmem>>) dst(%dma_wait3A_167 : memref<750x16xf32, #tpu.memory_space<vmem_shared>>)
      tpu.yield
    }) : () -> ()
    %mul3A_29 = arith.constant 3750 : i32
    %mul3A_30 = arith.muli %arg1, %mul3A_29 : i32
    %add3A_31 = arith.constant 750 : i32
    %add3A_32 = arith.addi %mul3A_30, %add3A_31 : i32
    "tpu.region"() ({
      %run_scoped3A = tpu.sem_alloc : memref<!tpu.dma_semaphore, #tpu.memory_space<semaphore_mem>>
      %dma_start3A_160 = arith.constant 0 : i32
      %dma_start3A_161 = tpu.memref_slice %arg8[%add3A_32, %dma_start3A_160] : memref<60000x16xf32, #tpu.memory_space<vmem_shared>> -> memref<750x16xf32, #tpu.memory_space<vmem_shared>>
      %dma_start3A_162 = arith.constant 0 : i32
      %dma_start3A_163 = tpu.memref_slice %arg8[%add3A_32, %dma_start3A_162] : memref<60000x16xf32, #tpu.memory_space<vmem_shared>> -> memref<750x16xf32, #tpu.memory_space<vmem_shared>>
      tpu.enqueue_dma source(%arg7 : memref<750x16xf32, #tpu.memory_space<vmem>>) target(%dma_start3A_163 : memref<750x16xf32, #tpu.memory_space<vmem_shared>>) target_semaphore(%run_scoped3A : memref<!tpu.dma_semaphore, #tpu.memory_space<semaphore_mem>>)
      %dma_wait3A_164 = arith.constant 0 : i32
      %dma_wait3A_165 = tpu.memref_slice %arg8[%add3A_32, %dma_wait3A_164] : memref<60000x16xf32, #tpu.memory_space<vmem_shared>> -> memref<750x16xf32, #tpu.memory_space<vmem_shared>>
      %dma_wait3A_166 = arith.constant 0 : i32
      %dma_wait3A_167 = tpu.memref_slice %arg8[%add3A_32, %dma_wait3A_166] : memref<60000x16xf32, #tpu.memory_space<vmem_shared>> -> memref<750x16xf32, #tpu.memory_space<vmem_shared>>
      tpu.wait_dma2 semaphore(%run_scoped3A : memref<!tpu.dma_semaphore, #tpu.memory_space<semaphore_mem>>) src(%arg7 : memref<750x16xf32, #tpu.memory_space<vmem>>) dst(%dma_wait3A_167 : memref<750x16xf32, #tpu.memory_space<vmem_shared>>)
      tpu.yield
    }) : () -> ()
    %mul3A_33 = arith.constant 3750 : i32
    %mul3A_34 = arith.muli %arg1, %mul3A_33 : i32
    %add3A_35 = arith.constant 1500 : i32
    %add3A_36 = arith.addi %mul3A_34, %add3A_35 : i32
    "tpu.region"() ({
      %run_scoped3A = tpu.sem_alloc : memref<!tpu.dma_semaphore, #tpu.memory_space<semaphore_mem>>
      %dma_start3A_160 = arith.constant 0 : i32
      %dma_start3A_161 = tpu.memref_slice %arg8[%add3A_36, %dma_start3A_160] : memref<60000x16xf32, #tpu.memory_space<vmem_shared>> -> memref<750x16xf32, #tpu.memory_space<vmem_shared>>
      %dma_start3A_162 = arith.constant 0 : i32
      %dma_start3A_163 = tpu.memref_slice %arg8[%add3A_36, %dma_start3A_162] : memref<60000x16xf32, #tpu.memory_space<vmem_shared>> -> memref<750x16xf32, #tpu.memory_space<vmem_shared>>
      tpu.enqueue_dma source(%arg7 : memref<750x16xf32, #tpu.memory_space<vmem>>) target(%dma_start3A_163 : memref<750x16xf32, #tpu.memory_space<vmem_shared>>) target_semaphore(%run_scoped3A : memref<!tpu.dma_semaphore, #tpu.memory_space<semaphore_mem>>)
      %dma_wait3A_164 = arith.constant 0 : i32
      %dma_wait3A_165 = tpu.memref_slice %arg8[%add3A_36, %dma_wait3A_164] : memref<60000x16xf32, #tpu.memory_space<vmem_shared>> -> memref<750x16xf32, #tpu.memory_space<vmem_shared>>
      %dma_wait3A_166 = arith.constant 0 : i32
      %dma_wait3A_167 = tpu.memref_slice %arg8[%add3A_36, %dma_wait3A_166] : memref<60000x16xf32, #tpu.memory_space<vmem_shared>> -> memref<750x16xf32, #tpu.memory_space<vmem_shared>>
      tpu.wait_dma2 semaphore(%run_scoped3A : memref<!tpu.dma_semaphore, #tpu.memory_space<semaphore_mem>>) src(%arg7 : memref<750x16xf32, #tpu.memory_space<vmem>>) dst(%dma_wait3A_167 : memref<750x16xf32, #tpu.memory_space<vmem_shared>>)
      tpu.yield
    }) : () -> ()
    %mul3A_37 = arith.constant 3750 : i32
    %mul3A_38 = arith.muli %arg1, %mul3A_37 : i32
    %add3A_39 = arith.constant 2250 : i32
    %add3A_40 = arith.addi %mul3A_38, %add3A_39 : i32
    "tpu.region"() ({
      %run_scoped3A = tpu.sem_alloc : memref<!tpu.dma_semaphore, #tpu.memory_space<semaphore_mem>>
      %dma_start3A_160 = arith.constant 0 : i32
      %dma_start3A_161 = tpu.memref_slice %arg8[%add3A_40, %dma_start3A_160] : memref<60000x16xf32, #tpu.memory_space<vmem_shared>> -> memref<750x16xf32, #tpu.memory_space<vmem_shared>>
      %dma_start3A_162 = arith.constant 0 : i32
      %dma_start3A_163 = tpu.memref_slice %arg8[%add3A_40, %dma_start3A_162] : memref<60000x16xf32, #tpu.memory_space<vmem_shared>> -> memref<750x16xf32, #tpu.memory_space<vmem_shared>>
      tpu.enqueue_dma source(%arg7 : memref<750x16xf32, #tpu.memory_space<vmem>>) target(%dma_start3A_163 : memref<750x16xf32, #tpu.memory_space<vmem_shared>>) target_semaphore(%run_scoped3A : memref<!tpu.dma_semaphore, #tpu.memory_space<semaphore_mem>>)
      %dma_wait3A_164 = arith.constant 0 : i32
      %dma_wait3A_165 = tpu.memref_slice %arg8[%add3A_40, %dma_wait3A_164] : memref<60000x16xf32, #tpu.memory_space<vmem_shared>> -> memref<750x16xf32, #tpu.memory_space<vmem_shared>>
      %dma_wait3A_166 = arith.constant 0 : i32
      %dma_wait3A_167 = tpu.memref_slice %arg8[%add3A_40, %dma_wait3A_166] : memref<60000x16xf32, #tpu.memory_space<vmem_shared>> -> memref<750x16xf32, #tpu.memory_space<vmem_shared>>
      tpu.wait_dma2 semaphore(%run_scoped3A : memref<!tpu.dma_semaphore, #tpu.memory_space<semaphore_mem>>) src(%arg7 : memref<750x16xf32, #tpu.memory_space<vmem>>) dst(%dma_wait3A_167 : memref<750x16xf32, #tpu.memory_space<vmem_shared>>)
      tpu.yield
    }) : () -> ()
    %mul3A_41 = arith.constant 3750 : i32
    %mul3A_42 = arith.muli %arg1, %mul3A_41 : i32
    %add3A_43 = arith.constant 3000 : i32
    %add3A_44 = arith.addi %mul3A_42, %add3A_43 : i32
    "tpu.region"() ({
      %run_scoped3A = tpu.sem_alloc : memref<!tpu.dma_semaphore, #tpu.memory_space<semaphore_mem>>
      %dma_start3A_160 = arith.constant 0 : i32
      %dma_start3A_161 = tpu.memref_slice %arg8[%add3A_44, %dma_start3A_160] : memref<60000x16xf32, #tpu.memory_space<vmem_shared>> -> memref<750x16xf32, #tpu.memory_space<vmem_shared>>
      %dma_start3A_162 = arith.constant 0 : i32
      %dma_start3A_163 = tpu.memref_slice %arg8[%add3A_44, %dma_start3A_162] : memref<60000x16xf32, #tpu.memory_space<vmem_shared>> -> memref<750x16xf32, #tpu.memory_space<vmem_shared>>
      tpu.enqueue_dma source(%arg7 : memref<750x16xf32, #tpu.memory_space<vmem>>) target(%dma_start3A_163 : memref<750x16xf32, #tpu.memory_space<vmem_shared>>) target_semaphore(%run_scoped3A : memref<!tpu.dma_semaphore, #tpu.memory_space<semaphore_mem>>)
      %dma_wait3A_164 = arith.constant 0 : i32
      %dma_wait3A_165 = tpu.memref_slice %arg8[%add3A_44, %dma_wait3A_164] : memref<60000x16xf32, #tpu.memory_space<vmem_shared>> -> memref<750x16xf32, #tpu.memory_space<vmem_shared>>
      %dma_wait3A_166 = arith.constant 0 : i32
      %dma_wait3A_167 = tpu.memref_slice %arg8[%add3A_44, %dma_wait3A_166] : memref<60000x16xf32, #tpu.memory_space<vmem_shared>> -> memref<750x16xf32, #tpu.memory_space<vmem_shared>>
      tpu.wait_dma2 semaphore(%run_scoped3A : memref<!tpu.dma_semaphore, #tpu.memory_space<semaphore_mem>>) src(%arg7 : memref<750x16xf32, #tpu.memory_space<vmem>>) dst(%dma_wait3A_167 : memref<750x16xf32, #tpu.memory_space<vmem_shared>>)
      tpu.yield
    }) : () -> ()
    %barrier3A = arith.constant 0 : index
    tpu.barrier barrier_id(%barrier3A)
    %dma_wait3A = arith.constant 1 : i32
    %dma_wait3A_45 = arith.constant 0 : i32
    %dma_wait3A_46 = tpu.memref_slice %arg2[%dma_wait3A, %dma_wait3A_45] : memref<2x320000xi32, #tpu.memory_space<hbm>> -> memref<1x320000xi32, #tpu.memory_space<hbm>>
    %dma_wait3A_47 = tpu.memref_squeeze %dma_wait3A_46 : memref<1x320000xi32, #tpu.memory_space<hbm>> -> memref<320000xi32, #tpu.memory_space<hbm>>
    %dma_wait3A_48 = arith.constant 0 : i32
    %dma_wait3A_49 = tpu.memref_slice %dma_wait3A_47[%dma_wait3A_48] : memref<320000xi32, #tpu.memory_space<hbm>> -> memref<2000xi32, #tpu.memory_space<hbm>>
    %dma_wait3A_50 = arith.constant 0 : i32
    %dma_wait3A_51 = tpu.memref_slice %arg2[%dma_wait3A, %dma_wait3A_50] : memref<2x320000xi32, #tpu.memory_space<hbm>> -> memref<1x320000xi32, #tpu.memory_space<hbm>>
    %dma_wait3A_52 = tpu.memref_squeeze %dma_wait3A_51 : memref<1x320000xi32, #tpu.memory_space<hbm>> -> memref<320000xi32, #tpu.memory_space<hbm>>
    %dma_wait3A_53 = arith.constant 0 : i32
    %dma_wait3A_54 = tpu.memref_slice %dma_wait3A_52[%dma_wait3A_53] : memref<320000xi32, #tpu.memory_space<hbm>> -> memref<2000xi32, #tpu.memory_space<hbm>>
    tpu.wait_dma2 semaphore(%arg9 : memref<!tpu.dma_semaphore, #tpu.memory_space<semaphore_mem>>) src(%dma_wait3A_54 : memref<2000xi32, #tpu.memory_space<hbm>>) dst(%arg4 : memref<2000xi32, #tpu.memory_space<vmem>>)
    %add3A_55 = arith.constant 2000 : i32
    %add3A_56 = arith.addi %add3A, %add3A_55 : i32
    %multiple_of3A_57 = tpu.assume_multiple %add3A_56, 8 : i32
    %dma_start3A_58 = arith.constant 1 : i32
    %dma_start3A_59 = arith.constant 0 : i32
    %dma_start3A_60 = tpu.memref_slice %arg2[%dma_start3A_58, %dma_start3A_59] : memref<2x320000xi32, #tpu.memory_space<hbm>> -> memref<1x320000xi32, #tpu.memory_space<hbm>>
    %dma_start3A_61 = tpu.memref_squeeze %dma_start3A_60 : memref<1x320000xi32, #tpu.memory_space<hbm>> -> memref<320000xi32, #tpu.memory_space<hbm>>
    %dma_start3A_62 = tpu.memref_slice %dma_start3A_61[%multiple_of3A_57] : memref<320000xi32, #tpu.memory_space<hbm>> -> memref<2000xi32, #tpu.memory_space<hbm>>
    %dma_start3A_63 = arith.constant 0 : i32
    %dma_start3A_64 = tpu.memref_slice %arg2[%dma_start3A_58, %dma_start3A_63] : memref<2x320000xi32, #tpu.memory_space<hbm>> -> memref<1x320000xi32, #tpu.memory_space<hbm>>
    %dma_start3A_65 = tpu.memref_squeeze %dma_start3A_64 : memref<1x320000xi32, #tpu.memory_space<hbm>> -> memref<320000xi32, #tpu.memory_space<hbm>>
    %dma_start3A_66 = tpu.memref_slice %dma_start3A_65[%multiple_of3A_57] : memref<320000xi32, #tpu.memory_space<hbm>> -> memref<2000xi32, #tpu.memory_space<hbm>>
    tpu.enqueue_dma source(%dma_start3A_66 : memref<2000xi32, #tpu.memory_space<hbm>>) target(%arg5 : memref<2000xi32, #tpu.memory_space<vmem>>) target_semaphore(%arg10 : memref<!tpu.dma_semaphore, #tpu.memory_space<semaphore_mem>>)
    "tpu.region"() ({
      %run_scoped3A = tpu.sem_alloc : memref<!tpu.dma_semaphore, #tpu.memory_space<semaphore_mem>>
      %dma_start3A_160 = arith.constant 0 : i32
      %dma_start3A_161 = arith.constant 0 : i32
      %dma_start3A_162 = tpu.memref_slice %arg8[%dma_start3A_160, %dma_start3A_161] : memref<60000x16xf32, #tpu.memory_space<vmem_shared>> -> memref<60000x16xf32, #tpu.memory_space<vmem_shared>>
      tpu.enqueue_indirect_dma source(%arg6 : memref<2000x16xf32, #tpu.memory_space<vmem>>) target(%dma_start3A_162 : memref<60000x16xf32, #tpu.memory_space<vmem_shared>>) offsets(%arg4 : memref<2000xi32, #tpu.memory_space<vmem>>) semaphore(%run_scoped3A : memref<!tpu.dma_semaphore, #tpu.memory_space<semaphore_mem>>) {add = true}
      %dma_wait3A_163 = arith.constant 0 : i32
      %dma_wait3A_164 = arith.constant 0 : i32
      %dma_wait3A_165 = tpu.memref_slice %arg8[%dma_wait3A_163, %dma_wait3A_164] : memref<60000x16xf32, #tpu.memory_space<vmem_shared>> -> memref<60000x16xf32, #tpu.memory_space<vmem_shared>>
      tpu.wait_indirect_dma semaphore(%run_scoped3A : memref<!tpu.dma_semaphore, #tpu.memory_space<semaphore_mem>>) src(%arg6 : memref<2000x16xf32, #tpu.memory_space<vmem>>) dst(%dma_wait3A_165 : memref<60000x16xf32, #tpu.memory_space<vmem_shared>>)
      tpu.yield
    }) : () -> ()
    %dma_wait3A_67 = arith.constant 1 : i32
    %dma_wait3A_68 = arith.constant 0 : i32
    %dma_wait3A_69 = tpu.memref_slice %arg2[%dma_wait3A_67, %dma_wait3A_68] : memref<2x320000xi32, #tpu.memory_space<hbm>> -> memref<1x320000xi32, #tpu.memory_space<hbm>>
    %dma_wait3A_70 = tpu.memref_squeeze %dma_wait3A_69 : memref<1x320000xi32, #tpu.memory_space<hbm>> -> memref<320000xi32, #tpu.memory_space<hbm>>
    %dma_wait3A_71 = arith.constant 0 : i32
    %dma_wait3A_72 = tpu.memref_slice %dma_wait3A_70[%dma_wait3A_71] : memref<320000xi32, #tpu.memory_space<hbm>> -> memref<2000xi32, #tpu.memory_space<hbm>>
    %dma_wait3A_73 = arith.constant 0 : i32
    %dma_wait3A_74 = tpu.memref_slice %arg2[%dma_wait3A_67, %dma_wait3A_73] : memref<2x320000xi32, #tpu.memory_space<hbm>> -> memref<1x320000xi32, #tpu.memory_space<hbm>>
    %dma_wait3A_75 = tpu.memref_squeeze %dma_wait3A_74 : memref<1x320000xi32, #tpu.memory_space<hbm>> -> memref<320000xi32, #tpu.memory_space<hbm>>
    %dma_wait3A_76 = arith.constant 0 : i32
    %dma_wait3A_77 = tpu.memref_slice %dma_wait3A_75[%dma_wait3A_76] : memref<320000xi32, #tpu.memory_space<hbm>> -> memref<2000xi32, #tpu.memory_space<hbm>>
    tpu.wait_dma2 semaphore(%arg10 : memref<!tpu.dma_semaphore, #tpu.memory_space<semaphore_mem>>) src(%dma_wait3A_77 : memref<2000xi32, #tpu.memory_space<hbm>>) dst(%arg5 : memref<2000xi32, #tpu.memory_space<vmem>>)
    %add3A_78 = arith.constant 4000 : i32
    %add3A_79 = arith.addi %add3A, %add3A_78 : i32
    %multiple_of3A_80 = tpu.assume_multiple %add3A_79, 8 : i32
    %dma_start3A_81 = arith.constant 1 : i32
    %dma_start3A_82 = arith.constant 0 : i32
    %dma_start3A_83 = tpu.memref_slice %arg2[%dma_start3A_81, %dma_start3A_82] : memref<2x320000xi32, #tpu.memory_space<hbm>> -> memref<1x320000xi32, #tpu.memory_space<hbm>>
    %dma_start3A_84 = tpu.memref_squeeze %dma_start3A_83 : memref<1x320000xi32, #tpu.memory_space<hbm>> -> memref<320000xi32, #tpu.memory_space<hbm>>
    %dma_start3A_85 = tpu.memref_slice %dma_start3A_84[%multiple_of3A_80] : memref<320000xi32, #tpu.memory_space<hbm>> -> memref<2000xi32, #tpu.memory_space<hbm>>
    %dma_start3A_86 = arith.constant 0 : i32
    %dma_start3A_87 = tpu.memref_slice %arg2[%dma_start3A_81, %dma_start3A_86] : memref<2x320000xi32, #tpu.memory_space<hbm>> -> memref<1x320000xi32, #tpu.memory_space<hbm>>
    %dma_start3A_88 = tpu.memref_squeeze %dma_start3A_87 : memref<1x320000xi32, #tpu.memory_space<hbm>> -> memref<320000xi32, #tpu.memory_space<hbm>>
    %dma_start3A_89 = tpu.memref_slice %dma_start3A_88[%multiple_of3A_80] : memref<320000xi32, #tpu.memory_space<hbm>> -> memref<2000xi32, #tpu.memory_space<hbm>>
    tpu.enqueue_dma source(%dma_start3A_89 : memref<2000xi32, #tpu.memory_space<hbm>>) target(%arg4 : memref<2000xi32, #tpu.memory_space<vmem>>) target_semaphore(%arg9 : memref<!tpu.dma_semaphore, #tpu.memory_space<semaphore_mem>>)
    "tpu.region"() ({
      %run_scoped3A = tpu.sem_alloc : memref<!tpu.dma_semaphore, #tpu.memory_space<semaphore_mem>>
      %dma_start3A_160 = arith.constant 0 : i32
      %dma_start3A_161 = arith.constant 0 : i32
      %dma_start3A_162 = tpu.memref_slice %arg8[%dma_start3A_160, %dma_start3A_161] : memref<60000x16xf32, #tpu.memory_space<vmem_shared>> -> memref<60000x16xf32, #tpu.memory_space<vmem_shared>>
      tpu.enqueue_indirect_dma source(%arg6 : memref<2000x16xf32, #tpu.memory_space<vmem>>) target(%dma_start3A_162 : memref<60000x16xf32, #tpu.memory_space<vmem_shared>>) offsets(%arg5 : memref<2000xi32, #tpu.memory_space<vmem>>) semaphore(%run_scoped3A : memref<!tpu.dma_semaphore, #tpu.memory_space<semaphore_mem>>) {add = true}
      %dma_wait3A_163 = arith.constant 0 : i32
      %dma_wait3A_164 = arith.constant 0 : i32
      %dma_wait3A_165 = tpu.memref_slice %arg8[%dma_wait3A_163, %dma_wait3A_164] : memref<60000x16xf32, #tpu.memory_space<vmem_shared>> -> memref<60000x16xf32, #tpu.memory_space<vmem_shared>>
      tpu.wait_indirect_dma semaphore(%run_scoped3A : memref<!tpu.dma_semaphore, #tpu.memory_space<semaphore_mem>>) src(%arg6 : memref<2000x16xf32, #tpu.memory_space<vmem>>) dst(%dma_wait3A_165 : memref<60000x16xf32, #tpu.memory_space<vmem_shared>>)
      tpu.yield
    }) : () -> ()
    %dma_wait3A_90 = arith.constant 1 : i32
    %dma_wait3A_91 = arith.constant 0 : i32
    %dma_wait3A_92 = tpu.memref_slice %arg2[%dma_wait3A_90, %dma_wait3A_91] : memref<2x320000xi32, #tpu.memory_space<hbm>> -> memref<1x320000xi32, #tpu.memory_space<hbm>>
    %dma_wait3A_93 = tpu.memref_squeeze %dma_wait3A_92 : memref<1x320000xi32, #tpu.memory_space<hbm>> -> memref<320000xi32, #tpu.memory_space<hbm>>
    %dma_wait3A_94 = arith.constant 0 : i32
    %dma_wait3A_95 = tpu.memref_slice %dma_wait3A_93[%dma_wait3A_94] : memref<320000xi32, #tpu.memory_space<hbm>> -> memref<2000xi32, #tpu.memory_space<hbm>>
    %dma_wait3A_96 = arith.constant 0 : i32
    %dma_wait3A_97 = tpu.memref_slice %arg2[%dma_wait3A_90, %dma_wait3A_96] : memref<2x320000xi32, #tpu.memory_space<hbm>> -> memref<1x320000xi32, #tpu.memory_space<hbm>>
    %dma_wait3A_98 = tpu.memref_squeeze %dma_wait3A_97 : memref<1x320000xi32, #tpu.memory_space<hbm>> -> memref<320000xi32, #tpu.memory_space<hbm>>
    %dma_wait3A_99 = arith.constant 0 : i32
    %dma_wait3A_100 = tpu.memref_slice %dma_wait3A_98[%dma_wait3A_99] : memref<320000xi32, #tpu.memory_space<hbm>> -> memref<2000xi32, #tpu.memory_space<hbm>>
    tpu.wait_dma2 semaphore(%arg9 : memref<!tpu.dma_semaphore, #tpu.memory_space<semaphore_mem>>) src(%dma_wait3A_100 : memref<2000xi32, #tpu.memory_space<hbm>>) dst(%arg4 : memref<2000xi32, #tpu.memory_space<vmem>>)
    %add3A_101 = arith.constant 6000 : i32
    %add3A_102 = arith.addi %add3A, %add3A_101 : i32
    %multiple_of3A_103 = tpu.assume_multiple %add3A_102, 8 : i32
    %dma_start3A_104 = arith.constant 1 : i32
    %dma_start3A_105 = arith.constant 0 : i32
    %dma_start3A_106 = tpu.memref_slice %arg2[%dma_start3A_104, %dma_start3A_105] : memref<2x320000xi32, #tpu.memory_space<hbm>> -> memref<1x320000xi32, #tpu.memory_space<hbm>>
    %dma_start3A_107 = tpu.memref_squeeze %dma_start3A_106 : memref<1x320000xi32, #tpu.memory_space<hbm>> -> memref<320000xi32, #tpu.memory_space<hbm>>
    %dma_start3A_108 = tpu.memref_slice %dma_start3A_107[%multiple_of3A_103] : memref<320000xi32, #tpu.memory_space<hbm>> -> memref<2000xi32, #tpu.memory_space<hbm>>
    %dma_start3A_109 = arith.constant 0 : i32
    %dma_start3A_110 = tpu.memref_slice %arg2[%dma_start3A_104, %dma_start3A_109] : memref<2x320000xi32, #tpu.memory_space<hbm>> -> memref<1x320000xi32, #tpu.memory_space<hbm>>
    %dma_start3A_111 = tpu.memref_squeeze %dma_start3A_110 : memref<1x320000xi32, #tpu.memory_space<hbm>> -> memref<320000xi32, #tpu.memory_space<hbm>>
    %dma_start3A_112 = tpu.memref_slice %dma_start3A_111[%multiple_of3A_103] : memref<320000xi32, #tpu.memory_space<hbm>> -> memref<2000xi32, #tpu.memory_space<hbm>>
    tpu.enqueue_dma source(%dma_start3A_112 : memref<2000xi32, #tpu.memory_space<hbm>>) target(%arg5 : memref<2000xi32, #tpu.memory_space<vmem>>) target_semaphore(%arg10 : memref<!tpu.dma_semaphore, #tpu.memory_space<semaphore_mem>>)
    "tpu.region"() ({
      %run_scoped3A = tpu.sem_alloc : memref<!tpu.dma_semaphore, #tpu.memory_space<semaphore_mem>>
      %dma_start3A_160 = arith.constant 0 : i32
      %dma_start3A_161 = arith.constant 0 : i32
      %dma_start3A_162 = tpu.memref_slice %arg8[%dma_start3A_160, %dma_start3A_161] : memref<60000x16xf32, #tpu.memory_space<vmem_shared>> -> memref<60000x16xf32, #tpu.memory_space<vmem_shared>>
      tpu.enqueue_indirect_dma source(%arg6 : memref<2000x16xf32, #tpu.memory_space<vmem>>) target(%dma_start3A_162 : memref<60000x16xf32, #tpu.memory_space<vmem_shared>>) offsets(%arg4 : memref<2000xi32, #tpu.memory_space<vmem>>) semaphore(%run_scoped3A : memref<!tpu.dma_semaphore, #tpu.memory_space<semaphore_mem>>) {add = true}
      %dma_wait3A_163 = arith.constant 0 : i32
      %dma_wait3A_164 = arith.constant 0 : i32
      %dma_wait3A_165 = tpu.memref_slice %arg8[%dma_wait3A_163, %dma_wait3A_164] : memref<60000x16xf32, #tpu.memory_space<vmem_shared>> -> memref<60000x16xf32, #tpu.memory_space<vmem_shared>>
      tpu.wait_indirect_dma semaphore(%run_scoped3A : memref<!tpu.dma_semaphore, #tpu.memory_space<semaphore_mem>>) src(%arg6 : memref<2000x16xf32, #tpu.memory_space<vmem>>) dst(%dma_wait3A_165 : memref<60000x16xf32, #tpu.memory_space<vmem_shared>>)
      tpu.yield
    }) : () -> ()
    %dma_wait3A_113 = arith.constant 1 : i32
    %dma_wait3A_114 = arith.constant 0 : i32
    %dma_wait3A_115 = tpu.memref_slice %arg2[%dma_wait3A_113, %dma_wait3A_114] : memref<2x320000xi32, #tpu.memory_space<hbm>> -> memref<1x320000xi32, #tpu.memory_space<hbm>>
    %dma_wait3A_116 = tpu.memref_squeeze %dma_wait3A_115 : memref<1x320000xi32, #tpu.memory_space<hbm>> -> memref<320000xi32, #tpu.memory_space<hbm>>
    %dma_wait3A_117 = arith.constant 0 : i32
    %dma_wait3A_118 = tpu.memref_slice %dma_wait3A_116[%dma_wait3A_117] : memref<320000xi32, #tpu.memory_space<hbm>> -> memref<2000xi32, #tpu.memory_space<hbm>>
    %dma_wait3A_119 = arith.constant 0 : i32
    %dma_wait3A_120 = tpu.memref_slice %arg2[%dma_wait3A_113, %dma_wait3A_119] : memref<2x320000xi32, #tpu.memory_space<hbm>> -> memref<1x320000xi32, #tpu.memory_space<hbm>>
    %dma_wait3A_121 = tpu.memref_squeeze %dma_wait3A_120 : memref<1x320000xi32, #tpu.memory_space<hbm>> -> memref<320000xi32, #tpu.memory_space<hbm>>
    %dma_wait3A_122 = arith.constant 0 : i32
    %dma_wait3A_123 = tpu.memref_slice %dma_wait3A_121[%dma_wait3A_122] : memref<320000xi32, #tpu.memory_space<hbm>> -> memref<2000xi32, #tpu.memory_space<hbm>>
    tpu.wait_dma2 semaphore(%arg10 : memref<!tpu.dma_semaphore, #tpu.memory_space<semaphore_mem>>) src(%dma_wait3A_123 : memref<2000xi32, #tpu.memory_space<hbm>>) dst(%arg5 : memref<2000xi32, #tpu.memory_space<vmem>>)
    %add3A_124 = arith.constant 8000 : i32
    %add3A_125 = arith.addi %add3A, %add3A_124 : i32
    %multiple_of3A_126 = tpu.assume_multiple %add3A_125, 8 : i32
    %dma_start3A_127 = arith.constant 1 : i32
    %dma_start3A_128 = arith.constant 0 : i32
    %dma_start3A_129 = tpu.memref_slice %arg2[%dma_start3A_127, %dma_start3A_128] : memref<2x320000xi32, #tpu.memory_space<hbm>> -> memref<1x320000xi32, #tpu.memory_space<hbm>>
    %dma_start3A_130 = tpu.memref_squeeze %dma_start3A_129 : memref<1x320000xi32, #tpu.memory_space<hbm>> -> memref<320000xi32, #tpu.memory_space<hbm>>
    %dma_start3A_131 = tpu.memref_slice %dma_start3A_130[%multiple_of3A_126] : memref<320000xi32, #tpu.memory_space<hbm>> -> memref<2000xi32, #tpu.memory_space<hbm>>
    %dma_start3A_132 = arith.constant 0 : i32
    %dma_start3A_133 = tpu.memref_slice %arg2[%dma_start3A_127, %dma_start3A_132] : memref<2x320000xi32, #tpu.memory_space<hbm>> -> memref<1x320000xi32, #tpu.memory_space<hbm>>
    %dma_start3A_134 = tpu.memref_squeeze %dma_start3A_133 : memref<1x320000xi32, #tpu.memory_space<hbm>> -> memref<320000xi32, #tpu.memory_space<hbm>>
    %dma_start3A_135 = tpu.memref_slice %dma_start3A_134[%multiple_of3A_126] : memref<320000xi32, #tpu.memory_space<hbm>> -> memref<2000xi32, #tpu.memory_space<hbm>>
    tpu.enqueue_dma source(%dma_start3A_135 : memref<2000xi32, #tpu.memory_space<hbm>>) target(%arg4 : memref<2000xi32, #tpu.memory_space<vmem>>) target_semaphore(%arg9 : memref<!tpu.dma_semaphore, #tpu.memory_space<semaphore_mem>>)
    "tpu.region"() ({
      %run_scoped3A = tpu.sem_alloc : memref<!tpu.dma_semaphore, #tpu.memory_space<semaphore_mem>>
      %dma_start3A_160 = arith.constant 0 : i32
      %dma_start3A_161 = arith.constant 0 : i32
      %dma_start3A_162 = tpu.memref_slice %arg8[%dma_start3A_160, %dma_start3A_161] : memref<60000x16xf32, #tpu.memory_space<vmem_shared>> -> memref<60000x16xf32, #tpu.memory_space<vmem_shared>>
      tpu.enqueue_indirect_dma source(%arg6 : memref<2000x16xf32, #tpu.memory_space<vmem>>) target(%dma_start3A_162 : memref<60000x16xf32, #tpu.memory_space<vmem_shared>>) offsets(%arg5 : memref<2000xi32, #tpu.memory_space<vmem>>) semaphore(%run_scoped3A : memref<!tpu.dma_semaphore, #tpu.memory_space<semaphore_mem>>) {add = true}
      %dma_wait3A_163 = arith.constant 0 : i32
      %dma_wait3A_164 = arith.constant 0 : i32
      %dma_wait3A_165 = tpu.memref_slice %arg8[%dma_wait3A_163, %dma_wait3A_164] : memref<60000x16xf32, #tpu.memory_space<vmem_shared>> -> memref<60000x16xf32, #tpu.memory_space<vmem_shared>>
      tpu.wait_indirect_dma semaphore(%run_scoped3A : memref<!tpu.dma_semaphore, #tpu.memory_space<semaphore_mem>>) src(%arg6 : memref<2000x16xf32, #tpu.memory_space<vmem>>) dst(%dma_wait3A_165 : memref<60000x16xf32, #tpu.memory_space<vmem_shared>>)
      tpu.yield
    }) : () -> ()
    %dma_wait3A_136 = arith.constant 1 : i32
    %dma_wait3A_137 = arith.constant 0 : i32
    %dma_wait3A_138 = tpu.memref_slice %arg2[%dma_wait3A_136, %dma_wait3A_137] : memref<2x320000xi32, #tpu.memory_space<hbm>> -> memref<1x320000xi32, #tpu.memory_space<hbm>>
    %dma_wait3A_139 = tpu.memref_squeeze %dma_wait3A_138 : memref<1x320000xi32, #tpu.memory_space<hbm>> -> memref<320000xi32, #tpu.memory_space<hbm>>
    %dma_wait3A_140 = arith.constant 0 : i32
    %dma_wait3A_141 = tpu.memref_slice %dma_wait3A_139[%dma_wait3A_140] : memref<320000xi32, #tpu.memory_space<hbm>> -> memref<2000xi32, #tpu.memory_space<hbm>>
    %dma_wait3A_142 = arith.constant 0 : i32
    %dma_wait3A_143 = tpu.memref_slice %arg2[%dma_wait3A_136, %dma_wait3A_142] : memref<2x320000xi32, #tpu.memory_space<hbm>> -> memref<1x320000xi32, #tpu.memory_space<hbm>>
    %dma_wait3A_144 = tpu.memref_squeeze %dma_wait3A_143 : memref<1x320000xi32, #tpu.memory_space<hbm>> -> memref<320000xi32, #tpu.memory_space<hbm>>
    %dma_wait3A_145 = arith.constant 0 : i32
    %dma_wait3A_146 = tpu.memref_slice %dma_wait3A_144[%dma_wait3A_145] : memref<320000xi32, #tpu.memory_space<hbm>> -> memref<2000xi32, #tpu.memory_space<hbm>>
    tpu.wait_dma2 semaphore(%arg9 : memref<!tpu.dma_semaphore, #tpu.memory_space<semaphore_mem>>) src(%dma_wait3A_146 : memref<2000xi32, #tpu.memory_space<hbm>>) dst(%arg4 : memref<2000xi32, #tpu.memory_space<vmem>>)
    "tpu.region"() ({
      %run_scoped3A = tpu.sem_alloc : memref<!tpu.dma_semaphore, #tpu.memory_space<semaphore_mem>>
      %dma_start3A_160 = arith.constant 0 : i32
      %dma_start3A_161 = arith.constant 0 : i32
      %dma_start3A_162 = tpu.memref_slice %arg8[%dma_start3A_160, %dma_start3A_161] : memref<60000x16xf32, #tpu.memory_space<vmem_shared>> -> memref<60000x16xf32, #tpu.memory_space<vmem_shared>>
      tpu.enqueue_indirect_dma source(%arg6 : memref<2000x16xf32, #tpu.memory_space<vmem>>) target(%dma_start3A_162 : memref<60000x16xf32, #tpu.memory_space<vmem_shared>>) offsets(%arg4 : memref<2000xi32, #tpu.memory_space<vmem>>) semaphore(%run_scoped3A : memref<!tpu.dma_semaphore, #tpu.memory_space<semaphore_mem>>) {add = true}
      %dma_wait3A_163 = arith.constant 0 : i32
      %dma_wait3A_164 = arith.constant 0 : i32
      %dma_wait3A_165 = tpu.memref_slice %arg8[%dma_wait3A_163, %dma_wait3A_164] : memref<60000x16xf32, #tpu.memory_space<vmem_shared>> -> memref<60000x16xf32, #tpu.memory_space<vmem_shared>>
      tpu.wait_indirect_dma semaphore(%run_scoped3A : memref<!tpu.dma_semaphore, #tpu.memory_space<semaphore_mem>>) src(%arg6 : memref<2000x16xf32, #tpu.memory_space<vmem>>) dst(%dma_wait3A_165 : memref<60000x16xf32, #tpu.memory_space<vmem_shared>>)
      tpu.yield
    }) : () -> ()
    %barrier3A_147 = arith.constant 0 : index
    tpu.barrier barrier_id(%barrier3A_147)
    %eq3A = arith.constant 0 : i32
    %eq3A_148 = arith.cmpi eq, %arg1, %eq3A : i32
    %eq3A_149 = arith.constant 0 : i32
    %eq3A_150 = arith.cmpi eq, %arg0, %eq3A_149 : i32
    %and3A = arith.andi %eq3A_148, %eq3A_150 : i1
    %convert_element_type3A = arith.extui %and3A : i1 to i32
    %cond3A = arith.constant 0 : i32
    %cond3A_151 = arith.cmpi ne, %convert_element_type3A, %cond3A : i32
    scf.if %cond3A_151 {
      %run_scoped3A = arith.constant 0 : i32
      "tpu.region"() ({
        %run_scoped3A_160 = tpu.sem_alloc : memref<!tpu.dma_semaphore, #tpu.memory_space<semaphore_mem>>
        %dma_start3A_161 = arith.constant 0 : i32
        %dma_start3A_162 = arith.constant 0 : i32
        %dma_start3A_163 = tpu.memref_slice %arg3[%run_scoped3A, %dma_start3A_161, %dma_start3A_162] : memref<2x60000x16xf32, #tpu.memory_space<hbm>> -> memref<1x60000x16xf32, #tpu.memory_space<hbm>>
        %dma_start3A_164 = tpu.memref_squeeze %dma_start3A_163 : memref<1x60000x16xf32, #tpu.memory_space<hbm>> -> memref<60000x16xf32, #tpu.memory_space<hbm>>
        tpu.enqueue_dma source(%arg8 : memref<60000x16xf32, #tpu.memory_space<vmem_shared>>) target(%dma_start3A_164 : memref<60000x16xf32, #tpu.memory_space<hbm>>) target_semaphore(%run_scoped3A_160 : memref<!tpu.dma_semaphore, #tpu.memory_space<semaphore_mem>>)
        %dma_wait3A_165 = arith.constant 0 : i32
        %dma_wait3A_166 = arith.constant 0 : i32
        %dma_wait3A_167 = tpu.memref_slice %arg3[%run_scoped3A, %dma_wait3A_165, %dma_wait3A_166] : memref<2x60000x16xf32, #tpu.memory_space<hbm>> -> memref<1x60000x16xf32, #tpu.memory_space<hbm>>
        %dma_wait3A_168 = tpu.memref_squeeze %dma_wait3A_167 : memref<1x60000x16xf32, #tpu.memory_space<hbm>> -> memref<60000x16xf32, #tpu.memory_space<hbm>>
        tpu.wait_dma2 semaphore(%run_scoped3A_160 : memref<!tpu.dma_semaphore, #tpu.memory_space<semaphore_mem>>) src(%arg8 : memref<60000x16xf32, #tpu.memory_space<vmem_shared>>) dst(%dma_wait3A_168 : memref<60000x16xf32, #tpu.memory_space<hbm>>)
        tpu.yield
      }) : () -> ()
    } else {
    }
    %eq3A_152 = arith.constant 0 : i32
    %eq3A_153 = arith.cmpi eq, %arg1, %eq3A_152 : i32
    %eq3A_154 = arith.constant 1 : i32
    %eq3A_155 = arith.cmpi eq, %arg0, %eq3A_154 : i32
    %and3A_156 = arith.andi %eq3A_153, %eq3A_155 : i1
    %convert_element_type3A_157 = arith.extui %and3A_156 : i1 to i32
    %cond3A_158 = arith.constant 0 : i32
    %cond3A_159 = arith.cmpi ne, %convert_element_type3A_157, %cond3A_158 : i32
    scf.if %cond3A_159 {
      %run_scoped3A = arith.constant 1 : i32
      "tpu.region"() ({
        %run_scoped3A_160 = tpu.sem_alloc : memref<!tpu.dma_semaphore, #tpu.memory_space<semaphore_mem>>
        %dma_start3A_161 = arith.constant 0 : i32
        %dma_start3A_162 = arith.constant 0 : i32
        %dma_start3A_163 = tpu.memref_slice %arg3[%run_scoped3A, %dma_start3A_161, %dma_start3A_162] : memref<2x60000x16xf32, #tpu.memory_space<hbm>> -> memref<1x60000x16xf32, #tpu.memory_space<hbm>>
        %dma_start3A_164 = tpu.memref_squeeze %dma_start3A_163 : memref<1x60000x16xf32, #tpu.memory_space<hbm>> -> memref<60000x16xf32, #tpu.memory_space<hbm>>
        tpu.enqueue_dma source(%arg8 : memref<60000x16xf32, #tpu.memory_space<vmem_shared>>) target(%dma_start3A_164 : memref<60000x16xf32, #tpu.memory_space<hbm>>) target_semaphore(%run_scoped3A_160 : memref<!tpu.dma_semaphore, #tpu.memory_space<semaphore_mem>>)
        %dma_wait3A_165 = arith.constant 0 : i32
        %dma_wait3A_166 = arith.constant 0 : i32
        %dma_wait3A_167 = tpu.memref_slice %arg3[%run_scoped3A, %dma_wait3A_165, %dma_wait3A_166] : memref<2x60000x16xf32, #tpu.memory_space<hbm>> -> memref<1x60000x16xf32, #tpu.memory_space<hbm>>
        %dma_wait3A_168 = tpu.memref_squeeze %dma_wait3A_167 : memref<1x60000x16xf32, #tpu.memory_space<hbm>> -> memref<60000x16xf32, #tpu.memory_space<hbm>>
        tpu.wait_dma2 semaphore(%run_scoped3A_160 : memref<!tpu.dma_semaphore, #tpu.memory_space<semaphore_mem>>) src(%arg8 : memref<60000x16xf32, #tpu.memory_space<vmem_shared>>) dst(%dma_wait3A_168 : memref<60000x16xf32, #tpu.memory_space<hbm>>)
        tpu.yield
      }) : () -> ()
    } else {
    }
    return
  }
}

#map = affine_map<(d0, d1) -> (0, 0)>
module attributes {stable_mosaic.version = 14 : i64} {
  func.func @_scatter_body(%arg0: i32, %arg1: i32, %arg2: memref<10000x128xf32, #tpu.memory_space<hbm>>, %arg3: memref<2x320000xi32, #tpu.memory_space<hbm>>, %arg4: memref<60000x128xf32, #tpu.memory_space<hbm>>, %arg5: memref<2x800xi32, #tpu.memory_space<vmem>>, %arg6: memref<2x800xi32, #tpu.memory_space<vmem>>, %arg7: memref<800xi32, #tpu.memory_space<vmem>>, %arg8: memref<800xi32, #tpu.memory_space<vmem>>, %arg9: memref<800xi32, #tpu.memory_space<vmem>>, %arg10: memref<800xi32, #tpu.memory_space<vmem>>, %arg11: memref<800x16xf32, #tpu.memory_space<vmem>>, %arg12: memref<800x16xf32, #tpu.memory_space<vmem>>, %arg13: memref<750x16xf32, #tpu.memory_space<vmem>>, %arg14: memref<60000x16xf32, #tpu.memory_space<vmem_shared>>, %arg15: memref<10000x16xf32, #tpu.memory_space<vmem_shared>>, %arg16: memref<!tpu.dma_semaphore, #tpu.memory_space<semaphore_mem>>, %arg17: memref<!tpu.dma_semaphore, #tpu.memory_space<semaphore_mem>>, %arg18: memref<!tpu.dma_semaphore, #tpu.memory_space<semaphore_mem>>, %arg19: memref<!tpu.dma_semaphore, #tpu.memory_space<semaphore_mem>>) attributes {dimension_semantics = [#tpu.dimension_semantics<core_parallel>, #tpu.dimension_semantics<subcore_parallel>], iteration_bounds = array<i64: 2, 16>, scalar_prefetch = 0 : i64, scratch_operands = 15 : i64, tpu.core_type = #tpu.core_type<sc_vector_subcore>, window_params = [{transform_indices = #map}, {transform_indices = #map}, {transform_indices = #map}]} {
    %broadcast_in_dim3A = arith.constant 0.000000e+00 : f32
    %broadcast_in_dim3A_0 = vector.broadcast %broadcast_in_dim3A : f32 to vector<16xf32>
    %scan3A = arith.constant 0 : i32
    %scan3A_1 = arith.constant 750 : i32
    %scan3A_2 = arith.addi %scan3A, %scan3A_1 : i32
    %scan3A_3 = arith.constant 1 : i32
    scf.for %scan3A_282 = %scan3A to %scan3A_2 step %scan3A_3  : i32 {
      %swap3A = arith.index_cast %scan3A_282 : i32 to index
      %swap3A_283 = arith.constant 0 : index
      %swap3A_284 = tpu.vector_load %arg13[%swap3A, %swap3A_283] {strides = array<i32>} : memref<750x16xf32, #tpu.memory_space<vmem>>, vector<1x16xf32>,
      %swap3A_285 = vector.shape_cast %swap3A_284 : vector<1x16xf32> to vector<16xf32>
      %swap3A_286 = vector.shape_cast %broadcast_in_dim3A_0 : vector<16xf32> to vector<1x16xf32>
      tpu.vector_store %arg13[%swap3A, %swap3A_283], %swap3A_286 {strides = array<i32>} : memref<750x16xf32, #tpu.memory_space<vmem>>, vector<1x16xf32>,
    }
    %scan3A_4 = arith.constant 750 : i32
    %mul3A = arith.constant 20000 : i32
    %mul3A_5 = arith.muli %arg1, %mul3A : i32
    %mul3A_6 = arith.constant 4 : i32
    %mul3A_7 = arith.muli %mul3A_6, %arg0 : i32
    %add3A = arith.constant 0 : i32
    %add3A_8 = arith.addi %mul3A_7, %add3A : i32
    %mul3A_9 = arith.constant 16 : i32
    %mul3A_10 = arith.muli %add3A_8, %mul3A_9 : i32
    %add3A_11 = arith.constant 0 : i32
    %add3A_12 = arith.addi %mul3A_5, %add3A_11 : i32
    %multiple_of3A = tpu.assume_multiple %add3A_12, 8 : i32
    %dma_start3A = arith.constant 0 : i32
    %dma_start3A_13 = tpu.memref_slice %arg3[%dma_start3A, %multiple_of3A] : memref<2x320000xi32, #tpu.memory_space<hbm>> -> memref<2x800xi32, #tpu.memory_space<hbm>>
    %dma_start3A_14 = arith.constant 0 : i32
    %dma_start3A_15 = tpu.memref_slice %arg3[%dma_start3A_14, %multiple_of3A] : memref<2x320000xi32, #tpu.memory_space<hbm>> -> memref<2x800xi32, #tpu.memory_space<hbm>>
    tpu.enqueue_dma source(%dma_start3A_15 : memref<2x800xi32, #tpu.memory_space<hbm>>) target(%arg5 : memref<2x800xi32, #tpu.memory_space<vmem>>) target_semaphore(%arg16 : memref<!tpu.dma_semaphore, #tpu.memory_space<semaphore_mem>>)
    %eq3A = arith.constant 0 : i32
    %eq3A_16 = arith.cmpi eq, %arg1, %eq3A : i32
    %convert_element_type3A = arith.extui %eq3A_16 : i1 to i32
    %cond3A = arith.constant 0 : i32
    %cond3A_17 = arith.cmpi ne, %convert_element_type3A, %cond3A : i32
    scf.if %cond3A_17 {
      %mul3A_282 = arith.constant 16 : i32
      %mul3A_283 = arith.muli %add3A_8, %mul3A_282 : i32
      "tpu.region"() ({
        %run_scoped3A = tpu.sem_alloc : memref<!tpu.dma_semaphore, #tpu.memory_space<semaphore_mem>>
        %dma_start3A_284 = arith.constant 0 : i32
        %dma_start3A_285 = tpu.memref_slice %arg2[%dma_start3A_284, %mul3A_283] : memref<10000x128xf32, #tpu.memory_space<hbm>> -> memref<10000x16xf32, #tpu.memory_space<hbm>>
        tpu.enqueue_dma source(%dma_start3A_285 : memref<10000x16xf32, #tpu.memory_space<hbm>>) target(%arg15 : memref<10000x16xf32, #tpu.memory_space<vmem_shared>>) target_semaphore(%run_scoped3A : memref<!tpu.dma_semaphore, #tpu.memory_space<semaphore_mem>>)
        %dma_wait3A_286 = arith.constant 0 : i32
        %dma_wait3A_287 = tpu.memref_slice %arg2[%dma_wait3A_286, %mul3A_283] : memref<10000x128xf32, #tpu.memory_space<hbm>> -> memref<10000x16xf32, #tpu.memory_space<hbm>>
        tpu.wait_dma2 semaphore(%run_scoped3A : memref<!tpu.dma_semaphore, #tpu.memory_space<semaphore_mem>>) src(%dma_wait3A_287 : memref<10000x16xf32, #tpu.memory_space<hbm>>) dst(%arg15 : memref<10000x16xf32, #tpu.memory_space<vmem_shared>>)
        tpu.yield
      }) : () -> ()
    } else {
    }
    %mul3A_18 = arith.constant 3750 : i32
    %mul3A_19 = arith.muli %arg1, %mul3A_18 : i32
    %add3A_20 = arith.constant 0 : i32
    %add3A_21 = arith.addi %mul3A_19, %add3A_20 : i32
    "tpu.region"() ({
      %run_scoped3A = tpu.sem_alloc : memref<!tpu.dma_semaphore, #tpu.memory_space<semaphore_mem>>
      %dma_start3A_282 = arith.constant 0 : i32
      %dma_start3A_283 = tpu.memref_slice %arg14[%add3A_21, %dma_start3A_282] : memref<60000x16xf32, #tpu.memory_space<vmem_shared>> -> memref<750x16xf32, #tpu.memory_space<vmem_shared>>
      %dma_start3A_284 = arith.constant 0 : i32
      %dma_start3A_285 = tpu.memref_slice %arg14[%add3A_21, %dma_start3A_284] : memref<60000x16xf32, #tpu.memory_space<vmem_shared>> -> memref<750x16xf32, #tpu.memory_space<vmem_shared>>
      tpu.enqueue_dma source(%arg13 : memref<750x16xf32, #tpu.memory_space<vmem>>) target(%dma_start3A_285 : memref<750x16xf32, #tpu.memory_space<vmem_shared>>) target_semaphore(%run_scoped3A : memref<!tpu.dma_semaphore, #tpu.memory_space<semaphore_mem>>)
      %dma_wait3A_286 = arith.constant 0 : i32
      %dma_wait3A_287 = tpu.memref_slice %arg14[%add3A_21, %dma_wait3A_286] : memref<60000x16xf32, #tpu.memory_space<vmem_shared>> -> memref<750x16xf32, #tpu.memory_space<vmem_shared>>
      %dma_wait3A_288 = arith.constant 0 : i32
      %dma_wait3A_289 = tpu.memref_slice %arg14[%add3A_21, %dma_wait3A_288] : memref<60000x16xf32, #tpu.memory_space<vmem_shared>> -> memref<750x16xf32, #tpu.memory_space<vmem_shared>>
      tpu.wait_dma2 semaphore(%run_scoped3A : memref<!tpu.dma_semaphore, #tpu.memory_space<semaphore_mem>>) src(%arg13 : memref<750x16xf32, #tpu.memory_space<vmem>>) dst(%dma_wait3A_289 : memref<750x16xf32, #tpu.memory_space<vmem_shared>>)
      tpu.yield
    }) : () -> ()
    %mul3A_22 = arith.constant 3750 : i32
    %mul3A_23 = arith.muli %arg1, %mul3A_22 : i32
    %add3A_24 = arith.constant 750 : i32
    %add3A_25 = arith.addi %mul3A_23, %add3A_24 : i32
    "tpu.region"() ({
      %run_scoped3A = tpu.sem_alloc : memref<!tpu.dma_semaphore, #tpu.memory_space<semaphore_mem>>
      %dma_start3A_282 = arith.constant 0 : i32
      %dma_start3A_283 = tpu.memref_slice %arg14[%add3A_25, %dma_start3A_282] : memref<60000x16xf32, #tpu.memory_space<vmem_shared>> -> memref<750x16xf32, #tpu.memory_space<vmem_shared>>
      %dma_start3A_284 = arith.constant 0 : i32
      %dma_start3A_285 = tpu.memref_slice %arg14[%add3A_25, %dma_start3A_284] : memref<60000x16xf32, #tpu.memory_space<vmem_shared>> -> memref<750x16xf32, #tpu.memory_space<vmem_shared>>
      tpu.enqueue_dma source(%arg13 : memref<750x16xf32, #tpu.memory_space<vmem>>) target(%dma_start3A_285 : memref<750x16xf32, #tpu.memory_space<vmem_shared>>) target_semaphore(%run_scoped3A : memref<!tpu.dma_semaphore, #tpu.memory_space<semaphore_mem>>)
      %dma_wait3A_286 = arith.constant 0 : i32
      %dma_wait3A_287 = tpu.memref_slice %arg14[%add3A_25, %dma_wait3A_286] : memref<60000x16xf32, #tpu.memory_space<vmem_shared>> -> memref<750x16xf32, #tpu.memory_space<vmem_shared>>
      %dma_wait3A_288 = arith.constant 0 : i32
      %dma_wait3A_289 = tpu.memref_slice %arg14[%add3A_25, %dma_wait3A_288] : memref<60000x16xf32, #tpu.memory_space<vmem_shared>> -> memref<750x16xf32, #tpu.memory_space<vmem_shared>>
      tpu.wait_dma2 semaphore(%run_scoped3A : memref<!tpu.dma_semaphore, #tpu.memory_space<semaphore_mem>>) src(%arg13 : memref<750x16xf32, #tpu.memory_space<vmem>>) dst(%dma_wait3A_289 : memref<750x16xf32, #tpu.memory_space<vmem_shared>>)
      tpu.yield
    }) : () -> ()
    %mul3A_26 = arith.constant 3750 : i32
    %mul3A_27 = arith.muli %arg1, %mul3A_26 : i32
    %add3A_28 = arith.constant 1500 : i32
    %add3A_29 = arith.addi %mul3A_27, %add3A_28 : i32
    "tpu.region"() ({
      %run_scoped3A = tpu.sem_alloc : memref<!tpu.dma_semaphore, #tpu.memory_space<semaphore_mem>>
      %dma_start3A_282 = arith.constant 0 : i32
      %dma_start3A_283 = tpu.memref_slice %arg14[%add3A_29, %dma_start3A_282] : memref<60000x16xf32, #tpu.memory_space<vmem_shared>> -> memref<750x16xf32, #tpu.memory_space<vmem_shared>>
      %dma_start3A_284 = arith.constant 0 : i32
      %dma_start3A_285 = tpu.memref_slice %arg14[%add3A_29, %dma_start3A_284] : memref<60000x16xf32, #tpu.memory_space<vmem_shared>> -> memref<750x16xf32, #tpu.memory_space<vmem_shared>>
      tpu.enqueue_dma source(%arg13 : memref<750x16xf32, #tpu.memory_space<vmem>>) target(%dma_start3A_285 : memref<750x16xf32, #tpu.memory_space<vmem_shared>>) target_semaphore(%run_scoped3A : memref<!tpu.dma_semaphore, #tpu.memory_space<semaphore_mem>>)
      %dma_wait3A_286 = arith.constant 0 : i32
      %dma_wait3A_287 = tpu.memref_slice %arg14[%add3A_29, %dma_wait3A_286] : memref<60000x16xf32, #tpu.memory_space<vmem_shared>> -> memref<750x16xf32, #tpu.memory_space<vmem_shared>>
      %dma_wait3A_288 = arith.constant 0 : i32
      %dma_wait3A_289 = tpu.memref_slice %arg14[%add3A_29, %dma_wait3A_288] : memref<60000x16xf32, #tpu.memory_space<vmem_shared>> -> memref<750x16xf32, #tpu.memory_space<vmem_shared>>
      tpu.wait_dma2 semaphore(%run_scoped3A : memref<!tpu.dma_semaphore, #tpu.memory_space<semaphore_mem>>) src(%arg13 : memref<750x16xf32, #tpu.memory_space<vmem>>) dst(%dma_wait3A_289 : memref<750x16xf32, #tpu.memory_space<vmem_shared>>)
      tpu.yield
    }) : () -> ()
    %mul3A_30 = arith.constant 3750 : i32
    %mul3A_31 = arith.muli %arg1, %mul3A_30 : i32
    %add3A_32 = arith.constant 2250 : i32
    %add3A_33 = arith.addi %mul3A_31, %add3A_32 : i32
    "tpu.region"() ({
      %run_scoped3A = tpu.sem_alloc : memref<!tpu.dma_semaphore, #tpu.memory_space<semaphore_mem>>
      %dma_start3A_282 = arith.constant 0 : i32
      %dma_start3A_283 = tpu.memref_slice %arg14[%add3A_33, %dma_start3A_282] : memref<60000x16xf32, #tpu.memory_space<vmem_shared>> -> memref<750x16xf32, #tpu.memory_space<vmem_shared>>
      %dma_start3A_284 = arith.constant 0 : i32
      %dma_start3A_285 = tpu.memref_slice %arg14[%add3A_33, %dma_start3A_284] : memref<60000x16xf32, #tpu.memory_space<vmem_shared>> -> memref<750x16xf32, #tpu.memory_space<vmem_shared>>
      tpu.enqueue_dma source(%arg13 : memref<750x16xf32, #tpu.memory_space<vmem>>) target(%dma_start3A_285 : memref<750x16xf32, #tpu.memory_space<vmem_shared>>) target_semaphore(%run_scoped3A : memref<!tpu.dma_semaphore, #tpu.memory_space<semaphore_mem>>)
      %dma_wait3A_286 = arith.constant 0 : i32
      %dma_wait3A_287 = tpu.memref_slice %arg14[%add3A_33, %dma_wait3A_286] : memref<60000x16xf32, #tpu.memory_space<vmem_shared>> -> memref<750x16xf32, #tpu.memory_space<vmem_shared>>
      %dma_wait3A_288 = arith.constant 0 : i32
      %dma_wait3A_289 = tpu.memref_slice %arg14[%add3A_33, %dma_wait3A_288] : memref<60000x16xf32, #tpu.memory_space<vmem_shared>> -> memref<750x16xf32, #tpu.memory_space<vmem_shared>>
      tpu.wait_dma2 semaphore(%run_scoped3A : memref<!tpu.dma_semaphore, #tpu.memory_space<semaphore_mem>>) src(%arg13 : memref<750x16xf32, #tpu.memory_space<vmem>>) dst(%dma_wait3A_289 : memref<750x16xf32, #tpu.memory_space<vmem_shared>>)
      tpu.yield
    }) : () -> ()
    %mul3A_34 = arith.constant 3750 : i32
    %mul3A_35 = arith.muli %arg1, %mul3A_34 : i32
    %add3A_36 = arith.constant 3000 : i32
    %add3A_37 = arith.addi %mul3A_35, %add3A_36 : i32
    "tpu.region"() ({
      %run_scoped3A = tpu.sem_alloc : memref<!tpu.dma_semaphore, #tpu.memory_space<semaphore_mem>>
      %dma_start3A_282 = arith.constant 0 : i32
      %dma_start3A_283 = tpu.memref_slice %arg14[%add3A_37, %dma_start3A_282] : memref<60000x16xf32, #tpu.memory_space<vmem_shared>> -> memref<750x16xf32, #tpu.memory_space<vmem_shared>>
      %dma_start3A_284 = arith.constant 0 : i32
      %dma_start3A_285 = tpu.memref_slice %arg14[%add3A_37, %dma_start3A_284] : memref<60000x16xf32, #tpu.memory_space<vmem_shared>> -> memref<750x16xf32, #tpu.memory_space<vmem_shared>>
      tpu.enqueue_dma source(%arg13 : memref<750x16xf32, #tpu.memory_space<vmem>>) target(%dma_start3A_285 : memref<750x16xf32, #tpu.memory_space<vmem_shared>>) target_semaphore(%run_scoped3A : memref<!tpu.dma_semaphore, #tpu.memory_space<semaphore_mem>>)
      %dma_wait3A_286 = arith.constant 0 : i32
      %dma_wait3A_287 = tpu.memref_slice %arg14[%add3A_37, %dma_wait3A_286] : memref<60000x16xf32, #tpu.memory_space<vmem_shared>> -> memref<750x16xf32, #tpu.memory_space<vmem_shared>>
      %dma_wait3A_288 = arith.constant 0 : i32
      %dma_wait3A_289 = tpu.memref_slice %arg14[%add3A_37, %dma_wait3A_288] : memref<60000x16xf32, #tpu.memory_space<vmem_shared>> -> memref<750x16xf32, #tpu.memory_space<vmem_shared>>
      tpu.wait_dma2 semaphore(%run_scoped3A : memref<!tpu.dma_semaphore, #tpu.memory_space<semaphore_mem>>) src(%arg13 : memref<750x16xf32, #tpu.memory_space<vmem>>) dst(%dma_wait3A_289 : memref<750x16xf32, #tpu.memory_space<vmem_shared>>)
      tpu.yield
    }) : () -> ()
    %barrier3A = arith.constant 0 : index
    tpu.barrier barrier_id(%barrier3A)
    %dma_wait3A = arith.constant 0 : i32
    %dma_wait3A_38 = arith.constant 0 : i32
    %dma_wait3A_39 = tpu.memref_slice %arg3[%dma_wait3A, %dma_wait3A_38] : memref<2x320000xi32, #tpu.memory_space<hbm>> -> memref<2x800xi32, #tpu.memory_space<hbm>>
    %dma_wait3A_40 = arith.constant 0 : i32
    %dma_wait3A_41 = arith.constant 0 : i32
    %dma_wait3A_42 = tpu.memref_slice %arg3[%dma_wait3A_40, %dma_wait3A_41] : memref<2x320000xi32, #tpu.memory_space<hbm>> -> memref<2x800xi32, #tpu.memory_space<hbm>>
    tpu.wait_dma2 semaphore(%arg16 : memref<!tpu.dma_semaphore, #tpu.memory_space<semaphore_mem>>) src(%dma_wait3A_42 : memref<2x800xi32, #tpu.memory_space<hbm>>) dst(%arg5 : memref<2x800xi32, #tpu.memory_space<vmem>>)
    %scan3A_43 = arith.constant 0 : i32
    %scan3A_44 = arith.constant 50 : i32
    %scan3A_45 = arith.addi %scan3A_43, %scan3A_44 : i32
    %scan3A_46 = arith.constant 1 : i32
    scf.for %scan3A_282 = %scan3A_43 to %scan3A_45 step %scan3A_46  : i32 {
      %mul3A_283 = arith.constant 16 : i32
      %mul3A_284 = arith.muli %scan3A_282, %mul3A_283 : i32
      %get3A = arith.constant 0 : i32
      %get3A_285 = arith.index_cast %get3A : i32 to index
      %get3A_286 = arith.index_cast %mul3A_284 : i32 to index
      %get3A_287 = tpu.vector_load %arg5[%get3A_285, %get3A_286] {strides = array<i32>} : memref<2x800xi32, #tpu.memory_space<vmem>>, vector<1x16xi32>,
      %get3A_288 = vector.shape_cast %get3A_287 : vector<1x16xi32> to vector<16xi32>
      %mul3A_289 = arith.constant 16 : i32
      %mul3A_290 = arith.muli %scan3A_282, %mul3A_289 : i32
      %get3A_291 = arith.constant 1 : i32
      %get3A_292 = arith.index_cast %get3A_291 : i32 to index
      %get3A_293 = arith.index_cast %mul3A_290 : i32 to index
      %get3A_294 = tpu.vector_load %arg5[%get3A_292, %get3A_293] {strides = array<i32>} : memref<2x800xi32, #tpu.memory_space<vmem>>, vector<1x16xi32>,
      %get3A_295 = vector.shape_cast %get3A_294 : vector<1x16xi32> to vector<16xi32>
      %mul3A_296 = arith.constant 16 : i32
      %mul3A_297 = arith.muli %scan3A_282, %mul3A_296 : i32
      %swap3A = arith.index_cast %mul3A_297 : i32 to index
      %swap3A_298 = tpu.vector_load %arg7[%swap3A] {strides = array<i32>} : memref<800xi32, #tpu.memory_space<vmem>>, vector<16xi32>,
      %swap3A_299 = vector.shape_cast %swap3A_298 : vector<16xi32> to vector<16xi32>
      %swap3A_300 = vector.shape_cast %get3A_288 : vector<16xi32> to vector<16xi32>
      tpu.vector_store %arg7[%swap3A], %swap3A_300 {strides = array<i32>} : memref<800xi32, #tpu.memory_space<vmem>>, vector<16xi32>,
      %mul3A_301 = arith.constant 16 : i32
      %mul3A_302 = arith.muli %scan3A_282, %mul3A_301 : i32
      %swap3A_303 = arith.index_cast %mul3A_302 : i32 to index
      %swap3A_304 = tpu.vector_load %arg8[%swap3A_303] {strides = array<i32>} : memref<800xi32, #tpu.memory_space<vmem>>, vector<16xi32>,
      %swap3A_305 = vector.shape_cast %swap3A_304 : vector<16xi32> to vector<16xi32>
      %swap3A_306 = vector.shape_cast %get3A_295 : vector<16xi32> to vector<16xi32>
      tpu.vector_store %arg8[%swap3A_303], %swap3A_306 {strides = array<i32>} : memref<800xi32, #tpu.memory_space<vmem>>, vector<16xi32>,
    }
    %scan3A_47 = arith.constant 50 : i32
    %add3A_48 = arith.constant 800 : i32
    %add3A_49 = arith.addi %mul3A_5, %add3A_48 : i32
    %multiple_of3A_50 = tpu.assume_multiple %add3A_49, 8 : i32
    %dma_start3A_51 = arith.constant 0 : i32
    %dma_start3A_52 = tpu.memref_slice %arg3[%dma_start3A_51, %multiple_of3A_50] : memref<2x320000xi32, #tpu.memory_space<hbm>> -> memref<2x800xi32, #tpu.memory_space<hbm>>
    %dma_start3A_53 = arith.constant 0 : i32
    %dma_start3A_54 = tpu.memref_slice %arg3[%dma_start3A_53, %multiple_of3A_50] : memref<2x320000xi32, #tpu.memory_space<hbm>> -> memref<2x800xi32, #tpu.memory_space<hbm>>
    tpu.enqueue_dma source(%dma_start3A_54 : memref<2x800xi32, #tpu.memory_space<hbm>>) target(%arg6 : memref<2x800xi32, #tpu.memory_space<vmem>>) target_semaphore(%arg17 : memref<!tpu.dma_semaphore, #tpu.memory_space<semaphore_mem>>)
    %dma_start3A_55 = arith.constant 0 : i32
    %dma_start3A_56 = arith.constant 0 : i32
    %dma_start3A_57 = tpu.memref_slice %arg15[%dma_start3A_55, %dma_start3A_56] : memref<10000x16xf32, #tpu.memory_space<vmem_shared>> -> memref<10000x16xf32, #tpu.memory_space<vmem_shared>>
    tpu.enqueue_indirect_dma source(%dma_start3A_57 : memref<10000x16xf32, #tpu.memory_space<vmem_shared>>) target(%arg11 : memref<800x16xf32, #tpu.memory_space<vmem>>) offsets(%arg7 : memref<800xi32, #tpu.memory_space<vmem>>) semaphore(%arg18 : memref<!tpu.dma_semaphore, #tpu.memory_space<semaphore_mem>>)
    %scan3A_58 = arith.constant 0 : i32
    %scan3A_59 = arith.constant 12 : i32
    %scan3A_60 = arith.addi %scan3A_58, %scan3A_59 : i32
    %scan3A_61 = arith.constant 1 : i32
    scf.for %scan3A_282 = %scan3A_58 to %scan3A_60 step %scan3A_61  : i32 {
      %dma_wait3A_283 = arith.constant 0 : i32
      %dma_wait3A_284 = arith.constant 0 : i32
      %dma_wait3A_285 = tpu.memref_slice %arg3[%dma_wait3A_283, %dma_wait3A_284] : memref<2x320000xi32, #tpu.memory_space<hbm>> -> memref<2x800xi32, #tpu.memory_space<hbm>>
      %dma_wait3A_286 = arith.constant 0 : i32
      %dma_wait3A_287 = arith.constant 0 : i32
      %dma_wait3A_288 = tpu.memref_slice %arg3[%dma_wait3A_286, %dma_wait3A_287] : memref<2x320000xi32, #tpu.memory_space<hbm>> -> memref<2x800xi32, #tpu.memory_space<hbm>>
      tpu.wait_dma2 semaphore(%arg17 : memref<!tpu.dma_semaphore, #tpu.memory_space<semaphore_mem>>) src(%dma_wait3A_288 : memref<2x800xi32, #tpu.memory_space<hbm>>) dst(%arg6 : memref<2x800xi32, #tpu.memory_space<vmem>>)
      %scan3A_289 = arith.constant 0 : i32
      %scan3A_290 = arith.constant 50 : i32
      %scan3A_291 = arith.addi %scan3A_289, %scan3A_290 : i32
      %scan3A_292 = arith.constant 1 : i32
      scf.for %scan3A_333 = %scan3A_289 to %scan3A_291 step %scan3A_292  : i32 {
        %mul3A_334 = arith.constant 16 : i32
        %mul3A_335 = arith.muli %scan3A_333, %mul3A_334 : i32
        %get3A = arith.constant 0 : i32
        %get3A_336 = arith.index_cast %get3A : i32 to index
        %get3A_337 = arith.index_cast %mul3A_335 : i32 to index
        %get3A_338 = tpu.vector_load %arg6[%get3A_336, %get3A_337] {strides = array<i32>} : memref<2x800xi32, #tpu.memory_space<vmem>>, vector<1x16xi32>,
        %get3A_339 = vector.shape_cast %get3A_338 : vector<1x16xi32> to vector<16xi32>
        %mul3A_340 = arith.constant 16 : i32
        %mul3A_341 = arith.muli %scan3A_333, %mul3A_340 : i32
        %get3A_342 = arith.constant 1 : i32
        %get3A_343 = arith.index_cast %get3A_342 : i32 to index
        %get3A_344 = arith.index_cast %mul3A_341 : i32 to index
        %get3A_345 = tpu.vector_load %arg6[%get3A_343, %get3A_344] {strides = array<i32>} : memref<2x800xi32, #tpu.memory_space<vmem>>, vector<1x16xi32>,
        %get3A_346 = vector.shape_cast %get3A_345 : vector<1x16xi32> to vector<16xi32>
        %mul3A_347 = arith.constant 16 : i32
        %mul3A_348 = arith.muli %scan3A_333, %mul3A_347 : i32
        %swap3A = arith.index_cast %mul3A_348 : i32 to index
        %swap3A_349 = tpu.vector_load %arg9[%swap3A] {strides = array<i32>} : memref<800xi32, #tpu.memory_space<vmem>>, vector<16xi32>,
        %swap3A_350 = vector.shape_cast %swap3A_349 : vector<16xi32> to vector<16xi32>
        %swap3A_351 = vector.shape_cast %get3A_339 : vector<16xi32> to vector<16xi32>
        tpu.vector_store %arg9[%swap3A], %swap3A_351 {strides = array<i32>} : memref<800xi32, #tpu.memory_space<vmem>>, vector<16xi32>,
        %mul3A_352 = arith.constant 16 : i32
        %mul3A_353 = arith.muli %scan3A_333, %mul3A_352 : i32
        %swap3A_354 = arith.index_cast %mul3A_353 : i32 to index
        %swap3A_355 = tpu.vector_load %arg10[%swap3A_354] {strides = array<i32>} : memref<800xi32, #tpu.memory_space<vmem>>, vector<16xi32>,
        %swap3A_356 = vector.shape_cast %swap3A_355 : vector<16xi32> to vector<16xi32>
        %swap3A_357 = vector.shape_cast %get3A_346 : vector<16xi32> to vector<16xi32>
        tpu.vector_store %arg10[%swap3A_354], %swap3A_357 {strides = array<i32>} : memref<800xi32, #tpu.memory_space<vmem>>, vector<16xi32>,
      }
      %scan3A_293 = arith.constant 50 : i32
      %mul3A_294 = arith.constant 2 : i32
      %mul3A_295 = arith.muli %mul3A_294, %scan3A_282 : i32
      %add3A_296 = arith.constant 2 : i32
      %add3A_297 = arith.addi %mul3A_295, %add3A_296 : i32
      %mul3A_298 = arith.constant 800 : i32
      %mul3A_299 = arith.muli %add3A_297, %mul3A_298 : i32
      %add3A_300 = arith.addi %mul3A_5, %mul3A_299 : i32
      %multiple_of3A_301 = tpu.assume_multiple %add3A_300, 8 : i32
      %dma_start3A_302 = arith.constant 0 : i32
      %dma_start3A_303 = tpu.memref_slice %arg3[%dma_start3A_302, %multiple_of3A_301] : memref<2x320000xi32, #tpu.memory_space<hbm>> -> memref<2x800xi32, #tpu.memory_space<hbm>>
      %dma_start3A_304 = arith.constant 0 : i32
      %dma_start3A_305 = tpu.memref_slice %arg3[%dma_start3A_304, %multiple_of3A_301] : memref<2x320000xi32, #tpu.memory_space<hbm>> -> memref<2x800xi32, #tpu.memory_space<hbm>>
      tpu.enqueue_dma source(%dma_start3A_305 : memref<2x800xi32, #tpu.memory_space<hbm>>) target(%arg5 : memref<2x800xi32, #tpu.memory_space<vmem>>) target_semaphore(%arg16 : memref<!tpu.dma_semaphore, #tpu.memory_space<semaphore_mem>>)
      %dma_wait3A_306 = arith.constant 0 : i32
      %dma_wait3A_307 = arith.constant 0 : i32
      %dma_wait3A_308 = tpu.memref_slice %arg15[%dma_wait3A_306, %dma_wait3A_307] : memref<10000x16xf32, #tpu.memory_space<vmem_shared>> -> memref<10000x16xf32, #tpu.memory_space<vmem_shared>>
      tpu.wait_indirect_dma semaphore(%arg18 : memref<!tpu.dma_semaphore, #tpu.memory_space<semaphore_mem>>) src(%dma_wait3A_308 : memref<10000x16xf32, #tpu.memory_space<vmem_shared>>) dst(%arg11 : memref<800x16xf32, #tpu.memory_space<vmem>>)
      %dma_start3A_309 = arith.constant 0 : i32
      %dma_start3A_310 = arith.constant 0 : i32
      %dma_start3A_311 = tpu.memref_slice %arg15[%dma_start3A_309, %dma_start3A_310] : memref<10000x16xf32, #tpu.memory_space<vmem_shared>> -> memref<10000x16xf32, #tpu.memory_space<vmem_shared>>
      tpu.enqueue_indirect_dma source(%dma_start3A_311 : memref<10000x16xf32, #tpu.memory_space<vmem_shared>>) target(%arg12 : memref<800x16xf32, #tpu.memory_space<vmem>>) offsets(%arg9 : memref<800xi32, #tpu.memory_space<vmem>>) semaphore(%arg19 : memref<!tpu.dma_semaphore, #tpu.memory_space<semaphore_mem>>)
      "tpu.region"() ({
        %run_scoped3A = tpu.sem_alloc : memref<!tpu.dma_semaphore, #tpu.memory_space<semaphore_mem>>
        %dma_start3A_333 = arith.constant 0 : i32
        %dma_start3A_334 = arith.constant 0 : i32
        %dma_start3A_335 = tpu.memref_slice %arg14[%dma_start3A_333, %dma_start3A_334] : memref<60000x16xf32, #tpu.memory_space<vmem_shared>> -> memref<60000x16xf32, #tpu.memory_space<vmem_shared>>
        tpu.enqueue_indirect_dma source(%arg11 : memref<800x16xf32, #tpu.memory_space<vmem>>) target(%dma_start3A_335 : memref<60000x16xf32, #tpu.memory_space<vmem_shared>>) offsets(%arg8 : memref<800xi32, #tpu.memory_space<vmem>>) semaphore(%run_scoped3A : memref<!tpu.dma_semaphore, #tpu.memory_space<semaphore_mem>>) {add = true}
        %dma_wait3A_336 = arith.constant 0 : i32
        %dma_wait3A_337 = arith.constant 0 : i32
        %dma_wait3A_338 = tpu.memref_slice %arg14[%dma_wait3A_336, %dma_wait3A_337] : memref<60000x16xf32, #tpu.memory_space<vmem_shared>> -> memref<60000x16xf32, #tpu.memory_space<vmem_shared>>
        tpu.wait_indirect_dma semaphore(%run_scoped3A : memref<!tpu.dma_semaphore, #tpu.memory_space<semaphore_mem>>) src(%arg11 : memref<800x16xf32, #tpu.memory_space<vmem>>) dst(%dma_wait3A_338 : memref<60000x16xf32, #tpu.memory_space<vmem_shared>>)
        tpu.yield
      }) : () -> ()
      %dma_wait3A_312 = arith.constant 0 : i32
      %dma_wait3A_313 = arith.constant 0 : i32
      %dma_wait3A_314 = tpu.memref_slice %arg3[%dma_wait3A_312, %dma_wait3A_313] : memref<2x320000xi32, #tpu.memory_space<hbm>> -> memref<2x800xi32, #tpu.memory_space<hbm>>
      %dma_wait3A_315 = arith.constant 0 : i32
      %dma_wait3A_316 = arith.constant 0 : i32
      %dma_wait3A_317 = tpu.memref_slice %arg3[%dma_wait3A_315, %dma_wait3A_316] : memref<2x320000xi32, #tpu.memory_space<hbm>> -> memref<2x800xi32, #tpu.memory_space<hbm>>
      tpu.wait_dma2 semaphore(%arg16 : memref<!tpu.dma_semaphore, #tpu.memory_space<semaphore_mem>>) src(%dma_wait3A_317 : memref<2x800xi32, #tpu.memory_space<hbm>>) dst(%arg5 : memref<2x800xi32, #tpu.memory_space<vmem>>)
      %scan3A_318 = arith.constant 0 : i32
      %scan3A_319 = arith.constant 50 : i32
      %scan3A_320 = arith.addi %scan3A_318, %scan3A_319 : i32
      %scan3A_321 = arith.constant 1 : i32
      scf.for %scan3A_333 = %scan3A_318 to %scan3A_320 step %scan3A_321  : i32 {
        %mul3A_334 = arith.constant 16 : i32
        %mul3A_335 = arith.muli %scan3A_333, %mul3A_334 : i32
        %get3A = arith.constant 0 : i32
        %get3A_336 = arith.index_cast %get3A : i32 to index
        %get3A_337 = arith.index_cast %mul3A_335 : i32 to index
        %get3A_338 = tpu.vector_load %arg5[%get3A_336, %get3A_337] {strides = array<i32>} : memref<2x800xi32, #tpu.memory_space<vmem>>, vector<1x16xi32>,
        %get3A_339 = vector.shape_cast %get3A_338 : vector<1x16xi32> to vector<16xi32>
        %mul3A_340 = arith.constant 16 : i32
        %mul3A_341 = arith.muli %scan3A_333, %mul3A_340 : i32
        %get3A_342 = arith.constant 1 : i32
        %get3A_343 = arith.index_cast %get3A_342 : i32 to index
        %get3A_344 = arith.index_cast %mul3A_341 : i32 to index
        %get3A_345 = tpu.vector_load %arg5[%get3A_343, %get3A_344] {strides = array<i32>} : memref<2x800xi32, #tpu.memory_space<vmem>>, vector<1x16xi32>,
        %get3A_346 = vector.shape_cast %get3A_345 : vector<1x16xi32> to vector<16xi32>
        %mul3A_347 = arith.constant 16 : i32
        %mul3A_348 = arith.muli %scan3A_333, %mul3A_347 : i32
        %swap3A = arith.index_cast %mul3A_348 : i32 to index
        %swap3A_349 = tpu.vector_load %arg7[%swap3A] {strides = array<i32>} : memref<800xi32, #tpu.memory_space<vmem>>, vector<16xi32>,
        %swap3A_350 = vector.shape_cast %swap3A_349 : vector<16xi32> to vector<16xi32>
        %swap3A_351 = vector.shape_cast %get3A_339 : vector<16xi32> to vector<16xi32>
        tpu.vector_store %arg7[%swap3A], %swap3A_351 {strides = array<i32>} : memref<800xi32, #tpu.memory_space<vmem>>, vector<16xi32>,
        %mul3A_352 = arith.constant 16 : i32
        %mul3A_353 = arith.muli %scan3A_333, %mul3A_352 : i32
        %swap3A_354 = arith.index_cast %mul3A_353 : i32 to index
        %swap3A_355 = tpu.vector_load %arg8[%swap3A_354] {strides = array<i32>} : memref<800xi32, #tpu.memory_space<vmem>>, vector<16xi32>,
        %swap3A_356 = vector.shape_cast %swap3A_355 : vector<16xi32> to vector<16xi32>
        %swap3A_357 = vector.shape_cast %get3A_346 : vector<16xi32> to vector<16xi32>
        tpu.vector_store %arg8[%swap3A_354], %swap3A_357 {strides = array<i32>} : memref<800xi32, #tpu.memory_space<vmem>>, vector<16xi32>,
      }
      %scan3A_322 = arith.constant 50 : i32
      %lt3A = arith.constant 11 : i32
      %lt3A_323 = arith.cmpi slt, %scan3A_282, %lt3A : i32
      %convert_element_type3A_324 = arith.extui %lt3A_323 : i1 to i32
      %cond3A_325 = arith.constant 0 : i32
      %cond3A_326 = arith.cmpi ne, %convert_element_type3A_324, %cond3A_325 : i32
      scf.if %cond3A_326 {
        %mul3A_333 = arith.constant 2 : i32
        %mul3A_334 = arith.muli %mul3A_333, %scan3A_282 : i32
        %add3A_335 = arith.constant 3 : i32
        %add3A_336 = arith.addi %mul3A_334, %add3A_335 : i32
        %mul3A_337 = arith.constant 800 : i32
        %mul3A_338 = arith.muli %add3A_336, %mul3A_337 : i32
        %add3A_339 = arith.addi %mul3A_5, %mul3A_338 : i32
        %multiple_of3A_340 = tpu.assume_multiple %add3A_339, 8 : i32
        %dma_start3A_341 = arith.constant 0 : i32
        %dma_start3A_342 = tpu.memref_slice %arg3[%dma_start3A_341, %multiple_of3A_340] : memref<2x320000xi32, #tpu.memory_space<hbm>> -> memref<2x800xi32, #tpu.memory_space<hbm>>
        %dma_start3A_343 = arith.constant 0 : i32
        %dma_start3A_344 = tpu.memref_slice %arg3[%dma_start3A_343, %multiple_of3A_340] : memref<2x320000xi32, #tpu.memory_space<hbm>> -> memref<2x800xi32, #tpu.memory_space<hbm>>
        tpu.enqueue_dma source(%dma_start3A_344 : memref<2x800xi32, #tpu.memory_space<hbm>>) target(%arg6 : memref<2x800xi32, #tpu.memory_space<vmem>>) target_semaphore(%arg17 : memref<!tpu.dma_semaphore, #tpu.memory_space<semaphore_mem>>)
      } else {
      }
      %dma_wait3A_327 = arith.constant 0 : i32
      %dma_wait3A_328 = arith.constant 0 : i32
      %dma_wait3A_329 = tpu.memref_slice %arg15[%dma_wait3A_327, %dma_wait3A_328] : memref<10000x16xf32, #tpu.memory_space<vmem_shared>> -> memref<10000x16xf32, #tpu.memory_space<vmem_shared>>
      tpu.wait_indirect_dma semaphore(%arg19 : memref<!tpu.dma_semaphore, #tpu.memory_space<semaphore_mem>>) src(%dma_wait3A_329 : memref<10000x16xf32, #tpu.memory_space<vmem_shared>>) dst(%arg12 : memref<800x16xf32, #tpu.memory_space<vmem>>)
      %dma_start3A_330 = arith.constant 0 : i32
      %dma_start3A_331 = arith.constant 0 : i32
      %dma_start3A_332 = tpu.memref_slice %arg15[%dma_start3A_330, %dma_start3A_331] : memref<10000x16xf32, #tpu.memory_space<vmem_shared>> -> memref<10000x16xf32, #tpu.memory_space<vmem_shared>>
      tpu.enqueue_indirect_dma source(%dma_start3A_332 : memref<10000x16xf32, #tpu.memory_space<vmem_shared>>) target(%arg11 : memref<800x16xf32, #tpu.memory_space<vmem>>) offsets(%arg7 : memref<800xi32, #tpu.memory_space<vmem>>) semaphore(%arg18 : memref<!tpu.dma_semaphore, #tpu.memory_space<semaphore_mem>>)
      "tpu.region"() ({
        %run_scoped3A = tpu.sem_alloc : memref<!tpu.dma_semaphore, #tpu.memory_space<semaphore_mem>>
        %dma_start3A_333 = arith.constant 0 : i32
        %dma_start3A_334 = arith.constant 0 : i32
        %dma_start3A_335 = tpu.memref_slice %arg14[%dma_start3A_333, %dma_start3A_334] : memref<60000x16xf32, #tpu.memory_space<vmem_shared>> -> memref<60000x16xf32, #tpu.memory_space<vmem_shared>>
        tpu.enqueue_indirect_dma source(%arg12 : memref<800x16xf32, #tpu.memory_space<vmem>>) target(%dma_start3A_335 : memref<60000x16xf32, #tpu.memory_space<vmem_shared>>) offsets(%arg10 : memref<800xi32, #tpu.memory_space<vmem>>) semaphore(%run_scoped3A : memref<!tpu.dma_semaphore, #tpu.memory_space<semaphore_mem>>) {add = true}
        %dma_wait3A_336 = arith.constant 0 : i32
        %dma_wait3A_337 = arith.constant 0 : i32
        %dma_wait3A_338 = tpu.memref_slice %arg14[%dma_wait3A_336, %dma_wait3A_337] : memref<60000x16xf32, #tpu.memory_space<vmem_shared>> -> memref<60000x16xf32, #tpu.memory_space<vmem_shared>>
        tpu.wait_indirect_dma semaphore(%run_scoped3A : memref<!tpu.dma_semaphore, #tpu.memory_space<semaphore_mem>>) src(%arg12 : memref<800x16xf32, #tpu.memory_space<vmem>>) dst(%dma_wait3A_338 : memref<60000x16xf32, #tpu.memory_space<vmem_shared>>)
        tpu.yield
      }) : () -> ()
    }
    %scan3A_62 = arith.constant 12 : i32
    %dma_wait3A_63 = arith.constant 0 : i32
    %dma_wait3A_64 = arith.constant 0 : i32
    %dma_wait3A_65 = tpu.memref_slice %arg15[%dma_wait3A_63, %dma_wait3A_64] : memref<10000x16xf32, #tpu.memory_space<vmem_shared>> -> memref<10000x16xf32, #tpu.memory_space<vmem_shared>>
    tpu.wait_indirect_dma semaphore(%arg18 : memref<!tpu.dma_semaphore, #tpu.memory_space<semaphore_mem>>) src(%dma_wait3A_65 : memref<10000x16xf32, #tpu.memory_space<vmem_shared>>) dst(%arg11 : memref<800x16xf32, #tpu.memory_space<vmem>>)
    "tpu.region"() ({
      %run_scoped3A = tpu.sem_alloc : memref<!tpu.dma_semaphore, #tpu.memory_space<semaphore_mem>>
      %dma_start3A_282 = arith.constant 0 : i32
      %dma_start3A_283 = arith.constant 0 : i32
      %dma_start3A_284 = tpu.memref_slice %arg14[%dma_start3A_282, %dma_start3A_283] : memref<60000x16xf32, #tpu.memory_space<vmem_shared>> -> memref<60000x16xf32, #tpu.memory_space<vmem_shared>>
      tpu.enqueue_indirect_dma source(%arg11 : memref<800x16xf32, #tpu.memory_space<vmem>>) target(%dma_start3A_284 : memref<60000x16xf32, #tpu.memory_space<vmem_shared>>) offsets(%arg8 : memref<800xi32, #tpu.memory_space<vmem>>) semaphore(%run_scoped3A : memref<!tpu.dma_semaphore, #tpu.memory_space<semaphore_mem>>) {add = true}
      %dma_wait3A_285 = arith.constant 0 : i32
      %dma_wait3A_286 = arith.constant 0 : i32
      %dma_wait3A_287 = tpu.memref_slice %arg14[%dma_wait3A_285, %dma_wait3A_286] : memref<60000x16xf32, #tpu.memory_space<vmem_shared>> -> memref<60000x16xf32, #tpu.memory_space<vmem_shared>>
      tpu.wait_indirect_dma semaphore(%run_scoped3A : memref<!tpu.dma_semaphore, #tpu.memory_space<semaphore_mem>>) src(%arg11 : memref<800x16xf32, #tpu.memory_space<vmem>>) dst(%dma_wait3A_287 : memref<60000x16xf32, #tpu.memory_space<vmem_shared>>)
      tpu.yield
    }) : () -> ()
    %barrier3A_66 = arith.constant 0 : index
    tpu.barrier barrier_id(%barrier3A_66)
    %mul3A_67 = arith.constant 3750 : i32
    %mul3A_68 = arith.muli %arg1, %mul3A_67 : i32
    "tpu.region"() ({
      %run_scoped3A = tpu.sem_alloc : memref<!tpu.dma_semaphore, #tpu.memory_space<semaphore_mem>>
      %dma_start3A_282 = tpu.memref_slice %arg4[%mul3A_68, %mul3A_10] : memref<60000x128xf32, #tpu.memory_space<hbm>> -> memref<3750x16xf32, #tpu.memory_space<hbm>>
      %dma_start3A_283 = arith.constant 0 : i32
      %dma_start3A_284 = tpu.memref_slice %arg14[%mul3A_68, %dma_start3A_283] : memref<60000x16xf32, #tpu.memory_space<vmem_shared>> -> memref<3750x16xf32, #tpu.memory_space<vmem_shared>>
      tpu.enqueue_dma source(%dma_start3A_284 : memref<3750x16xf32, #tpu.memory_space<vmem_shared>>) target(%dma_start3A_282 : memref<3750x16xf32, #tpu.memory_space<hbm>>) target_semaphore(%run_scoped3A : memref<!tpu.dma_semaphore, #tpu.memory_space<semaphore_mem>>)
      %dma_wait3A_285 = tpu.memref_slice %arg4[%mul3A_68, %mul3A_10] : memref<60000x128xf32, #tpu.memory_space<hbm>> -> memref<3750x16xf32, #tpu.memory_space<hbm>>
      %dma_wait3A_286 = arith.constant 0 : i32
      %dma_wait3A_287 = tpu.memref_slice %arg14[%mul3A_68, %dma_wait3A_286] : memref<60000x16xf32, #tpu.memory_space<vmem_shared>> -> memref<3750x16xf32, #tpu.memory_space<vmem_shared>>
      tpu.wait_dma2 semaphore(%run_scoped3A : memref<!tpu.dma_semaphore, #tpu.memory_space<semaphore_mem>>) src(%dma_wait3A_287 : memref<3750x16xf32, #tpu.memory_space<vmem_shared>>) dst(%dma_wait3A_285 : memref<3750x16xf32, #tpu.memory_space<hbm>>)
      tpu.yield
    }) : () -> ()
    %mul3A_69 = arith.constant 3750 : i32
    %mul3A_70 = arith.muli %arg1, %mul3A_69 : i32
    %add3A_71 = arith.constant 0 : i32
    %add3A_72 = arith.addi %mul3A_70, %add3A_71 : i32
    "tpu.region"() ({
      %run_scoped3A = tpu.sem_alloc : memref<!tpu.dma_semaphore, #tpu.memory_space<semaphore_mem>>
      %dma_start3A_282 = arith.constant 0 : i32
      %dma_start3A_283 = tpu.memref_slice %arg14[%add3A_72, %dma_start3A_282] : memref<60000x16xf32, #tpu.memory_space<vmem_shared>> -> memref<750x16xf32, #tpu.memory_space<vmem_shared>>
      %dma_start3A_284 = arith.constant 0 : i32
      %dma_start3A_285 = tpu.memref_slice %arg14[%add3A_72, %dma_start3A_284] : memref<60000x16xf32, #tpu.memory_space<vmem_shared>> -> memref<750x16xf32, #tpu.memory_space<vmem_shared>>
      tpu.enqueue_dma source(%arg13 : memref<750x16xf32, #tpu.memory_space<vmem>>) target(%dma_start3A_285 : memref<750x16xf32, #tpu.memory_space<vmem_shared>>) target_semaphore(%run_scoped3A : memref<!tpu.dma_semaphore, #tpu.memory_space<semaphore_mem>>)
      %dma_wait3A_286 = arith.constant 0 : i32
      %dma_wait3A_287 = tpu.memref_slice %arg14[%add3A_72, %dma_wait3A_286] : memref<60000x16xf32, #tpu.memory_space<vmem_shared>> -> memref<750x16xf32, #tpu.memory_space<vmem_shared>>
      %dma_wait3A_288 = arith.constant 0 : i32
      %dma_wait3A_289 = tpu.memref_slice %arg14[%add3A_72, %dma_wait3A_288] : memref<60000x16xf32, #tpu.memory_space<vmem_shared>> -> memref<750x16xf32, #tpu.memory_space<vmem_shared>>
      tpu.wait_dma2 semaphore(%run_scoped3A : memref<!tpu.dma_semaphore, #tpu.memory_space<semaphore_mem>>) src(%arg13 : memref<750x16xf32, #tpu.memory_space<vmem>>) dst(%dma_wait3A_289 : memref<750x16xf32, #tpu.memory_space<vmem_shared>>)
      tpu.yield
    }) : () -> ()
    %mul3A_73 = arith.constant 3750 : i32
    %mul3A_74 = arith.muli %arg1, %mul3A_73 : i32
    %add3A_75 = arith.constant 750 : i32
    %add3A_76 = arith.addi %mul3A_74, %add3A_75 : i32
    "tpu.region"() ({
      %run_scoped3A = tpu.sem_alloc : memref<!tpu.dma_semaphore, #tpu.memory_space<semaphore_mem>>
      %dma_start3A_282 = arith.constant 0 : i32
      %dma_start3A_283 = tpu.memref_slice %arg14[%add3A_76, %dma_start3A_282] : memref<60000x16xf32, #tpu.memory_space<vmem_shared>> -> memref<750x16xf32, #tpu.memory_space<vmem_shared>>
      %dma_start3A_284 = arith.constant 0 : i32
      %dma_start3A_285 = tpu.memref_slice %arg14[%add3A_76, %dma_start3A_284] : memref<60000x16xf32, #tpu.memory_space<vmem_shared>> -> memref<750x16xf32, #tpu.memory_space<vmem_shared>>
      tpu.enqueue_dma source(%arg13 : memref<750x16xf32, #tpu.memory_space<vmem>>) target(%dma_start3A_285 : memref<750x16xf32, #tpu.memory_space<vmem_shared>>) target_semaphore(%run_scoped3A : memref<!tpu.dma_semaphore, #tpu.memory_space<semaphore_mem>>)
      %dma_wait3A_286 = arith.constant 0 : i32
      %dma_wait3A_287 = tpu.memref_slice %arg14[%add3A_76, %dma_wait3A_286] : memref<60000x16xf32, #tpu.memory_space<vmem_shared>> -> memref<750x16xf32, #tpu.memory_space<vmem_shared>>
      %dma_wait3A_288 = arith.constant 0 : i32
      %dma_wait3A_289 = tpu.memref_slice %arg14[%add3A_76, %dma_wait3A_288] : memref<60000x16xf32, #tpu.memory_space<vmem_shared>> -> memref<750x16xf32, #tpu.memory_space<vmem_shared>>
      tpu.wait_dma2 semaphore(%run_scoped3A : memref<!tpu.dma_semaphore, #tpu.memory_space<semaphore_mem>>) src(%arg13 : memref<750x16xf32, #tpu.memory_space<vmem>>) dst(%dma_wait3A_289 : memref<750x16xf32, #tpu.memory_space<vmem_shared>>)
      tpu.yield
    }) : () -> ()
    %mul3A_77 = arith.constant 3750 : i32
    %mul3A_78 = arith.muli %arg1, %mul3A_77 : i32
    %add3A_79 = arith.constant 1500 : i32
    %add3A_80 = arith.addi %mul3A_78, %add3A_79 : i32
    "tpu.region"() ({
      %run_scoped3A = tpu.sem_alloc : memref<!tpu.dma_semaphore, #tpu.memory_space<semaphore_mem>>
      %dma_start3A_282 = arith.constant 0 : i32
      %dma_start3A_283 = tpu.memref_slice %arg14[%add3A_80, %dma_start3A_282] : memref<60000x16xf32, #tpu.memory_space<vmem_shared>> -> memref<750x16xf32, #tpu.memory_space<vmem_shared>>
      %dma_start3A_284 = arith.constant 0 : i32
      %dma_start3A_285 = tpu.memref_slice %arg14[%add3A_80, %dma_start3A_284] : memref<60000x16xf32, #tpu.memory_space<vmem_shared>> -> memref<750x16xf32, #tpu.memory_space<vmem_shared>>
      tpu.enqueue_dma source(%arg13 : memref<750x16xf32, #tpu.memory_space<vmem>>) target(%dma_start3A_285 : memref<750x16xf32, #tpu.memory_space<vmem_shared>>) target_semaphore(%run_scoped3A : memref<!tpu.dma_semaphore, #tpu.memory_space<semaphore_mem>>)
      %dma_wait3A_286 = arith.constant 0 : i32
      %dma_wait3A_287 = tpu.memref_slice %arg14[%add3A_80, %dma_wait3A_286] : memref<60000x16xf32, #tpu.memory_space<vmem_shared>> -> memref<750x16xf32, #tpu.memory_space<vmem_shared>>
      %dma_wait3A_288 = arith.constant 0 : i32
      %dma_wait3A_289 = tpu.memref_slice %arg14[%add3A_80, %dma_wait3A_288] : memref<60000x16xf32, #tpu.memory_space<vmem_shared>> -> memref<750x16xf32, #tpu.memory_space<vmem_shared>>
      tpu.wait_dma2 semaphore(%run_scoped3A : memref<!tpu.dma_semaphore, #tpu.memory_space<semaphore_mem>>) src(%arg13 : memref<750x16xf32, #tpu.memory_space<vmem>>) dst(%dma_wait3A_289 : memref<750x16xf32, #tpu.memory_space<vmem_shared>>)
      tpu.yield
    }) : () -> ()
    %mul3A_81 = arith.constant 3750 : i32
    %mul3A_82 = arith.muli %arg1, %mul3A_81 : i32
    %add3A_83 = arith.constant 2250 : i32
    %add3A_84 = arith.addi %mul3A_82, %add3A_83 : i32
    "tpu.region"() ({
      %run_scoped3A = tpu.sem_alloc : memref<!tpu.dma_semaphore, #tpu.memory_space<semaphore_mem>>
      %dma_start3A_282 = arith.constant 0 : i32
      %dma_start3A_283 = tpu.memref_slice %arg14[%add3A_84, %dma_start3A_282] : memref<60000x16xf32, #tpu.memory_space<vmem_shared>> -> memref<750x16xf32, #tpu.memory_space<vmem_shared>>
      %dma_start3A_284 = arith.constant 0 : i32
      %dma_start3A_285 = tpu.memref_slice %arg14[%add3A_84, %dma_start3A_284] : memref<60000x16xf32, #tpu.memory_space<vmem_shared>> -> memref<750x16xf32, #tpu.memory_space<vmem_shared>>
      tpu.enqueue_dma source(%arg13 : memref<750x16xf32, #tpu.memory_space<vmem>>) target(%dma_start3A_285 : memref<750x16xf32, #tpu.memory_space<vmem_shared>>) target_semaphore(%run_scoped3A : memref<!tpu.dma_semaphore, #tpu.memory_space<semaphore_mem>>)
      %dma_wait3A_286 = arith.constant 0 : i32
      %dma_wait3A_287 = tpu.memref_slice %arg14[%add3A_84, %dma_wait3A_286] : memref<60000x16xf32, #tpu.memory_space<vmem_shared>> -> memref<750x16xf32, #tpu.memory_space<vmem_shared>>
      %dma_wait3A_288 = arith.constant 0 : i32
      %dma_wait3A_289 = tpu.memref_slice %arg14[%add3A_84, %dma_wait3A_288] : memref<60000x16xf32, #tpu.memory_space<vmem_shared>> -> memref<750x16xf32, #tpu.memory_space<vmem_shared>>
      tpu.wait_dma2 semaphore(%run_scoped3A : memref<!tpu.dma_semaphore, #tpu.memory_space<semaphore_mem>>) src(%arg13 : memref<750x16xf32, #tpu.memory_space<vmem>>) dst(%dma_wait3A_289 : memref<750x16xf32, #tpu.memory_space<vmem_shared>>)
      tpu.yield
    }) : () -> ()
    %mul3A_85 = arith.constant 3750 : i32
    %mul3A_86 = arith.muli %arg1, %mul3A_85 : i32
    %add3A_87 = arith.constant 3000 : i32
    %add3A_88 = arith.addi %mul3A_86, %add3A_87 : i32
    "tpu.region"() ({
      %run_scoped3A = tpu.sem_alloc : memref<!tpu.dma_semaphore, #tpu.memory_space<semaphore_mem>>
      %dma_start3A_282 = arith.constant 0 : i32
      %dma_start3A_283 = tpu.memref_slice %arg14[%add3A_88, %dma_start3A_282] : memref<60000x16xf32, #tpu.memory_space<vmem_shared>> -> memref<750x16xf32, #tpu.memory_space<vmem_shared>>
      %dma_start3A_284 = arith.constant 0 : i32
      %dma_start3A_285 = tpu.memref_slice %arg14[%add3A_88, %dma_start3A_284] : memref<60000x16xf32, #tpu.memory_space<vmem_shared>> -> memref<750x16xf32, #tpu.memory_space<vmem_shared>>
      tpu.enqueue_dma source(%arg13 : memref<750x16xf32, #tpu.memory_space<vmem>>) target(%dma_start3A_285 : memref<750x16xf32, #tpu.memory_space<vmem_shared>>) target_semaphore(%run_scoped3A : memref<!tpu.dma_semaphore, #tpu.memory_space<semaphore_mem>>)
      %dma_wait3A_286 = arith.constant 0 : i32
      %dma_wait3A_287 = tpu.memref_slice %arg14[%add3A_88, %dma_wait3A_286] : memref<60000x16xf32, #tpu.memory_space<vmem_shared>> -> memref<750x16xf32, #tpu.memory_space<vmem_shared>>
      %dma_wait3A_288 = arith.constant 0 : i32
      %dma_wait3A_289 = tpu.memref_slice %arg14[%add3A_88, %dma_wait3A_288] : memref<60000x16xf32, #tpu.memory_space<vmem_shared>> -> memref<750x16xf32, #tpu.memory_space<vmem_shared>>
      tpu.wait_dma2 semaphore(%run_scoped3A : memref<!tpu.dma_semaphore, #tpu.memory_space<semaphore_mem>>) src(%arg13 : memref<750x16xf32, #tpu.memory_space<vmem>>) dst(%dma_wait3A_289 : memref<750x16xf32, #tpu.memory_space<vmem_shared>>)
      tpu.yield
    }) : () -> ()
    %eq3A_89 = arith.constant 0 : i32
    %eq3A_90 = arith.cmpi eq, %arg1, %eq3A_89 : i32
    %convert_element_type3A_91 = arith.extui %eq3A_90 : i1 to i32
    %cond3A_92 = arith.constant 0 : i32
    %cond3A_93 = arith.cmpi ne, %convert_element_type3A_91, %cond3A_92 : i32
    scf.if %cond3A_93 {
      %add3A_282 = arith.constant 1 : i32
      %add3A_283 = arith.addi %add3A_8, %add3A_282 : i32
      %mul3A_284 = arith.constant 16 : i32
      %mul3A_285 = arith.muli %add3A_283, %mul3A_284 : i32
      "tpu.region"() ({
        %run_scoped3A = tpu.sem_alloc : memref<!tpu.dma_semaphore, #tpu.memory_space<semaphore_mem>>
        %dma_start3A_286 = arith.constant 0 : i32
        %dma_start3A_287 = tpu.memref_slice %arg2[%dma_start3A_286, %mul3A_285] : memref<10000x128xf32, #tpu.memory_space<hbm>> -> memref<10000x16xf32, #tpu.memory_space<hbm>>
        tpu.enqueue_dma source(%dma_start3A_287 : memref<10000x16xf32, #tpu.memory_space<hbm>>) target(%arg15 : memref<10000x16xf32, #tpu.memory_space<vmem_shared>>) target_semaphore(%run_scoped3A : memref<!tpu.dma_semaphore, #tpu.memory_space<semaphore_mem>>)
        %dma_wait3A_288 = arith.constant 0 : i32
        %dma_wait3A_289 = tpu.memref_slice %arg2[%dma_wait3A_288, %mul3A_285] : memref<10000x128xf32, #tpu.memory_space<hbm>> -> memref<10000x16xf32, #tpu.memory_space<hbm>>
        tpu.wait_dma2 semaphore(%run_scoped3A : memref<!tpu.dma_semaphore, #tpu.memory_space<semaphore_mem>>) src(%dma_wait3A_289 : memref<10000x16xf32, #tpu.memory_space<hbm>>) dst(%arg15 : memref<10000x16xf32, #tpu.memory_space<vmem_shared>>)
        tpu.yield
      }) : () -> ()
    } else {
    }
    %mul3A_94 = arith.constant 4 : i32
    %mul3A_95 = arith.muli %mul3A_94, %arg0 : i32
    %add3A_96 = arith.constant 1 : i32
    %add3A_97 = arith.addi %mul3A_95, %add3A_96 : i32
    %mul3A_98 = arith.constant 16 : i32
    %mul3A_99 = arith.muli %add3A_97, %mul3A_98 : i32
    %add3A_100 = arith.constant 0 : i32
    %add3A_101 = arith.addi %mul3A_5, %add3A_100 : i32
    %multiple_of3A_102 = tpu.assume_multiple %add3A_101, 8 : i32
    %dma_start3A_103 = arith.constant 0 : i32
    %dma_start3A_104 = tpu.memref_slice %arg3[%dma_start3A_103, %multiple_of3A_102] : memref<2x320000xi32, #tpu.memory_space<hbm>> -> memref<2x800xi32, #tpu.memory_space<hbm>>
    %dma_start3A_105 = arith.constant 0 : i32
    %dma_start3A_106 = tpu.memref_slice %arg3[%dma_start3A_105, %multiple_of3A_102] : memref<2x320000xi32, #tpu.memory_space<hbm>> -> memref<2x800xi32, #tpu.memory_space<hbm>>
    tpu.enqueue_dma source(%dma_start3A_106 : memref<2x800xi32, #tpu.memory_space<hbm>>) target(%arg5 : memref<2x800xi32, #tpu.memory_space<vmem>>) target_semaphore(%arg16 : memref<!tpu.dma_semaphore, #tpu.memory_space<semaphore_mem>>)
    %barrier3A_107 = arith.constant 0 : index
    tpu.barrier barrier_id(%barrier3A_107)
    %dma_wait3A_108 = arith.constant 0 : i32
    %dma_wait3A_109 = arith.constant 0 : i32
    %dma_wait3A_110 = tpu.memref_slice %arg3[%dma_wait3A_108, %dma_wait3A_109] : memref<2x320000xi32, #tpu.memory_space<hbm>> -> memref<2x800xi32, #tpu.memory_space<hbm>>
    %dma_wait3A_111 = arith.constant 0 : i32
    %dma_wait3A_112 = arith.constant 0 : i32
    %dma_wait3A_113 = tpu.memref_slice %arg3[%dma_wait3A_111, %dma_wait3A_112] : memref<2x320000xi32, #tpu.memory_space<hbm>> -> memref<2x800xi32, #tpu.memory_space<hbm>>
    tpu.wait_dma2 semaphore(%arg16 : memref<!tpu.dma_semaphore, #tpu.memory_space<semaphore_mem>>) src(%dma_wait3A_113 : memref<2x800xi32, #tpu.memory_space<hbm>>) dst(%arg5 : memref<2x800xi32, #tpu.memory_space<vmem>>)
    %scan3A_114 = arith.constant 0 : i32
    %scan3A_115 = arith.constant 50 : i32
    %scan3A_116 = arith.addi %scan3A_114, %scan3A_115 : i32
    %scan3A_117 = arith.constant 1 : i32
    scf.for %scan3A_282 = %scan3A_114 to %scan3A_116 step %scan3A_117  : i32 {
      %mul3A_283 = arith.constant 16 : i32
      %mul3A_284 = arith.muli %scan3A_282, %mul3A_283 : i32
      %get3A = arith.constant 0 : i32
      %get3A_285 = arith.index_cast %get3A : i32 to index
      %get3A_286 = arith.index_cast %mul3A_284 : i32 to index
      %get3A_287 = tpu.vector_load %arg5[%get3A_285, %get3A_286] {strides = array<i32>} : memref<2x800xi32, #tpu.memory_space<vmem>>, vector<1x16xi32>,
      %get3A_288 = vector.shape_cast %get3A_287 : vector<1x16xi32> to vector<16xi32>
      %mul3A_289 = arith.constant 16 : i32
      %mul3A_290 = arith.muli %scan3A_282, %mul3A_289 : i32
      %get3A_291 = arith.constant 1 : i32
      %get3A_292 = arith.index_cast %get3A_291 : i32 to index
      %get3A_293 = arith.index_cast %mul3A_290 : i32 to index
      %get3A_294 = tpu.vector_load %arg5[%get3A_292, %get3A_293] {strides = array<i32>} : memref<2x800xi32, #tpu.memory_space<vmem>>, vector<1x16xi32>,
      %get3A_295 = vector.shape_cast %get3A_294 : vector<1x16xi32> to vector<16xi32>
      %mul3A_296 = arith.constant 16 : i32
      %mul3A_297 = arith.muli %scan3A_282, %mul3A_296 : i32
      %swap3A = arith.index_cast %mul3A_297 : i32 to index
      %swap3A_298 = tpu.vector_load %arg7[%swap3A] {strides = array<i32>} : memref<800xi32, #tpu.memory_space<vmem>>, vector<16xi32>,
      %swap3A_299 = vector.shape_cast %swap3A_298 : vector<16xi32> to vector<16xi32>
      %swap3A_300 = vector.shape_cast %get3A_288 : vector<16xi32> to vector<16xi32>
      tpu.vector_store %arg7[%swap3A], %swap3A_300 {strides = array<i32>} : memref<800xi32, #tpu.memory_space<vmem>>, vector<16xi32>,
      %mul3A_301 = arith.constant 16 : i32
      %mul3A_302 = arith.muli %scan3A_282, %mul3A_301 : i32
      %swap3A_303 = arith.index_cast %mul3A_302 : i32 to index
      %swap3A_304 = tpu.vector_load %arg8[%swap3A_303] {strides = array<i32>} : memref<800xi32, #tpu.memory_space<vmem>>, vector<16xi32>,
      %swap3A_305 = vector.shape_cast %swap3A_304 : vector<16xi32> to vector<16xi32>
      %swap3A_306 = vector.shape_cast %get3A_295 : vector<16xi32> to vector<16xi32>
      tpu.vector_store %arg8[%swap3A_303], %swap3A_306 {strides = array<i32>} : memref<800xi32, #tpu.memory_space<vmem>>, vector<16xi32>,
    }
    %scan3A_118 = arith.constant 50 : i32
    %add3A_119 = arith.constant 800 : i32
    %add3A_120 = arith.addi %mul3A_5, %add3A_119 : i32
    %multiple_of3A_121 = tpu.assume_multiple %add3A_120, 8 : i32
    %dma_start3A_122 = arith.constant 0 : i32
    %dma_start3A_123 = tpu.memref_slice %arg3[%dma_start3A_122, %multiple_of3A_121] : memref<2x320000xi32, #tpu.memory_space<hbm>> -> memref<2x800xi32, #tpu.memory_space<hbm>>
    %dma_start3A_124 = arith.constant 0 : i32
    %dma_start3A_125 = tpu.memref_slice %arg3[%dma_start3A_124, %multiple_of3A_121] : memref<2x320000xi32, #tpu.memory_space<hbm>> -> memref<2x800xi32, #tpu.memory_space<hbm>>
    tpu.enqueue_dma source(%dma_start3A_125 : memref<2x800xi32, #tpu.memory_space<hbm>>) target(%arg6 : memref<2x800xi32, #tpu.memory_space<vmem>>) target_semaphore(%arg17 : memref<!tpu.dma_semaphore, #tpu.memory_space<semaphore_mem>>)
    %dma_start3A_126 = arith.constant 0 : i32
    %dma_start3A_127 = arith.constant 0 : i32
    %dma_start3A_128 = tpu.memref_slice %arg15[%dma_start3A_126, %dma_start3A_127] : memref<10000x16xf32, #tpu.memory_space<vmem_shared>> -> memref<10000x16xf32, #tpu.memory_space<vmem_shared>>
    tpu.enqueue_indirect_dma source(%dma_start3A_128 : memref<10000x16xf32, #tpu.memory_space<vmem_shared>>) target(%arg11 : memref<800x16xf32, #tpu.memory_space<vmem>>) offsets(%arg7 : memref<800xi32, #tpu.memory_space<vmem>>) semaphore(%arg18 : memref<!tpu.dma_semaphore, #tpu.memory_space<semaphore_mem>>)
    %scan3A_129 = arith.constant 0 : i32
    %scan3A_130 = arith.constant 12 : i32
    %scan3A_131 = arith.addi %scan3A_129, %scan3A_130 : i32
    %scan3A_132 = arith.constant 1 : i32
    scf.for %scan3A_282 = %scan3A_129 to %scan3A_131 step %scan3A_132  : i32 {
      %dma_wait3A_283 = arith.constant 0 : i32
      %dma_wait3A_284 = arith.constant 0 : i32
      %dma_wait3A_285 = tpu.memref_slice %arg3[%dma_wait3A_283, %dma_wait3A_284] : memref<2x320000xi32, #tpu.memory_space<hbm>> -> memref<2x800xi32, #tpu.memory_space<hbm>>
      %dma_wait3A_286 = arith.constant 0 : i32
      %dma_wait3A_287 = arith.constant 0 : i32
      %dma_wait3A_288 = tpu.memref_slice %arg3[%dma_wait3A_286, %dma_wait3A_287] : memref<2x320000xi32, #tpu.memory_space<hbm>> -> memref<2x800xi32, #tpu.memory_space<hbm>>
      tpu.wait_dma2 semaphore(%arg17 : memref<!tpu.dma_semaphore, #tpu.memory_space<semaphore_mem>>) src(%dma_wait3A_288 : memref<2x800xi32, #tpu.memory_space<hbm>>) dst(%arg6 : memref<2x800xi32, #tpu.memory_space<vmem>>)
      %scan3A_289 = arith.constant 0 : i32
      %scan3A_290 = arith.constant 50 : i32
      %scan3A_291 = arith.addi %scan3A_289, %scan3A_290 : i32
      %scan3A_292 = arith.constant 1 : i32
      scf.for %scan3A_333 = %scan3A_289 to %scan3A_291 step %scan3A_292  : i32 {
        %mul3A_334 = arith.constant 16 : i32
        %mul3A_335 = arith.muli %scan3A_333, %mul3A_334 : i32
        %get3A = arith.constant 0 : i32
        %get3A_336 = arith.index_cast %get3A : i32 to index
        %get3A_337 = arith.index_cast %mul3A_335 : i32 to index
        %get3A_338 = tpu.vector_load %arg6[%get3A_336, %get3A_337] {strides = array<i32>} : memref<2x800xi32, #tpu.memory_space<vmem>>, vector<1x16xi32>,
        %get3A_339 = vector.shape_cast %get3A_338 : vector<1x16xi32> to vector<16xi32>
        %mul3A_340 = arith.constant 16 : i32
        %mul3A_341 = arith.muli %scan3A_333, %mul3A_340 : i32
        %get3A_342 = arith.constant 1 : i32
        %get3A_343 = arith.index_cast %get3A_342 : i32 to index
        %get3A_344 = arith.index_cast %mul3A_341 : i32 to index
        %get3A_345 = tpu.vector_load %arg6[%get3A_343, %get3A_344] {strides = array<i32>} : memref<2x800xi32, #tpu.memory_space<vmem>>, vector<1x16xi32>,
        %get3A_346 = vector.shape_cast %get3A_345 : vector<1x16xi32> to vector<16xi32>
        %mul3A_347 = arith.constant 16 : i32
        %mul3A_348 = arith.muli %scan3A_333, %mul3A_347 : i32
        %swap3A = arith.index_cast %mul3A_348 : i32 to index
        %swap3A_349 = tpu.vector_load %arg9[%swap3A] {strides = array<i32>} : memref<800xi32, #tpu.memory_space<vmem>>, vector<16xi32>,
        %swap3A_350 = vector.shape_cast %swap3A_349 : vector<16xi32> to vector<16xi32>
        %swap3A_351 = vector.shape_cast %get3A_339 : vector<16xi32> to vector<16xi32>
        tpu.vector_store %arg9[%swap3A], %swap3A_351 {strides = array<i32>} : memref<800xi32, #tpu.memory_space<vmem>>, vector<16xi32>,
        %mul3A_352 = arith.constant 16 : i32
        %mul3A_353 = arith.muli %scan3A_333, %mul3A_352 : i32
        %swap3A_354 = arith.index_cast %mul3A_353 : i32 to index
        %swap3A_355 = tpu.vector_load %arg10[%swap3A_354] {strides = array<i32>} : memref<800xi32, #tpu.memory_space<vmem>>, vector<16xi32>,
        %swap3A_356 = vector.shape_cast %swap3A_355 : vector<16xi32> to vector<16xi32>
        %swap3A_357 = vector.shape_cast %get3A_346 : vector<16xi32> to vector<16xi32>
        tpu.vector_store %arg10[%swap3A_354], %swap3A_357 {strides = array<i32>} : memref<800xi32, #tpu.memory_space<vmem>>, vector<16xi32>,
      }
      %scan3A_293 = arith.constant 50 : i32
      %mul3A_294 = arith.constant 2 : i32
      %mul3A_295 = arith.muli %mul3A_294, %scan3A_282 : i32
      %add3A_296 = arith.constant 2 : i32
      %add3A_297 = arith.addi %mul3A_295, %add3A_296 : i32
      %mul3A_298 = arith.constant 800 : i32
      %mul3A_299 = arith.muli %add3A_297, %mul3A_298 : i32
      %add3A_300 = arith.addi %mul3A_5, %mul3A_299 : i32
      %multiple_of3A_301 = tpu.assume_multiple %add3A_300, 8 : i32
      %dma_start3A_302 = arith.constant 0 : i32
      %dma_start3A_303 = tpu.memref_slice %arg3[%dma_start3A_302, %multiple_of3A_301] : memref<2x320000xi32, #tpu.memory_space<hbm>> -> memref<2x800xi32, #tpu.memory_space<hbm>>
      %dma_start3A_304 = arith.constant 0 : i32
      %dma_start3A_305 = tpu.memref_slice %arg3[%dma_start3A_304, %multiple_of3A_301] : memref<2x320000xi32, #tpu.memory_space<hbm>> -> memref<2x800xi32, #tpu.memory_space<hbm>>
      tpu.enqueue_dma source(%dma_start3A_305 : memref<2x800xi32, #tpu.memory_space<hbm>>) target(%arg5 : memref<2x800xi32, #tpu.memory_space<vmem>>) target_semaphore(%arg16 : memref<!tpu.dma_semaphore, #tpu.memory_space<semaphore_mem>>)
      %dma_wait3A_306 = arith.constant 0 : i32
      %dma_wait3A_307 = arith.constant 0 : i32
      %dma_wait3A_308 = tpu.memref_slice %arg15[%dma_wait3A_306, %dma_wait3A_307] : memref<10000x16xf32, #tpu.memory_space<vmem_shared>> -> memref<10000x16xf32, #tpu.memory_space<vmem_shared>>
      tpu.wait_indirect_dma semaphore(%arg18 : memref<!tpu.dma_semaphore, #tpu.memory_space<semaphore_mem>>) src(%dma_wait3A_308 : memref<10000x16xf32, #tpu.memory_space<vmem_shared>>) dst(%arg11 : memref<800x16xf32, #tpu.memory_space<vmem>>)
      %dma_start3A_309 = arith.constant 0 : i32
      %dma_start3A_310 = arith.constant 0 : i32
      %dma_start3A_311 = tpu.memref_slice %arg15[%dma_start3A_309, %dma_start3A_310] : memref<10000x16xf32, #tpu.memory_space<vmem_shared>> -> memref<10000x16xf32, #tpu.memory_space<vmem_shared>>
      tpu.enqueue_indirect_dma source(%dma_start3A_311 : memref<10000x16xf32, #tpu.memory_space<vmem_shared>>) target(%arg12 : memref<800x16xf32, #tpu.memory_space<vmem>>) offsets(%arg9 : memref<800xi32, #tpu.memory_space<vmem>>) semaphore(%arg19 : memref<!tpu.dma_semaphore, #tpu.memory_space<semaphore_mem>>)
      "tpu.region"() ({
        %run_scoped3A = tpu.sem_alloc : memref<!tpu.dma_semaphore, #tpu.memory_space<semaphore_mem>>
        %dma_start3A_333 = arith.constant 0 : i32
        %dma_start3A_334 = arith.constant 0 : i32
        %dma_start3A_335 = tpu.memref_slice %arg14[%dma_start3A_333, %dma_start3A_334] : memref<60000x16xf32, #tpu.memory_space<vmem_shared>> -> memref<60000x16xf32, #tpu.memory_space<vmem_shared>>
        tpu.enqueue_indirect_dma source(%arg11 : memref<800x16xf32, #tpu.memory_space<vmem>>) target(%dma_start3A_335 : memref<60000x16xf32, #tpu.memory_space<vmem_shared>>) offsets(%arg8 : memref<800xi32, #tpu.memory_space<vmem>>) semaphore(%run_scoped3A : memref<!tpu.dma_semaphore, #tpu.memory_space<semaphore_mem>>) {add = true}
        %dma_wait3A_336 = arith.constant 0 : i32
        %dma_wait3A_337 = arith.constant 0 : i32
        %dma_wait3A_338 = tpu.memref_slice %arg14[%dma_wait3A_336, %dma_wait3A_337] : memref<60000x16xf32, #tpu.memory_space<vmem_shared>> -> memref<60000x16xf32, #tpu.memory_space<vmem_shared>>
        tpu.wait_indirect_dma semaphore(%run_scoped3A : memref<!tpu.dma_semaphore, #tpu.memory_space<semaphore_mem>>) src(%arg11 : memref<800x16xf32, #tpu.memory_space<vmem>>) dst(%dma_wait3A_338 : memref<60000x16xf32, #tpu.memory_space<vmem_shared>>)
        tpu.yield
      }) : () -> ()
      %dma_wait3A_312 = arith.constant 0 : i32
      %dma_wait3A_313 = arith.constant 0 : i32
      %dma_wait3A_314 = tpu.memref_slice %arg3[%dma_wait3A_312, %dma_wait3A_313] : memref<2x320000xi32, #tpu.memory_space<hbm>> -> memref<2x800xi32, #tpu.memory_space<hbm>>
      %dma_wait3A_315 = arith.constant 0 : i32
      %dma_wait3A_316 = arith.constant 0 : i32
      %dma_wait3A_317 = tpu.memref_slice %arg3[%dma_wait3A_315, %dma_wait3A_316] : memref<2x320000xi32, #tpu.memory_space<hbm>> -> memref<2x800xi32, #tpu.memory_space<hbm>>
      tpu.wait_dma2 semaphore(%arg16 : memref<!tpu.dma_semaphore, #tpu.memory_space<semaphore_mem>>) src(%dma_wait3A_317 : memref<2x800xi32, #tpu.memory_space<hbm>>) dst(%arg5 : memref<2x800xi32, #tpu.memory_space<vmem>>)
      %scan3A_318 = arith.constant 0 : i32
      %scan3A_319 = arith.constant 50 : i32
      %scan3A_320 = arith.addi %scan3A_318, %scan3A_319 : i32
      %scan3A_321 = arith.constant 1 : i32
      scf.for %scan3A_333 = %scan3A_318 to %scan3A_320 step %scan3A_321  : i32 {
        %mul3A_334 = arith.constant 16 : i32
        %mul3A_335 = arith.muli %scan3A_333, %mul3A_334 : i32
        %get3A = arith.constant 0 : i32
        %get3A_336 = arith.index_cast %get3A : i32 to index
        %get3A_337 = arith.index_cast %mul3A_335 : i32 to index
        %get3A_338 = tpu.vector_load %arg5[%get3A_336, %get3A_337] {strides = array<i32>} : memref<2x800xi32, #tpu.memory_space<vmem>>, vector<1x16xi32>,
        %get3A_339 = vector.shape_cast %get3A_338 : vector<1x16xi32> to vector<16xi32>
        %mul3A_340 = arith.constant 16 : i32
        %mul3A_341 = arith.muli %scan3A_333, %mul3A_340 : i32
        %get3A_342 = arith.constant 1 : i32
        %get3A_343 = arith.index_cast %get3A_342 : i32 to index
        %get3A_344 = arith.index_cast %mul3A_341 : i32 to index
        %get3A_345 = tpu.vector_load %arg5[%get3A_343, %get3A_344] {strides = array<i32>} : memref<2x800xi32, #tpu.memory_space<vmem>>, vector<1x16xi32>,
        %get3A_346 = vector.shape_cast %get3A_345 : vector<1x16xi32> to vector<16xi32>
        %mul3A_347 = arith.constant 16 : i32
        %mul3A_348 = arith.muli %scan3A_333, %mul3A_347 : i32
        %swap3A = arith.index_cast %mul3A_348 : i32 to index
        %swap3A_349 = tpu.vector_load %arg7[%swap3A] {strides = array<i32>} : memref<800xi32, #tpu.memory_space<vmem>>, vector<16xi32>,
        %swap3A_350 = vector.shape_cast %swap3A_349 : vector<16xi32> to vector<16xi32>
        %swap3A_351 = vector.shape_cast %get3A_339 : vector<16xi32> to vector<16xi32>
        tpu.vector_store %arg7[%swap3A], %swap3A_351 {strides = array<i32>} : memref<800xi32, #tpu.memory_space<vmem>>, vector<16xi32>,
        %mul3A_352 = arith.constant 16 : i32
        %mul3A_353 = arith.muli %scan3A_333, %mul3A_352 : i32
        %swap3A_354 = arith.index_cast %mul3A_353 : i32 to index
        %swap3A_355 = tpu.vector_load %arg8[%swap3A_354] {strides = array<i32>} : memref<800xi32, #tpu.memory_space<vmem>>, vector<16xi32>,
        %swap3A_356 = vector.shape_cast %swap3A_355 : vector<16xi32> to vector<16xi32>
        %swap3A_357 = vector.shape_cast %get3A_346 : vector<16xi32> to vector<16xi32>
        tpu.vector_store %arg8[%swap3A_354], %swap3A_357 {strides = array<i32>} : memref<800xi32, #tpu.memory_space<vmem>>, vector<16xi32>,
      }
      %scan3A_322 = arith.constant 50 : i32
      %lt3A = arith.constant 11 : i32
      %lt3A_323 = arith.cmpi slt, %scan3A_282, %lt3A : i32
      %convert_element_type3A_324 = arith.extui %lt3A_323 : i1 to i32
      %cond3A_325 = arith.constant 0 : i32
      %cond3A_326 = arith.cmpi ne, %convert_element_type3A_324, %cond3A_325 : i32
      scf.if %cond3A_326 {
        %mul3A_333 = arith.constant 2 : i32
        %mul3A_334 = arith.muli %mul3A_333, %scan3A_282 : i32
        %add3A_335 = arith.constant 3 : i32
        %add3A_336 = arith.addi %mul3A_334, %add3A_335 : i32
        %mul3A_337 = arith.constant 800 : i32
        %mul3A_338 = arith.muli %add3A_336, %mul3A_337 : i32
        %add3A_339 = arith.addi %mul3A_5, %mul3A_338 : i32
        %multiple_of3A_340 = tpu.assume_multiple %add3A_339, 8 : i32
        %dma_start3A_341 = arith.constant 0 : i32
        %dma_start3A_342 = tpu.memref_slice %arg3[%dma_start3A_341, %multiple_of3A_340] : memref<2x320000xi32, #tpu.memory_space<hbm>> -> memref<2x800xi32, #tpu.memory_space<hbm>>
        %dma_start3A_343 = arith.constant 0 : i32
        %dma_start3A_344 = tpu.memref_slice %arg3[%dma_start3A_343, %multiple_of3A_340] : memref<2x320000xi32, #tpu.memory_space<hbm>> -> memref<2x800xi32, #tpu.memory_space<hbm>>
        tpu.enqueue_dma source(%dma_start3A_344 : memref<2x800xi32, #tpu.memory_space<hbm>>) target(%arg6 : memref<2x800xi32, #tpu.memory_space<vmem>>) target_semaphore(%arg17 : memref<!tpu.dma_semaphore, #tpu.memory_space<semaphore_mem>>)
      } else {
      }
      %dma_wait3A_327 = arith.constant 0 : i32
      %dma_wait3A_328 = arith.constant 0 : i32
      %dma_wait3A_329 = tpu.memref_slice %arg15[%dma_wait3A_327, %dma_wait3A_328] : memref<10000x16xf32, #tpu.memory_space<vmem_shared>> -> memref<10000x16xf32, #tpu.memory_space<vmem_shared>>
      tpu.wait_indirect_dma semaphore(%arg19 : memref<!tpu.dma_semaphore, #tpu.memory_space<semaphore_mem>>) src(%dma_wait3A_329 : memref<10000x16xf32, #tpu.memory_space<vmem_shared>>) dst(%arg12 : memref<800x16xf32, #tpu.memory_space<vmem>>)
      %dma_start3A_330 = arith.constant 0 : i32
      %dma_start3A_331 = arith.constant 0 : i32
      %dma_start3A_332 = tpu.memref_slice %arg15[%dma_start3A_330, %dma_start3A_331] : memref<10000x16xf32, #tpu.memory_space<vmem_shared>> -> memref<10000x16xf32, #tpu.memory_space<vmem_shared>>
      tpu.enqueue_indirect_dma source(%dma_start3A_332 : memref<10000x16xf32, #tpu.memory_space<vmem_shared>>) target(%arg11 : memref<800x16xf32, #tpu.memory_space<vmem>>) offsets(%arg7 : memref<800xi32, #tpu.memory_space<vmem>>) semaphore(%arg18 : memref<!tpu.dma_semaphore, #tpu.memory_space<semaphore_mem>>)
      "tpu.region"() ({
        %run_scoped3A = tpu.sem_alloc : memref<!tpu.dma_semaphore, #tpu.memory_space<semaphore_mem>>
        %dma_start3A_333 = arith.constant 0 : i32
        %dma_start3A_334 = arith.constant 0 : i32
        %dma_start3A_335 = tpu.memref_slice %arg14[%dma_start3A_333, %dma_start3A_334] : memref<60000x16xf32, #tpu.memory_space<vmem_shared>> -> memref<60000x16xf32, #tpu.memory_space<vmem_shared>>
        tpu.enqueue_indirect_dma source(%arg12 : memref<800x16xf32, #tpu.memory_space<vmem>>) target(%dma_start3A_335 : memref<60000x16xf32, #tpu.memory_space<vmem_shared>>) offsets(%arg10 : memref<800xi32, #tpu.memory_space<vmem>>) semaphore(%run_scoped3A : memref<!tpu.dma_semaphore, #tpu.memory_space<semaphore_mem>>) {add = true}
        %dma_wait3A_336 = arith.constant 0 : i32
        %dma_wait3A_337 = arith.constant 0 : i32
        %dma_wait3A_338 = tpu.memref_slice %arg14[%dma_wait3A_336, %dma_wait3A_337] : memref<60000x16xf32, #tpu.memory_space<vmem_shared>> -> memref<60000x16xf32, #tpu.memory_space<vmem_shared>>
        tpu.wait_indirect_dma semaphore(%run_scoped3A : memref<!tpu.dma_semaphore, #tpu.memory_space<semaphore_mem>>) src(%arg12 : memref<800x16xf32, #tpu.memory_space<vmem>>) dst(%dma_wait3A_338 : memref<60000x16xf32, #tpu.memory_space<vmem_shared>>)
        tpu.yield
      }) : () -> ()
    }
    %scan3A_133 = arith.constant 12 : i32
    %dma_wait3A_134 = arith.constant 0 : i32
    %dma_wait3A_135 = arith.constant 0 : i32
    %dma_wait3A_136 = tpu.memref_slice %arg15[%dma_wait3A_134, %dma_wait3A_135] : memref<10000x16xf32, #tpu.memory_space<vmem_shared>> -> memref<10000x16xf32, #tpu.memory_space<vmem_shared>>
    tpu.wait_indirect_dma semaphore(%arg18 : memref<!tpu.dma_semaphore, #tpu.memory_space<semaphore_mem>>) src(%dma_wait3A_136 : memref<10000x16xf32, #tpu.memory_space<vmem_shared>>) dst(%arg11 : memref<800x16xf32, #tpu.memory_space<vmem>>)
    "tpu.region"() ({
      %run_scoped3A = tpu.sem_alloc : memref<!tpu.dma_semaphore, #tpu.memory_space<semaphore_mem>>
      %dma_start3A_282 = arith.constant 0 : i32
      %dma_start3A_283 = arith.constant 0 : i32
      %dma_start3A_284 = tpu.memref_slice %arg14[%dma_start3A_282, %dma_start3A_283] : memref<60000x16xf32, #tpu.memory_space<vmem_shared>> -> memref<60000x16xf32, #tpu.memory_space<vmem_shared>>
      tpu.enqueue_indirect_dma source(%arg11 : memref<800x16xf32, #tpu.memory_space<vmem>>) target(%dma_start3A_284 : memref<60000x16xf32, #tpu.memory_space<vmem_shared>>) offsets(%arg8 : memref<800xi32, #tpu.memory_space<vmem>>) semaphore(%run_scoped3A : memref<!tpu.dma_semaphore, #tpu.memory_space<semaphore_mem>>) {add = true}
      %dma_wait3A_285 = arith.constant 0 : i32
      %dma_wait3A_286 = arith.constant 0 : i32
      %dma_wait3A_287 = tpu.memref_slice %arg14[%dma_wait3A_285, %dma_wait3A_286] : memref<60000x16xf32, #tpu.memory_space<vmem_shared>> -> memref<60000x16xf32, #tpu.memory_space<vmem_shared>>
      tpu.wait_indirect_dma semaphore(%run_scoped3A : memref<!tpu.dma_semaphore, #tpu.memory_space<semaphore_mem>>) src(%arg11 : memref<800x16xf32, #tpu.memory_space<vmem>>) dst(%dma_wait3A_287 : memref<60000x16xf32, #tpu.memory_space<vmem_shared>>)
      tpu.yield
    }) : () -> ()
    %barrier3A_137 = arith.constant 0 : index
    tpu.barrier barrier_id(%barrier3A_137)
    %mul3A_138 = arith.constant 3750 : i32
    %mul3A_139 = arith.muli %arg1, %mul3A_138 : i32
    "tpu.region"() ({
      %run_scoped3A = tpu.sem_alloc : memref<!tpu.dma_semaphore, #tpu.memory_space<semaphore_mem>>
      %dma_start3A_282 = tpu.memref_slice %arg4[%mul3A_139, %mul3A_99] : memref<60000x128xf32, #tpu.memory_space<hbm>> -> memref<3750x16xf32, #tpu.memory_space<hbm>>
      %dma_start3A_283 = arith.constant 0 : i32
      %dma_start3A_284 = tpu.memref_slice %arg14[%mul3A_139, %dma_start3A_283] : memref<60000x16xf32, #tpu.memory_space<vmem_shared>> -> memref<3750x16xf32, #tpu.memory_space<vmem_shared>>
      tpu.enqueue_dma source(%dma_start3A_284 : memref<3750x16xf32, #tpu.memory_space<vmem_shared>>) target(%dma_start3A_282 : memref<3750x16xf32, #tpu.memory_space<hbm>>) target_semaphore(%run_scoped3A : memref<!tpu.dma_semaphore, #tpu.memory_space<semaphore_mem>>)
      %dma_wait3A_285 = tpu.memref_slice %arg4[%mul3A_139, %mul3A_99] : memref<60000x128xf32, #tpu.memory_space<hbm>> -> memref<3750x16xf32, #tpu.memory_space<hbm>>
      %dma_wait3A_286 = arith.constant 0 : i32
      %dma_wait3A_287 = tpu.memref_slice %arg14[%mul3A_139, %dma_wait3A_286] : memref<60000x16xf32, #tpu.memory_space<vmem_shared>> -> memref<3750x16xf32, #tpu.memory_space<vmem_shared>>
      tpu.wait_dma2 semaphore(%run_scoped3A : memref<!tpu.dma_semaphore, #tpu.memory_space<semaphore_mem>>) src(%dma_wait3A_287 : memref<3750x16xf32, #tpu.memory_space<vmem_shared>>) dst(%dma_wait3A_285 : memref<3750x16xf32, #tpu.memory_space<hbm>>)
      tpu.yield
    }) : () -> ()
    %mul3A_140 = arith.constant 3750 : i32
    %mul3A_141 = arith.muli %arg1, %mul3A_140 : i32
    %add3A_142 = arith.constant 0 : i32
    %add3A_143 = arith.addi %mul3A_141, %add3A_142 : i32
    "tpu.region"() ({
      %run_scoped3A = tpu.sem_alloc : memref<!tpu.dma_semaphore, #tpu.memory_space<semaphore_mem>>
      %dma_start3A_282 = arith.constant 0 : i32
      %dma_start3A_283 = tpu.memref_slice %arg14[%add3A_143, %dma_start3A_282] : memref<60000x16xf32, #tpu.memory_space<vmem_shared>> -> memref<750x16xf32, #tpu.memory_space<vmem_shared>>
      %dma_start3A_284 = arith.constant 0 : i32
      %dma_start3A_285 = tpu.memref_slice %arg14[%add3A_143, %dma_start3A_284] : memref<60000x16xf32, #tpu.memory_space<vmem_shared>> -> memref<750x16xf32, #tpu.memory_space<vmem_shared>>
      tpu.enqueue_dma source(%arg13 : memref<750x16xf32, #tpu.memory_space<vmem>>) target(%dma_start3A_285 : memref<750x16xf32, #tpu.memory_space<vmem_shared>>) target_semaphore(%run_scoped3A : memref<!tpu.dma_semaphore, #tpu.memory_space<semaphore_mem>>)
      %dma_wait3A_286 = arith.constant 0 : i32
      %dma_wait3A_287 = tpu.memref_slice %arg14[%add3A_143, %dma_wait3A_286] : memref<60000x16xf32, #tpu.memory_space<vmem_shared>> -> memref<750x16xf32, #tpu.memory_space<vmem_shared>>
      %dma_wait3A_288 = arith.constant 0 : i32
      %dma_wait3A_289 = tpu.memref_slice %arg14[%add3A_143, %dma_wait3A_288] : memref<60000x16xf32, #tpu.memory_space<vmem_shared>> -> memref<750x16xf32, #tpu.memory_space<vmem_shared>>
      tpu.wait_dma2 semaphore(%run_scoped3A : memref<!tpu.dma_semaphore, #tpu.memory_space<semaphore_mem>>) src(%arg13 : memref<750x16xf32, #tpu.memory_space<vmem>>) dst(%dma_wait3A_289 : memref<750x16xf32, #tpu.memory_space<vmem_shared>>)
      tpu.yield
    }) : () -> ()
    %mul3A_144 = arith.constant 3750 : i32
    %mul3A_145 = arith.muli %arg1, %mul3A_144 : i32
    %add3A_146 = arith.constant 750 : i32
    %add3A_147 = arith.addi %mul3A_145, %add3A_146 : i32
    "tpu.region"() ({
      %run_scoped3A = tpu.sem_alloc : memref<!tpu.dma_semaphore, #tpu.memory_space<semaphore_mem>>
      %dma_start3A_282 = arith.constant 0 : i32
      %dma_start3A_283 = tpu.memref_slice %arg14[%add3A_147, %dma_start3A_282] : memref<60000x16xf32, #tpu.memory_space<vmem_shared>> -> memref<750x16xf32, #tpu.memory_space<vmem_shared>>
      %dma_start3A_284 = arith.constant 0 : i32
      %dma_start3A_285 = tpu.memref_slice %arg14[%add3A_147, %dma_start3A_284] : memref<60000x16xf32, #tpu.memory_space<vmem_shared>> -> memref<750x16xf32, #tpu.memory_space<vmem_shared>>
      tpu.enqueue_dma source(%arg13 : memref<750x16xf32, #tpu.memory_space<vmem>>) target(%dma_start3A_285 : memref<750x16xf32, #tpu.memory_space<vmem_shared>>) target_semaphore(%run_scoped3A : memref<!tpu.dma_semaphore, #tpu.memory_space<semaphore_mem>>)
      %dma_wait3A_286 = arith.constant 0 : i32
      %dma_wait3A_287 = tpu.memref_slice %arg14[%add3A_147, %dma_wait3A_286] : memref<60000x16xf32, #tpu.memory_space<vmem_shared>> -> memref<750x16xf32, #tpu.memory_space<vmem_shared>>
      %dma_wait3A_288 = arith.constant 0 : i32
      %dma_wait3A_289 = tpu.memref_slice %arg14[%add3A_147, %dma_wait3A_288] : memref<60000x16xf32, #tpu.memory_space<vmem_shared>> -> memref<750x16xf32, #tpu.memory_space<vmem_shared>>
      tpu.wait_dma2 semaphore(%run_scoped3A : memref<!tpu.dma_semaphore, #tpu.memory_space<semaphore_mem>>) src(%arg13 : memref<750x16xf32, #tpu.memory_space<vmem>>) dst(%dma_wait3A_289 : memref<750x16xf32, #tpu.memory_space<vmem_shared>>)
      tpu.yield
    }) : () -> ()
    %mul3A_148 = arith.constant 3750 : i32
    %mul3A_149 = arith.muli %arg1, %mul3A_148 : i32
    %add3A_150 = arith.constant 1500 : i32
    %add3A_151 = arith.addi %mul3A_149, %add3A_150 : i32
    "tpu.region"() ({
      %run_scoped3A = tpu.sem_alloc : memref<!tpu.dma_semaphore, #tpu.memory_space<semaphore_mem>>
      %dma_start3A_282 = arith.constant 0 : i32
      %dma_start3A_283 = tpu.memref_slice %arg14[%add3A_151, %dma_start3A_282] : memref<60000x16xf32, #tpu.memory_space<vmem_shared>> -> memref<750x16xf32, #tpu.memory_space<vmem_shared>>
      %dma_start3A_284 = arith.constant 0 : i32
      %dma_start3A_285 = tpu.memref_slice %arg14[%add3A_151, %dma_start3A_284] : memref<60000x16xf32, #tpu.memory_space<vmem_shared>> -> memref<750x16xf32, #tpu.memory_space<vmem_shared>>
      tpu.enqueue_dma source(%arg13 : memref<750x16xf32, #tpu.memory_space<vmem>>) target(%dma_start3A_285 : memref<750x16xf32, #tpu.memory_space<vmem_shared>>) target_semaphore(%run_scoped3A : memref<!tpu.dma_semaphore, #tpu.memory_space<semaphore_mem>>)
      %dma_wait3A_286 = arith.constant 0 : i32
      %dma_wait3A_287 = tpu.memref_slice %arg14[%add3A_151, %dma_wait3A_286] : memref<60000x16xf32, #tpu.memory_space<vmem_shared>> -> memref<750x16xf32, #tpu.memory_space<vmem_shared>>
      %dma_wait3A_288 = arith.constant 0 : i32
      %dma_wait3A_289 = tpu.memref_slice %arg14[%add3A_151, %dma_wait3A_288] : memref<60000x16xf32, #tpu.memory_space<vmem_shared>> -> memref<750x16xf32, #tpu.memory_space<vmem_shared>>
      tpu.wait_dma2 semaphore(%run_scoped3A : memref<!tpu.dma_semaphore, #tpu.memory_space<semaphore_mem>>) src(%arg13 : memref<750x16xf32, #tpu.memory_space<vmem>>) dst(%dma_wait3A_289 : memref<750x16xf32, #tpu.memory_space<vmem_shared>>)
      tpu.yield
    }) : () -> ()
    %mul3A_152 = arith.constant 3750 : i32
    %mul3A_153 = arith.muli %arg1, %mul3A_152 : i32
    %add3A_154 = arith.constant 2250 : i32
    %add3A_155 = arith.addi %mul3A_153, %add3A_154 : i32
    "tpu.region"() ({
      %run_scoped3A = tpu.sem_alloc : memref<!tpu.dma_semaphore, #tpu.memory_space<semaphore_mem>>
      %dma_start3A_282 = arith.constant 0 : i32
      %dma_start3A_283 = tpu.memref_slice %arg14[%add3A_155, %dma_start3A_282] : memref<60000x16xf32, #tpu.memory_space<vmem_shared>> -> memref<750x16xf32, #tpu.memory_space<vmem_shared>>
      %dma_start3A_284 = arith.constant 0 : i32
      %dma_start3A_285 = tpu.memref_slice %arg14[%add3A_155, %dma_start3A_284] : memref<60000x16xf32, #tpu.memory_space<vmem_shared>> -> memref<750x16xf32, #tpu.memory_space<vmem_shared>>
      tpu.enqueue_dma source(%arg13 : memref<750x16xf32, #tpu.memory_space<vmem>>) target(%dma_start3A_285 : memref<750x16xf32, #tpu.memory_space<vmem_shared>>) target_semaphore(%run_scoped3A : memref<!tpu.dma_semaphore, #tpu.memory_space<semaphore_mem>>)
      %dma_wait3A_286 = arith.constant 0 : i32
      %dma_wait3A_287 = tpu.memref_slice %arg14[%add3A_155, %dma_wait3A_286] : memref<60000x16xf32, #tpu.memory_space<vmem_shared>> -> memref<750x16xf32, #tpu.memory_space<vmem_shared>>
      %dma_wait3A_288 = arith.constant 0 : i32
      %dma_wait3A_289 = tpu.memref_slice %arg14[%add3A_155, %dma_wait3A_288] : memref<60000x16xf32, #tpu.memory_space<vmem_shared>> -> memref<750x16xf32, #tpu.memory_space<vmem_shared>>
      tpu.wait_dma2 semaphore(%run_scoped3A : memref<!tpu.dma_semaphore, #tpu.memory_space<semaphore_mem>>) src(%arg13 : memref<750x16xf32, #tpu.memory_space<vmem>>) dst(%dma_wait3A_289 : memref<750x16xf32, #tpu.memory_space<vmem_shared>>)
      tpu.yield
    }) : () -> ()
    %mul3A_156 = arith.constant 3750 : i32
    %mul3A_157 = arith.muli %arg1, %mul3A_156 : i32
    %add3A_158 = arith.constant 3000 : i32
    %add3A_159 = arith.addi %mul3A_157, %add3A_158 : i32
    "tpu.region"() ({
      %run_scoped3A = tpu.sem_alloc : memref<!tpu.dma_semaphore, #tpu.memory_space<semaphore_mem>>
      %dma_start3A_282 = arith.constant 0 : i32
      %dma_start3A_283 = tpu.memref_slice %arg14[%add3A_159, %dma_start3A_282] : memref<60000x16xf32, #tpu.memory_space<vmem_shared>> -> memref<750x16xf32, #tpu.memory_space<vmem_shared>>
      %dma_start3A_284 = arith.constant 0 : i32
      %dma_start3A_285 = tpu.memref_slice %arg14[%add3A_159, %dma_start3A_284] : memref<60000x16xf32, #tpu.memory_space<vmem_shared>> -> memref<750x16xf32, #tpu.memory_space<vmem_shared>>
      tpu.enqueue_dma source(%arg13 : memref<750x16xf32, #tpu.memory_space<vmem>>) target(%dma_start3A_285 : memref<750x16xf32, #tpu.memory_space<vmem_shared>>) target_semaphore(%run_scoped3A : memref<!tpu.dma_semaphore, #tpu.memory_space<semaphore_mem>>)
      %dma_wait3A_286 = arith.constant 0 : i32
      %dma_wait3A_287 = tpu.memref_slice %arg14[%add3A_159, %dma_wait3A_286] : memref<60000x16xf32, #tpu.memory_space<vmem_shared>> -> memref<750x16xf32, #tpu.memory_space<vmem_shared>>
      %dma_wait3A_288 = arith.constant 0 : i32
      %dma_wait3A_289 = tpu.memref_slice %arg14[%add3A_159, %dma_wait3A_288] : memref<60000x16xf32, #tpu.memory_space<vmem_shared>> -> memref<750x16xf32, #tpu.memory_space<vmem_shared>>
      tpu.wait_dma2 semaphore(%run_scoped3A : memref<!tpu.dma_semaphore, #tpu.memory_space<semaphore_mem>>) src(%arg13 : memref<750x16xf32, #tpu.memory_space<vmem>>) dst(%dma_wait3A_289 : memref<750x16xf32, #tpu.memory_space<vmem_shared>>)
      tpu.yield
    }) : () -> ()
    %eq3A_160 = arith.constant 0 : i32
    %eq3A_161 = arith.cmpi eq, %arg1, %eq3A_160 : i32
    %convert_element_type3A_162 = arith.extui %eq3A_161 : i1 to i32
    %cond3A_163 = arith.constant 0 : i32
    %cond3A_164 = arith.cmpi ne, %convert_element_type3A_162, %cond3A_163 : i32
    scf.if %cond3A_164 {
      %add3A_282 = arith.constant 1 : i32
      %add3A_283 = arith.addi %add3A_97, %add3A_282 : i32
      %mul3A_284 = arith.constant 16 : i32
      %mul3A_285 = arith.muli %add3A_283, %mul3A_284 : i32
      "tpu.region"() ({
        %run_scoped3A = tpu.sem_alloc : memref<!tpu.dma_semaphore, #tpu.memory_space<semaphore_mem>>
        %dma_start3A_286 = arith.constant 0 : i32
        %dma_start3A_287 = tpu.memref_slice %arg2[%dma_start3A_286, %mul3A_285] : memref<10000x128xf32, #tpu.memory_space<hbm>> -> memref<10000x16xf32, #tpu.memory_space<hbm>>
        tpu.enqueue_dma source(%dma_start3A_287 : memref<10000x16xf32, #tpu.memory_space<hbm>>) target(%arg15 : memref<10000x16xf32, #tpu.memory_space<vmem_shared>>) target_semaphore(%run_scoped3A : memref<!tpu.dma_semaphore, #tpu.memory_space<semaphore_mem>>)
        %dma_wait3A_288 = arith.constant 0 : i32
        %dma_wait3A_289 = tpu.memref_slice %arg2[%dma_wait3A_288, %mul3A_285] : memref<10000x128xf32, #tpu.memory_space<hbm>> -> memref<10000x16xf32, #tpu.memory_space<hbm>>
        tpu.wait_dma2 semaphore(%run_scoped3A : memref<!tpu.dma_semaphore, #tpu.memory_space<semaphore_mem>>) src(%dma_wait3A_289 : memref<10000x16xf32, #tpu.memory_space<hbm>>) dst(%arg15 : memref<10000x16xf32, #tpu.memory_space<vmem_shared>>)
        tpu.yield
      }) : () -> ()
    } else {
    }
    %mul3A_165 = arith.constant 4 : i32
    %mul3A_166 = arith.muli %mul3A_165, %arg0 : i32
    %add3A_167 = arith.constant 2 : i32
    %add3A_168 = arith.addi %mul3A_166, %add3A_167 : i32
    %mul3A_169 = arith.constant 16 : i32
    %mul3A_170 = arith.muli %add3A_168, %mul3A_169 : i32
    %add3A_171 = arith.constant 0 : i32
    %add3A_172 = arith.addi %mul3A_5, %add3A_171 : i32
    %multiple_of3A_173 = tpu.assume_multiple %add3A_172, 8 : i32
    %dma_start3A_174 = arith.constant 0 : i32
    %dma_start3A_175 = tpu.memref_slice %arg3[%dma_start3A_174, %multiple_of3A_173] : memref<2x320000xi32, #tpu.memory_space<hbm>> -> memref<2x800xi32, #tpu.memory_space<hbm>>
    %dma_start3A_176 = arith.constant 0 : i32
    %dma_start3A_177 = tpu.memref_slice %arg3[%dma_start3A_176, %multiple_of3A_173] : memref<2x320000xi32, #tpu.memory_space<hbm>> -> memref<2x800xi32, #tpu.memory_space<hbm>>
    tpu.enqueue_dma source(%dma_start3A_177 : memref<2x800xi32, #tpu.memory_space<hbm>>) target(%arg5 : memref<2x800xi32, #tpu.memory_space<vmem>>) target_semaphore(%arg16 : memref<!tpu.dma_semaphore, #tpu.memory_space<semaphore_mem>>)
    %barrier3A_178 = arith.constant 0 : index
    tpu.barrier barrier_id(%barrier3A_178)
    %dma_wait3A_179 = arith.constant 0 : i32
    %dma_wait3A_180 = arith.constant 0 : i32
    %dma_wait3A_181 = tpu.memref_slice %arg3[%dma_wait3A_179, %dma_wait3A_180] : memref<2x320000xi32, #tpu.memory_space<hbm>> -> memref<2x800xi32, #tpu.memory_space<hbm>>
    %dma_wait3A_182 = arith.constant 0 : i32
    %dma_wait3A_183 = arith.constant 0 : i32
    %dma_wait3A_184 = tpu.memref_slice %arg3[%dma_wait3A_182, %dma_wait3A_183] : memref<2x320000xi32, #tpu.memory_space<hbm>> -> memref<2x800xi32, #tpu.memory_space<hbm>>
    tpu.wait_dma2 semaphore(%arg16 : memref<!tpu.dma_semaphore, #tpu.memory_space<semaphore_mem>>) src(%dma_wait3A_184 : memref<2x800xi32, #tpu.memory_space<hbm>>) dst(%arg5 : memref<2x800xi32, #tpu.memory_space<vmem>>)
    %scan3A_185 = arith.constant 0 : i32
    %scan3A_186 = arith.constant 50 : i32
    %scan3A_187 = arith.addi %scan3A_185, %scan3A_186 : i32
    %scan3A_188 = arith.constant 1 : i32
    scf.for %scan3A_282 = %scan3A_185 to %scan3A_187 step %scan3A_188  : i32 {
      %mul3A_283 = arith.constant 16 : i32
      %mul3A_284 = arith.muli %scan3A_282, %mul3A_283 : i32
      %get3A = arith.constant 0 : i32
      %get3A_285 = arith.index_cast %get3A : i32 to index
      %get3A_286 = arith.index_cast %mul3A_284 : i32 to index
      %get3A_287 = tpu.vector_load %arg5[%get3A_285, %get3A_286] {strides = array<i32>} : memref<2x800xi32, #tpu.memory_space<vmem>>, vector<1x16xi32>,
      %get3A_288 = vector.shape_cast %get3A_287 : vector<1x16xi32> to vector<16xi32>
      %mul3A_289 = arith.constant 16 : i32
      %mul3A_290 = arith.muli %scan3A_282, %mul3A_289 : i32
      %get3A_291 = arith.constant 1 : i32
      %get3A_292 = arith.index_cast %get3A_291 : i32 to index
      %get3A_293 = arith.index_cast %mul3A_290 : i32 to index
      %get3A_294 = tpu.vector_load %arg5[%get3A_292, %get3A_293] {strides = array<i32>} : memref<2x800xi32, #tpu.memory_space<vmem>>, vector<1x16xi32>,
      %get3A_295 = vector.shape_cast %get3A_294 : vector<1x16xi32> to vector<16xi32>
      %mul3A_296 = arith.constant 16 : i32
      %mul3A_297 = arith.muli %scan3A_282, %mul3A_296 : i32
      %swap3A = arith.index_cast %mul3A_297 : i32 to index
      %swap3A_298 = tpu.vector_load %arg7[%swap3A] {strides = array<i32>} : memref<800xi32, #tpu.memory_space<vmem>>, vector<16xi32>,
      %swap3A_299 = vector.shape_cast %swap3A_298 : vector<16xi32> to vector<16xi32>
      %swap3A_300 = vector.shape_cast %get3A_288 : vector<16xi32> to vector<16xi32>
      tpu.vector_store %arg7[%swap3A], %swap3A_300 {strides = array<i32>} : memref<800xi32, #tpu.memory_space<vmem>>, vector<16xi32>,
      %mul3A_301 = arith.constant 16 : i32
      %mul3A_302 = arith.muli %scan3A_282, %mul3A_301 : i32
      %swap3A_303 = arith.index_cast %mul3A_302 : i32 to index
      %swap3A_304 = tpu.vector_load %arg8[%swap3A_303] {strides = array<i32>} : memref<800xi32, #tpu.memory_space<vmem>>, vector<16xi32>,
      %swap3A_305 = vector.shape_cast %swap3A_304 : vector<16xi32> to vector<16xi32>
      %swap3A_306 = vector.shape_cast %get3A_295 : vector<16xi32> to vector<16xi32>
      tpu.vector_store %arg8[%swap3A_303], %swap3A_306 {strides = array<i32>} : memref<800xi32, #tpu.memory_space<vmem>>, vector<16xi32>,
    }
    %scan3A_189 = arith.constant 50 : i32
    %add3A_190 = arith.constant 800 : i32
    %add3A_191 = arith.addi %mul3A_5, %add3A_190 : i32
    %multiple_of3A_192 = tpu.assume_multiple %add3A_191, 8 : i32
    %dma_start3A_193 = arith.constant 0 : i32
    %dma_start3A_194 = tpu.memref_slice %arg3[%dma_start3A_193, %multiple_of3A_192] : memref<2x320000xi32, #tpu.memory_space<hbm>> -> memref<2x800xi32, #tpu.memory_space<hbm>>
    %dma_start3A_195 = arith.constant 0 : i32
    %dma_start3A_196 = tpu.memref_slice %arg3[%dma_start3A_195, %multiple_of3A_192] : memref<2x320000xi32, #tpu.memory_space<hbm>> -> memref<2x800xi32, #tpu.memory_space<hbm>>
    tpu.enqueue_dma source(%dma_start3A_196 : memref<2x800xi32, #tpu.memory_space<hbm>>) target(%arg6 : memref<2x800xi32, #tpu.memory_space<vmem>>) target_semaphore(%arg17 : memref<!tpu.dma_semaphore, #tpu.memory_space<semaphore_mem>>)
    %dma_start3A_197 = arith.constant 0 : i32
    %dma_start3A_198 = arith.constant 0 : i32
    %dma_start3A_199 = tpu.memref_slice %arg15[%dma_start3A_197, %dma_start3A_198] : memref<10000x16xf32, #tpu.memory_space<vmem_shared>> -> memref<10000x16xf32, #tpu.memory_space<vmem_shared>>
    tpu.enqueue_indirect_dma source(%dma_start3A_199 : memref<10000x16xf32, #tpu.memory_space<vmem_shared>>) target(%arg11 : memref<800x16xf32, #tpu.memory_space<vmem>>) offsets(%arg7 : memref<800xi32, #tpu.memory_space<vmem>>) semaphore(%arg18 : memref<!tpu.dma_semaphore, #tpu.memory_space<semaphore_mem>>)
    %scan3A_200 = arith.constant 0 : i32
    %scan3A_201 = arith.constant 12 : i32
    %scan3A_202 = arith.addi %scan3A_200, %scan3A_201 : i32
    %scan3A_203 = arith.constant 1 : i32
    scf.for %scan3A_282 = %scan3A_200 to %scan3A_202 step %scan3A_203  : i32 {
      %dma_wait3A_283 = arith.constant 0 : i32
      %dma_wait3A_284 = arith.constant 0 : i32
      %dma_wait3A_285 = tpu.memref_slice %arg3[%dma_wait3A_283, %dma_wait3A_284] : memref<2x320000xi32, #tpu.memory_space<hbm>> -> memref<2x800xi32, #tpu.memory_space<hbm>>
      %dma_wait3A_286 = arith.constant 0 : i32
      %dma_wait3A_287 = arith.constant 0 : i32
      %dma_wait3A_288 = tpu.memref_slice %arg3[%dma_wait3A_286, %dma_wait3A_287] : memref<2x320000xi32, #tpu.memory_space<hbm>> -> memref<2x800xi32, #tpu.memory_space<hbm>>
      tpu.wait_dma2 semaphore(%arg17 : memref<!tpu.dma_semaphore, #tpu.memory_space<semaphore_mem>>) src(%dma_wait3A_288 : memref<2x800xi32, #tpu.memory_space<hbm>>) dst(%arg6 : memref<2x800xi32, #tpu.memory_space<vmem>>)
      %scan3A_289 = arith.constant 0 : i32
      %scan3A_290 = arith.constant 50 : i32
      %scan3A_291 = arith.addi %scan3A_289, %scan3A_290 : i32
      %scan3A_292 = arith.constant 1 : i32
      scf.for %scan3A_333 = %scan3A_289 to %scan3A_291 step %scan3A_292  : i32 {
        %mul3A_334 = arith.constant 16 : i32
        %mul3A_335 = arith.muli %scan3A_333, %mul3A_334 : i32
        %get3A = arith.constant 0 : i32
        %get3A_336 = arith.index_cast %get3A : i32 to index
        %get3A_337 = arith.index_cast %mul3A_335 : i32 to index
        %get3A_338 = tpu.vector_load %arg6[%get3A_336, %get3A_337] {strides = array<i32>} : memref<2x800xi32, #tpu.memory_space<vmem>>, vector<1x16xi32>,
        %get3A_339 = vector.shape_cast %get3A_338 : vector<1x16xi32> to vector<16xi32>
        %mul3A_340 = arith.constant 16 : i32
        %mul3A_341 = arith.muli %scan3A_333, %mul3A_340 : i32
        %get3A_342 = arith.constant 1 : i32
        %get3A_343 = arith.index_cast %get3A_342 : i32 to index
        %get3A_344 = arith.index_cast %mul3A_341 : i32 to index
        %get3A_345 = tpu.vector_load %arg6[%get3A_343, %get3A_344] {strides = array<i32>} : memref<2x800xi32, #tpu.memory_space<vmem>>, vector<1x16xi32>,
        %get3A_346 = vector.shape_cast %get3A_345 : vector<1x16xi32> to vector<16xi32>
        %mul3A_347 = arith.constant 16 : i32
        %mul3A_348 = arith.muli %scan3A_333, %mul3A_347 : i32
        %swap3A = arith.index_cast %mul3A_348 : i32 to index
        %swap3A_349 = tpu.vector_load %arg9[%swap3A] {strides = array<i32>} : memref<800xi32, #tpu.memory_space<vmem>>, vector<16xi32>,
        %swap3A_350 = vector.shape_cast %swap3A_349 : vector<16xi32> to vector<16xi32>
        %swap3A_351 = vector.shape_cast %get3A_339 : vector<16xi32> to vector<16xi32>
        tpu.vector_store %arg9[%swap3A], %swap3A_351 {strides = array<i32>} : memref<800xi32, #tpu.memory_space<vmem>>, vector<16xi32>,
        %mul3A_352 = arith.constant 16 : i32
        %mul3A_353 = arith.muli %scan3A_333, %mul3A_352 : i32
        %swap3A_354 = arith.index_cast %mul3A_353 : i32 to index
        %swap3A_355 = tpu.vector_load %arg10[%swap3A_354] {strides = array<i32>} : memref<800xi32, #tpu.memory_space<vmem>>, vector<16xi32>,
        %swap3A_356 = vector.shape_cast %swap3A_355 : vector<16xi32> to vector<16xi32>
        %swap3A_357 = vector.shape_cast %get3A_346 : vector<16xi32> to vector<16xi32>
        tpu.vector_store %arg10[%swap3A_354], %swap3A_357 {strides = array<i32>} : memref<800xi32, #tpu.memory_space<vmem>>, vector<16xi32>,
      }
      %scan3A_293 = arith.constant 50 : i32
      %mul3A_294 = arith.constant 2 : i32
      %mul3A_295 = arith.muli %mul3A_294, %scan3A_282 : i32
      %add3A_296 = arith.constant 2 : i32
      %add3A_297 = arith.addi %mul3A_295, %add3A_296 : i32
      %mul3A_298 = arith.constant 800 : i32
      %mul3A_299 = arith.muli %add3A_297, %mul3A_298 : i32
      %add3A_300 = arith.addi %mul3A_5, %mul3A_299 : i32
      %multiple_of3A_301 = tpu.assume_multiple %add3A_300, 8 : i32
      %dma_start3A_302 = arith.constant 0 : i32
      %dma_start3A_303 = tpu.memref_slice %arg3[%dma_start3A_302, %multiple_of3A_301] : memref<2x320000xi32, #tpu.memory_space<hbm>> -> memref<2x800xi32, #tpu.memory_space<hbm>>
      %dma_start3A_304 = arith.constant 0 : i32
      %dma_start3A_305 = tpu.memref_slice %arg3[%dma_start3A_304, %multiple_of3A_301] : memref<2x320000xi32, #tpu.memory_space<hbm>> -> memref<2x800xi32, #tpu.memory_space<hbm>>
      tpu.enqueue_dma source(%dma_start3A_305 : memref<2x800xi32, #tpu.memory_space<hbm>>) target(%arg5 : memref<2x800xi32, #tpu.memory_space<vmem>>) target_semaphore(%arg16 : memref<!tpu.dma_semaphore, #tpu.memory_space<semaphore_mem>>)
      %dma_wait3A_306 = arith.constant 0 : i32
      %dma_wait3A_307 = arith.constant 0 : i32
      %dma_wait3A_308 = tpu.memref_slice %arg15[%dma_wait3A_306, %dma_wait3A_307] : memref<10000x16xf32, #tpu.memory_space<vmem_shared>> -> memref<10000x16xf32, #tpu.memory_space<vmem_shared>>
      tpu.wait_indirect_dma semaphore(%arg18 : memref<!tpu.dma_semaphore, #tpu.memory_space<semaphore_mem>>) src(%dma_wait3A_308 : memref<10000x16xf32, #tpu.memory_space<vmem_shared>>) dst(%arg11 : memref<800x16xf32, #tpu.memory_space<vmem>>)
      %dma_start3A_309 = arith.constant 0 : i32
      %dma_start3A_310 = arith.constant 0 : i32
      %dma_start3A_311 = tpu.memref_slice %arg15[%dma_start3A_309, %dma_start3A_310] : memref<10000x16xf32, #tpu.memory_space<vmem_shared>> -> memref<10000x16xf32, #tpu.memory_space<vmem_shared>>
      tpu.enqueue_indirect_dma source(%dma_start3A_311 : memref<10000x16xf32, #tpu.memory_space<vmem_shared>>) target(%arg12 : memref<800x16xf32, #tpu.memory_space<vmem>>) offsets(%arg9 : memref<800xi32, #tpu.memory_space<vmem>>) semaphore(%arg19 : memref<!tpu.dma_semaphore, #tpu.memory_space<semaphore_mem>>)
      "tpu.region"() ({
        %run_scoped3A = tpu.sem_alloc : memref<!tpu.dma_semaphore, #tpu.memory_space<semaphore_mem>>
        %dma_start3A_333 = arith.constant 0 : i32
        %dma_start3A_334 = arith.constant 0 : i32
        %dma_start3A_335 = tpu.memref_slice %arg14[%dma_start3A_333, %dma_start3A_334] : memref<60000x16xf32, #tpu.memory_space<vmem_shared>> -> memref<60000x16xf32, #tpu.memory_space<vmem_shared>>
        tpu.enqueue_indirect_dma source(%arg11 : memref<800x16xf32, #tpu.memory_space<vmem>>) target(%dma_start3A_335 : memref<60000x16xf32, #tpu.memory_space<vmem_shared>>) offsets(%arg8 : memref<800xi32, #tpu.memory_space<vmem>>) semaphore(%run_scoped3A : memref<!tpu.dma_semaphore, #tpu.memory_space<semaphore_mem>>) {add = true}
        %dma_wait3A_336 = arith.constant 0 : i32
        %dma_wait3A_337 = arith.constant 0 : i32
        %dma_wait3A_338 = tpu.memref_slice %arg14[%dma_wait3A_336, %dma_wait3A_337] : memref<60000x16xf32, #tpu.memory_space<vmem_shared>> -> memref<60000x16xf32, #tpu.memory_space<vmem_shared>>
        tpu.wait_indirect_dma semaphore(%run_scoped3A : memref<!tpu.dma_semaphore, #tpu.memory_space<semaphore_mem>>) src(%arg11 : memref<800x16xf32, #tpu.memory_space<vmem>>) dst(%dma_wait3A_338 : memref<60000x16xf32, #tpu.memory_space<vmem_shared>>)
        tpu.yield
      }) : () -> ()
      %dma_wait3A_312 = arith.constant 0 : i32
      %dma_wait3A_313 = arith.constant 0 : i32
      %dma_wait3A_314 = tpu.memref_slice %arg3[%dma_wait3A_312, %dma_wait3A_313] : memref<2x320000xi32, #tpu.memory_space<hbm>> -> memref<2x800xi32, #tpu.memory_space<hbm>>
      %dma_wait3A_315 = arith.constant 0 : i32
      %dma_wait3A_316 = arith.constant 0 : i32
      %dma_wait3A_317 = tpu.memref_slice %arg3[%dma_wait3A_315, %dma_wait3A_316] : memref<2x320000xi32, #tpu.memory_space<hbm>> -> memref<2x800xi32, #tpu.memory_space<hbm>>
      tpu.wait_dma2 semaphore(%arg16 : memref<!tpu.dma_semaphore, #tpu.memory_space<semaphore_mem>>) src(%dma_wait3A_317 : memref<2x800xi32, #tpu.memory_space<hbm>>) dst(%arg5 : memref<2x800xi32, #tpu.memory_space<vmem>>)
      %scan3A_318 = arith.constant 0 : i32
      %scan3A_319 = arith.constant 50 : i32
      %scan3A_320 = arith.addi %scan3A_318, %scan3A_319 : i32
      %scan3A_321 = arith.constant 1 : i32
      scf.for %scan3A_333 = %scan3A_318 to %scan3A_320 step %scan3A_321  : i32 {
        %mul3A_334 = arith.constant 16 : i32
        %mul3A_335 = arith.muli %scan3A_333, %mul3A_334 : i32
        %get3A = arith.constant 0 : i32
        %get3A_336 = arith.index_cast %get3A : i32 to index
        %get3A_337 = arith.index_cast %mul3A_335 : i32 to index
        %get3A_338 = tpu.vector_load %arg5[%get3A_336, %get3A_337] {strides = array<i32>} : memref<2x800xi32, #tpu.memory_space<vmem>>, vector<1x16xi32>,
        %get3A_339 = vector.shape_cast %get3A_338 : vector<1x16xi32> to vector<16xi32>
        %mul3A_340 = arith.constant 16 : i32
        %mul3A_341 = arith.muli %scan3A_333, %mul3A_340 : i32
        %get3A_342 = arith.constant 1 : i32
        %get3A_343 = arith.index_cast %get3A_342 : i32 to index
        %get3A_344 = arith.index_cast %mul3A_341 : i32 to index
        %get3A_345 = tpu.vector_load %arg5[%get3A_343, %get3A_344] {strides = array<i32>} : memref<2x800xi32, #tpu.memory_space<vmem>>, vector<1x16xi32>,
        %get3A_346 = vector.shape_cast %get3A_345 : vector<1x16xi32> to vector<16xi32>
        %mul3A_347 = arith.constant 16 : i32
        %mul3A_348 = arith.muli %scan3A_333, %mul3A_347 : i32
        %swap3A = arith.index_cast %mul3A_348 : i32 to index
        %swap3A_349 = tpu.vector_load %arg7[%swap3A] {strides = array<i32>} : memref<800xi32, #tpu.memory_space<vmem>>, vector<16xi32>,
        %swap3A_350 = vector.shape_cast %swap3A_349 : vector<16xi32> to vector<16xi32>
        %swap3A_351 = vector.shape_cast %get3A_339 : vector<16xi32> to vector<16xi32>
        tpu.vector_store %arg7[%swap3A], %swap3A_351 {strides = array<i32>} : memref<800xi32, #tpu.memory_space<vmem>>, vector<16xi32>,
        %mul3A_352 = arith.constant 16 : i32
        %mul3A_353 = arith.muli %scan3A_333, %mul3A_352 : i32
        %swap3A_354 = arith.index_cast %mul3A_353 : i32 to index
        %swap3A_355 = tpu.vector_load %arg8[%swap3A_354] {strides = array<i32>} : memref<800xi32, #tpu.memory_space<vmem>>, vector<16xi32>,
        %swap3A_356 = vector.shape_cast %swap3A_355 : vector<16xi32> to vector<16xi32>
        %swap3A_357 = vector.shape_cast %get3A_346 : vector<16xi32> to vector<16xi32>
        tpu.vector_store %arg8[%swap3A_354], %swap3A_357 {strides = array<i32>} : memref<800xi32, #tpu.memory_space<vmem>>, vector<16xi32>,
      }
      %scan3A_322 = arith.constant 50 : i32
      %lt3A = arith.constant 11 : i32
      %lt3A_323 = arith.cmpi slt, %scan3A_282, %lt3A : i32
      %convert_element_type3A_324 = arith.extui %lt3A_323 : i1 to i32
      %cond3A_325 = arith.constant 0 : i32
      %cond3A_326 = arith.cmpi ne, %convert_element_type3A_324, %cond3A_325 : i32
      scf.if %cond3A_326 {
        %mul3A_333 = arith.constant 2 : i32
        %mul3A_334 = arith.muli %mul3A_333, %scan3A_282 : i32
        %add3A_335 = arith.constant 3 : i32
        %add3A_336 = arith.addi %mul3A_334, %add3A_335 : i32
        %mul3A_337 = arith.constant 800 : i32
        %mul3A_338 = arith.muli %add3A_336, %mul3A_337 : i32
        %add3A_339 = arith.addi %mul3A_5, %mul3A_338 : i32
        %multiple_of3A_340 = tpu.assume_multiple %add3A_339, 8 : i32
        %dma_start3A_341 = arith.constant 0 : i32
        %dma_start3A_342 = tpu.memref_slice %arg3[%dma_start3A_341, %multiple_of3A_340] : memref<2x320000xi32, #tpu.memory_space<hbm>> -> memref<2x800xi32, #tpu.memory_space<hbm>>
        %dma_start3A_343 = arith.constant 0 : i32
        %dma_start3A_344 = tpu.memref_slice %arg3[%dma_start3A_343, %multiple_of3A_340] : memref<2x320000xi32, #tpu.memory_space<hbm>> -> memref<2x800xi32, #tpu.memory_space<hbm>>
        tpu.enqueue_dma source(%dma_start3A_344 : memref<2x800xi32, #tpu.memory_space<hbm>>) target(%arg6 : memref<2x800xi32, #tpu.memory_space<vmem>>) target_semaphore(%arg17 : memref<!tpu.dma_semaphore, #tpu.memory_space<semaphore_mem>>)
      } else {
      }
      %dma_wait3A_327 = arith.constant 0 : i32
      %dma_wait3A_328 = arith.constant 0 : i32
      %dma_wait3A_329 = tpu.memref_slice %arg15[%dma_wait3A_327, %dma_wait3A_328] : memref<10000x16xf32, #tpu.memory_space<vmem_shared>> -> memref<10000x16xf32, #tpu.memory_space<vmem_shared>>
      tpu.wait_indirect_dma semaphore(%arg19 : memref<!tpu.dma_semaphore, #tpu.memory_space<semaphore_mem>>) src(%dma_wait3A_329 : memref<10000x16xf32, #tpu.memory_space<vmem_shared>>) dst(%arg12 : memref<800x16xf32, #tpu.memory_space<vmem>>)
      %dma_start3A_330 = arith.constant 0 : i32
      %dma_start3A_331 = arith.constant 0 : i32
      %dma_start3A_332 = tpu.memref_slice %arg15[%dma_start3A_330, %dma_start3A_331] : memref<10000x16xf32, #tpu.memory_space<vmem_shared>> -> memref<10000x16xf32, #tpu.memory_space<vmem_shared>>
      tpu.enqueue_indirect_dma source(%dma_start3A_332 : memref<10000x16xf32, #tpu.memory_space<vmem_shared>>) target(%arg11 : memref<800x16xf32, #tpu.memory_space<vmem>>) offsets(%arg7 : memref<800xi32, #tpu.memory_space<vmem>>) semaphore(%arg18 : memref<!tpu.dma_semaphore, #tpu.memory_space<semaphore_mem>>)
      "tpu.region"() ({
        %run_scoped3A = tpu.sem_alloc : memref<!tpu.dma_semaphore, #tpu.memory_space<semaphore_mem>>
        %dma_start3A_333 = arith.constant 0 : i32
        %dma_start3A_334 = arith.constant 0 : i32
        %dma_start3A_335 = tpu.memref_slice %arg14[%dma_start3A_333, %dma_start3A_334] : memref<60000x16xf32, #tpu.memory_space<vmem_shared>> -> memref<60000x16xf32, #tpu.memory_space<vmem_shared>>
        tpu.enqueue_indirect_dma source(%arg12 : memref<800x16xf32, #tpu.memory_space<vmem>>) target(%dma_start3A_335 : memref<60000x16xf32, #tpu.memory_space<vmem_shared>>) offsets(%arg10 : memref<800xi32, #tpu.memory_space<vmem>>) semaphore(%run_scoped3A : memref<!tpu.dma_semaphore, #tpu.memory_space<semaphore_mem>>) {add = true}
        %dma_wait3A_336 = arith.constant 0 : i32
        %dma_wait3A_337 = arith.constant 0 : i32
        %dma_wait3A_338 = tpu.memref_slice %arg14[%dma_wait3A_336, %dma_wait3A_337] : memref<60000x16xf32, #tpu.memory_space<vmem_shared>> -> memref<60000x16xf32, #tpu.memory_space<vmem_shared>>
        tpu.wait_indirect_dma semaphore(%run_scoped3A : memref<!tpu.dma_semaphore, #tpu.memory_space<semaphore_mem>>) src(%arg12 : memref<800x16xf32, #tpu.memory_space<vmem>>) dst(%dma_wait3A_338 : memref<60000x16xf32, #tpu.memory_space<vmem_shared>>)
        tpu.yield
      }) : () -> ()
    }
    %scan3A_204 = arith.constant 12 : i32
    %dma_wait3A_205 = arith.constant 0 : i32
    %dma_wait3A_206 = arith.constant 0 : i32
    %dma_wait3A_207 = tpu.memref_slice %arg15[%dma_wait3A_205, %dma_wait3A_206] : memref<10000x16xf32, #tpu.memory_space<vmem_shared>> -> memref<10000x16xf32, #tpu.memory_space<vmem_shared>>
    tpu.wait_indirect_dma semaphore(%arg18 : memref<!tpu.dma_semaphore, #tpu.memory_space<semaphore_mem>>) src(%dma_wait3A_207 : memref<10000x16xf32, #tpu.memory_space<vmem_shared>>) dst(%arg11 : memref<800x16xf32, #tpu.memory_space<vmem>>)
    "tpu.region"() ({
      %run_scoped3A = tpu.sem_alloc : memref<!tpu.dma_semaphore, #tpu.memory_space<semaphore_mem>>
      %dma_start3A_282 = arith.constant 0 : i32
      %dma_start3A_283 = arith.constant 0 : i32
      %dma_start3A_284 = tpu.memref_slice %arg14[%dma_start3A_282, %dma_start3A_283] : memref<60000x16xf32, #tpu.memory_space<vmem_shared>> -> memref<60000x16xf32, #tpu.memory_space<vmem_shared>>
      tpu.enqueue_indirect_dma source(%arg11 : memref<800x16xf32, #tpu.memory_space<vmem>>) target(%dma_start3A_284 : memref<60000x16xf32, #tpu.memory_space<vmem_shared>>) offsets(%arg8 : memref<800xi32, #tpu.memory_space<vmem>>) semaphore(%run_scoped3A : memref<!tpu.dma_semaphore, #tpu.memory_space<semaphore_mem>>) {add = true}
      %dma_wait3A_285 = arith.constant 0 : i32
      %dma_wait3A_286 = arith.constant 0 : i32
      %dma_wait3A_287 = tpu.memref_slice %arg14[%dma_wait3A_285, %dma_wait3A_286] : memref<60000x16xf32, #tpu.memory_space<vmem_shared>> -> memref<60000x16xf32, #tpu.memory_space<vmem_shared>>
      tpu.wait_indirect_dma semaphore(%run_scoped3A : memref<!tpu.dma_semaphore, #tpu.memory_space<semaphore_mem>>) src(%arg11 : memref<800x16xf32, #tpu.memory_space<vmem>>) dst(%dma_wait3A_287 : memref<60000x16xf32, #tpu.memory_space<vmem_shared>>)
      tpu.yield
    }) : () -> ()
    %barrier3A_208 = arith.constant 0 : index
    tpu.barrier barrier_id(%barrier3A_208)
    %mul3A_209 = arith.constant 3750 : i32
    %mul3A_210 = arith.muli %arg1, %mul3A_209 : i32
    "tpu.region"() ({
      %run_scoped3A = tpu.sem_alloc : memref<!tpu.dma_semaphore, #tpu.memory_space<semaphore_mem>>
      %dma_start3A_282 = tpu.memref_slice %arg4[%mul3A_210, %mul3A_170] : memref<60000x128xf32, #tpu.memory_space<hbm>> -> memref<3750x16xf32, #tpu.memory_space<hbm>>
      %dma_start3A_283 = arith.constant 0 : i32
      %dma_start3A_284 = tpu.memref_slice %arg14[%mul3A_210, %dma_start3A_283] : memref<60000x16xf32, #tpu.memory_space<vmem_shared>> -> memref<3750x16xf32, #tpu.memory_space<vmem_shared>>
      tpu.enqueue_dma source(%dma_start3A_284 : memref<3750x16xf32, #tpu.memory_space<vmem_shared>>) target(%dma_start3A_282 : memref<3750x16xf32, #tpu.memory_space<hbm>>) target_semaphore(%run_scoped3A : memref<!tpu.dma_semaphore, #tpu.memory_space<semaphore_mem>>)
      %dma_wait3A_285 = tpu.memref_slice %arg4[%mul3A_210, %mul3A_170] : memref<60000x128xf32, #tpu.memory_space<hbm>> -> memref<3750x16xf32, #tpu.memory_space<hbm>>
      %dma_wait3A_286 = arith.constant 0 : i32
      %dma_wait3A_287 = tpu.memref_slice %arg14[%mul3A_210, %dma_wait3A_286] : memref<60000x16xf32, #tpu.memory_space<vmem_shared>> -> memref<3750x16xf32, #tpu.memory_space<vmem_shared>>
      tpu.wait_dma2 semaphore(%run_scoped3A : memref<!tpu.dma_semaphore, #tpu.memory_space<semaphore_mem>>) src(%dma_wait3A_287 : memref<3750x16xf32, #tpu.memory_space<vmem_shared>>) dst(%dma_wait3A_285 : memref<3750x16xf32, #tpu.memory_space<hbm>>)
      tpu.yield
    }) : () -> ()
    %mul3A_211 = arith.constant 3750 : i32
    %mul3A_212 = arith.muli %arg1, %mul3A_211 : i32
    %add3A_213 = arith.constant 0 : i32
    %add3A_214 = arith.addi %mul3A_212, %add3A_213 : i32
    "tpu.region"() ({
      %run_scoped3A = tpu.sem_alloc : memref<!tpu.dma_semaphore, #tpu.memory_space<semaphore_mem>>
      %dma_start3A_282 = arith.constant 0 : i32
      %dma_start3A_283 = tpu.memref_slice %arg14[%add3A_214, %dma_start3A_282] : memref<60000x16xf32, #tpu.memory_space<vmem_shared>> -> memref<750x16xf32, #tpu.memory_space<vmem_shared>>
      %dma_start3A_284 = arith.constant 0 : i32
      %dma_start3A_285 = tpu.memref_slice %arg14[%add3A_214, %dma_start3A_284] : memref<60000x16xf32, #tpu.memory_space<vmem_shared>> -> memref<750x16xf32, #tpu.memory_space<vmem_shared>>
      tpu.enqueue_dma source(%arg13 : memref<750x16xf32, #tpu.memory_space<vmem>>) target(%dma_start3A_285 : memref<750x16xf32, #tpu.memory_space<vmem_shared>>) target_semaphore(%run_scoped3A : memref<!tpu.dma_semaphore, #tpu.memory_space<semaphore_mem>>)
      %dma_wait3A_286 = arith.constant 0 : i32
      %dma_wait3A_287 = tpu.memref_slice %arg14[%add3A_214, %dma_wait3A_286] : memref<60000x16xf32, #tpu.memory_space<vmem_shared>> -> memref<750x16xf32, #tpu.memory_space<vmem_shared>>
      %dma_wait3A_288 = arith.constant 0 : i32
      %dma_wait3A_289 = tpu.memref_slice %arg14[%add3A_214, %dma_wait3A_288] : memref<60000x16xf32, #tpu.memory_space<vmem_shared>> -> memref<750x16xf32, #tpu.memory_space<vmem_shared>>
      tpu.wait_dma2 semaphore(%run_scoped3A : memref<!tpu.dma_semaphore, #tpu.memory_space<semaphore_mem>>) src(%arg13 : memref<750x16xf32, #tpu.memory_space<vmem>>) dst(%dma_wait3A_289 : memref<750x16xf32, #tpu.memory_space<vmem_shared>>)
      tpu.yield
    }) : () -> ()
    %mul3A_215 = arith.constant 3750 : i32
    %mul3A_216 = arith.muli %arg1, %mul3A_215 : i32
    %add3A_217 = arith.constant 750 : i32
    %add3A_218 = arith.addi %mul3A_216, %add3A_217 : i32
    "tpu.region"() ({
      %run_scoped3A = tpu.sem_alloc : memref<!tpu.dma_semaphore, #tpu.memory_space<semaphore_mem>>
      %dma_start3A_282 = arith.constant 0 : i32
      %dma_start3A_283 = tpu.memref_slice %arg14[%add3A_218, %dma_start3A_282] : memref<60000x16xf32, #tpu.memory_space<vmem_shared>> -> memref<750x16xf32, #tpu.memory_space<vmem_shared>>
      %dma_start3A_284 = arith.constant 0 : i32
      %dma_start3A_285 = tpu.memref_slice %arg14[%add3A_218, %dma_start3A_284] : memref<60000x16xf32, #tpu.memory_space<vmem_shared>> -> memref<750x16xf32, #tpu.memory_space<vmem_shared>>
      tpu.enqueue_dma source(%arg13 : memref<750x16xf32, #tpu.memory_space<vmem>>) target(%dma_start3A_285 : memref<750x16xf32, #tpu.memory_space<vmem_shared>>) target_semaphore(%run_scoped3A : memref<!tpu.dma_semaphore, #tpu.memory_space<semaphore_mem>>)
      %dma_wait3A_286 = arith.constant 0 : i32
      %dma_wait3A_287 = tpu.memref_slice %arg14[%add3A_218, %dma_wait3A_286] : memref<60000x16xf32, #tpu.memory_space<vmem_shared>> -> memref<750x16xf32, #tpu.memory_space<vmem_shared>>
      %dma_wait3A_288 = arith.constant 0 : i32
      %dma_wait3A_289 = tpu.memref_slice %arg14[%add3A_218, %dma_wait3A_288] : memref<60000x16xf32, #tpu.memory_space<vmem_shared>> -> memref<750x16xf32, #tpu.memory_space<vmem_shared>>
      tpu.wait_dma2 semaphore(%run_scoped3A : memref<!tpu.dma_semaphore, #tpu.memory_space<semaphore_mem>>) src(%arg13 : memref<750x16xf32, #tpu.memory_space<vmem>>) dst(%dma_wait3A_289 : memref<750x16xf32, #tpu.memory_space<vmem_shared>>)
      tpu.yield
    }) : () -> ()
    %mul3A_219 = arith.constant 3750 : i32
    %mul3A_220 = arith.muli %arg1, %mul3A_219 : i32
    %add3A_221 = arith.constant 1500 : i32
    %add3A_222 = arith.addi %mul3A_220, %add3A_221 : i32
    "tpu.region"() ({
      %run_scoped3A = tpu.sem_alloc : memref<!tpu.dma_semaphore, #tpu.memory_space<semaphore_mem>>
      %dma_start3A_282 = arith.constant 0 : i32
      %dma_start3A_283 = tpu.memref_slice %arg14[%add3A_222, %dma_start3A_282] : memref<60000x16xf32, #tpu.memory_space<vmem_shared>> -> memref<750x16xf32, #tpu.memory_space<vmem_shared>>
      %dma_start3A_284 = arith.constant 0 : i32
      %dma_start3A_285 = tpu.memref_slice %arg14[%add3A_222, %dma_start3A_284] : memref<60000x16xf32, #tpu.memory_space<vmem_shared>> -> memref<750x16xf32, #tpu.memory_space<vmem_shared>>
      tpu.enqueue_dma source(%arg13 : memref<750x16xf32, #tpu.memory_space<vmem>>) target(%dma_start3A_285 : memref<750x16xf32, #tpu.memory_space<vmem_shared>>) target_semaphore(%run_scoped3A : memref<!tpu.dma_semaphore, #tpu.memory_space<semaphore_mem>>)
      %dma_wait3A_286 = arith.constant 0 : i32
      %dma_wait3A_287 = tpu.memref_slice %arg14[%add3A_222, %dma_wait3A_286] : memref<60000x16xf32, #tpu.memory_space<vmem_shared>> -> memref<750x16xf32, #tpu.memory_space<vmem_shared>>
      %dma_wait3A_288 = arith.constant 0 : i32
      %dma_wait3A_289 = tpu.memref_slice %arg14[%add3A_222, %dma_wait3A_288] : memref<60000x16xf32, #tpu.memory_space<vmem_shared>> -> memref<750x16xf32, #tpu.memory_space<vmem_shared>>
      tpu.wait_dma2 semaphore(%run_scoped3A : memref<!tpu.dma_semaphore, #tpu.memory_space<semaphore_mem>>) src(%arg13 : memref<750x16xf32, #tpu.memory_space<vmem>>) dst(%dma_wait3A_289 : memref<750x16xf32, #tpu.memory_space<vmem_shared>>)
      tpu.yield
    }) : () -> ()
    %mul3A_223 = arith.constant 3750 : i32
    %mul3A_224 = arith.muli %arg1, %mul3A_223 : i32
    %add3A_225 = arith.constant 2250 : i32
    %add3A_226 = arith.addi %mul3A_224, %add3A_225 : i32
    "tpu.region"() ({
      %run_scoped3A = tpu.sem_alloc : memref<!tpu.dma_semaphore, #tpu.memory_space<semaphore_mem>>
      %dma_start3A_282 = arith.constant 0 : i32
      %dma_start3A_283 = tpu.memref_slice %arg14[%add3A_226, %dma_start3A_282] : memref<60000x16xf32, #tpu.memory_space<vmem_shared>> -> memref<750x16xf32, #tpu.memory_space<vmem_shared>>
      %dma_start3A_284 = arith.constant 0 : i32
      %dma_start3A_285 = tpu.memref_slice %arg14[%add3A_226, %dma_start3A_284] : memref<60000x16xf32, #tpu.memory_space<vmem_shared>> -> memref<750x16xf32, #tpu.memory_space<vmem_shared>>
      tpu.enqueue_dma source(%arg13 : memref<750x16xf32, #tpu.memory_space<vmem>>) target(%dma_start3A_285 : memref<750x16xf32, #tpu.memory_space<vmem_shared>>) target_semaphore(%run_scoped3A : memref<!tpu.dma_semaphore, #tpu.memory_space<semaphore_mem>>)
      %dma_wait3A_286 = arith.constant 0 : i32
      %dma_wait3A_287 = tpu.memref_slice %arg14[%add3A_226, %dma_wait3A_286] : memref<60000x16xf32, #tpu.memory_space<vmem_shared>> -> memref<750x16xf32, #tpu.memory_space<vmem_shared>>
      %dma_wait3A_288 = arith.constant 0 : i32
      %dma_wait3A_289 = tpu.memref_slice %arg14[%add3A_226, %dma_wait3A_288] : memref<60000x16xf32, #tpu.memory_space<vmem_shared>> -> memref<750x16xf32, #tpu.memory_space<vmem_shared>>
      tpu.wait_dma2 semaphore(%run_scoped3A : memref<!tpu.dma_semaphore, #tpu.memory_space<semaphore_mem>>) src(%arg13 : memref<750x16xf32, #tpu.memory_space<vmem>>) dst(%dma_wait3A_289 : memref<750x16xf32, #tpu.memory_space<vmem_shared>>)
      tpu.yield
    }) : () -> ()
    %mul3A_227 = arith.constant 3750 : i32
    %mul3A_228 = arith.muli %arg1, %mul3A_227 : i32
    %add3A_229 = arith.constant 3000 : i32
    %add3A_230 = arith.addi %mul3A_228, %add3A_229 : i32
    "tpu.region"() ({
      %run_scoped3A = tpu.sem_alloc : memref<!tpu.dma_semaphore, #tpu.memory_space<semaphore_mem>>
      %dma_start3A_282 = arith.constant 0 : i32
      %dma_start3A_283 = tpu.memref_slice %arg14[%add3A_230, %dma_start3A_282] : memref<60000x16xf32, #tpu.memory_space<vmem_shared>> -> memref<750x16xf32, #tpu.memory_space<vmem_shared>>
      %dma_start3A_284 = arith.constant 0 : i32
      %dma_start3A_285 = tpu.memref_slice %arg14[%add3A_230, %dma_start3A_284] : memref<60000x16xf32, #tpu.memory_space<vmem_shared>> -> memref<750x16xf32, #tpu.memory_space<vmem_shared>>
      tpu.enqueue_dma source(%arg13 : memref<750x16xf32, #tpu.memory_space<vmem>>) target(%dma_start3A_285 : memref<750x16xf32, #tpu.memory_space<vmem_shared>>) target_semaphore(%run_scoped3A : memref<!tpu.dma_semaphore, #tpu.memory_space<semaphore_mem>>)
      %dma_wait3A_286 = arith.constant 0 : i32
      %dma_wait3A_287 = tpu.memref_slice %arg14[%add3A_230, %dma_wait3A_286] : memref<60000x16xf32, #tpu.memory_space<vmem_shared>> -> memref<750x16xf32, #tpu.memory_space<vmem_shared>>
      %dma_wait3A_288 = arith.constant 0 : i32
      %dma_wait3A_289 = tpu.memref_slice %arg14[%add3A_230, %dma_wait3A_288] : memref<60000x16xf32, #tpu.memory_space<vmem_shared>> -> memref<750x16xf32, #tpu.memory_space<vmem_shared>>
      tpu.wait_dma2 semaphore(%run_scoped3A : memref<!tpu.dma_semaphore, #tpu.memory_space<semaphore_mem>>) src(%arg13 : memref<750x16xf32, #tpu.memory_space<vmem>>) dst(%dma_wait3A_289 : memref<750x16xf32, #tpu.memory_space<vmem_shared>>)
      tpu.yield
    }) : () -> ()
    %eq3A_231 = arith.constant 0 : i32
    %eq3A_232 = arith.cmpi eq, %arg1, %eq3A_231 : i32
    %convert_element_type3A_233 = arith.extui %eq3A_232 : i1 to i32
    %cond3A_234 = arith.constant 0 : i32
    %cond3A_235 = arith.cmpi ne, %convert_element_type3A_233, %cond3A_234 : i32
    scf.if %cond3A_235 {
      %add3A_282 = arith.constant 1 : i32
      %add3A_283 = arith.addi %add3A_168, %add3A_282 : i32
      %mul3A_284 = arith.constant 16 : i32
      %mul3A_285 = arith.muli %add3A_283, %mul3A_284 : i32
      "tpu.region"() ({
        %run_scoped3A = tpu.sem_alloc : memref<!tpu.dma_semaphore, #tpu.memory_space<semaphore_mem>>
        %dma_start3A_286 = arith.constant 0 : i32
        %dma_start3A_287 = tpu.memref_slice %arg2[%dma_start3A_286, %mul3A_285] : memref<10000x128xf32, #tpu.memory_space<hbm>> -> memref<10000x16xf32, #tpu.memory_space<hbm>>
        tpu.enqueue_dma source(%dma_start3A_287 : memref<10000x16xf32, #tpu.memory_space<hbm>>) target(%arg15 : memref<10000x16xf32, #tpu.memory_space<vmem_shared>>) target_semaphore(%run_scoped3A : memref<!tpu.dma_semaphore, #tpu.memory_space<semaphore_mem>>)
        %dma_wait3A_288 = arith.constant 0 : i32
        %dma_wait3A_289 = tpu.memref_slice %arg2[%dma_wait3A_288, %mul3A_285] : memref<10000x128xf32, #tpu.memory_space<hbm>> -> memref<10000x16xf32, #tpu.memory_space<hbm>>
        tpu.wait_dma2 semaphore(%run_scoped3A : memref<!tpu.dma_semaphore, #tpu.memory_space<semaphore_mem>>) src(%dma_wait3A_289 : memref<10000x16xf32, #tpu.memory_space<hbm>>) dst(%arg15 : memref<10000x16xf32, #tpu.memory_space<vmem_shared>>)
        tpu.yield
      }) : () -> ()
    } else {
    }
    %mul3A_236 = arith.constant 4 : i32
    %mul3A_237 = arith.muli %mul3A_236, %arg0 : i32
    %add3A_238 = arith.constant 3 : i32
    %add3A_239 = arith.addi %mul3A_237, %add3A_238 : i32
    %mul3A_240 = arith.constant 16 : i32
    %mul3A_241 = arith.muli %add3A_239, %mul3A_240 : i32
    %add3A_242 = arith.constant 0 : i32
    %add3A_243 = arith.addi %mul3A_5, %add3A_242 : i32
    %multiple_of3A_244 = tpu.assume_multiple %add3A_243, 8 : i32
    %dma_start3A_245 = arith.constant 0 : i32
    %dma_start3A_246 = tpu.memref_slice %arg3[%dma_start3A_245, %multiple_of3A_244] : memref<2x320000xi32, #tpu.memory_space<hbm>> -> memref<2x800xi32, #tpu.memory_space<hbm>>
    %dma_start3A_247 = arith.constant 0 : i32
    %dma_start3A_248 = tpu.memref_slice %arg3[%dma_start3A_247, %multiple_of3A_244] : memref<2x320000xi32, #tpu.memory_space<hbm>> -> memref<2x800xi32, #tpu.memory_space<hbm>>
    tpu.enqueue_dma source(%dma_start3A_248 : memref<2x800xi32, #tpu.memory_space<hbm>>) target(%arg5 : memref<2x800xi32, #tpu.memory_space<vmem>>) target_semaphore(%arg16 : memref<!tpu.dma_semaphore, #tpu.memory_space<semaphore_mem>>)
    %barrier3A_249 = arith.constant 0 : index
    tpu.barrier barrier_id(%barrier3A_249)
    %dma_wait3A_250 = arith.constant 0 : i32
    %dma_wait3A_251 = arith.constant 0 : i32
    %dma_wait3A_252 = tpu.memref_slice %arg3[%dma_wait3A_250, %dma_wait3A_251] : memref<2x320000xi32, #tpu.memory_space<hbm>> -> memref<2x800xi32, #tpu.memory_space<hbm>>
    %dma_wait3A_253 = arith.constant 0 : i32
    %dma_wait3A_254 = arith.constant 0 : i32
    %dma_wait3A_255 = tpu.memref_slice %arg3[%dma_wait3A_253, %dma_wait3A_254] : memref<2x320000xi32, #tpu.memory_space<hbm>> -> memref<2x800xi32, #tpu.memory_space<hbm>>
    tpu.wait_dma2 semaphore(%arg16 : memref<!tpu.dma_semaphore, #tpu.memory_space<semaphore_mem>>) src(%dma_wait3A_255 : memref<2x800xi32, #tpu.memory_space<hbm>>) dst(%arg5 : memref<2x800xi32, #tpu.memory_space<vmem>>)
    %scan3A_256 = arith.constant 0 : i32
    %scan3A_257 = arith.constant 50 : i32
    %scan3A_258 = arith.addi %scan3A_256, %scan3A_257 : i32
    %scan3A_259 = arith.constant 1 : i32
    scf.for %scan3A_282 = %scan3A_256 to %scan3A_258 step %scan3A_259  : i32 {
      %mul3A_283 = arith.constant 16 : i32
      %mul3A_284 = arith.muli %scan3A_282, %mul3A_283 : i32
      %get3A = arith.constant 0 : i32
      %get3A_285 = arith.index_cast %get3A : i32 to index
      %get3A_286 = arith.index_cast %mul3A_284 : i32 to index
      %get3A_287 = tpu.vector_load %arg5[%get3A_285, %get3A_286] {strides = array<i32>} : memref<2x800xi32, #tpu.memory_space<vmem>>, vector<1x16xi32>,
      %get3A_288 = vector.shape_cast %get3A_287 : vector<1x16xi32> to vector<16xi32>
      %mul3A_289 = arith.constant 16 : i32
      %mul3A_290 = arith.muli %scan3A_282, %mul3A_289 : i32
      %get3A_291 = arith.constant 1 : i32
      %get3A_292 = arith.index_cast %get3A_291 : i32 to index
      %get3A_293 = arith.index_cast %mul3A_290 : i32 to index
      %get3A_294 = tpu.vector_load %arg5[%get3A_292, %get3A_293] {strides = array<i32>} : memref<2x800xi32, #tpu.memory_space<vmem>>, vector<1x16xi32>,
      %get3A_295 = vector.shape_cast %get3A_294 : vector<1x16xi32> to vector<16xi32>
      %mul3A_296 = arith.constant 16 : i32
      %mul3A_297 = arith.muli %scan3A_282, %mul3A_296 : i32
      %swap3A = arith.index_cast %mul3A_297 : i32 to index
      %swap3A_298 = tpu.vector_load %arg7[%swap3A] {strides = array<i32>} : memref<800xi32, #tpu.memory_space<vmem>>, vector<16xi32>,
      %swap3A_299 = vector.shape_cast %swap3A_298 : vector<16xi32> to vector<16xi32>
      %swap3A_300 = vector.shape_cast %get3A_288 : vector<16xi32> to vector<16xi32>
      tpu.vector_store %arg7[%swap3A], %swap3A_300 {strides = array<i32>} : memref<800xi32, #tpu.memory_space<vmem>>, vector<16xi32>,
      %mul3A_301 = arith.constant 16 : i32
      %mul3A_302 = arith.muli %scan3A_282, %mul3A_301 : i32
      %swap3A_303 = arith.index_cast %mul3A_302 : i32 to index
      %swap3A_304 = tpu.vector_load %arg8[%swap3A_303] {strides = array<i32>} : memref<800xi32, #tpu.memory_space<vmem>>, vector<16xi32>,
      %swap3A_305 = vector.shape_cast %swap3A_304 : vector<16xi32> to vector<16xi32>
      %swap3A_306 = vector.shape_cast %get3A_295 : vector<16xi32> to vector<16xi32>
      tpu.vector_store %arg8[%swap3A_303], %swap3A_306 {strides = array<i32>} : memref<800xi32, #tpu.memory_space<vmem>>, vector<16xi32>,
    }
    %scan3A_260 = arith.constant 50 : i32
    %add3A_261 = arith.constant 800 : i32
    %add3A_262 = arith.addi %mul3A_5, %add3A_261 : i32
    %multiple_of3A_263 = tpu.assume_multiple %add3A_262, 8 : i32
    %dma_start3A_264 = arith.constant 0 : i32
    %dma_start3A_265 = tpu.memref_slice %arg3[%dma_start3A_264, %multiple_of3A_263] : memref<2x320000xi32, #tpu.memory_space<hbm>> -> memref<2x800xi32, #tpu.memory_space<hbm>>
    %dma_start3A_266 = arith.constant 0 : i32
    %dma_start3A_267 = tpu.memref_slice %arg3[%dma_start3A_266, %multiple_of3A_263] : memref<2x320000xi32, #tpu.memory_space<hbm>> -> memref<2x800xi32, #tpu.memory_space<hbm>>
    tpu.enqueue_dma source(%dma_start3A_267 : memref<2x800xi32, #tpu.memory_space<hbm>>) target(%arg6 : memref<2x800xi32, #tpu.memory_space<vmem>>) target_semaphore(%arg17 : memref<!tpu.dma_semaphore, #tpu.memory_space<semaphore_mem>>)
    %dma_start3A_268 = arith.constant 0 : i32
    %dma_start3A_269 = arith.constant 0 : i32
    %dma_start3A_270 = tpu.memref_slice %arg15[%dma_start3A_268, %dma_start3A_269] : memref<10000x16xf32, #tpu.memory_space<vmem_shared>> -> memref<10000x16xf32, #tpu.memory_space<vmem_shared>>
    tpu.enqueue_indirect_dma source(%dma_start3A_270 : memref<10000x16xf32, #tpu.memory_space<vmem_shared>>) target(%arg11 : memref<800x16xf32, #tpu.memory_space<vmem>>) offsets(%arg7 : memref<800xi32, #tpu.memory_space<vmem>>) semaphore(%arg18 : memref<!tpu.dma_semaphore, #tpu.memory_space<semaphore_mem>>)
    %scan3A_271 = arith.constant 0 : i32
    %scan3A_272 = arith.constant 12 : i32
    %scan3A_273 = arith.addi %scan3A_271, %scan3A_272 : i32
    %scan3A_274 = arith.constant 1 : i32
    scf.for %scan3A_282 = %scan3A_271 to %scan3A_273 step %scan3A_274  : i32 {
      %dma_wait3A_283 = arith.constant 0 : i32
      %dma_wait3A_284 = arith.constant 0 : i32
      %dma_wait3A_285 = tpu.memref_slice %arg3[%dma_wait3A_283, %dma_wait3A_284] : memref<2x320000xi32, #tpu.memory_space<hbm>> -> memref<2x800xi32, #tpu.memory_space<hbm>>
      %dma_wait3A_286 = arith.constant 0 : i32
      %dma_wait3A_287 = arith.constant 0 : i32
      %dma_wait3A_288 = tpu.memref_slice %arg3[%dma_wait3A_286, %dma_wait3A_287] : memref<2x320000xi32, #tpu.memory_space<hbm>> -> memref<2x800xi32, #tpu.memory_space<hbm>>
      tpu.wait_dma2 semaphore(%arg17 : memref<!tpu.dma_semaphore, #tpu.memory_space<semaphore_mem>>) src(%dma_wait3A_288 : memref<2x800xi32, #tpu.memory_space<hbm>>) dst(%arg6 : memref<2x800xi32, #tpu.memory_space<vmem>>)
      %scan3A_289 = arith.constant 0 : i32
      %scan3A_290 = arith.constant 50 : i32
      %scan3A_291 = arith.addi %scan3A_289, %scan3A_290 : i32
      %scan3A_292 = arith.constant 1 : i32
      scf.for %scan3A_333 = %scan3A_289 to %scan3A_291 step %scan3A_292  : i32 {
        %mul3A_334 = arith.constant 16 : i32
        %mul3A_335 = arith.muli %scan3A_333, %mul3A_334 : i32
        %get3A = arith.constant 0 : i32
        %get3A_336 = arith.index_cast %get3A : i32 to index
        %get3A_337 = arith.index_cast %mul3A_335 : i32 to index
        %get3A_338 = tpu.vector_load %arg6[%get3A_336, %get3A_337] {strides = array<i32>} : memref<2x800xi32, #tpu.memory_space<vmem>>, vector<1x16xi32>,
        %get3A_339 = vector.shape_cast %get3A_338 : vector<1x16xi32> to vector<16xi32>
        %mul3A_340 = arith.constant 16 : i32
        %mul3A_341 = arith.muli %scan3A_333, %mul3A_340 : i32
        %get3A_342 = arith.constant 1 : i32
        %get3A_343 = arith.index_cast %get3A_342 : i32 to index
        %get3A_344 = arith.index_cast %mul3A_341 : i32 to index
        %get3A_345 = tpu.vector_load %arg6[%get3A_343, %get3A_344] {strides = array<i32>} : memref<2x800xi32, #tpu.memory_space<vmem>>, vector<1x16xi32>,
        %get3A_346 = vector.shape_cast %get3A_345 : vector<1x16xi32> to vector<16xi32>
        %mul3A_347 = arith.constant 16 : i32
        %mul3A_348 = arith.muli %scan3A_333, %mul3A_347 : i32
        %swap3A = arith.index_cast %mul3A_348 : i32 to index
        %swap3A_349 = tpu.vector_load %arg9[%swap3A] {strides = array<i32>} : memref<800xi32, #tpu.memory_space<vmem>>, vector<16xi32>,
        %swap3A_350 = vector.shape_cast %swap3A_349 : vector<16xi32> to vector<16xi32>
        %swap3A_351 = vector.shape_cast %get3A_339 : vector<16xi32> to vector<16xi32>
        tpu.vector_store %arg9[%swap3A], %swap3A_351 {strides = array<i32>} : memref<800xi32, #tpu.memory_space<vmem>>, vector<16xi32>,
        %mul3A_352 = arith.constant 16 : i32
        %mul3A_353 = arith.muli %scan3A_333, %mul3A_352 : i32
        %swap3A_354 = arith.index_cast %mul3A_353 : i32 to index
        %swap3A_355 = tpu.vector_load %arg10[%swap3A_354] {strides = array<i32>} : memref<800xi32, #tpu.memory_space<vmem>>, vector<16xi32>,
        %swap3A_356 = vector.shape_cast %swap3A_355 : vector<16xi32> to vector<16xi32>
        %swap3A_357 = vector.shape_cast %get3A_346 : vector<16xi32> to vector<16xi32>
        tpu.vector_store %arg10[%swap3A_354], %swap3A_357 {strides = array<i32>} : memref<800xi32, #tpu.memory_space<vmem>>, vector<16xi32>,
      }
      %scan3A_293 = arith.constant 50 : i32
      %mul3A_294 = arith.constant 2 : i32
      %mul3A_295 = arith.muli %mul3A_294, %scan3A_282 : i32
      %add3A_296 = arith.constant 2 : i32
      %add3A_297 = arith.addi %mul3A_295, %add3A_296 : i32
      %mul3A_298 = arith.constant 800 : i32
      %mul3A_299 = arith.muli %add3A_297, %mul3A_298 : i32
      %add3A_300 = arith.addi %mul3A_5, %mul3A_299 : i32
      %multiple_of3A_301 = tpu.assume_multiple %add3A_300, 8 : i32
      %dma_start3A_302 = arith.constant 0 : i32
      %dma_start3A_303 = tpu.memref_slice %arg3[%dma_start3A_302, %multiple_of3A_301] : memref<2x320000xi32, #tpu.memory_space<hbm>> -> memref<2x800xi32, #tpu.memory_space<hbm>>
      %dma_start3A_304 = arith.constant 0 : i32
      %dma_start3A_305 = tpu.memref_slice %arg3[%dma_start3A_304, %multiple_of3A_301] : memref<2x320000xi32, #tpu.memory_space<hbm>> -> memref<2x800xi32, #tpu.memory_space<hbm>>
      tpu.enqueue_dma source(%dma_start3A_305 : memref<2x800xi32, #tpu.memory_space<hbm>>) target(%arg5 : memref<2x800xi32, #tpu.memory_space<vmem>>) target_semaphore(%arg16 : memref<!tpu.dma_semaphore, #tpu.memory_space<semaphore_mem>>)
      %dma_wait3A_306 = arith.constant 0 : i32
      %dma_wait3A_307 = arith.constant 0 : i32
      %dma_wait3A_308 = tpu.memref_slice %arg15[%dma_wait3A_306, %dma_wait3A_307] : memref<10000x16xf32, #tpu.memory_space<vmem_shared>> -> memref<10000x16xf32, #tpu.memory_space<vmem_shared>>
      tpu.wait_indirect_dma semaphore(%arg18 : memref<!tpu.dma_semaphore, #tpu.memory_space<semaphore_mem>>) src(%dma_wait3A_308 : memref<10000x16xf32, #tpu.memory_space<vmem_shared>>) dst(%arg11 : memref<800x16xf32, #tpu.memory_space<vmem>>)
      %dma_start3A_309 = arith.constant 0 : i32
      %dma_start3A_310 = arith.constant 0 : i32
      %dma_start3A_311 = tpu.memref_slice %arg15[%dma_start3A_309, %dma_start3A_310] : memref<10000x16xf32, #tpu.memory_space<vmem_shared>> -> memref<10000x16xf32, #tpu.memory_space<vmem_shared>>
      tpu.enqueue_indirect_dma source(%dma_start3A_311 : memref<10000x16xf32, #tpu.memory_space<vmem_shared>>) target(%arg12 : memref<800x16xf32, #tpu.memory_space<vmem>>) offsets(%arg9 : memref<800xi32, #tpu.memory_space<vmem>>) semaphore(%arg19 : memref<!tpu.dma_semaphore, #tpu.memory_space<semaphore_mem>>)
      "tpu.region"() ({
        %run_scoped3A = tpu.sem_alloc : memref<!tpu.dma_semaphore, #tpu.memory_space<semaphore_mem>>
        %dma_start3A_333 = arith.constant 0 : i32
        %dma_start3A_334 = arith.constant 0 : i32
        %dma_start3A_335 = tpu.memref_slice %arg14[%dma_start3A_333, %dma_start3A_334] : memref<60000x16xf32, #tpu.memory_space<vmem_shared>> -> memref<60000x16xf32, #tpu.memory_space<vmem_shared>>
        tpu.enqueue_indirect_dma source(%arg11 : memref<800x16xf32, #tpu.memory_space<vmem>>) target(%dma_start3A_335 : memref<60000x16xf32, #tpu.memory_space<vmem_shared>>) offsets(%arg8 : memref<800xi32, #tpu.memory_space<vmem>>) semaphore(%run_scoped3A : memref<!tpu.dma_semaphore, #tpu.memory_space<semaphore_mem>>) {add = true}
        %dma_wait3A_336 = arith.constant 0 : i32
        %dma_wait3A_337 = arith.constant 0 : i32
        %dma_wait3A_338 = tpu.memref_slice %arg14[%dma_wait3A_336, %dma_wait3A_337] : memref<60000x16xf32, #tpu.memory_space<vmem_shared>> -> memref<60000x16xf32, #tpu.memory_space<vmem_shared>>
        tpu.wait_indirect_dma semaphore(%run_scoped3A : memref<!tpu.dma_semaphore, #tpu.memory_space<semaphore_mem>>) src(%arg11 : memref<800x16xf32, #tpu.memory_space<vmem>>) dst(%dma_wait3A_338 : memref<60000x16xf32, #tpu.memory_space<vmem_shared>>)
        tpu.yield
      }) : () -> ()
      %dma_wait3A_312 = arith.constant 0 : i32
      %dma_wait3A_313 = arith.constant 0 : i32
      %dma_wait3A_314 = tpu.memref_slice %arg3[%dma_wait3A_312, %dma_wait3A_313] : memref<2x320000xi32, #tpu.memory_space<hbm>> -> memref<2x800xi32, #tpu.memory_space<hbm>>
      %dma_wait3A_315 = arith.constant 0 : i32
      %dma_wait3A_316 = arith.constant 0 : i32
      %dma_wait3A_317 = tpu.memref_slice %arg3[%dma_wait3A_315, %dma_wait3A_316] : memref<2x320000xi32, #tpu.memory_space<hbm>> -> memref<2x800xi32, #tpu.memory_space<hbm>>
      tpu.wait_dma2 semaphore(%arg16 : memref<!tpu.dma_semaphore, #tpu.memory_space<semaphore_mem>>) src(%dma_wait3A_317 : memref<2x800xi32, #tpu.memory_space<hbm>>) dst(%arg5 : memref<2x800xi32, #tpu.memory_space<vmem>>)
      %scan3A_318 = arith.constant 0 : i32
      %scan3A_319 = arith.constant 50 : i32
      %scan3A_320 = arith.addi %scan3A_318, %scan3A_319 : i32
      %scan3A_321 = arith.constant 1 : i32
      scf.for %scan3A_333 = %scan3A_318 to %scan3A_320 step %scan3A_321  : i32 {
        %mul3A_334 = arith.constant 16 : i32
        %mul3A_335 = arith.muli %scan3A_333, %mul3A_334 : i32
        %get3A = arith.constant 0 : i32
        %get3A_336 = arith.index_cast %get3A : i32 to index
        %get3A_337 = arith.index_cast %mul3A_335 : i32 to index
        %get3A_338 = tpu.vector_load %arg5[%get3A_336, %get3A_337] {strides = array<i32>} : memref<2x800xi32, #tpu.memory_space<vmem>>, vector<1x16xi32>,
        %get3A_339 = vector.shape_cast %get3A_338 : vector<1x16xi32> to vector<16xi32>
        %mul3A_340 = arith.constant 16 : i32
        %mul3A_341 = arith.muli %scan3A_333, %mul3A_340 : i32
        %get3A_342 = arith.constant 1 : i32
        %get3A_343 = arith.index_cast %get3A_342 : i32 to index
        %get3A_344 = arith.index_cast %mul3A_341 : i32 to index
        %get3A_345 = tpu.vector_load %arg5[%get3A_343, %get3A_344] {strides = array<i32>} : memref<2x800xi32, #tpu.memory_space<vmem>>, vector<1x16xi32>,
        %get3A_346 = vector.shape_cast %get3A_345 : vector<1x16xi32> to vector<16xi32>
        %mul3A_347 = arith.constant 16 : i32
        %mul3A_348 = arith.muli %scan3A_333, %mul3A_347 : i32
        %swap3A = arith.index_cast %mul3A_348 : i32 to index
        %swap3A_349 = tpu.vector_load %arg7[%swap3A] {strides = array<i32>} : memref<800xi32, #tpu.memory_space<vmem>>, vector<16xi32>,
        %swap3A_350 = vector.shape_cast %swap3A_349 : vector<16xi32> to vector<16xi32>
        %swap3A_351 = vector.shape_cast %get3A_339 : vector<16xi32> to vector<16xi32>
        tpu.vector_store %arg7[%swap3A], %swap3A_351 {strides = array<i32>} : memref<800xi32, #tpu.memory_space<vmem>>, vector<16xi32>,
        %mul3A_352 = arith.constant 16 : i32
        %mul3A_353 = arith.muli %scan3A_333, %mul3A_352 : i32
        %swap3A_354 = arith.index_cast %mul3A_353 : i32 to index
        %swap3A_355 = tpu.vector_load %arg8[%swap3A_354] {strides = array<i32>} : memref<800xi32, #tpu.memory_space<vmem>>, vector<16xi32>,
        %swap3A_356 = vector.shape_cast %swap3A_355 : vector<16xi32> to vector<16xi32>
        %swap3A_357 = vector.shape_cast %get3A_346 : vector<16xi32> to vector<16xi32>
        tpu.vector_store %arg8[%swap3A_354], %swap3A_357 {strides = array<i32>} : memref<800xi32, #tpu.memory_space<vmem>>, vector<16xi32>,
      }
      %scan3A_322 = arith.constant 50 : i32
      %lt3A = arith.constant 11 : i32
      %lt3A_323 = arith.cmpi slt, %scan3A_282, %lt3A : i32
      %convert_element_type3A_324 = arith.extui %lt3A_323 : i1 to i32
      %cond3A_325 = arith.constant 0 : i32
      %cond3A_326 = arith.cmpi ne, %convert_element_type3A_324, %cond3A_325 : i32
      scf.if %cond3A_326 {
        %mul3A_333 = arith.constant 2 : i32
        %mul3A_334 = arith.muli %mul3A_333, %scan3A_282 : i32
        %add3A_335 = arith.constant 3 : i32
        %add3A_336 = arith.addi %mul3A_334, %add3A_335 : i32
        %mul3A_337 = arith.constant 800 : i32
        %mul3A_338 = arith.muli %add3A_336, %mul3A_337 : i32
        %add3A_339 = arith.addi %mul3A_5, %mul3A_338 : i32
        %multiple_of3A_340 = tpu.assume_multiple %add3A_339, 8 : i32
        %dma_start3A_341 = arith.constant 0 : i32
        %dma_start3A_342 = tpu.memref_slice %arg3[%dma_start3A_341, %multiple_of3A_340] : memref<2x320000xi32, #tpu.memory_space<hbm>> -> memref<2x800xi32, #tpu.memory_space<hbm>>
        %dma_start3A_343 = arith.constant 0 : i32
        %dma_start3A_344 = tpu.memref_slice %arg3[%dma_start3A_343, %multiple_of3A_340] : memref<2x320000xi32, #tpu.memory_space<hbm>> -> memref<2x800xi32, #tpu.memory_space<hbm>>
        tpu.enqueue_dma source(%dma_start3A_344 : memref<2x800xi32, #tpu.memory_space<hbm>>) target(%arg6 : memref<2x800xi32, #tpu.memory_space<vmem>>) target_semaphore(%arg17 : memref<!tpu.dma_semaphore, #tpu.memory_space<semaphore_mem>>)
      } else {
      }
      %dma_wait3A_327 = arith.constant 0 : i32
      %dma_wait3A_328 = arith.constant 0 : i32
      %dma_wait3A_329 = tpu.memref_slice %arg15[%dma_wait3A_327, %dma_wait3A_328] : memref<10000x16xf32, #tpu.memory_space<vmem_shared>> -> memref<10000x16xf32, #tpu.memory_space<vmem_shared>>
      tpu.wait_indirect_dma semaphore(%arg19 : memref<!tpu.dma_semaphore, #tpu.memory_space<semaphore_mem>>) src(%dma_wait3A_329 : memref<10000x16xf32, #tpu.memory_space<vmem_shared>>) dst(%arg12 : memref<800x16xf32, #tpu.memory_space<vmem>>)
      %dma_start3A_330 = arith.constant 0 : i32
      %dma_start3A_331 = arith.constant 0 : i32
      %dma_start3A_332 = tpu.memref_slice %arg15[%dma_start3A_330, %dma_start3A_331] : memref<10000x16xf32, #tpu.memory_space<vmem_shared>> -> memref<10000x16xf32, #tpu.memory_space<vmem_shared>>
      tpu.enqueue_indirect_dma source(%dma_start3A_332 : memref<10000x16xf32, #tpu.memory_space<vmem_shared>>) target(%arg11 : memref<800x16xf32, #tpu.memory_space<vmem>>) offsets(%arg7 : memref<800xi32, #tpu.memory_space<vmem>>) semaphore(%arg18 : memref<!tpu.dma_semaphore, #tpu.memory_space<semaphore_mem>>)
      "tpu.region"() ({
        %run_scoped3A = tpu.sem_alloc : memref<!tpu.dma_semaphore, #tpu.memory_space<semaphore_mem>>
        %dma_start3A_333 = arith.constant 0 : i32
        %dma_start3A_334 = arith.constant 0 : i32
        %dma_start3A_335 = tpu.memref_slice %arg14[%dma_start3A_333, %dma_start3A_334] : memref<60000x16xf32, #tpu.memory_space<vmem_shared>> -> memref<60000x16xf32, #tpu.memory_space<vmem_shared>>
        tpu.enqueue_indirect_dma source(%arg12 : memref<800x16xf32, #tpu.memory_space<vmem>>) target(%dma_start3A_335 : memref<60000x16xf32, #tpu.memory_space<vmem_shared>>) offsets(%arg10 : memref<800xi32, #tpu.memory_space<vmem>>) semaphore(%run_scoped3A : memref<!tpu.dma_semaphore, #tpu.memory_space<semaphore_mem>>) {add = true}
        %dma_wait3A_336 = arith.constant 0 : i32
        %dma_wait3A_337 = arith.constant 0 : i32
        %dma_wait3A_338 = tpu.memref_slice %arg14[%dma_wait3A_336, %dma_wait3A_337] : memref<60000x16xf32, #tpu.memory_space<vmem_shared>> -> memref<60000x16xf32, #tpu.memory_space<vmem_shared>>
        tpu.wait_indirect_dma semaphore(%run_scoped3A : memref<!tpu.dma_semaphore, #tpu.memory_space<semaphore_mem>>) src(%arg12 : memref<800x16xf32, #tpu.memory_space<vmem>>) dst(%dma_wait3A_338 : memref<60000x16xf32, #tpu.memory_space<vmem_shared>>)
        tpu.yield
      }) : () -> ()
    }
    %scan3A_275 = arith.constant 12 : i32
    %dma_wait3A_276 = arith.constant 0 : i32
    %dma_wait3A_277 = arith.constant 0 : i32
    %dma_wait3A_278 = tpu.memref_slice %arg15[%dma_wait3A_276, %dma_wait3A_277] : memref<10000x16xf32, #tpu.memory_space<vmem_shared>> -> memref<10000x16xf32, #tpu.memory_space<vmem_shared>>
    tpu.wait_indirect_dma semaphore(%arg18 : memref<!tpu.dma_semaphore, #tpu.memory_space<semaphore_mem>>) src(%dma_wait3A_278 : memref<10000x16xf32, #tpu.memory_space<vmem_shared>>) dst(%arg11 : memref<800x16xf32, #tpu.memory_space<vmem>>)
    "tpu.region"() ({
      %run_scoped3A = tpu.sem_alloc : memref<!tpu.dma_semaphore, #tpu.memory_space<semaphore_mem>>
      %dma_start3A_282 = arith.constant 0 : i32
      %dma_start3A_283 = arith.constant 0 : i32
      %dma_start3A_284 = tpu.memref_slice %arg14[%dma_start3A_282, %dma_start3A_283] : memref<60000x16xf32, #tpu.memory_space<vmem_shared>> -> memref<60000x16xf32, #tpu.memory_space<vmem_shared>>
      tpu.enqueue_indirect_dma source(%arg11 : memref<800x16xf32, #tpu.memory_space<vmem>>) target(%dma_start3A_284 : memref<60000x16xf32, #tpu.memory_space<vmem_shared>>) offsets(%arg8 : memref<800xi32, #tpu.memory_space<vmem>>) semaphore(%run_scoped3A : memref<!tpu.dma_semaphore, #tpu.memory_space<semaphore_mem>>) {add = true}
      %dma_wait3A_285 = arith.constant 0 : i32
      %dma_wait3A_286 = arith.constant 0 : i32
      %dma_wait3A_287 = tpu.memref_slice %arg14[%dma_wait3A_285, %dma_wait3A_286] : memref<60000x16xf32, #tpu.memory_space<vmem_shared>> -> memref<60000x16xf32, #tpu.memory_space<vmem_shared>>
      tpu.wait_indirect_dma semaphore(%run_scoped3A : memref<!tpu.dma_semaphore, #tpu.memory_space<semaphore_mem>>) src(%arg11 : memref<800x16xf32, #tpu.memory_space<vmem>>) dst(%dma_wait3A_287 : memref<60000x16xf32, #tpu.memory_space<vmem_shared>>)
      tpu.yield
    }) : () -> ()
    %barrier3A_279 = arith.constant 0 : index
    tpu.barrier barrier_id(%barrier3A_279)
    %mul3A_280 = arith.constant 3750 : i32
    %mul3A_281 = arith.muli %arg1, %mul3A_280 : i32
    "tpu.region"() ({
      %run_scoped3A = tpu.sem_alloc : memref<!tpu.dma_semaphore, #tpu.memory_space<semaphore_mem>>
      %dma_start3A_282 = tpu.memref_slice %arg4[%mul3A_281, %mul3A_241] : memref<60000x128xf32, #tpu.memory_space<hbm>> -> memref<3750x16xf32, #tpu.memory_space<hbm>>
      %dma_start3A_283 = arith.constant 0 : i32
      %dma_start3A_284 = tpu.memref_slice %arg14[%mul3A_281, %dma_start3A_283] : memref<60000x16xf32, #tpu.memory_space<vmem_shared>> -> memref<3750x16xf32, #tpu.memory_space<vmem_shared>>
      tpu.enqueue_dma source(%dma_start3A_284 : memref<3750x16xf32, #tpu.memory_space<vmem_shared>>) target(%dma_start3A_282 : memref<3750x16xf32, #tpu.memory_space<hbm>>) target_semaphore(%run_scoped3A : memref<!tpu.dma_semaphore, #tpu.memory_space<semaphore_mem>>)
      %dma_wait3A_285 = tpu.memref_slice %arg4[%mul3A_281, %mul3A_241] : memref<60000x128xf32, #tpu.memory_space<hbm>> -> memref<3750x16xf32, #tpu.memory_space<hbm>>
      %dma_wait3A_286 = arith.constant 0 : i32
      %dma_wait3A_287 = tpu.memref_slice %arg14[%mul3A_281, %dma_wait3A_286] : memref<60000x16xf32, #tpu.memory_space<vmem_shared>> -> memref<3750x16xf32, #tpu.memory_space<vmem_shared>>
      tpu.wait_dma2 semaphore(%run_scoped3A : memref<!tpu.dma_semaphore, #tpu.memory_space<semaphore_mem>>) src(%dma_wait3A_287 : memref<3750x16xf32, #tpu.memory_space<vmem_shared>>) dst(%dma_wait3A_285 : memref<3750x16xf32, #tpu.memory_space<hbm>>)
      tpu.yield
    }) : () -> ()
    return
  }
}

#map = affine_map<(d0, d1) -> (0, 0)>
module attributes {stable_mosaic.version = 14 : i64} {
  func.func @_scatter_body(%arg0: i32, %arg1: i32, %arg2: memref<10000x128xf32, #tpu.memory_space<hbm>>, %arg3: memref<2x320000xi32, #tpu.memory_space<hbm>>, %arg4: memref<60000x128xf32, #tpu.memory_space<hbm>>, %arg5: memref<2x800xi32, #tpu.memory_space<vmem>>, %arg6: memref<2x800xi32, #tpu.memory_space<vmem>>, %arg7: memref<800xi32, #tpu.memory_space<vmem>>, %arg8: memref<800xi32, #tpu.memory_space<vmem>>, %arg9: memref<800xi32, #tpu.memory_space<vmem>>, %arg10: memref<800xi32, #tpu.memory_space<vmem>>, %arg11: memref<800x16xf32, #tpu.memory_space<vmem>>, %arg12: memref<800x16xf32, #tpu.memory_space<vmem>>, %arg13: memref<750x16xf32, #tpu.memory_space<vmem>>, %arg14: memref<60000x16xf32, #tpu.memory_space<vmem_shared>>, %arg15: memref<10000x16xf32, #tpu.memory_space<vmem_shared>>, %arg16: memref<!tpu.dma_semaphore, #tpu.memory_space<semaphore_mem>>, %arg17: memref<!tpu.dma_semaphore, #tpu.memory_space<semaphore_mem>>, %arg18: memref<!tpu.dma_semaphore, #tpu.memory_space<semaphore_mem>>, %arg19: memref<!tpu.dma_semaphore, #tpu.memory_space<semaphore_mem>>) attributes {dimension_semantics = [#tpu.dimension_semantics<core_parallel>, #tpu.dimension_semantics<subcore_parallel>], iteration_bounds = array<i64: 2, 16>, scalar_prefetch = 0 : i64, scratch_operands = 15 : i64, tpu.core_type = #tpu.core_type<sc_vector_subcore>, window_params = [{transform_indices = #map}, {transform_indices = #map}, {transform_indices = #map}]} {
    %broadcast_in_dim3A = arith.constant 0.000000e+00 : f32
    %broadcast_in_dim3A_0 = vector.broadcast %broadcast_in_dim3A : f32 to vector<16xf32>
    %scan3A = arith.constant 0 : i32
    %scan3A_1 = arith.constant 750 : i32
    %scan3A_2 = arith.addi %scan3A, %scan3A_1 : i32
    %scan3A_3 = arith.constant 1 : i32
    scf.for %scan3A_282 = %scan3A to %scan3A_2 step %scan3A_3  : i32 {
      %swap3A = arith.index_cast %scan3A_282 : i32 to index
      %swap3A_283 = arith.constant 0 : index
      %swap3A_284 = tpu.vector_load %arg13[%swap3A, %swap3A_283] {strides = array<i32>} : memref<750x16xf32, #tpu.memory_space<vmem>>, vector<1x16xf32>,
      %swap3A_285 = vector.shape_cast %swap3A_284 : vector<1x16xf32> to vector<16xf32>
      %swap3A_286 = vector.shape_cast %broadcast_in_dim3A_0 : vector<16xf32> to vector<1x16xf32>
      tpu.vector_store %arg13[%swap3A, %swap3A_283], %swap3A_286 {strides = array<i32>} : memref<750x16xf32, #tpu.memory_space<vmem>>, vector<1x16xf32>,
    }
    %scan3A_4 = arith.constant 750 : i32
    %mul3A = arith.constant 20000 : i32
    %mul3A_5 = arith.muli %arg1, %mul3A : i32
    %mul3A_6 = arith.constant 4 : i32
    %mul3A_7 = arith.muli %mul3A_6, %arg0 : i32
    %add3A = arith.constant 0 : i32
    %add3A_8 = arith.addi %mul3A_7, %add3A : i32
    %mul3A_9 = arith.constant 16 : i32
    %mul3A_10 = arith.muli %add3A_8, %mul3A_9 : i32
    %add3A_11 = arith.constant 0 : i32
    %add3A_12 = arith.addi %mul3A_5, %add3A_11 : i32
    %multiple_of3A = tpu.assume_multiple %add3A_12, 8 : i32
    %dma_start3A = arith.constant 0 : i32
    %dma_start3A_13 = tpu.memref_slice %arg3[%dma_start3A, %multiple_of3A] : memref<2x320000xi32, #tpu.memory_space<hbm>> -> memref<2x800xi32, #tpu.memory_space<hbm>>
    %dma_start3A_14 = arith.constant 0 : i32
    %dma_start3A_15 = tpu.memref_slice %arg3[%dma_start3A_14, %multiple_of3A] : memref<2x320000xi32, #tpu.memory_space<hbm>> -> memref<2x800xi32, #tpu.memory_space<hbm>>
    tpu.enqueue_dma source(%dma_start3A_15 : memref<2x800xi32, #tpu.memory_space<hbm>>) target(%arg5 : memref<2x800xi32, #tpu.memory_space<vmem>>) target_semaphore(%arg16 : memref<!tpu.dma_semaphore, #tpu.memory_space<semaphore_mem>>)
    %eq3A = arith.constant 0 : i32
    %eq3A_16 = arith.cmpi eq, %arg1, %eq3A : i32
    %convert_element_type3A = arith.extui %eq3A_16 : i1 to i32
    %cond3A = arith.constant 0 : i32
    %cond3A_17 = arith.cmpi ne, %convert_element_type3A, %cond3A : i32
    scf.if %cond3A_17 {
      %mul3A_282 = arith.constant 16 : i32
      %mul3A_283 = arith.muli %add3A_8, %mul3A_282 : i32
      "tpu.region"() ({
        %run_scoped3A = tpu.sem_alloc : memref<!tpu.dma_semaphore, #tpu.memory_space<semaphore_mem>>
        %dma_start3A_284 = arith.constant 0 : i32
        %dma_start3A_285 = tpu.memref_slice %arg2[%dma_start3A_284, %mul3A_283] : memref<10000x128xf32, #tpu.memory_space<hbm>> -> memref<10000x16xf32, #tpu.memory_space<hbm>>
        tpu.enqueue_dma source(%dma_start3A_285 : memref<10000x16xf32, #tpu.memory_space<hbm>>) target(%arg15 : memref<10000x16xf32, #tpu.memory_space<vmem_shared>>) target_semaphore(%run_scoped3A : memref<!tpu.dma_semaphore, #tpu.memory_space<semaphore_mem>>)
        %dma_wait3A_286 = arith.constant 0 : i32
        %dma_wait3A_287 = tpu.memref_slice %arg2[%dma_wait3A_286, %mul3A_283] : memref<10000x128xf32, #tpu.memory_space<hbm>> -> memref<10000x16xf32, #tpu.memory_space<hbm>>
        tpu.wait_dma2 semaphore(%run_scoped3A : memref<!tpu.dma_semaphore, #tpu.memory_space<semaphore_mem>>) src(%dma_wait3A_287 : memref<10000x16xf32, #tpu.memory_space<hbm>>) dst(%arg15 : memref<10000x16xf32, #tpu.memory_space<vmem_shared>>)
        tpu.yield
      }) : () -> ()
    } else {
    }
    %mul3A_18 = arith.constant 3750 : i32
    %mul3A_19 = arith.muli %arg1, %mul3A_18 : i32
    %add3A_20 = arith.constant 0 : i32
    %add3A_21 = arith.addi %mul3A_19, %add3A_20 : i32
    "tpu.region"() ({
      %run_scoped3A = tpu.sem_alloc : memref<!tpu.dma_semaphore, #tpu.memory_space<semaphore_mem>>
      %dma_start3A_282 = arith.constant 0 : i32
      %dma_start3A_283 = tpu.memref_slice %arg14[%add3A_21, %dma_start3A_282] : memref<60000x16xf32, #tpu.memory_space<vmem_shared>> -> memref<750x16xf32, #tpu.memory_space<vmem_shared>>
      %dma_start3A_284 = arith.constant 0 : i32
      %dma_start3A_285 = tpu.memref_slice %arg14[%add3A_21, %dma_start3A_284] : memref<60000x16xf32, #tpu.memory_space<vmem_shared>> -> memref<750x16xf32, #tpu.memory_space<vmem_shared>>
      tpu.enqueue_dma source(%arg13 : memref<750x16xf32, #tpu.memory_space<vmem>>) target(%dma_start3A_285 : memref<750x16xf32, #tpu.memory_space<vmem_shared>>) target_semaphore(%run_scoped3A : memref<!tpu.dma_semaphore, #tpu.memory_space<semaphore_mem>>)
      %dma_wait3A_286 = arith.constant 0 : i32
      %dma_wait3A_287 = tpu.memref_slice %arg14[%add3A_21, %dma_wait3A_286] : memref<60000x16xf32, #tpu.memory_space<vmem_shared>> -> memref<750x16xf32, #tpu.memory_space<vmem_shared>>
      %dma_wait3A_288 = arith.constant 0 : i32
      %dma_wait3A_289 = tpu.memref_slice %arg14[%add3A_21, %dma_wait3A_288] : memref<60000x16xf32, #tpu.memory_space<vmem_shared>> -> memref<750x16xf32, #tpu.memory_space<vmem_shared>>
      tpu.wait_dma2 semaphore(%run_scoped3A : memref<!tpu.dma_semaphore, #tpu.memory_space<semaphore_mem>>) src(%arg13 : memref<750x16xf32, #tpu.memory_space<vmem>>) dst(%dma_wait3A_289 : memref<750x16xf32, #tpu.memory_space<vmem_shared>>)
      tpu.yield
    }) : () -> ()
    %mul3A_22 = arith.constant 3750 : i32
    %mul3A_23 = arith.muli %arg1, %mul3A_22 : i32
    %add3A_24 = arith.constant 750 : i32
    %add3A_25 = arith.addi %mul3A_23, %add3A_24 : i32
    "tpu.region"() ({
      %run_scoped3A = tpu.sem_alloc : memref<!tpu.dma_semaphore, #tpu.memory_space<semaphore_mem>>
      %dma_start3A_282 = arith.constant 0 : i32
      %dma_start3A_283 = tpu.memref_slice %arg14[%add3A_25, %dma_start3A_282] : memref<60000x16xf32, #tpu.memory_space<vmem_shared>> -> memref<750x16xf32, #tpu.memory_space<vmem_shared>>
      %dma_start3A_284 = arith.constant 0 : i32
      %dma_start3A_285 = tpu.memref_slice %arg14[%add3A_25, %dma_start3A_284] : memref<60000x16xf32, #tpu.memory_space<vmem_shared>> -> memref<750x16xf32, #tpu.memory_space<vmem_shared>>
      tpu.enqueue_dma source(%arg13 : memref<750x16xf32, #tpu.memory_space<vmem>>) target(%dma_start3A_285 : memref<750x16xf32, #tpu.memory_space<vmem_shared>>) target_semaphore(%run_scoped3A : memref<!tpu.dma_semaphore, #tpu.memory_space<semaphore_mem>>)
      %dma_wait3A_286 = arith.constant 0 : i32
      %dma_wait3A_287 = tpu.memref_slice %arg14[%add3A_25, %dma_wait3A_286] : memref<60000x16xf32, #tpu.memory_space<vmem_shared>> -> memref<750x16xf32, #tpu.memory_space<vmem_shared>>
      %dma_wait3A_288 = arith.constant 0 : i32
      %dma_wait3A_289 = tpu.memref_slice %arg14[%add3A_25, %dma_wait3A_288] : memref<60000x16xf32, #tpu.memory_space<vmem_shared>> -> memref<750x16xf32, #tpu.memory_space<vmem_shared>>
      tpu.wait_dma2 semaphore(%run_scoped3A : memref<!tpu.dma_semaphore, #tpu.memory_space<semaphore_mem>>) src(%arg13 : memref<750x16xf32, #tpu.memory_space<vmem>>) dst(%dma_wait3A_289 : memref<750x16xf32, #tpu.memory_space<vmem_shared>>)
      tpu.yield
    }) : () -> ()
    %mul3A_26 = arith.constant 3750 : i32
    %mul3A_27 = arith.muli %arg1, %mul3A_26 : i32
    %add3A_28 = arith.constant 1500 : i32
    %add3A_29 = arith.addi %mul3A_27, %add3A_28 : i32
    "tpu.region"() ({
      %run_scoped3A = tpu.sem_alloc : memref<!tpu.dma_semaphore, #tpu.memory_space<semaphore_mem>>
      %dma_start3A_282 = arith.constant 0 : i32
      %dma_start3A_283 = tpu.memref_slice %arg14[%add3A_29, %dma_start3A_282] : memref<60000x16xf32, #tpu.memory_space<vmem_shared>> -> memref<750x16xf32, #tpu.memory_space<vmem_shared>>
      %dma_start3A_284 = arith.constant 0 : i32
      %dma_start3A_285 = tpu.memref_slice %arg14[%add3A_29, %dma_start3A_284] : memref<60000x16xf32, #tpu.memory_space<vmem_shared>> -> memref<750x16xf32, #tpu.memory_space<vmem_shared>>
      tpu.enqueue_dma source(%arg13 : memref<750x16xf32, #tpu.memory_space<vmem>>) target(%dma_start3A_285 : memref<750x16xf32, #tpu.memory_space<vmem_shared>>) target_semaphore(%run_scoped3A : memref<!tpu.dma_semaphore, #tpu.memory_space<semaphore_mem>>)
      %dma_wait3A_286 = arith.constant 0 : i32
      %dma_wait3A_287 = tpu.memref_slice %arg14[%add3A_29, %dma_wait3A_286] : memref<60000x16xf32, #tpu.memory_space<vmem_shared>> -> memref<750x16xf32, #tpu.memory_space<vmem_shared>>
      %dma_wait3A_288 = arith.constant 0 : i32
      %dma_wait3A_289 = tpu.memref_slice %arg14[%add3A_29, %dma_wait3A_288] : memref<60000x16xf32, #tpu.memory_space<vmem_shared>> -> memref<750x16xf32, #tpu.memory_space<vmem_shared>>
      tpu.wait_dma2 semaphore(%run_scoped3A : memref<!tpu.dma_semaphore, #tpu.memory_space<semaphore_mem>>) src(%arg13 : memref<750x16xf32, #tpu.memory_space<vmem>>) dst(%dma_wait3A_289 : memref<750x16xf32, #tpu.memory_space<vmem_shared>>)
      tpu.yield
    }) : () -> ()
    %mul3A_30 = arith.constant 3750 : i32
    %mul3A_31 = arith.muli %arg1, %mul3A_30 : i32
    %add3A_32 = arith.constant 2250 : i32
    %add3A_33 = arith.addi %mul3A_31, %add3A_32 : i32
    "tpu.region"() ({
      %run_scoped3A = tpu.sem_alloc : memref<!tpu.dma_semaphore, #tpu.memory_space<semaphore_mem>>
      %dma_start3A_282 = arith.constant 0 : i32
      %dma_start3A_283 = tpu.memref_slice %arg14[%add3A_33, %dma_start3A_282] : memref<60000x16xf32, #tpu.memory_space<vmem_shared>> -> memref<750x16xf32, #tpu.memory_space<vmem_shared>>
      %dma_start3A_284 = arith.constant 0 : i32
      %dma_start3A_285 = tpu.memref_slice %arg14[%add3A_33, %dma_start3A_284] : memref<60000x16xf32, #tpu.memory_space<vmem_shared>> -> memref<750x16xf32, #tpu.memory_space<vmem_shared>>
      tpu.enqueue_dma source(%arg13 : memref<750x16xf32, #tpu.memory_space<vmem>>) target(%dma_start3A_285 : memref<750x16xf32, #tpu.memory_space<vmem_shared>>) target_semaphore(%run_scoped3A : memref<!tpu.dma_semaphore, #tpu.memory_space<semaphore_mem>>)
      %dma_wait3A_286 = arith.constant 0 : i32
      %dma_wait3A_287 = tpu.memref_slice %arg14[%add3A_33, %dma_wait3A_286] : memref<60000x16xf32, #tpu.memory_space<vmem_shared>> -> memref<750x16xf32, #tpu.memory_space<vmem_shared>>
      %dma_wait3A_288 = arith.constant 0 : i32
      %dma_wait3A_289 = tpu.memref_slice %arg14[%add3A_33, %dma_wait3A_288] : memref<60000x16xf32, #tpu.memory_space<vmem_shared>> -> memref<750x16xf32, #tpu.memory_space<vmem_shared>>
      tpu.wait_dma2 semaphore(%run_scoped3A : memref<!tpu.dma_semaphore, #tpu.memory_space<semaphore_mem>>) src(%arg13 : memref<750x16xf32, #tpu.memory_space<vmem>>) dst(%dma_wait3A_289 : memref<750x16xf32, #tpu.memory_space<vmem_shared>>)
      tpu.yield
    }) : () -> ()
    %mul3A_34 = arith.constant 3750 : i32
    %mul3A_35 = arith.muli %arg1, %mul3A_34 : i32
    %add3A_36 = arith.constant 3000 : i32
    %add3A_37 = arith.addi %mul3A_35, %add3A_36 : i32
    "tpu.region"() ({
      %run_scoped3A = tpu.sem_alloc : memref<!tpu.dma_semaphore, #tpu.memory_space<semaphore_mem>>
      %dma_start3A_282 = arith.constant 0 : i32
      %dma_start3A_283 = tpu.memref_slice %arg14[%add3A_37, %dma_start3A_282] : memref<60000x16xf32, #tpu.memory_space<vmem_shared>> -> memref<750x16xf32, #tpu.memory_space<vmem_shared>>
      %dma_start3A_284 = arith.constant 0 : i32
      %dma_start3A_285 = tpu.memref_slice %arg14[%add3A_37, %dma_start3A_284] : memref<60000x16xf32, #tpu.memory_space<vmem_shared>> -> memref<750x16xf32, #tpu.memory_space<vmem_shared>>
      tpu.enqueue_dma source(%arg13 : memref<750x16xf32, #tpu.memory_space<vmem>>) target(%dma_start3A_285 : memref<750x16xf32, #tpu.memory_space<vmem_shared>>) target_semaphore(%run_scoped3A : memref<!tpu.dma_semaphore, #tpu.memory_space<semaphore_mem>>)
      %dma_wait3A_286 = arith.constant 0 : i32
      %dma_wait3A_287 = tpu.memref_slice %arg14[%add3A_37, %dma_wait3A_286] : memref<60000x16xf32, #tpu.memory_space<vmem_shared>> -> memref<750x16xf32, #tpu.memory_space<vmem_shared>>
      %dma_wait3A_288 = arith.constant 0 : i32
      %dma_wait3A_289 = tpu.memref_slice %arg14[%add3A_37, %dma_wait3A_288] : memref<60000x16xf32, #tpu.memory_space<vmem_shared>> -> memref<750x16xf32, #tpu.memory_space<vmem_shared>>
      tpu.wait_dma2 semaphore(%run_scoped3A : memref<!tpu.dma_semaphore, #tpu.memory_space<semaphore_mem>>) src(%arg13 : memref<750x16xf32, #tpu.memory_space<vmem>>) dst(%dma_wait3A_289 : memref<750x16xf32, #tpu.memory_space<vmem_shared>>)
      tpu.yield
    }) : () -> ()
    %barrier3A = arith.constant 0 : index
    tpu.barrier barrier_id(%barrier3A)
    %dma_wait3A = arith.constant 0 : i32
    %dma_wait3A_38 = arith.constant 0 : i32
    %dma_wait3A_39 = tpu.memref_slice %arg3[%dma_wait3A, %dma_wait3A_38] : memref<2x320000xi32, #tpu.memory_space<hbm>> -> memref<2x800xi32, #tpu.memory_space<hbm>>
    %dma_wait3A_40 = arith.constant 0 : i32
    %dma_wait3A_41 = arith.constant 0 : i32
    %dma_wait3A_42 = tpu.memref_slice %arg3[%dma_wait3A_40, %dma_wait3A_41] : memref<2x320000xi32, #tpu.memory_space<hbm>> -> memref<2x800xi32, #tpu.memory_space<hbm>>
    tpu.wait_dma2 semaphore(%arg16 : memref<!tpu.dma_semaphore, #tpu.memory_space<semaphore_mem>>) src(%dma_wait3A_42 : memref<2x800xi32, #tpu.memory_space<hbm>>) dst(%arg5 : memref<2x800xi32, #tpu.memory_space<vmem>>)
    %scan3A_43 = arith.constant 0 : i32
    %scan3A_44 = arith.constant 50 : i32
    %scan3A_45 = arith.addi %scan3A_43, %scan3A_44 : i32
    %scan3A_46 = arith.constant 1 : i32
    scf.for %scan3A_282 = %scan3A_43 to %scan3A_45 step %scan3A_46  : i32 {
      %mul3A_283 = arith.constant 16 : i32
      %mul3A_284 = arith.muli %scan3A_282, %mul3A_283 : i32
      %get3A = arith.constant 0 : i32
      %get3A_285 = arith.index_cast %get3A : i32 to index
      %get3A_286 = arith.index_cast %mul3A_284 : i32 to index
      %get3A_287 = tpu.vector_load %arg5[%get3A_285, %get3A_286] {strides = array<i32>} : memref<2x800xi32, #tpu.memory_space<vmem>>, vector<1x16xi32>,
      %get3A_288 = vector.shape_cast %get3A_287 : vector<1x16xi32> to vector<16xi32>
      %mul3A_289 = arith.constant 16 : i32
      %mul3A_290 = arith.muli %scan3A_282, %mul3A_289 : i32
      %get3A_291 = arith.constant 1 : i32
      %get3A_292 = arith.index_cast %get3A_291 : i32 to index
      %get3A_293 = arith.index_cast %mul3A_290 : i32 to index
      %get3A_294 = tpu.vector_load %arg5[%get3A_292, %get3A_293] {strides = array<i32>} : memref<2x800xi32, #tpu.memory_space<vmem>>, vector<1x16xi32>,
      %get3A_295 = vector.shape_cast %get3A_294 : vector<1x16xi32> to vector<16xi32>
      %mul3A_296 = arith.constant 16 : i32
      %mul3A_297 = arith.muli %scan3A_282, %mul3A_296 : i32
      %swap3A = arith.index_cast %mul3A_297 : i32 to index
      %swap3A_298 = tpu.vector_load %arg7[%swap3A] {strides = array<i32>} : memref<800xi32, #tpu.memory_space<vmem>>, vector<16xi32>,
      %swap3A_299 = vector.shape_cast %swap3A_298 : vector<16xi32> to vector<16xi32>
      %swap3A_300 = vector.shape_cast %get3A_288 : vector<16xi32> to vector<16xi32>
      tpu.vector_store %arg7[%swap3A], %swap3A_300 {strides = array<i32>} : memref<800xi32, #tpu.memory_space<vmem>>, vector<16xi32>,
      %mul3A_301 = arith.constant 16 : i32
      %mul3A_302 = arith.muli %scan3A_282, %mul3A_301 : i32
      %swap3A_303 = arith.index_cast %mul3A_302 : i32 to index
      %swap3A_304 = tpu.vector_load %arg8[%swap3A_303] {strides = array<i32>} : memref<800xi32, #tpu.memory_space<vmem>>, vector<16xi32>,
      %swap3A_305 = vector.shape_cast %swap3A_304 : vector<16xi32> to vector<16xi32>
      %swap3A_306 = vector.shape_cast %get3A_295 : vector<16xi32> to vector<16xi32>
      tpu.vector_store %arg8[%swap3A_303], %swap3A_306 {strides = array<i32>} : memref<800xi32, #tpu.memory_space<vmem>>, vector<16xi32>,
    }
    %scan3A_47 = arith.constant 50 : i32
    %add3A_48 = arith.constant 800 : i32
    %add3A_49 = arith.addi %mul3A_5, %add3A_48 : i32
    %multiple_of3A_50 = tpu.assume_multiple %add3A_49, 8 : i32
    %dma_start3A_51 = arith.constant 0 : i32
    %dma_start3A_52 = tpu.memref_slice %arg3[%dma_start3A_51, %multiple_of3A_50] : memref<2x320000xi32, #tpu.memory_space<hbm>> -> memref<2x800xi32, #tpu.memory_space<hbm>>
    %dma_start3A_53 = arith.constant 0 : i32
    %dma_start3A_54 = tpu.memref_slice %arg3[%dma_start3A_53, %multiple_of3A_50] : memref<2x320000xi32, #tpu.memory_space<hbm>> -> memref<2x800xi32, #tpu.memory_space<hbm>>
    tpu.enqueue_dma source(%dma_start3A_54 : memref<2x800xi32, #tpu.memory_space<hbm>>) target(%arg6 : memref<2x800xi32, #tpu.memory_space<vmem>>) target_semaphore(%arg17 : memref<!tpu.dma_semaphore, #tpu.memory_space<semaphore_mem>>)
    %dma_start3A_55 = arith.constant 0 : i32
    %dma_start3A_56 = arith.constant 0 : i32
    %dma_start3A_57 = tpu.memref_slice %arg15[%dma_start3A_55, %dma_start3A_56] : memref<10000x16xf32, #tpu.memory_space<vmem_shared>> -> memref<10000x16xf32, #tpu.memory_space<vmem_shared>>
    tpu.enqueue_indirect_dma source(%dma_start3A_57 : memref<10000x16xf32, #tpu.memory_space<vmem_shared>>) target(%arg11 : memref<800x16xf32, #tpu.memory_space<vmem>>) offsets(%arg7 : memref<800xi32, #tpu.memory_space<vmem>>) semaphore(%arg18 : memref<!tpu.dma_semaphore, #tpu.memory_space<semaphore_mem>>)
    %scan3A_58 = arith.constant 0 : i32
    %scan3A_59 = arith.constant 12 : i32
    %scan3A_60 = arith.addi %scan3A_58, %scan3A_59 : i32
    %scan3A_61 = arith.constant 1 : i32
    scf.for %scan3A_282 = %scan3A_58 to %scan3A_60 step %scan3A_61  : i32 {
      %dma_wait3A_283 = arith.constant 0 : i32
      %dma_wait3A_284 = arith.constant 0 : i32
      %dma_wait3A_285 = tpu.memref_slice %arg3[%dma_wait3A_283, %dma_wait3A_284] : memref<2x320000xi32, #tpu.memory_space<hbm>> -> memref<2x800xi32, #tpu.memory_space<hbm>>
      %dma_wait3A_286 = arith.constant 0 : i32
      %dma_wait3A_287 = arith.constant 0 : i32
      %dma_wait3A_288 = tpu.memref_slice %arg3[%dma_wait3A_286, %dma_wait3A_287] : memref<2x320000xi32, #tpu.memory_space<hbm>> -> memref<2x800xi32, #tpu.memory_space<hbm>>
      tpu.wait_dma2 semaphore(%arg17 : memref<!tpu.dma_semaphore, #tpu.memory_space<semaphore_mem>>) src(%dma_wait3A_288 : memref<2x800xi32, #tpu.memory_space<hbm>>) dst(%arg6 : memref<2x800xi32, #tpu.memory_space<vmem>>)
      %scan3A_289 = arith.constant 0 : i32
      %scan3A_290 = arith.constant 50 : i32
      %scan3A_291 = arith.addi %scan3A_289, %scan3A_290 : i32
      %scan3A_292 = arith.constant 1 : i32
      scf.for %scan3A_333 = %scan3A_289 to %scan3A_291 step %scan3A_292  : i32 {
        %mul3A_334 = arith.constant 16 : i32
        %mul3A_335 = arith.muli %scan3A_333, %mul3A_334 : i32
        %get3A = arith.constant 0 : i32
        %get3A_336 = arith.index_cast %get3A : i32 to index
        %get3A_337 = arith.index_cast %mul3A_335 : i32 to index
        %get3A_338 = tpu.vector_load %arg6[%get3A_336, %get3A_337] {strides = array<i32>} : memref<2x800xi32, #tpu.memory_space<vmem>>, vector<1x16xi32>,
        %get3A_339 = vector.shape_cast %get3A_338 : vector<1x16xi32> to vector<16xi32>
        %mul3A_340 = arith.constant 16 : i32
        %mul3A_341 = arith.muli %scan3A_333, %mul3A_340 : i32
        %get3A_342 = arith.constant 1 : i32
        %get3A_343 = arith.index_cast %get3A_342 : i32 to index
        %get3A_344 = arith.index_cast %mul3A_341 : i32 to index
        %get3A_345 = tpu.vector_load %arg6[%get3A_343, %get3A_344] {strides = array<i32>} : memref<2x800xi32, #tpu.memory_space<vmem>>, vector<1x16xi32>,
        %get3A_346 = vector.shape_cast %get3A_345 : vector<1x16xi32> to vector<16xi32>
        %mul3A_347 = arith.constant 16 : i32
        %mul3A_348 = arith.muli %scan3A_333, %mul3A_347 : i32
        %swap3A = arith.index_cast %mul3A_348 : i32 to index
        %swap3A_349 = tpu.vector_load %arg9[%swap3A] {strides = array<i32>} : memref<800xi32, #tpu.memory_space<vmem>>, vector<16xi32>,
        %swap3A_350 = vector.shape_cast %swap3A_349 : vector<16xi32> to vector<16xi32>
        %swap3A_351 = vector.shape_cast %get3A_339 : vector<16xi32> to vector<16xi32>
        tpu.vector_store %arg9[%swap3A], %swap3A_351 {strides = array<i32>} : memref<800xi32, #tpu.memory_space<vmem>>, vector<16xi32>,
        %mul3A_352 = arith.constant 16 : i32
        %mul3A_353 = arith.muli %scan3A_333, %mul3A_352 : i32
        %swap3A_354 = arith.index_cast %mul3A_353 : i32 to index
        %swap3A_355 = tpu.vector_load %arg10[%swap3A_354] {strides = array<i32>} : memref<800xi32, #tpu.memory_space<vmem>>, vector<16xi32>,
        %swap3A_356 = vector.shape_cast %swap3A_355 : vector<16xi32> to vector<16xi32>
        %swap3A_357 = vector.shape_cast %get3A_346 : vector<16xi32> to vector<16xi32>
        tpu.vector_store %arg10[%swap3A_354], %swap3A_357 {strides = array<i32>} : memref<800xi32, #tpu.memory_space<vmem>>, vector<16xi32>,
      }
      %scan3A_293 = arith.constant 50 : i32
      %mul3A_294 = arith.constant 2 : i32
      %mul3A_295 = arith.muli %mul3A_294, %scan3A_282 : i32
      %add3A_296 = arith.constant 2 : i32
      %add3A_297 = arith.addi %mul3A_295, %add3A_296 : i32
      %mul3A_298 = arith.constant 800 : i32
      %mul3A_299 = arith.muli %add3A_297, %mul3A_298 : i32
      %add3A_300 = arith.addi %mul3A_5, %mul3A_299 : i32
      %multiple_of3A_301 = tpu.assume_multiple %add3A_300, 8 : i32
      %dma_start3A_302 = arith.constant 0 : i32
      %dma_start3A_303 = tpu.memref_slice %arg3[%dma_start3A_302, %multiple_of3A_301] : memref<2x320000xi32, #tpu.memory_space<hbm>> -> memref<2x800xi32, #tpu.memory_space<hbm>>
      %dma_start3A_304 = arith.constant 0 : i32
      %dma_start3A_305 = tpu.memref_slice %arg3[%dma_start3A_304, %multiple_of3A_301] : memref<2x320000xi32, #tpu.memory_space<hbm>> -> memref<2x800xi32, #tpu.memory_space<hbm>>
      tpu.enqueue_dma source(%dma_start3A_305 : memref<2x800xi32, #tpu.memory_space<hbm>>) target(%arg5 : memref<2x800xi32, #tpu.memory_space<vmem>>) target_semaphore(%arg16 : memref<!tpu.dma_semaphore, #tpu.memory_space<semaphore_mem>>)
      %dma_wait3A_306 = arith.constant 0 : i32
      %dma_wait3A_307 = arith.constant 0 : i32
      %dma_wait3A_308 = tpu.memref_slice %arg15[%dma_wait3A_306, %dma_wait3A_307] : memref<10000x16xf32, #tpu.memory_space<vmem_shared>> -> memref<10000x16xf32, #tpu.memory_space<vmem_shared>>
      tpu.wait_indirect_dma semaphore(%arg18 : memref<!tpu.dma_semaphore, #tpu.memory_space<semaphore_mem>>) src(%dma_wait3A_308 : memref<10000x16xf32, #tpu.memory_space<vmem_shared>>) dst(%arg11 : memref<800x16xf32, #tpu.memory_space<vmem>>)
      %dma_start3A_309 = arith.constant 0 : i32
      %dma_start3A_310 = arith.constant 0 : i32
      %dma_start3A_311 = tpu.memref_slice %arg15[%dma_start3A_309, %dma_start3A_310] : memref<10000x16xf32, #tpu.memory_space<vmem_shared>> -> memref<10000x16xf32, #tpu.memory_space<vmem_shared>>
      tpu.enqueue_indirect_dma source(%dma_start3A_311 : memref<10000x16xf32, #tpu.memory_space<vmem_shared>>) target(%arg12 : memref<800x16xf32, #tpu.memory_space<vmem>>) offsets(%arg9 : memref<800xi32, #tpu.memory_space<vmem>>) semaphore(%arg19 : memref<!tpu.dma_semaphore, #tpu.memory_space<semaphore_mem>>)
      "tpu.region"() ({
        %run_scoped3A = tpu.sem_alloc : memref<!tpu.dma_semaphore, #tpu.memory_space<semaphore_mem>>
        %dma_start3A_333 = arith.constant 0 : i32
        %dma_start3A_334 = arith.constant 0 : i32
        %dma_start3A_335 = tpu.memref_slice %arg14[%dma_start3A_333, %dma_start3A_334] : memref<60000x16xf32, #tpu.memory_space<vmem_shared>> -> memref<60000x16xf32, #tpu.memory_space<vmem_shared>>
        tpu.enqueue_indirect_dma source(%arg11 : memref<800x16xf32, #tpu.memory_space<vmem>>) target(%dma_start3A_335 : memref<60000x16xf32, #tpu.memory_space<vmem_shared>>) offsets(%arg8 : memref<800xi32, #tpu.memory_space<vmem>>) semaphore(%run_scoped3A : memref<!tpu.dma_semaphore, #tpu.memory_space<semaphore_mem>>) {add = true}
        %dma_wait3A_336 = arith.constant 0 : i32
        %dma_wait3A_337 = arith.constant 0 : i32
        %dma_wait3A_338 = tpu.memref_slice %arg14[%dma_wait3A_336, %dma_wait3A_337] : memref<60000x16xf32, #tpu.memory_space<vmem_shared>> -> memref<60000x16xf32, #tpu.memory_space<vmem_shared>>
        tpu.wait_indirect_dma semaphore(%run_scoped3A : memref<!tpu.dma_semaphore, #tpu.memory_space<semaphore_mem>>) src(%arg11 : memref<800x16xf32, #tpu.memory_space<vmem>>) dst(%dma_wait3A_338 : memref<60000x16xf32, #tpu.memory_space<vmem_shared>>)
        tpu.yield
      }) : () -> ()
      %dma_wait3A_312 = arith.constant 0 : i32
      %dma_wait3A_313 = arith.constant 0 : i32
      %dma_wait3A_314 = tpu.memref_slice %arg3[%dma_wait3A_312, %dma_wait3A_313] : memref<2x320000xi32, #tpu.memory_space<hbm>> -> memref<2x800xi32, #tpu.memory_space<hbm>>
      %dma_wait3A_315 = arith.constant 0 : i32
      %dma_wait3A_316 = arith.constant 0 : i32
      %dma_wait3A_317 = tpu.memref_slice %arg3[%dma_wait3A_315, %dma_wait3A_316] : memref<2x320000xi32, #tpu.memory_space<hbm>> -> memref<2x800xi32, #tpu.memory_space<hbm>>
      tpu.wait_dma2 semaphore(%arg16 : memref<!tpu.dma_semaphore, #tpu.memory_space<semaphore_mem>>) src(%dma_wait3A_317 : memref<2x800xi32, #tpu.memory_space<hbm>>) dst(%arg5 : memref<2x800xi32, #tpu.memory_space<vmem>>)
      %scan3A_318 = arith.constant 0 : i32
      %scan3A_319 = arith.constant 50 : i32
      %scan3A_320 = arith.addi %scan3A_318, %scan3A_319 : i32
      %scan3A_321 = arith.constant 1 : i32
      scf.for %scan3A_333 = %scan3A_318 to %scan3A_320 step %scan3A_321  : i32 {
        %mul3A_334 = arith.constant 16 : i32
        %mul3A_335 = arith.muli %scan3A_333, %mul3A_334 : i32
        %get3A = arith.constant 0 : i32
        %get3A_336 = arith.index_cast %get3A : i32 to index
        %get3A_337 = arith.index_cast %mul3A_335 : i32 to index
        %get3A_338 = tpu.vector_load %arg5[%get3A_336, %get3A_337] {strides = array<i32>} : memref<2x800xi32, #tpu.memory_space<vmem>>, vector<1x16xi32>,
        %get3A_339 = vector.shape_cast %get3A_338 : vector<1x16xi32> to vector<16xi32>
        %mul3A_340 = arith.constant 16 : i32
        %mul3A_341 = arith.muli %scan3A_333, %mul3A_340 : i32
        %get3A_342 = arith.constant 1 : i32
        %get3A_343 = arith.index_cast %get3A_342 : i32 to index
        %get3A_344 = arith.index_cast %mul3A_341 : i32 to index
        %get3A_345 = tpu.vector_load %arg5[%get3A_343, %get3A_344] {strides = array<i32>} : memref<2x800xi32, #tpu.memory_space<vmem>>, vector<1x16xi32>,
        %get3A_346 = vector.shape_cast %get3A_345 : vector<1x16xi32> to vector<16xi32>
        %mul3A_347 = arith.constant 16 : i32
        %mul3A_348 = arith.muli %scan3A_333, %mul3A_347 : i32
        %swap3A = arith.index_cast %mul3A_348 : i32 to index
        %swap3A_349 = tpu.vector_load %arg7[%swap3A] {strides = array<i32>} : memref<800xi32, #tpu.memory_space<vmem>>, vector<16xi32>,
        %swap3A_350 = vector.shape_cast %swap3A_349 : vector<16xi32> to vector<16xi32>
        %swap3A_351 = vector.shape_cast %get3A_339 : vector<16xi32> to vector<16xi32>
        tpu.vector_store %arg7[%swap3A], %swap3A_351 {strides = array<i32>} : memref<800xi32, #tpu.memory_space<vmem>>, vector<16xi32>,
        %mul3A_352 = arith.constant 16 : i32
        %mul3A_353 = arith.muli %scan3A_333, %mul3A_352 : i32
        %swap3A_354 = arith.index_cast %mul3A_353 : i32 to index
        %swap3A_355 = tpu.vector_load %arg8[%swap3A_354] {strides = array<i32>} : memref<800xi32, #tpu.memory_space<vmem>>, vector<16xi32>,
        %swap3A_356 = vector.shape_cast %swap3A_355 : vector<16xi32> to vector<16xi32>
        %swap3A_357 = vector.shape_cast %get3A_346 : vector<16xi32> to vector<16xi32>
        tpu.vector_store %arg8[%swap3A_354], %swap3A_357 {strides = array<i32>} : memref<800xi32, #tpu.memory_space<vmem>>, vector<16xi32>,
      }
      %scan3A_322 = arith.constant 50 : i32
      %lt3A = arith.constant 11 : i32
      %lt3A_323 = arith.cmpi slt, %scan3A_282, %lt3A : i32
      %convert_element_type3A_324 = arith.extui %lt3A_323 : i1 to i32
      %cond3A_325 = arith.constant 0 : i32
      %cond3A_326 = arith.cmpi ne, %convert_element_type3A_324, %cond3A_325 : i32
      scf.if %cond3A_326 {
        %mul3A_333 = arith.constant 2 : i32
        %mul3A_334 = arith.muli %mul3A_333, %scan3A_282 : i32
        %add3A_335 = arith.constant 3 : i32
        %add3A_336 = arith.addi %mul3A_334, %add3A_335 : i32
        %mul3A_337 = arith.constant 800 : i32
        %mul3A_338 = arith.muli %add3A_336, %mul3A_337 : i32
        %add3A_339 = arith.addi %mul3A_5, %mul3A_338 : i32
        %multiple_of3A_340 = tpu.assume_multiple %add3A_339, 8 : i32
        %dma_start3A_341 = arith.constant 0 : i32
        %dma_start3A_342 = tpu.memref_slice %arg3[%dma_start3A_341, %multiple_of3A_340] : memref<2x320000xi32, #tpu.memory_space<hbm>> -> memref<2x800xi32, #tpu.memory_space<hbm>>
        %dma_start3A_343 = arith.constant 0 : i32
        %dma_start3A_344 = tpu.memref_slice %arg3[%dma_start3A_343, %multiple_of3A_340] : memref<2x320000xi32, #tpu.memory_space<hbm>> -> memref<2x800xi32, #tpu.memory_space<hbm>>
        tpu.enqueue_dma source(%dma_start3A_344 : memref<2x800xi32, #tpu.memory_space<hbm>>) target(%arg6 : memref<2x800xi32, #tpu.memory_space<vmem>>) target_semaphore(%arg17 : memref<!tpu.dma_semaphore, #tpu.memory_space<semaphore_mem>>)
      } else {
      }
      %dma_wait3A_327 = arith.constant 0 : i32
      %dma_wait3A_328 = arith.constant 0 : i32
      %dma_wait3A_329 = tpu.memref_slice %arg15[%dma_wait3A_327, %dma_wait3A_328] : memref<10000x16xf32, #tpu.memory_space<vmem_shared>> -> memref<10000x16xf32, #tpu.memory_space<vmem_shared>>
      tpu.wait_indirect_dma semaphore(%arg19 : memref<!tpu.dma_semaphore, #tpu.memory_space<semaphore_mem>>) src(%dma_wait3A_329 : memref<10000x16xf32, #tpu.memory_space<vmem_shared>>) dst(%arg12 : memref<800x16xf32, #tpu.memory_space<vmem>>)
      %dma_start3A_330 = arith.constant 0 : i32
      %dma_start3A_331 = arith.constant 0 : i32
      %dma_start3A_332 = tpu.memref_slice %arg15[%dma_start3A_330, %dma_start3A_331] : memref<10000x16xf32, #tpu.memory_space<vmem_shared>> -> memref<10000x16xf32, #tpu.memory_space<vmem_shared>>
      tpu.enqueue_indirect_dma source(%dma_start3A_332 : memref<10000x16xf32, #tpu.memory_space<vmem_shared>>) target(%arg11 : memref<800x16xf32, #tpu.memory_space<vmem>>) offsets(%arg7 : memref<800xi32, #tpu.memory_space<vmem>>) semaphore(%arg18 : memref<!tpu.dma_semaphore, #tpu.memory_space<semaphore_mem>>)
      "tpu.region"() ({
        %run_scoped3A = tpu.sem_alloc : memref<!tpu.dma_semaphore, #tpu.memory_space<semaphore_mem>>
        %dma_start3A_333 = arith.constant 0 : i32
        %dma_start3A_334 = arith.constant 0 : i32
        %dma_start3A_335 = tpu.memref_slice %arg14[%dma_start3A_333, %dma_start3A_334] : memref<60000x16xf32, #tpu.memory_space<vmem_shared>> -> memref<60000x16xf32, #tpu.memory_space<vmem_shared>>
        tpu.enqueue_indirect_dma source(%arg12 : memref<800x16xf32, #tpu.memory_space<vmem>>) target(%dma_start3A_335 : memref<60000x16xf32, #tpu.memory_space<vmem_shared>>) offsets(%arg10 : memref<800xi32, #tpu.memory_space<vmem>>) semaphore(%run_scoped3A : memref<!tpu.dma_semaphore, #tpu.memory_space<semaphore_mem>>) {add = true}
        %dma_wait3A_336 = arith.constant 0 : i32
        %dma_wait3A_337 = arith.constant 0 : i32
        %dma_wait3A_338 = tpu.memref_slice %arg14[%dma_wait3A_336, %dma_wait3A_337] : memref<60000x16xf32, #tpu.memory_space<vmem_shared>> -> memref<60000x16xf32, #tpu.memory_space<vmem_shared>>
        tpu.wait_indirect_dma semaphore(%run_scoped3A : memref<!tpu.dma_semaphore, #tpu.memory_space<semaphore_mem>>) src(%arg12 : memref<800x16xf32, #tpu.memory_space<vmem>>) dst(%dma_wait3A_338 : memref<60000x16xf32, #tpu.memory_space<vmem_shared>>)
        tpu.yield
      }) : () -> ()
    }
    %scan3A_62 = arith.constant 12 : i32
    %dma_wait3A_63 = arith.constant 0 : i32
    %dma_wait3A_64 = arith.constant 0 : i32
    %dma_wait3A_65 = tpu.memref_slice %arg15[%dma_wait3A_63, %dma_wait3A_64] : memref<10000x16xf32, #tpu.memory_space<vmem_shared>> -> memref<10000x16xf32, #tpu.memory_space<vmem_shared>>
    tpu.wait_indirect_dma semaphore(%arg18 : memref<!tpu.dma_semaphore, #tpu.memory_space<semaphore_mem>>) src(%dma_wait3A_65 : memref<10000x16xf32, #tpu.memory_space<vmem_shared>>) dst(%arg11 : memref<800x16xf32, #tpu.memory_space<vmem>>)
    "tpu.region"() ({
      %run_scoped3A = tpu.sem_alloc : memref<!tpu.dma_semaphore, #tpu.memory_space<semaphore_mem>>
      %dma_start3A_282 = arith.constant 0 : i32
      %dma_start3A_283 = arith.constant 0 : i32
      %dma_start3A_284 = tpu.memref_slice %arg14[%dma_start3A_282, %dma_start3A_283] : memref<60000x16xf32, #tpu.memory_space<vmem_shared>> -> memref<60000x16xf32, #tpu.memory_space<vmem_shared>>
      tpu.enqueue_indirect_dma source(%arg11 : memref<800x16xf32, #tpu.memory_space<vmem>>) target(%dma_start3A_284 : memref<60000x16xf32, #tpu.memory_space<vmem_shared>>) offsets(%arg8 : memref<800xi32, #tpu.memory_space<vmem>>) semaphore(%run_scoped3A : memref<!tpu.dma_semaphore, #tpu.memory_space<semaphore_mem>>) {add = true}
      %dma_wait3A_285 = arith.constant 0 : i32
      %dma_wait3A_286 = arith.constant 0 : i32
      %dma_wait3A_287 = tpu.memref_slice %arg14[%dma_wait3A_285, %dma_wait3A_286] : memref<60000x16xf32, #tpu.memory_space<vmem_shared>> -> memref<60000x16xf32, #tpu.memory_space<vmem_shared>>
      tpu.wait_indirect_dma semaphore(%run_scoped3A : memref<!tpu.dma_semaphore, #tpu.memory_space<semaphore_mem>>) src(%arg11 : memref<800x16xf32, #tpu.memory_space<vmem>>) dst(%dma_wait3A_287 : memref<60000x16xf32, #tpu.memory_space<vmem_shared>>)
      tpu.yield
    }) : () -> ()
    %barrier3A_66 = arith.constant 0 : index
    tpu.barrier barrier_id(%barrier3A_66)
    %mul3A_67 = arith.constant 3750 : i32
    %mul3A_68 = arith.muli %arg1, %mul3A_67 : i32
    "tpu.region"() ({
      %run_scoped3A = tpu.sem_alloc : memref<!tpu.dma_semaphore, #tpu.memory_space<semaphore_mem>>
      %dma_start3A_282 = tpu.memref_slice %arg4[%mul3A_68, %mul3A_10] : memref<60000x128xf32, #tpu.memory_space<hbm>> -> memref<3750x16xf32, #tpu.memory_space<hbm>>
      %dma_start3A_283 = arith.constant 0 : i32
      %dma_start3A_284 = tpu.memref_slice %arg14[%mul3A_68, %dma_start3A_283] : memref<60000x16xf32, #tpu.memory_space<vmem_shared>> -> memref<3750x16xf32, #tpu.memory_space<vmem_shared>>
      tpu.enqueue_dma source(%dma_start3A_284 : memref<3750x16xf32, #tpu.memory_space<vmem_shared>>) target(%dma_start3A_282 : memref<3750x16xf32, #tpu.memory_space<hbm>>) target_semaphore(%run_scoped3A : memref<!tpu.dma_semaphore, #tpu.memory_space<semaphore_mem>>)
      %dma_wait3A_285 = tpu.memref_slice %arg4[%mul3A_68, %mul3A_10] : memref<60000x128xf32, #tpu.memory_space<hbm>> -> memref<3750x16xf32, #tpu.memory_space<hbm>>
      %dma_wait3A_286 = arith.constant 0 : i32
      %dma_wait3A_287 = tpu.memref_slice %arg14[%mul3A_68, %dma_wait3A_286] : memref<60000x16xf32, #tpu.memory_space<vmem_shared>> -> memref<3750x16xf32, #tpu.memory_space<vmem_shared>>
      tpu.wait_dma2 semaphore(%run_scoped3A : memref<!tpu.dma_semaphore, #tpu.memory_space<semaphore_mem>>) src(%dma_wait3A_287 : memref<3750x16xf32, #tpu.memory_space<vmem_shared>>) dst(%dma_wait3A_285 : memref<3750x16xf32, #tpu.memory_space<hbm>>)
      tpu.yield
    }) : () -> ()
    %mul3A_69 = arith.constant 3750 : i32
    %mul3A_70 = arith.muli %arg1, %mul3A_69 : i32
    %add3A_71 = arith.constant 0 : i32
    %add3A_72 = arith.addi %mul3A_70, %add3A_71 : i32
    "tpu.region"() ({
      %run_scoped3A = tpu.sem_alloc : memref<!tpu.dma_semaphore, #tpu.memory_space<semaphore_mem>>
      %dma_start3A_282 = arith.constant 0 : i32
      %dma_start3A_283 = tpu.memref_slice %arg14[%add3A_72, %dma_start3A_282] : memref<60000x16xf32, #tpu.memory_space<vmem_shared>> -> memref<750x16xf32, #tpu.memory_space<vmem_shared>>
      %dma_start3A_284 = arith.constant 0 : i32
      %dma_start3A_285 = tpu.memref_slice %arg14[%add3A_72, %dma_start3A_284] : memref<60000x16xf32, #tpu.memory_space<vmem_shared>> -> memref<750x16xf32, #tpu.memory_space<vmem_shared>>
      tpu.enqueue_dma source(%arg13 : memref<750x16xf32, #tpu.memory_space<vmem>>) target(%dma_start3A_285 : memref<750x16xf32, #tpu.memory_space<vmem_shared>>) target_semaphore(%run_scoped3A : memref<!tpu.dma_semaphore, #tpu.memory_space<semaphore_mem>>)
      %dma_wait3A_286 = arith.constant 0 : i32
      %dma_wait3A_287 = tpu.memref_slice %arg14[%add3A_72, %dma_wait3A_286] : memref<60000x16xf32, #tpu.memory_space<vmem_shared>> -> memref<750x16xf32, #tpu.memory_space<vmem_shared>>
      %dma_wait3A_288 = arith.constant 0 : i32
      %dma_wait3A_289 = tpu.memref_slice %arg14[%add3A_72, %dma_wait3A_288] : memref<60000x16xf32, #tpu.memory_space<vmem_shared>> -> memref<750x16xf32, #tpu.memory_space<vmem_shared>>
      tpu.wait_dma2 semaphore(%run_scoped3A : memref<!tpu.dma_semaphore, #tpu.memory_space<semaphore_mem>>) src(%arg13 : memref<750x16xf32, #tpu.memory_space<vmem>>) dst(%dma_wait3A_289 : memref<750x16xf32, #tpu.memory_space<vmem_shared>>)
      tpu.yield
    }) : () -> ()
    %mul3A_73 = arith.constant 3750 : i32
    %mul3A_74 = arith.muli %arg1, %mul3A_73 : i32
    %add3A_75 = arith.constant 750 : i32
    %add3A_76 = arith.addi %mul3A_74, %add3A_75 : i32
    "tpu.region"() ({
      %run_scoped3A = tpu.sem_alloc : memref<!tpu.dma_semaphore, #tpu.memory_space<semaphore_mem>>
      %dma_start3A_282 = arith.constant 0 : i32
      %dma_start3A_283 = tpu.memref_slice %arg14[%add3A_76, %dma_start3A_282] : memref<60000x16xf32, #tpu.memory_space<vmem_shared>> -> memref<750x16xf32, #tpu.memory_space<vmem_shared>>
      %dma_start3A_284 = arith.constant 0 : i32
      %dma_start3A_285 = tpu.memref_slice %arg14[%add3A_76, %dma_start3A_284] : memref<60000x16xf32, #tpu.memory_space<vmem_shared>> -> memref<750x16xf32, #tpu.memory_space<vmem_shared>>
      tpu.enqueue_dma source(%arg13 : memref<750x16xf32, #tpu.memory_space<vmem>>) target(%dma_start3A_285 : memref<750x16xf32, #tpu.memory_space<vmem_shared>>) target_semaphore(%run_scoped3A : memref<!tpu.dma_semaphore, #tpu.memory_space<semaphore_mem>>)
      %dma_wait3A_286 = arith.constant 0 : i32
      %dma_wait3A_287 = tpu.memref_slice %arg14[%add3A_76, %dma_wait3A_286] : memref<60000x16xf32, #tpu.memory_space<vmem_shared>> -> memref<750x16xf32, #tpu.memory_space<vmem_shared>>
      %dma_wait3A_288 = arith.constant 0 : i32
      %dma_wait3A_289 = tpu.memref_slice %arg14[%add3A_76, %dma_wait3A_288] : memref<60000x16xf32, #tpu.memory_space<vmem_shared>> -> memref<750x16xf32, #tpu.memory_space<vmem_shared>>
      tpu.wait_dma2 semaphore(%run_scoped3A : memref<!tpu.dma_semaphore, #tpu.memory_space<semaphore_mem>>) src(%arg13 : memref<750x16xf32, #tpu.memory_space<vmem>>) dst(%dma_wait3A_289 : memref<750x16xf32, #tpu.memory_space<vmem_shared>>)
      tpu.yield
    }) : () -> ()
    %mul3A_77 = arith.constant 3750 : i32
    %mul3A_78 = arith.muli %arg1, %mul3A_77 : i32
    %add3A_79 = arith.constant 1500 : i32
    %add3A_80 = arith.addi %mul3A_78, %add3A_79 : i32
    "tpu.region"() ({
      %run_scoped3A = tpu.sem_alloc : memref<!tpu.dma_semaphore, #tpu.memory_space<semaphore_mem>>
      %dma_start3A_282 = arith.constant 0 : i32
      %dma_start3A_283 = tpu.memref_slice %arg14[%add3A_80, %dma_start3A_282] : memref<60000x16xf32, #tpu.memory_space<vmem_shared>> -> memref<750x16xf32, #tpu.memory_space<vmem_shared>>
      %dma_start3A_284 = arith.constant 0 : i32
      %dma_start3A_285 = tpu.memref_slice %arg14[%add3A_80, %dma_start3A_284] : memref<60000x16xf32, #tpu.memory_space<vmem_shared>> -> memref<750x16xf32, #tpu.memory_space<vmem_shared>>
      tpu.enqueue_dma source(%arg13 : memref<750x16xf32, #tpu.memory_space<vmem>>) target(%dma_start3A_285 : memref<750x16xf32, #tpu.memory_space<vmem_shared>>) target_semaphore(%run_scoped3A : memref<!tpu.dma_semaphore, #tpu.memory_space<semaphore_mem>>)
      %dma_wait3A_286 = arith.constant 0 : i32
      %dma_wait3A_287 = tpu.memref_slice %arg14[%add3A_80, %dma_wait3A_286] : memref<60000x16xf32, #tpu.memory_space<vmem_shared>> -> memref<750x16xf32, #tpu.memory_space<vmem_shared>>
      %dma_wait3A_288 = arith.constant 0 : i32
      %dma_wait3A_289 = tpu.memref_slice %arg14[%add3A_80, %dma_wait3A_288] : memref<60000x16xf32, #tpu.memory_space<vmem_shared>> -> memref<750x16xf32, #tpu.memory_space<vmem_shared>>
      tpu.wait_dma2 semaphore(%run_scoped3A : memref<!tpu.dma_semaphore, #tpu.memory_space<semaphore_mem>>) src(%arg13 : memref<750x16xf32, #tpu.memory_space<vmem>>) dst(%dma_wait3A_289 : memref<750x16xf32, #tpu.memory_space<vmem_shared>>)
      tpu.yield
    }) : () -> ()
    %mul3A_81 = arith.constant 3750 : i32
    %mul3A_82 = arith.muli %arg1, %mul3A_81 : i32
    %add3A_83 = arith.constant 2250 : i32
    %add3A_84 = arith.addi %mul3A_82, %add3A_83 : i32
    "tpu.region"() ({
      %run_scoped3A = tpu.sem_alloc : memref<!tpu.dma_semaphore, #tpu.memory_space<semaphore_mem>>
      %dma_start3A_282 = arith.constant 0 : i32
      %dma_start3A_283 = tpu.memref_slice %arg14[%add3A_84, %dma_start3A_282] : memref<60000x16xf32, #tpu.memory_space<vmem_shared>> -> memref<750x16xf32, #tpu.memory_space<vmem_shared>>
      %dma_start3A_284 = arith.constant 0 : i32
      %dma_start3A_285 = tpu.memref_slice %arg14[%add3A_84, %dma_start3A_284] : memref<60000x16xf32, #tpu.memory_space<vmem_shared>> -> memref<750x16xf32, #tpu.memory_space<vmem_shared>>
      tpu.enqueue_dma source(%arg13 : memref<750x16xf32, #tpu.memory_space<vmem>>) target(%dma_start3A_285 : memref<750x16xf32, #tpu.memory_space<vmem_shared>>) target_semaphore(%run_scoped3A : memref<!tpu.dma_semaphore, #tpu.memory_space<semaphore_mem>>)
      %dma_wait3A_286 = arith.constant 0 : i32
      %dma_wait3A_287 = tpu.memref_slice %arg14[%add3A_84, %dma_wait3A_286] : memref<60000x16xf32, #tpu.memory_space<vmem_shared>> -> memref<750x16xf32, #tpu.memory_space<vmem_shared>>
      %dma_wait3A_288 = arith.constant 0 : i32
      %dma_wait3A_289 = tpu.memref_slice %arg14[%add3A_84, %dma_wait3A_288] : memref<60000x16xf32, #tpu.memory_space<vmem_shared>> -> memref<750x16xf32, #tpu.memory_space<vmem_shared>>
      tpu.wait_dma2 semaphore(%run_scoped3A : memref<!tpu.dma_semaphore, #tpu.memory_space<semaphore_mem>>) src(%arg13 : memref<750x16xf32, #tpu.memory_space<vmem>>) dst(%dma_wait3A_289 : memref<750x16xf32, #tpu.memory_space<vmem_shared>>)
      tpu.yield
    }) : () -> ()
    %mul3A_85 = arith.constant 3750 : i32
    %mul3A_86 = arith.muli %arg1, %mul3A_85 : i32
    %add3A_87 = arith.constant 3000 : i32
    %add3A_88 = arith.addi %mul3A_86, %add3A_87 : i32
    "tpu.region"() ({
      %run_scoped3A = tpu.sem_alloc : memref<!tpu.dma_semaphore, #tpu.memory_space<semaphore_mem>>
      %dma_start3A_282 = arith.constant 0 : i32
      %dma_start3A_283 = tpu.memref_slice %arg14[%add3A_88, %dma_start3A_282] : memref<60000x16xf32, #tpu.memory_space<vmem_shared>> -> memref<750x16xf32, #tpu.memory_space<vmem_shared>>
      %dma_start3A_284 = arith.constant 0 : i32
      %dma_start3A_285 = tpu.memref_slice %arg14[%add3A_88, %dma_start3A_284] : memref<60000x16xf32, #tpu.memory_space<vmem_shared>> -> memref<750x16xf32, #tpu.memory_space<vmem_shared>>
      tpu.enqueue_dma source(%arg13 : memref<750x16xf32, #tpu.memory_space<vmem>>) target(%dma_start3A_285 : memref<750x16xf32, #tpu.memory_space<vmem_shared>>) target_semaphore(%run_scoped3A : memref<!tpu.dma_semaphore, #tpu.memory_space<semaphore_mem>>)
      %dma_wait3A_286 = arith.constant 0 : i32
      %dma_wait3A_287 = tpu.memref_slice %arg14[%add3A_88, %dma_wait3A_286] : memref<60000x16xf32, #tpu.memory_space<vmem_shared>> -> memref<750x16xf32, #tpu.memory_space<vmem_shared>>
      %dma_wait3A_288 = arith.constant 0 : i32
      %dma_wait3A_289 = tpu.memref_slice %arg14[%add3A_88, %dma_wait3A_288] : memref<60000x16xf32, #tpu.memory_space<vmem_shared>> -> memref<750x16xf32, #tpu.memory_space<vmem_shared>>
      tpu.wait_dma2 semaphore(%run_scoped3A : memref<!tpu.dma_semaphore, #tpu.memory_space<semaphore_mem>>) src(%arg13 : memref<750x16xf32, #tpu.memory_space<vmem>>) dst(%dma_wait3A_289 : memref<750x16xf32, #tpu.memory_space<vmem_shared>>)
      tpu.yield
    }) : () -> ()
    %eq3A_89 = arith.constant 0 : i32
    %eq3A_90 = arith.cmpi eq, %arg1, %eq3A_89 : i32
    %convert_element_type3A_91 = arith.extui %eq3A_90 : i1 to i32
    %cond3A_92 = arith.constant 0 : i32
    %cond3A_93 = arith.cmpi ne, %convert_element_type3A_91, %cond3A_92 : i32
    scf.if %cond3A_93 {
      %add3A_282 = arith.constant 1 : i32
      %add3A_283 = arith.addi %add3A_8, %add3A_282 : i32
      %mul3A_284 = arith.constant 16 : i32
      %mul3A_285 = arith.muli %add3A_283, %mul3A_284 : i32
      "tpu.region"() ({
        %run_scoped3A = tpu.sem_alloc : memref<!tpu.dma_semaphore, #tpu.memory_space<semaphore_mem>>
        %dma_start3A_286 = arith.constant 0 : i32
        %dma_start3A_287 = tpu.memref_slice %arg2[%dma_start3A_286, %mul3A_285] : memref<10000x128xf32, #tpu.memory_space<hbm>> -> memref<10000x16xf32, #tpu.memory_space<hbm>>
        tpu.enqueue_dma source(%dma_start3A_287 : memref<10000x16xf32, #tpu.memory_space<hbm>>) target(%arg15 : memref<10000x16xf32, #tpu.memory_space<vmem_shared>>) target_semaphore(%run_scoped3A : memref<!tpu.dma_semaphore, #tpu.memory_space<semaphore_mem>>)
        %dma_wait3A_288 = arith.constant 0 : i32
        %dma_wait3A_289 = tpu.memref_slice %arg2[%dma_wait3A_288, %mul3A_285] : memref<10000x128xf32, #tpu.memory_space<hbm>> -> memref<10000x16xf32, #tpu.memory_space<hbm>>
        tpu.wait_dma2 semaphore(%run_scoped3A : memref<!tpu.dma_semaphore, #tpu.memory_space<semaphore_mem>>) src(%dma_wait3A_289 : memref<10000x16xf32, #tpu.memory_space<hbm>>) dst(%arg15 : memref<10000x16xf32, #tpu.memory_space<vmem_shared>>)
        tpu.yield
      }) : () -> ()
    } else {
    }
    %mul3A_94 = arith.constant 4 : i32
    %mul3A_95 = arith.muli %mul3A_94, %arg0 : i32
    %add3A_96 = arith.constant 1 : i32
    %add3A_97 = arith.addi %mul3A_95, %add3A_96 : i32
    %mul3A_98 = arith.constant 16 : i32
    %mul3A_99 = arith.muli %add3A_97, %mul3A_98 : i32
    %add3A_100 = arith.constant 0 : i32
    %add3A_101 = arith.addi %mul3A_5, %add3A_100 : i32
    %multiple_of3A_102 = tpu.assume_multiple %add3A_101, 8 : i32
    %dma_start3A_103 = arith.constant 0 : i32
    %dma_start3A_104 = tpu.memref_slice %arg3[%dma_start3A_103, %multiple_of3A_102] : memref<2x320000xi32, #tpu.memory_space<hbm>> -> memref<2x800xi32, #tpu.memory_space<hbm>>
    %dma_start3A_105 = arith.constant 0 : i32
    %dma_start3A_106 = tpu.memref_slice %arg3[%dma_start3A_105, %multiple_of3A_102] : memref<2x320000xi32, #tpu.memory_space<hbm>> -> memref<2x800xi32, #tpu.memory_space<hbm>>
    tpu.enqueue_dma source(%dma_start3A_106 : memref<2x800xi32, #tpu.memory_space<hbm>>) target(%arg5 : memref<2x800xi32, #tpu.memory_space<vmem>>) target_semaphore(%arg16 : memref<!tpu.dma_semaphore, #tpu.memory_space<semaphore_mem>>)
    %barrier3A_107 = arith.constant 0 : index
    tpu.barrier barrier_id(%barrier3A_107)
    %dma_wait3A_108 = arith.constant 0 : i32
    %dma_wait3A_109 = arith.constant 0 : i32
    %dma_wait3A_110 = tpu.memref_slice %arg3[%dma_wait3A_108, %dma_wait3A_109] : memref<2x320000xi32, #tpu.memory_space<hbm>> -> memref<2x800xi32, #tpu.memory_space<hbm>>
    %dma_wait3A_111 = arith.constant 0 : i32
    %dma_wait3A_112 = arith.constant 0 : i32
    %dma_wait3A_113 = tpu.memref_slice %arg3[%dma_wait3A_111, %dma_wait3A_112] : memref<2x320000xi32, #tpu.memory_space<hbm>> -> memref<2x800xi32, #tpu.memory_space<hbm>>
    tpu.wait_dma2 semaphore(%arg16 : memref<!tpu.dma_semaphore, #tpu.memory_space<semaphore_mem>>) src(%dma_wait3A_113 : memref<2x800xi32, #tpu.memory_space<hbm>>) dst(%arg5 : memref<2x800xi32, #tpu.memory_space<vmem>>)
    %scan3A_114 = arith.constant 0 : i32
    %scan3A_115 = arith.constant 50 : i32
    %scan3A_116 = arith.addi %scan3A_114, %scan3A_115 : i32
    %scan3A_117 = arith.constant 1 : i32
    scf.for %scan3A_282 = %scan3A_114 to %scan3A_116 step %scan3A_117  : i32 {
      %mul3A_283 = arith.constant 16 : i32
      %mul3A_284 = arith.muli %scan3A_282, %mul3A_283 : i32
      %get3A = arith.constant 0 : i32
      %get3A_285 = arith.index_cast %get3A : i32 to index
      %get3A_286 = arith.index_cast %mul3A_284 : i32 to index
      %get3A_287 = tpu.vector_load %arg5[%get3A_285, %get3A_286] {strides = array<i32>} : memref<2x800xi32, #tpu.memory_space<vmem>>, vector<1x16xi32>,
      %get3A_288 = vector.shape_cast %get3A_287 : vector<1x16xi32> to vector<16xi32>
      %mul3A_289 = arith.constant 16 : i32
      %mul3A_290 = arith.muli %scan3A_282, %mul3A_289 : i32
      %get3A_291 = arith.constant 1 : i32
      %get3A_292 = arith.index_cast %get3A_291 : i32 to index
      %get3A_293 = arith.index_cast %mul3A_290 : i32 to index
      %get3A_294 = tpu.vector_load %arg5[%get3A_292, %get3A_293] {strides = array<i32>} : memref<2x800xi32, #tpu.memory_space<vmem>>, vector<1x16xi32>,
      %get3A_295 = vector.shape_cast %get3A_294 : vector<1x16xi32> to vector<16xi32>
      %mul3A_296 = arith.constant 16 : i32
      %mul3A_297 = arith.muli %scan3A_282, %mul3A_296 : i32
      %swap3A = arith.index_cast %mul3A_297 : i32 to index
      %swap3A_298 = tpu.vector_load %arg7[%swap3A] {strides = array<i32>} : memref<800xi32, #tpu.memory_space<vmem>>, vector<16xi32>,
      %swap3A_299 = vector.shape_cast %swap3A_298 : vector<16xi32> to vector<16xi32>
      %swap3A_300 = vector.shape_cast %get3A_288 : vector<16xi32> to vector<16xi32>
      tpu.vector_store %arg7[%swap3A], %swap3A_300 {strides = array<i32>} : memref<800xi32, #tpu.memory_space<vmem>>, vector<16xi32>,
      %mul3A_301 = arith.constant 16 : i32
      %mul3A_302 = arith.muli %scan3A_282, %mul3A_301 : i32
      %swap3A_303 = arith.index_cast %mul3A_302 : i32 to index
      %swap3A_304 = tpu.vector_load %arg8[%swap3A_303] {strides = array<i32>} : memref<800xi32, #tpu.memory_space<vmem>>, vector<16xi32>,
      %swap3A_305 = vector.shape_cast %swap3A_304 : vector<16xi32> to vector<16xi32>
      %swap3A_306 = vector.shape_cast %get3A_295 : vector<16xi32> to vector<16xi32>
      tpu.vector_store %arg8[%swap3A_303], %swap3A_306 {strides = array<i32>} : memref<800xi32, #tpu.memory_space<vmem>>, vector<16xi32>,
    }
    %scan3A_118 = arith.constant 50 : i32
    %add3A_119 = arith.constant 800 : i32
    %add3A_120 = arith.addi %mul3A_5, %add3A_119 : i32
    %multiple_of3A_121 = tpu.assume_multiple %add3A_120, 8 : i32
    %dma_start3A_122 = arith.constant 0 : i32
    %dma_start3A_123 = tpu.memref_slice %arg3[%dma_start3A_122, %multiple_of3A_121] : memref<2x320000xi32, #tpu.memory_space<hbm>> -> memref<2x800xi32, #tpu.memory_space<hbm>>
    %dma_start3A_124 = arith.constant 0 : i32
    %dma_start3A_125 = tpu.memref_slice %arg3[%dma_start3A_124, %multiple_of3A_121] : memref<2x320000xi32, #tpu.memory_space<hbm>> -> memref<2x800xi32, #tpu.memory_space<hbm>>
    tpu.enqueue_dma source(%dma_start3A_125 : memref<2x800xi32, #tpu.memory_space<hbm>>) target(%arg6 : memref<2x800xi32, #tpu.memory_space<vmem>>) target_semaphore(%arg17 : memref<!tpu.dma_semaphore, #tpu.memory_space<semaphore_mem>>)
    %dma_start3A_126 = arith.constant 0 : i32
    %dma_start3A_127 = arith.constant 0 : i32
    %dma_start3A_128 = tpu.memref_slice %arg15[%dma_start3A_126, %dma_start3A_127] : memref<10000x16xf32, #tpu.memory_space<vmem_shared>> -> memref<10000x16xf32, #tpu.memory_space<vmem_shared>>
    tpu.enqueue_indirect_dma source(%dma_start3A_128 : memref<10000x16xf32, #tpu.memory_space<vmem_shared>>) target(%arg11 : memref<800x16xf32, #tpu.memory_space<vmem>>) offsets(%arg7 : memref<800xi32, #tpu.memory_space<vmem>>) semaphore(%arg18 : memref<!tpu.dma_semaphore, #tpu.memory_space<semaphore_mem>>)
    %scan3A_129 = arith.constant 0 : i32
    %scan3A_130 = arith.constant 12 : i32
    %scan3A_131 = arith.addi %scan3A_129, %scan3A_130 : i32
    %scan3A_132 = arith.constant 1 : i32
    scf.for %scan3A_282 = %scan3A_129 to %scan3A_131 step %scan3A_132  : i32 {
      %dma_wait3A_283 = arith.constant 0 : i32
      %dma_wait3A_284 = arith.constant 0 : i32
      %dma_wait3A_285 = tpu.memref_slice %arg3[%dma_wait3A_283, %dma_wait3A_284] : memref<2x320000xi32, #tpu.memory_space<hbm>> -> memref<2x800xi32, #tpu.memory_space<hbm>>
      %dma_wait3A_286 = arith.constant 0 : i32
      %dma_wait3A_287 = arith.constant 0 : i32
      %dma_wait3A_288 = tpu.memref_slice %arg3[%dma_wait3A_286, %dma_wait3A_287] : memref<2x320000xi32, #tpu.memory_space<hbm>> -> memref<2x800xi32, #tpu.memory_space<hbm>>
      tpu.wait_dma2 semaphore(%arg17 : memref<!tpu.dma_semaphore, #tpu.memory_space<semaphore_mem>>) src(%dma_wait3A_288 : memref<2x800xi32, #tpu.memory_space<hbm>>) dst(%arg6 : memref<2x800xi32, #tpu.memory_space<vmem>>)
      %scan3A_289 = arith.constant 0 : i32
      %scan3A_290 = arith.constant 50 : i32
      %scan3A_291 = arith.addi %scan3A_289, %scan3A_290 : i32
      %scan3A_292 = arith.constant 1 : i32
      scf.for %scan3A_333 = %scan3A_289 to %scan3A_291 step %scan3A_292  : i32 {
        %mul3A_334 = arith.constant 16 : i32
        %mul3A_335 = arith.muli %scan3A_333, %mul3A_334 : i32
        %get3A = arith.constant 0 : i32
        %get3A_336 = arith.index_cast %get3A : i32 to index
        %get3A_337 = arith.index_cast %mul3A_335 : i32 to index
        %get3A_338 = tpu.vector_load %arg6[%get3A_336, %get3A_337] {strides = array<i32>} : memref<2x800xi32, #tpu.memory_space<vmem>>, vector<1x16xi32>,
        %get3A_339 = vector.shape_cast %get3A_338 : vector<1x16xi32> to vector<16xi32>
        %mul3A_340 = arith.constant 16 : i32
        %mul3A_341 = arith.muli %scan3A_333, %mul3A_340 : i32
        %get3A_342 = arith.constant 1 : i32
        %get3A_343 = arith.index_cast %get3A_342 : i32 to index
        %get3A_344 = arith.index_cast %mul3A_341 : i32 to index
        %get3A_345 = tpu.vector_load %arg6[%get3A_343, %get3A_344] {strides = array<i32>} : memref<2x800xi32, #tpu.memory_space<vmem>>, vector<1x16xi32>,
        %get3A_346 = vector.shape_cast %get3A_345 : vector<1x16xi32> to vector<16xi32>
        %mul3A_347 = arith.constant 16 : i32
        %mul3A_348 = arith.muli %scan3A_333, %mul3A_347 : i32
        %swap3A = arith.index_cast %mul3A_348 : i32 to index
        %swap3A_349 = tpu.vector_load %arg9[%swap3A] {strides = array<i32>} : memref<800xi32, #tpu.memory_space<vmem>>, vector<16xi32>,
        %swap3A_350 = vector.shape_cast %swap3A_349 : vector<16xi32> to vector<16xi32>
        %swap3A_351 = vector.shape_cast %get3A_339 : vector<16xi32> to vector<16xi32>
        tpu.vector_store %arg9[%swap3A], %swap3A_351 {strides = array<i32>} : memref<800xi32, #tpu.memory_space<vmem>>, vector<16xi32>,
        %mul3A_352 = arith.constant 16 : i32
        %mul3A_353 = arith.muli %scan3A_333, %mul3A_352 : i32
        %swap3A_354 = arith.index_cast %mul3A_353 : i32 to index
        %swap3A_355 = tpu.vector_load %arg10[%swap3A_354] {strides = array<i32>} : memref<800xi32, #tpu.memory_space<vmem>>, vector<16xi32>,
        %swap3A_356 = vector.shape_cast %swap3A_355 : vector<16xi32> to vector<16xi32>
        %swap3A_357 = vector.shape_cast %get3A_346 : vector<16xi32> to vector<16xi32>
        tpu.vector_store %arg10[%swap3A_354], %swap3A_357 {strides = array<i32>} : memref<800xi32, #tpu.memory_space<vmem>>, vector<16xi32>,
      }
      %scan3A_293 = arith.constant 50 : i32
      %mul3A_294 = arith.constant 2 : i32
      %mul3A_295 = arith.muli %mul3A_294, %scan3A_282 : i32
      %add3A_296 = arith.constant 2 : i32
      %add3A_297 = arith.addi %mul3A_295, %add3A_296 : i32
      %mul3A_298 = arith.constant 800 : i32
      %mul3A_299 = arith.muli %add3A_297, %mul3A_298 : i32
      %add3A_300 = arith.addi %mul3A_5, %mul3A_299 : i32
      %multiple_of3A_301 = tpu.assume_multiple %add3A_300, 8 : i32
      %dma_start3A_302 = arith.constant 0 : i32
      %dma_start3A_303 = tpu.memref_slice %arg3[%dma_start3A_302, %multiple_of3A_301] : memref<2x320000xi32, #tpu.memory_space<hbm>> -> memref<2x800xi32, #tpu.memory_space<hbm>>
      %dma_start3A_304 = arith.constant 0 : i32
      %dma_start3A_305 = tpu.memref_slice %arg3[%dma_start3A_304, %multiple_of3A_301] : memref<2x320000xi32, #tpu.memory_space<hbm>> -> memref<2x800xi32, #tpu.memory_space<hbm>>
      tpu.enqueue_dma source(%dma_start3A_305 : memref<2x800xi32, #tpu.memory_space<hbm>>) target(%arg5 : memref<2x800xi32, #tpu.memory_space<vmem>>) target_semaphore(%arg16 : memref<!tpu.dma_semaphore, #tpu.memory_space<semaphore_mem>>)
      %dma_wait3A_306 = arith.constant 0 : i32
      %dma_wait3A_307 = arith.constant 0 : i32
      %dma_wait3A_308 = tpu.memref_slice %arg15[%dma_wait3A_306, %dma_wait3A_307] : memref<10000x16xf32, #tpu.memory_space<vmem_shared>> -> memref<10000x16xf32, #tpu.memory_space<vmem_shared>>
      tpu.wait_indirect_dma semaphore(%arg18 : memref<!tpu.dma_semaphore, #tpu.memory_space<semaphore_mem>>) src(%dma_wait3A_308 : memref<10000x16xf32, #tpu.memory_space<vmem_shared>>) dst(%arg11 : memref<800x16xf32, #tpu.memory_space<vmem>>)
      %dma_start3A_309 = arith.constant 0 : i32
      %dma_start3A_310 = arith.constant 0 : i32
      %dma_start3A_311 = tpu.memref_slice %arg15[%dma_start3A_309, %dma_start3A_310] : memref<10000x16xf32, #tpu.memory_space<vmem_shared>> -> memref<10000x16xf32, #tpu.memory_space<vmem_shared>>
      tpu.enqueue_indirect_dma source(%dma_start3A_311 : memref<10000x16xf32, #tpu.memory_space<vmem_shared>>) target(%arg12 : memref<800x16xf32, #tpu.memory_space<vmem>>) offsets(%arg9 : memref<800xi32, #tpu.memory_space<vmem>>) semaphore(%arg19 : memref<!tpu.dma_semaphore, #tpu.memory_space<semaphore_mem>>)
      "tpu.region"() ({
        %run_scoped3A = tpu.sem_alloc : memref<!tpu.dma_semaphore, #tpu.memory_space<semaphore_mem>>
        %dma_start3A_333 = arith.constant 0 : i32
        %dma_start3A_334 = arith.constant 0 : i32
        %dma_start3A_335 = tpu.memref_slice %arg14[%dma_start3A_333, %dma_start3A_334] : memref<60000x16xf32, #tpu.memory_space<vmem_shared>> -> memref<60000x16xf32, #tpu.memory_space<vmem_shared>>
        tpu.enqueue_indirect_dma source(%arg11 : memref<800x16xf32, #tpu.memory_space<vmem>>) target(%dma_start3A_335 : memref<60000x16xf32, #tpu.memory_space<vmem_shared>>) offsets(%arg8 : memref<800xi32, #tpu.memory_space<vmem>>) semaphore(%run_scoped3A : memref<!tpu.dma_semaphore, #tpu.memory_space<semaphore_mem>>) {add = true}
        %dma_wait3A_336 = arith.constant 0 : i32
        %dma_wait3A_337 = arith.constant 0 : i32
        %dma_wait3A_338 = tpu.memref_slice %arg14[%dma_wait3A_336, %dma_wait3A_337] : memref<60000x16xf32, #tpu.memory_space<vmem_shared>> -> memref<60000x16xf32, #tpu.memory_space<vmem_shared>>
        tpu.wait_indirect_dma semaphore(%run_scoped3A : memref<!tpu.dma_semaphore, #tpu.memory_space<semaphore_mem>>) src(%arg11 : memref<800x16xf32, #tpu.memory_space<vmem>>) dst(%dma_wait3A_338 : memref<60000x16xf32, #tpu.memory_space<vmem_shared>>)
        tpu.yield
      }) : () -> ()
      %dma_wait3A_312 = arith.constant 0 : i32
      %dma_wait3A_313 = arith.constant 0 : i32
      %dma_wait3A_314 = tpu.memref_slice %arg3[%dma_wait3A_312, %dma_wait3A_313] : memref<2x320000xi32, #tpu.memory_space<hbm>> -> memref<2x800xi32, #tpu.memory_space<hbm>>
      %dma_wait3A_315 = arith.constant 0 : i32
      %dma_wait3A_316 = arith.constant 0 : i32
      %dma_wait3A_317 = tpu.memref_slice %arg3[%dma_wait3A_315, %dma_wait3A_316] : memref<2x320000xi32, #tpu.memory_space<hbm>> -> memref<2x800xi32, #tpu.memory_space<hbm>>
      tpu.wait_dma2 semaphore(%arg16 : memref<!tpu.dma_semaphore, #tpu.memory_space<semaphore_mem>>) src(%dma_wait3A_317 : memref<2x800xi32, #tpu.memory_space<hbm>>) dst(%arg5 : memref<2x800xi32, #tpu.memory_space<vmem>>)
      %scan3A_318 = arith.constant 0 : i32
      %scan3A_319 = arith.constant 50 : i32
      %scan3A_320 = arith.addi %scan3A_318, %scan3A_319 : i32
      %scan3A_321 = arith.constant 1 : i32
      scf.for %scan3A_333 = %scan3A_318 to %scan3A_320 step %scan3A_321  : i32 {
        %mul3A_334 = arith.constant 16 : i32
        %mul3A_335 = arith.muli %scan3A_333, %mul3A_334 : i32
        %get3A = arith.constant 0 : i32
        %get3A_336 = arith.index_cast %get3A : i32 to index
        %get3A_337 = arith.index_cast %mul3A_335 : i32 to index
        %get3A_338 = tpu.vector_load %arg5[%get3A_336, %get3A_337] {strides = array<i32>} : memref<2x800xi32, #tpu.memory_space<vmem>>, vector<1x16xi32>,
        %get3A_339 = vector.shape_cast %get3A_338 : vector<1x16xi32> to vector<16xi32>
        %mul3A_340 = arith.constant 16 : i32
        %mul3A_341 = arith.muli %scan3A_333, %mul3A_340 : i32
        %get3A_342 = arith.constant 1 : i32
        %get3A_343 = arith.index_cast %get3A_342 : i32 to index
        %get3A_344 = arith.index_cast %mul3A_341 : i32 to index
        %get3A_345 = tpu.vector_load %arg5[%get3A_343, %get3A_344] {strides = array<i32>} : memref<2x800xi32, #tpu.memory_space<vmem>>, vector<1x16xi32>,
        %get3A_346 = vector.shape_cast %get3A_345 : vector<1x16xi32> to vector<16xi32>
        %mul3A_347 = arith.constant 16 : i32
        %mul3A_348 = arith.muli %scan3A_333, %mul3A_347 : i32
        %swap3A = arith.index_cast %mul3A_348 : i32 to index
        %swap3A_349 = tpu.vector_load %arg7[%swap3A] {strides = array<i32>} : memref<800xi32, #tpu.memory_space<vmem>>, vector<16xi32>,
        %swap3A_350 = vector.shape_cast %swap3A_349 : vector<16xi32> to vector<16xi32>
        %swap3A_351 = vector.shape_cast %get3A_339 : vector<16xi32> to vector<16xi32>
        tpu.vector_store %arg7[%swap3A], %swap3A_351 {strides = array<i32>} : memref<800xi32, #tpu.memory_space<vmem>>, vector<16xi32>,
        %mul3A_352 = arith.constant 16 : i32
        %mul3A_353 = arith.muli %scan3A_333, %mul3A_352 : i32
        %swap3A_354 = arith.index_cast %mul3A_353 : i32 to index
        %swap3A_355 = tpu.vector_load %arg8[%swap3A_354] {strides = array<i32>} : memref<800xi32, #tpu.memory_space<vmem>>, vector<16xi32>,
        %swap3A_356 = vector.shape_cast %swap3A_355 : vector<16xi32> to vector<16xi32>
        %swap3A_357 = vector.shape_cast %get3A_346 : vector<16xi32> to vector<16xi32>
        tpu.vector_store %arg8[%swap3A_354], %swap3A_357 {strides = array<i32>} : memref<800xi32, #tpu.memory_space<vmem>>, vector<16xi32>,
      }
      %scan3A_322 = arith.constant 50 : i32
      %lt3A = arith.constant 11 : i32
      %lt3A_323 = arith.cmpi slt, %scan3A_282, %lt3A : i32
      %convert_element_type3A_324 = arith.extui %lt3A_323 : i1 to i32
      %cond3A_325 = arith.constant 0 : i32
      %cond3A_326 = arith.cmpi ne, %convert_element_type3A_324, %cond3A_325 : i32
      scf.if %cond3A_326 {
        %mul3A_333 = arith.constant 2 : i32
        %mul3A_334 = arith.muli %mul3A_333, %scan3A_282 : i32
        %add3A_335 = arith.constant 3 : i32
        %add3A_336 = arith.addi %mul3A_334, %add3A_335 : i32
        %mul3A_337 = arith.constant 800 : i32
        %mul3A_338 = arith.muli %add3A_336, %mul3A_337 : i32
        %add3A_339 = arith.addi %mul3A_5, %mul3A_338 : i32
        %multiple_of3A_340 = tpu.assume_multiple %add3A_339, 8 : i32
        %dma_start3A_341 = arith.constant 0 : i32
        %dma_start3A_342 = tpu.memref_slice %arg3[%dma_start3A_341, %multiple_of3A_340] : memref<2x320000xi32, #tpu.memory_space<hbm>> -> memref<2x800xi32, #tpu.memory_space<hbm>>
        %dma_start3A_343 = arith.constant 0 : i32
        %dma_start3A_344 = tpu.memref_slice %arg3[%dma_start3A_343, %multiple_of3A_340] : memref<2x320000xi32, #tpu.memory_space<hbm>> -> memref<2x800xi32, #tpu.memory_space<hbm>>
        tpu.enqueue_dma source(%dma_start3A_344 : memref<2x800xi32, #tpu.memory_space<hbm>>) target(%arg6 : memref<2x800xi32, #tpu.memory_space<vmem>>) target_semaphore(%arg17 : memref<!tpu.dma_semaphore, #tpu.memory_space<semaphore_mem>>)
      } else {
      }
      %dma_wait3A_327 = arith.constant 0 : i32
      %dma_wait3A_328 = arith.constant 0 : i32
      %dma_wait3A_329 = tpu.memref_slice %arg15[%dma_wait3A_327, %dma_wait3A_328] : memref<10000x16xf32, #tpu.memory_space<vmem_shared>> -> memref<10000x16xf32, #tpu.memory_space<vmem_shared>>
      tpu.wait_indirect_dma semaphore(%arg19 : memref<!tpu.dma_semaphore, #tpu.memory_space<semaphore_mem>>) src(%dma_wait3A_329 : memref<10000x16xf32, #tpu.memory_space<vmem_shared>>) dst(%arg12 : memref<800x16xf32, #tpu.memory_space<vmem>>)
      %dma_start3A_330 = arith.constant 0 : i32
      %dma_start3A_331 = arith.constant 0 : i32
      %dma_start3A_332 = tpu.memref_slice %arg15[%dma_start3A_330, %dma_start3A_331] : memref<10000x16xf32, #tpu.memory_space<vmem_shared>> -> memref<10000x16xf32, #tpu.memory_space<vmem_shared>>
      tpu.enqueue_indirect_dma source(%dma_start3A_332 : memref<10000x16xf32, #tpu.memory_space<vmem_shared>>) target(%arg11 : memref<800x16xf32, #tpu.memory_space<vmem>>) offsets(%arg7 : memref<800xi32, #tpu.memory_space<vmem>>) semaphore(%arg18 : memref<!tpu.dma_semaphore, #tpu.memory_space<semaphore_mem>>)
      "tpu.region"() ({
        %run_scoped3A = tpu.sem_alloc : memref<!tpu.dma_semaphore, #tpu.memory_space<semaphore_mem>>
        %dma_start3A_333 = arith.constant 0 : i32
        %dma_start3A_334 = arith.constant 0 : i32
        %dma_start3A_335 = tpu.memref_slice %arg14[%dma_start3A_333, %dma_start3A_334] : memref<60000x16xf32, #tpu.memory_space<vmem_shared>> -> memref<60000x16xf32, #tpu.memory_space<vmem_shared>>
        tpu.enqueue_indirect_dma source(%arg12 : memref<800x16xf32, #tpu.memory_space<vmem>>) target(%dma_start3A_335 : memref<60000x16xf32, #tpu.memory_space<vmem_shared>>) offsets(%arg10 : memref<800xi32, #tpu.memory_space<vmem>>) semaphore(%run_scoped3A : memref<!tpu.dma_semaphore, #tpu.memory_space<semaphore_mem>>) {add = true}
        %dma_wait3A_336 = arith.constant 0 : i32
        %dma_wait3A_337 = arith.constant 0 : i32
        %dma_wait3A_338 = tpu.memref_slice %arg14[%dma_wait3A_336, %dma_wait3A_337] : memref<60000x16xf32, #tpu.memory_space<vmem_shared>> -> memref<60000x16xf32, #tpu.memory_space<vmem_shared>>
        tpu.wait_indirect_dma semaphore(%run_scoped3A : memref<!tpu.dma_semaphore, #tpu.memory_space<semaphore_mem>>) src(%arg12 : memref<800x16xf32, #tpu.memory_space<vmem>>) dst(%dma_wait3A_338 : memref<60000x16xf32, #tpu.memory_space<vmem_shared>>)
        tpu.yield
      }) : () -> ()
    }
    %scan3A_133 = arith.constant 12 : i32
    %dma_wait3A_134 = arith.constant 0 : i32
    %dma_wait3A_135 = arith.constant 0 : i32
    %dma_wait3A_136 = tpu.memref_slice %arg15[%dma_wait3A_134, %dma_wait3A_135] : memref<10000x16xf32, #tpu.memory_space<vmem_shared>> -> memref<10000x16xf32, #tpu.memory_space<vmem_shared>>
    tpu.wait_indirect_dma semaphore(%arg18 : memref<!tpu.dma_semaphore, #tpu.memory_space<semaphore_mem>>) src(%dma_wait3A_136 : memref<10000x16xf32, #tpu.memory_space<vmem_shared>>) dst(%arg11 : memref<800x16xf32, #tpu.memory_space<vmem>>)
    "tpu.region"() ({
      %run_scoped3A = tpu.sem_alloc : memref<!tpu.dma_semaphore, #tpu.memory_space<semaphore_mem>>
      %dma_start3A_282 = arith.constant 0 : i32
      %dma_start3A_283 = arith.constant 0 : i32
      %dma_start3A_284 = tpu.memref_slice %arg14[%dma_start3A_282, %dma_start3A_283] : memref<60000x16xf32, #tpu.memory_space<vmem_shared>> -> memref<60000x16xf32, #tpu.memory_space<vmem_shared>>
      tpu.enqueue_indirect_dma source(%arg11 : memref<800x16xf32, #tpu.memory_space<vmem>>) target(%dma_start3A_284 : memref<60000x16xf32, #tpu.memory_space<vmem_shared>>) offsets(%arg8 : memref<800xi32, #tpu.memory_space<vmem>>) semaphore(%run_scoped3A : memref<!tpu.dma_semaphore, #tpu.memory_space<semaphore_mem>>) {add = true}
      %dma_wait3A_285 = arith.constant 0 : i32
      %dma_wait3A_286 = arith.constant 0 : i32
      %dma_wait3A_287 = tpu.memref_slice %arg14[%dma_wait3A_285, %dma_wait3A_286] : memref<60000x16xf32, #tpu.memory_space<vmem_shared>> -> memref<60000x16xf32, #tpu.memory_space<vmem_shared>>
      tpu.wait_indirect_dma semaphore(%run_scoped3A : memref<!tpu.dma_semaphore, #tpu.memory_space<semaphore_mem>>) src(%arg11 : memref<800x16xf32, #tpu.memory_space<vmem>>) dst(%dma_wait3A_287 : memref<60000x16xf32, #tpu.memory_space<vmem_shared>>)
      tpu.yield
    }) : () -> ()
    %barrier3A_137 = arith.constant 0 : index
    tpu.barrier barrier_id(%barrier3A_137)
    %mul3A_138 = arith.constant 3750 : i32
    %mul3A_139 = arith.muli %arg1, %mul3A_138 : i32
    "tpu.region"() ({
      %run_scoped3A = tpu.sem_alloc : memref<!tpu.dma_semaphore, #tpu.memory_space<semaphore_mem>>
      %dma_start3A_282 = tpu.memref_slice %arg4[%mul3A_139, %mul3A_99] : memref<60000x128xf32, #tpu.memory_space<hbm>> -> memref<3750x16xf32, #tpu.memory_space<hbm>>
      %dma_start3A_283 = arith.constant 0 : i32
      %dma_start3A_284 = tpu.memref_slice %arg14[%mul3A_139, %dma_start3A_283] : memref<60000x16xf32, #tpu.memory_space<vmem_shared>> -> memref<3750x16xf32, #tpu.memory_space<vmem_shared>>
      tpu.enqueue_dma source(%dma_start3A_284 : memref<3750x16xf32, #tpu.memory_space<vmem_shared>>) target(%dma_start3A_282 : memref<3750x16xf32, #tpu.memory_space<hbm>>) target_semaphore(%run_scoped3A : memref<!tpu.dma_semaphore, #tpu.memory_space<semaphore_mem>>)
      %dma_wait3A_285 = tpu.memref_slice %arg4[%mul3A_139, %mul3A_99] : memref<60000x128xf32, #tpu.memory_space<hbm>> -> memref<3750x16xf32, #tpu.memory_space<hbm>>
      %dma_wait3A_286 = arith.constant 0 : i32
      %dma_wait3A_287 = tpu.memref_slice %arg14[%mul3A_139, %dma_wait3A_286] : memref<60000x16xf32, #tpu.memory_space<vmem_shared>> -> memref<3750x16xf32, #tpu.memory_space<vmem_shared>>
      tpu.wait_dma2 semaphore(%run_scoped3A : memref<!tpu.dma_semaphore, #tpu.memory_space<semaphore_mem>>) src(%dma_wait3A_287 : memref<3750x16xf32, #tpu.memory_space<vmem_shared>>) dst(%dma_wait3A_285 : memref<3750x16xf32, #tpu.memory_space<hbm>>)
      tpu.yield
    }) : () -> ()
    %mul3A_140 = arith.constant 3750 : i32
    %mul3A_141 = arith.muli %arg1, %mul3A_140 : i32
    %add3A_142 = arith.constant 0 : i32
    %add3A_143 = arith.addi %mul3A_141, %add3A_142 : i32
    "tpu.region"() ({
      %run_scoped3A = tpu.sem_alloc : memref<!tpu.dma_semaphore, #tpu.memory_space<semaphore_mem>>
      %dma_start3A_282 = arith.constant 0 : i32
      %dma_start3A_283 = tpu.memref_slice %arg14[%add3A_143, %dma_start3A_282] : memref<60000x16xf32, #tpu.memory_space<vmem_shared>> -> memref<750x16xf32, #tpu.memory_space<vmem_shared>>
      %dma_start3A_284 = arith.constant 0 : i32
      %dma_start3A_285 = tpu.memref_slice %arg14[%add3A_143, %dma_start3A_284] : memref<60000x16xf32, #tpu.memory_space<vmem_shared>> -> memref<750x16xf32, #tpu.memory_space<vmem_shared>>
      tpu.enqueue_dma source(%arg13 : memref<750x16xf32, #tpu.memory_space<vmem>>) target(%dma_start3A_285 : memref<750x16xf32, #tpu.memory_space<vmem_shared>>) target_semaphore(%run_scoped3A : memref<!tpu.dma_semaphore, #tpu.memory_space<semaphore_mem>>)
      %dma_wait3A_286 = arith.constant 0 : i32
      %dma_wait3A_287 = tpu.memref_slice %arg14[%add3A_143, %dma_wait3A_286] : memref<60000x16xf32, #tpu.memory_space<vmem_shared>> -> memref<750x16xf32, #tpu.memory_space<vmem_shared>>
      %dma_wait3A_288 = arith.constant 0 : i32
      %dma_wait3A_289 = tpu.memref_slice %arg14[%add3A_143, %dma_wait3A_288] : memref<60000x16xf32, #tpu.memory_space<vmem_shared>> -> memref<750x16xf32, #tpu.memory_space<vmem_shared>>
      tpu.wait_dma2 semaphore(%run_scoped3A : memref<!tpu.dma_semaphore, #tpu.memory_space<semaphore_mem>>) src(%arg13 : memref<750x16xf32, #tpu.memory_space<vmem>>) dst(%dma_wait3A_289 : memref<750x16xf32, #tpu.memory_space<vmem_shared>>)
      tpu.yield
    }) : () -> ()
    %mul3A_144 = arith.constant 3750 : i32
    %mul3A_145 = arith.muli %arg1, %mul3A_144 : i32
    %add3A_146 = arith.constant 750 : i32
    %add3A_147 = arith.addi %mul3A_145, %add3A_146 : i32
    "tpu.region"() ({
      %run_scoped3A = tpu.sem_alloc : memref<!tpu.dma_semaphore, #tpu.memory_space<semaphore_mem>>
      %dma_start3A_282 = arith.constant 0 : i32
      %dma_start3A_283 = tpu.memref_slice %arg14[%add3A_147, %dma_start3A_282] : memref<60000x16xf32, #tpu.memory_space<vmem_shared>> -> memref<750x16xf32, #tpu.memory_space<vmem_shared>>
      %dma_start3A_284 = arith.constant 0 : i32
      %dma_start3A_285 = tpu.memref_slice %arg14[%add3A_147, %dma_start3A_284] : memref<60000x16xf32, #tpu.memory_space<vmem_shared>> -> memref<750x16xf32, #tpu.memory_space<vmem_shared>>
      tpu.enqueue_dma source(%arg13 : memref<750x16xf32, #tpu.memory_space<vmem>>) target(%dma_start3A_285 : memref<750x16xf32, #tpu.memory_space<vmem_shared>>) target_semaphore(%run_scoped3A : memref<!tpu.dma_semaphore, #tpu.memory_space<semaphore_mem>>)
      %dma_wait3A_286 = arith.constant 0 : i32
      %dma_wait3A_287 = tpu.memref_slice %arg14[%add3A_147, %dma_wait3A_286] : memref<60000x16xf32, #tpu.memory_space<vmem_shared>> -> memref<750x16xf32, #tpu.memory_space<vmem_shared>>
      %dma_wait3A_288 = arith.constant 0 : i32
      %dma_wait3A_289 = tpu.memref_slice %arg14[%add3A_147, %dma_wait3A_288] : memref<60000x16xf32, #tpu.memory_space<vmem_shared>> -> memref<750x16xf32, #tpu.memory_space<vmem_shared>>
      tpu.wait_dma2 semaphore(%run_scoped3A : memref<!tpu.dma_semaphore, #tpu.memory_space<semaphore_mem>>) src(%arg13 : memref<750x16xf32, #tpu.memory_space<vmem>>) dst(%dma_wait3A_289 : memref<750x16xf32, #tpu.memory_space<vmem_shared>>)
      tpu.yield
    }) : () -> ()
    %mul3A_148 = arith.constant 3750 : i32
    %mul3A_149 = arith.muli %arg1, %mul3A_148 : i32
    %add3A_150 = arith.constant 1500 : i32
    %add3A_151 = arith.addi %mul3A_149, %add3A_150 : i32
    "tpu.region"() ({
      %run_scoped3A = tpu.sem_alloc : memref<!tpu.dma_semaphore, #tpu.memory_space<semaphore_mem>>
      %dma_start3A_282 = arith.constant 0 : i32
      %dma_start3A_283 = tpu.memref_slice %arg14[%add3A_151, %dma_start3A_282] : memref<60000x16xf32, #tpu.memory_space<vmem_shared>> -> memref<750x16xf32, #tpu.memory_space<vmem_shared>>
      %dma_start3A_284 = arith.constant 0 : i32
      %dma_start3A_285 = tpu.memref_slice %arg14[%add3A_151, %dma_start3A_284] : memref<60000x16xf32, #tpu.memory_space<vmem_shared>> -> memref<750x16xf32, #tpu.memory_space<vmem_shared>>
      tpu.enqueue_dma source(%arg13 : memref<750x16xf32, #tpu.memory_space<vmem>>) target(%dma_start3A_285 : memref<750x16xf32, #tpu.memory_space<vmem_shared>>) target_semaphore(%run_scoped3A : memref<!tpu.dma_semaphore, #tpu.memory_space<semaphore_mem>>)
      %dma_wait3A_286 = arith.constant 0 : i32
      %dma_wait3A_287 = tpu.memref_slice %arg14[%add3A_151, %dma_wait3A_286] : memref<60000x16xf32, #tpu.memory_space<vmem_shared>> -> memref<750x16xf32, #tpu.memory_space<vmem_shared>>
      %dma_wait3A_288 = arith.constant 0 : i32
      %dma_wait3A_289 = tpu.memref_slice %arg14[%add3A_151, %dma_wait3A_288] : memref<60000x16xf32, #tpu.memory_space<vmem_shared>> -> memref<750x16xf32, #tpu.memory_space<vmem_shared>>
      tpu.wait_dma2 semaphore(%run_scoped3A : memref<!tpu.dma_semaphore, #tpu.memory_space<semaphore_mem>>) src(%arg13 : memref<750x16xf32, #tpu.memory_space<vmem>>) dst(%dma_wait3A_289 : memref<750x16xf32, #tpu.memory_space<vmem_shared>>)
      tpu.yield
    }) : () -> ()
    %mul3A_152 = arith.constant 3750 : i32
    %mul3A_153 = arith.muli %arg1, %mul3A_152 : i32
    %add3A_154 = arith.constant 2250 : i32
    %add3A_155 = arith.addi %mul3A_153, %add3A_154 : i32
    "tpu.region"() ({
      %run_scoped3A = tpu.sem_alloc : memref<!tpu.dma_semaphore, #tpu.memory_space<semaphore_mem>>
      %dma_start3A_282 = arith.constant 0 : i32
      %dma_start3A_283 = tpu.memref_slice %arg14[%add3A_155, %dma_start3A_282] : memref<60000x16xf32, #tpu.memory_space<vmem_shared>> -> memref<750x16xf32, #tpu.memory_space<vmem_shared>>
      %dma_start3A_284 = arith.constant 0 : i32
      %dma_start3A_285 = tpu.memref_slice %arg14[%add3A_155, %dma_start3A_284] : memref<60000x16xf32, #tpu.memory_space<vmem_shared>> -> memref<750x16xf32, #tpu.memory_space<vmem_shared>>
      tpu.enqueue_dma source(%arg13 : memref<750x16xf32, #tpu.memory_space<vmem>>) target(%dma_start3A_285 : memref<750x16xf32, #tpu.memory_space<vmem_shared>>) target_semaphore(%run_scoped3A : memref<!tpu.dma_semaphore, #tpu.memory_space<semaphore_mem>>)
      %dma_wait3A_286 = arith.constant 0 : i32
      %dma_wait3A_287 = tpu.memref_slice %arg14[%add3A_155, %dma_wait3A_286] : memref<60000x16xf32, #tpu.memory_space<vmem_shared>> -> memref<750x16xf32, #tpu.memory_space<vmem_shared>>
      %dma_wait3A_288 = arith.constant 0 : i32
      %dma_wait3A_289 = tpu.memref_slice %arg14[%add3A_155, %dma_wait3A_288] : memref<60000x16xf32, #tpu.memory_space<vmem_shared>> -> memref<750x16xf32, #tpu.memory_space<vmem_shared>>
      tpu.wait_dma2 semaphore(%run_scoped3A : memref<!tpu.dma_semaphore, #tpu.memory_space<semaphore_mem>>) src(%arg13 : memref<750x16xf32, #tpu.memory_space<vmem>>) dst(%dma_wait3A_289 : memref<750x16xf32, #tpu.memory_space<vmem_shared>>)
      tpu.yield
    }) : () -> ()
    %mul3A_156 = arith.constant 3750 : i32
    %mul3A_157 = arith.muli %arg1, %mul3A_156 : i32
    %add3A_158 = arith.constant 3000 : i32
    %add3A_159 = arith.addi %mul3A_157, %add3A_158 : i32
    "tpu.region"() ({
      %run_scoped3A = tpu.sem_alloc : memref<!tpu.dma_semaphore, #tpu.memory_space<semaphore_mem>>
      %dma_start3A_282 = arith.constant 0 : i32
      %dma_start3A_283 = tpu.memref_slice %arg14[%add3A_159, %dma_start3A_282] : memref<60000x16xf32, #tpu.memory_space<vmem_shared>> -> memref<750x16xf32, #tpu.memory_space<vmem_shared>>
      %dma_start3A_284 = arith.constant 0 : i32
      %dma_start3A_285 = tpu.memref_slice %arg14[%add3A_159, %dma_start3A_284] : memref<60000x16xf32, #tpu.memory_space<vmem_shared>> -> memref<750x16xf32, #tpu.memory_space<vmem_shared>>
      tpu.enqueue_dma source(%arg13 : memref<750x16xf32, #tpu.memory_space<vmem>>) target(%dma_start3A_285 : memref<750x16xf32, #tpu.memory_space<vmem_shared>>) target_semaphore(%run_scoped3A : memref<!tpu.dma_semaphore, #tpu.memory_space<semaphore_mem>>)
      %dma_wait3A_286 = arith.constant 0 : i32
      %dma_wait3A_287 = tpu.memref_slice %arg14[%add3A_159, %dma_wait3A_286] : memref<60000x16xf32, #tpu.memory_space<vmem_shared>> -> memref<750x16xf32, #tpu.memory_space<vmem_shared>>
      %dma_wait3A_288 = arith.constant 0 : i32
      %dma_wait3A_289 = tpu.memref_slice %arg14[%add3A_159, %dma_wait3A_288] : memref<60000x16xf32, #tpu.memory_space<vmem_shared>> -> memref<750x16xf32, #tpu.memory_space<vmem_shared>>
      tpu.wait_dma2 semaphore(%run_scoped3A : memref<!tpu.dma_semaphore, #tpu.memory_space<semaphore_mem>>) src(%arg13 : memref<750x16xf32, #tpu.memory_space<vmem>>) dst(%dma_wait3A_289 : memref<750x16xf32, #tpu.memory_space<vmem_shared>>)
      tpu.yield
    }) : () -> ()
    %eq3A_160 = arith.constant 0 : i32
    %eq3A_161 = arith.cmpi eq, %arg1, %eq3A_160 : i32
    %convert_element_type3A_162 = arith.extui %eq3A_161 : i1 to i32
    %cond3A_163 = arith.constant 0 : i32
    %cond3A_164 = arith.cmpi ne, %convert_element_type3A_162, %cond3A_163 : i32
    scf.if %cond3A_164 {
      %add3A_282 = arith.constant 1 : i32
      %add3A_283 = arith.addi %add3A_97, %add3A_282 : i32
      %mul3A_284 = arith.constant 16 : i32
      %mul3A_285 = arith.muli %add3A_283, %mul3A_284 : i32
      "tpu.region"() ({
        %run_scoped3A = tpu.sem_alloc : memref<!tpu.dma_semaphore, #tpu.memory_space<semaphore_mem>>
        %dma_start3A_286 = arith.constant 0 : i32
        %dma_start3A_287 = tpu.memref_slice %arg2[%dma_start3A_286, %mul3A_285] : memref<10000x128xf32, #tpu.memory_space<hbm>> -> memref<10000x16xf32, #tpu.memory_space<hbm>>
        tpu.enqueue_dma source(%dma_start3A_287 : memref<10000x16xf32, #tpu.memory_space<hbm>>) target(%arg15 : memref<10000x16xf32, #tpu.memory_space<vmem_shared>>) target_semaphore(%run_scoped3A : memref<!tpu.dma_semaphore, #tpu.memory_space<semaphore_mem>>)
        %dma_wait3A_288 = arith.constant 0 : i32
        %dma_wait3A_289 = tpu.memref_slice %arg2[%dma_wait3A_288, %mul3A_285] : memref<10000x128xf32, #tpu.memory_space<hbm>> -> memref<10000x16xf32, #tpu.memory_space<hbm>>
        tpu.wait_dma2 semaphore(%run_scoped3A : memref<!tpu.dma_semaphore, #tpu.memory_space<semaphore_mem>>) src(%dma_wait3A_289 : memref<10000x16xf32, #tpu.memory_space<hbm>>) dst(%arg15 : memref<10000x16xf32, #tpu.memory_space<vmem_shared>>)
        tpu.yield
      }) : () -> ()
    } else {
    }
    %mul3A_165 = arith.constant 4 : i32
    %mul3A_166 = arith.muli %mul3A_165, %arg0 : i32
    %add3A_167 = arith.constant 2 : i32
    %add3A_168 = arith.addi %mul3A_166, %add3A_167 : i32
    %mul3A_169 = arith.constant 16 : i32
    %mul3A_170 = arith.muli %add3A_168, %mul3A_169 : i32
    %add3A_171 = arith.constant 0 : i32
    %add3A_172 = arith.addi %mul3A_5, %add3A_171 : i32
    %multiple_of3A_173 = tpu.assume_multiple %add3A_172, 8 : i32
    %dma_start3A_174 = arith.constant 0 : i32
    %dma_start3A_175 = tpu.memref_slice %arg3[%dma_start3A_174, %multiple_of3A_173] : memref<2x320000xi32, #tpu.memory_space<hbm>> -> memref<2x800xi32, #tpu.memory_space<hbm>>
    %dma_start3A_176 = arith.constant 0 : i32
    %dma_start3A_177 = tpu.memref_slice %arg3[%dma_start3A_176, %multiple_of3A_173] : memref<2x320000xi32, #tpu.memory_space<hbm>> -> memref<2x800xi32, #tpu.memory_space<hbm>>
    tpu.enqueue_dma source(%dma_start3A_177 : memref<2x800xi32, #tpu.memory_space<hbm>>) target(%arg5 : memref<2x800xi32, #tpu.memory_space<vmem>>) target_semaphore(%arg16 : memref<!tpu.dma_semaphore, #tpu.memory_space<semaphore_mem>>)
    %barrier3A_178 = arith.constant 0 : index
    tpu.barrier barrier_id(%barrier3A_178)
    %dma_wait3A_179 = arith.constant 0 : i32
    %dma_wait3A_180 = arith.constant 0 : i32
    %dma_wait3A_181 = tpu.memref_slice %arg3[%dma_wait3A_179, %dma_wait3A_180] : memref<2x320000xi32, #tpu.memory_space<hbm>> -> memref<2x800xi32, #tpu.memory_space<hbm>>
    %dma_wait3A_182 = arith.constant 0 : i32
    %dma_wait3A_183 = arith.constant 0 : i32
    %dma_wait3A_184 = tpu.memref_slice %arg3[%dma_wait3A_182, %dma_wait3A_183] : memref<2x320000xi32, #tpu.memory_space<hbm>> -> memref<2x800xi32, #tpu.memory_space<hbm>>
    tpu.wait_dma2 semaphore(%arg16 : memref<!tpu.dma_semaphore, #tpu.memory_space<semaphore_mem>>) src(%dma_wait3A_184 : memref<2x800xi32, #tpu.memory_space<hbm>>) dst(%arg5 : memref<2x800xi32, #tpu.memory_space<vmem>>)
    %scan3A_185 = arith.constant 0 : i32
    %scan3A_186 = arith.constant 50 : i32
    %scan3A_187 = arith.addi %scan3A_185, %scan3A_186 : i32
    %scan3A_188 = arith.constant 1 : i32
    scf.for %scan3A_282 = %scan3A_185 to %scan3A_187 step %scan3A_188  : i32 {
      %mul3A_283 = arith.constant 16 : i32
      %mul3A_284 = arith.muli %scan3A_282, %mul3A_283 : i32
      %get3A = arith.constant 0 : i32
      %get3A_285 = arith.index_cast %get3A : i32 to index
      %get3A_286 = arith.index_cast %mul3A_284 : i32 to index
      %get3A_287 = tpu.vector_load %arg5[%get3A_285, %get3A_286] {strides = array<i32>} : memref<2x800xi32, #tpu.memory_space<vmem>>, vector<1x16xi32>,
      %get3A_288 = vector.shape_cast %get3A_287 : vector<1x16xi32> to vector<16xi32>
      %mul3A_289 = arith.constant 16 : i32
      %mul3A_290 = arith.muli %scan3A_282, %mul3A_289 : i32
      %get3A_291 = arith.constant 1 : i32
      %get3A_292 = arith.index_cast %get3A_291 : i32 to index
      %get3A_293 = arith.index_cast %mul3A_290 : i32 to index
      %get3A_294 = tpu.vector_load %arg5[%get3A_292, %get3A_293] {strides = array<i32>} : memref<2x800xi32, #tpu.memory_space<vmem>>, vector<1x16xi32>,
      %get3A_295 = vector.shape_cast %get3A_294 : vector<1x16xi32> to vector<16xi32>
      %mul3A_296 = arith.constant 16 : i32
      %mul3A_297 = arith.muli %scan3A_282, %mul3A_296 : i32
      %swap3A = arith.index_cast %mul3A_297 : i32 to index
      %swap3A_298 = tpu.vector_load %arg7[%swap3A] {strides = array<i32>} : memref<800xi32, #tpu.memory_space<vmem>>, vector<16xi32>,
      %swap3A_299 = vector.shape_cast %swap3A_298 : vector<16xi32> to vector<16xi32>
      %swap3A_300 = vector.shape_cast %get3A_288 : vector<16xi32> to vector<16xi32>
      tpu.vector_store %arg7[%swap3A], %swap3A_300 {strides = array<i32>} : memref<800xi32, #tpu.memory_space<vmem>>, vector<16xi32>,
      %mul3A_301 = arith.constant 16 : i32
      %mul3A_302 = arith.muli %scan3A_282, %mul3A_301 : i32
      %swap3A_303 = arith.index_cast %mul3A_302 : i32 to index
      %swap3A_304 = tpu.vector_load %arg8[%swap3A_303] {strides = array<i32>} : memref<800xi32, #tpu.memory_space<vmem>>, vector<16xi32>,
      %swap3A_305 = vector.shape_cast %swap3A_304 : vector<16xi32> to vector<16xi32>
      %swap3A_306 = vector.shape_cast %get3A_295 : vector<16xi32> to vector<16xi32>
      tpu.vector_store %arg8[%swap3A_303], %swap3A_306 {strides = array<i32>} : memref<800xi32, #tpu.memory_space<vmem>>, vector<16xi32>,
    }
    %scan3A_189 = arith.constant 50 : i32
    %add3A_190 = arith.constant 800 : i32
    %add3A_191 = arith.addi %mul3A_5, %add3A_190 : i32
    %multiple_of3A_192 = tpu.assume_multiple %add3A_191, 8 : i32
    %dma_start3A_193 = arith.constant 0 : i32
    %dma_start3A_194 = tpu.memref_slice %arg3[%dma_start3A_193, %multiple_of3A_192] : memref<2x320000xi32, #tpu.memory_space<hbm>> -> memref<2x800xi32, #tpu.memory_space<hbm>>
    %dma_start3A_195 = arith.constant 0 : i32
    %dma_start3A_196 = tpu.memref_slice %arg3[%dma_start3A_195, %multiple_of3A_192] : memref<2x320000xi32, #tpu.memory_space<hbm>> -> memref<2x800xi32, #tpu.memory_space<hbm>>
    tpu.enqueue_dma source(%dma_start3A_196 : memref<2x800xi32, #tpu.memory_space<hbm>>) target(%arg6 : memref<2x800xi32, #tpu.memory_space<vmem>>) target_semaphore(%arg17 : memref<!tpu.dma_semaphore, #tpu.memory_space<semaphore_mem>>)
    %dma_start3A_197 = arith.constant 0 : i32
    %dma_start3A_198 = arith.constant 0 : i32
    %dma_start3A_199 = tpu.memref_slice %arg15[%dma_start3A_197, %dma_start3A_198] : memref<10000x16xf32, #tpu.memory_space<vmem_shared>> -> memref<10000x16xf32, #tpu.memory_space<vmem_shared>>
    tpu.enqueue_indirect_dma source(%dma_start3A_199 : memref<10000x16xf32, #tpu.memory_space<vmem_shared>>) target(%arg11 : memref<800x16xf32, #tpu.memory_space<vmem>>) offsets(%arg7 : memref<800xi32, #tpu.memory_space<vmem>>) semaphore(%arg18 : memref<!tpu.dma_semaphore, #tpu.memory_space<semaphore_mem>>)
    %scan3A_200 = arith.constant 0 : i32
    %scan3A_201 = arith.constant 12 : i32
    %scan3A_202 = arith.addi %scan3A_200, %scan3A_201 : i32
    %scan3A_203 = arith.constant 1 : i32
    scf.for %scan3A_282 = %scan3A_200 to %scan3A_202 step %scan3A_203  : i32 {
      %dma_wait3A_283 = arith.constant 0 : i32
      %dma_wait3A_284 = arith.constant 0 : i32
      %dma_wait3A_285 = tpu.memref_slice %arg3[%dma_wait3A_283, %dma_wait3A_284] : memref<2x320000xi32, #tpu.memory_space<hbm>> -> memref<2x800xi32, #tpu.memory_space<hbm>>
      %dma_wait3A_286 = arith.constant 0 : i32
      %dma_wait3A_287 = arith.constant 0 : i32
      %dma_wait3A_288 = tpu.memref_slice %arg3[%dma_wait3A_286, %dma_wait3A_287] : memref<2x320000xi32, #tpu.memory_space<hbm>> -> memref<2x800xi32, #tpu.memory_space<hbm>>
      tpu.wait_dma2 semaphore(%arg17 : memref<!tpu.dma_semaphore, #tpu.memory_space<semaphore_mem>>) src(%dma_wait3A_288 : memref<2x800xi32, #tpu.memory_space<hbm>>) dst(%arg6 : memref<2x800xi32, #tpu.memory_space<vmem>>)
      %scan3A_289 = arith.constant 0 : i32
      %scan3A_290 = arith.constant 50 : i32
      %scan3A_291 = arith.addi %scan3A_289, %scan3A_290 : i32
      %scan3A_292 = arith.constant 1 : i32
      scf.for %scan3A_333 = %scan3A_289 to %scan3A_291 step %scan3A_292  : i32 {
        %mul3A_334 = arith.constant 16 : i32
        %mul3A_335 = arith.muli %scan3A_333, %mul3A_334 : i32
        %get3A = arith.constant 0 : i32
        %get3A_336 = arith.index_cast %get3A : i32 to index
        %get3A_337 = arith.index_cast %mul3A_335 : i32 to index
        %get3A_338 = tpu.vector_load %arg6[%get3A_336, %get3A_337] {strides = array<i32>} : memref<2x800xi32, #tpu.memory_space<vmem>>, vector<1x16xi32>,
        %get3A_339 = vector.shape_cast %get3A_338 : vector<1x16xi32> to vector<16xi32>
        %mul3A_340 = arith.constant 16 : i32
        %mul3A_341 = arith.muli %scan3A_333, %mul3A_340 : i32
        %get3A_342 = arith.constant 1 : i32
        %get3A_343 = arith.index_cast %get3A_342 : i32 to index
        %get3A_344 = arith.index_cast %mul3A_341 : i32 to index
        %get3A_345 = tpu.vector_load %arg6[%get3A_343, %get3A_344] {strides = array<i32>} : memref<2x800xi32, #tpu.memory_space<vmem>>, vector<1x16xi32>,
        %get3A_346 = vector.shape_cast %get3A_345 : vector<1x16xi32> to vector<16xi32>
        %mul3A_347 = arith.constant 16 : i32
        %mul3A_348 = arith.muli %scan3A_333, %mul3A_347 : i32
        %swap3A = arith.index_cast %mul3A_348 : i32 to index
        %swap3A_349 = tpu.vector_load %arg9[%swap3A] {strides = array<i32>} : memref<800xi32, #tpu.memory_space<vmem>>, vector<16xi32>,
        %swap3A_350 = vector.shape_cast %swap3A_349 : vector<16xi32> to vector<16xi32>
        %swap3A_351 = vector.shape_cast %get3A_339 : vector<16xi32> to vector<16xi32>
        tpu.vector_store %arg9[%swap3A], %swap3A_351 {strides = array<i32>} : memref<800xi32, #tpu.memory_space<vmem>>, vector<16xi32>,
        %mul3A_352 = arith.constant 16 : i32
        %mul3A_353 = arith.muli %scan3A_333, %mul3A_352 : i32
        %swap3A_354 = arith.index_cast %mul3A_353 : i32 to index
        %swap3A_355 = tpu.vector_load %arg10[%swap3A_354] {strides = array<i32>} : memref<800xi32, #tpu.memory_space<vmem>>, vector<16xi32>,
        %swap3A_356 = vector.shape_cast %swap3A_355 : vector<16xi32> to vector<16xi32>
        %swap3A_357 = vector.shape_cast %get3A_346 : vector<16xi32> to vector<16xi32>
        tpu.vector_store %arg10[%swap3A_354], %swap3A_357 {strides = array<i32>} : memref<800xi32, #tpu.memory_space<vmem>>, vector<16xi32>,
      }
      %scan3A_293 = arith.constant 50 : i32
      %mul3A_294 = arith.constant 2 : i32
      %mul3A_295 = arith.muli %mul3A_294, %scan3A_282 : i32
      %add3A_296 = arith.constant 2 : i32
      %add3A_297 = arith.addi %mul3A_295, %add3A_296 : i32
      %mul3A_298 = arith.constant 800 : i32
      %mul3A_299 = arith.muli %add3A_297, %mul3A_298 : i32
      %add3A_300 = arith.addi %mul3A_5, %mul3A_299 : i32
      %multiple_of3A_301 = tpu.assume_multiple %add3A_300, 8 : i32
      %dma_start3A_302 = arith.constant 0 : i32
      %dma_start3A_303 = tpu.memref_slice %arg3[%dma_start3A_302, %multiple_of3A_301] : memref<2x320000xi32, #tpu.memory_space<hbm>> -> memref<2x800xi32, #tpu.memory_space<hbm>>
      %dma_start3A_304 = arith.constant 0 : i32
      %dma_start3A_305 = tpu.memref_slice %arg3[%dma_start3A_304, %multiple_of3A_301] : memref<2x320000xi32, #tpu.memory_space<hbm>> -> memref<2x800xi32, #tpu.memory_space<hbm>>
      tpu.enqueue_dma source(%dma_start3A_305 : memref<2x800xi32, #tpu.memory_space<hbm>>) target(%arg5 : memref<2x800xi32, #tpu.memory_space<vmem>>) target_semaphore(%arg16 : memref<!tpu.dma_semaphore, #tpu.memory_space<semaphore_mem>>)
      %dma_wait3A_306 = arith.constant 0 : i32
      %dma_wait3A_307 = arith.constant 0 : i32
      %dma_wait3A_308 = tpu.memref_slice %arg15[%dma_wait3A_306, %dma_wait3A_307] : memref<10000x16xf32, #tpu.memory_space<vmem_shared>> -> memref<10000x16xf32, #tpu.memory_space<vmem_shared>>
      tpu.wait_indirect_dma semaphore(%arg18 : memref<!tpu.dma_semaphore, #tpu.memory_space<semaphore_mem>>) src(%dma_wait3A_308 : memref<10000x16xf32, #tpu.memory_space<vmem_shared>>) dst(%arg11 : memref<800x16xf32, #tpu.memory_space<vmem>>)
      %dma_start3A_309 = arith.constant 0 : i32
      %dma_start3A_310 = arith.constant 0 : i32
      %dma_start3A_311 = tpu.memref_slice %arg15[%dma_start3A_309, %dma_start3A_310] : memref<10000x16xf32, #tpu.memory_space<vmem_shared>> -> memref<10000x16xf32, #tpu.memory_space<vmem_shared>>
      tpu.enqueue_indirect_dma source(%dma_start3A_311 : memref<10000x16xf32, #tpu.memory_space<vmem_shared>>) target(%arg12 : memref<800x16xf32, #tpu.memory_space<vmem>>) offsets(%arg9 : memref<800xi32, #tpu.memory_space<vmem>>) semaphore(%arg19 : memref<!tpu.dma_semaphore, #tpu.memory_space<semaphore_mem>>)
      "tpu.region"() ({
        %run_scoped3A = tpu.sem_alloc : memref<!tpu.dma_semaphore, #tpu.memory_space<semaphore_mem>>
        %dma_start3A_333 = arith.constant 0 : i32
        %dma_start3A_334 = arith.constant 0 : i32
        %dma_start3A_335 = tpu.memref_slice %arg14[%dma_start3A_333, %dma_start3A_334] : memref<60000x16xf32, #tpu.memory_space<vmem_shared>> -> memref<60000x16xf32, #tpu.memory_space<vmem_shared>>
        tpu.enqueue_indirect_dma source(%arg11 : memref<800x16xf32, #tpu.memory_space<vmem>>) target(%dma_start3A_335 : memref<60000x16xf32, #tpu.memory_space<vmem_shared>>) offsets(%arg8 : memref<800xi32, #tpu.memory_space<vmem>>) semaphore(%run_scoped3A : memref<!tpu.dma_semaphore, #tpu.memory_space<semaphore_mem>>) {add = true}
        %dma_wait3A_336 = arith.constant 0 : i32
        %dma_wait3A_337 = arith.constant 0 : i32
        %dma_wait3A_338 = tpu.memref_slice %arg14[%dma_wait3A_336, %dma_wait3A_337] : memref<60000x16xf32, #tpu.memory_space<vmem_shared>> -> memref<60000x16xf32, #tpu.memory_space<vmem_shared>>
        tpu.wait_indirect_dma semaphore(%run_scoped3A : memref<!tpu.dma_semaphore, #tpu.memory_space<semaphore_mem>>) src(%arg11 : memref<800x16xf32, #tpu.memory_space<vmem>>) dst(%dma_wait3A_338 : memref<60000x16xf32, #tpu.memory_space<vmem_shared>>)
        tpu.yield
      }) : () -> ()
      %dma_wait3A_312 = arith.constant 0 : i32
      %dma_wait3A_313 = arith.constant 0 : i32
      %dma_wait3A_314 = tpu.memref_slice %arg3[%dma_wait3A_312, %dma_wait3A_313] : memref<2x320000xi32, #tpu.memory_space<hbm>> -> memref<2x800xi32, #tpu.memory_space<hbm>>
      %dma_wait3A_315 = arith.constant 0 : i32
      %dma_wait3A_316 = arith.constant 0 : i32
      %dma_wait3A_317 = tpu.memref_slice %arg3[%dma_wait3A_315, %dma_wait3A_316] : memref<2x320000xi32, #tpu.memory_space<hbm>> -> memref<2x800xi32, #tpu.memory_space<hbm>>
      tpu.wait_dma2 semaphore(%arg16 : memref<!tpu.dma_semaphore, #tpu.memory_space<semaphore_mem>>) src(%dma_wait3A_317 : memref<2x800xi32, #tpu.memory_space<hbm>>) dst(%arg5 : memref<2x800xi32, #tpu.memory_space<vmem>>)
      %scan3A_318 = arith.constant 0 : i32
      %scan3A_319 = arith.constant 50 : i32
      %scan3A_320 = arith.addi %scan3A_318, %scan3A_319 : i32
      %scan3A_321 = arith.constant 1 : i32
      scf.for %scan3A_333 = %scan3A_318 to %scan3A_320 step %scan3A_321  : i32 {
        %mul3A_334 = arith.constant 16 : i32
        %mul3A_335 = arith.muli %scan3A_333, %mul3A_334 : i32
        %get3A = arith.constant 0 : i32
        %get3A_336 = arith.index_cast %get3A : i32 to index
        %get3A_337 = arith.index_cast %mul3A_335 : i32 to index
        %get3A_338 = tpu.vector_load %arg5[%get3A_336, %get3A_337] {strides = array<i32>} : memref<2x800xi32, #tpu.memory_space<vmem>>, vector<1x16xi32>,
        %get3A_339 = vector.shape_cast %get3A_338 : vector<1x16xi32> to vector<16xi32>
        %mul3A_340 = arith.constant 16 : i32
        %mul3A_341 = arith.muli %scan3A_333, %mul3A_340 : i32
        %get3A_342 = arith.constant 1 : i32
        %get3A_343 = arith.index_cast %get3A_342 : i32 to index
        %get3A_344 = arith.index_cast %mul3A_341 : i32 to index
        %get3A_345 = tpu.vector_load %arg5[%get3A_343, %get3A_344] {strides = array<i32>} : memref<2x800xi32, #tpu.memory_space<vmem>>, vector<1x16xi32>,
        %get3A_346 = vector.shape_cast %get3A_345 : vector<1x16xi32> to vector<16xi32>
        %mul3A_347 = arith.constant 16 : i32
        %mul3A_348 = arith.muli %scan3A_333, %mul3A_347 : i32
        %swap3A = arith.index_cast %mul3A_348 : i32 to index
        %swap3A_349 = tpu.vector_load %arg7[%swap3A] {strides = array<i32>} : memref<800xi32, #tpu.memory_space<vmem>>, vector<16xi32>,
        %swap3A_350 = vector.shape_cast %swap3A_349 : vector<16xi32> to vector<16xi32>
        %swap3A_351 = vector.shape_cast %get3A_339 : vector<16xi32> to vector<16xi32>
        tpu.vector_store %arg7[%swap3A], %swap3A_351 {strides = array<i32>} : memref<800xi32, #tpu.memory_space<vmem>>, vector<16xi32>,
        %mul3A_352 = arith.constant 16 : i32
        %mul3A_353 = arith.muli %scan3A_333, %mul3A_352 : i32
        %swap3A_354 = arith.index_cast %mul3A_353 : i32 to index
        %swap3A_355 = tpu.vector_load %arg8[%swap3A_354] {strides = array<i32>} : memref<800xi32, #tpu.memory_space<vmem>>, vector<16xi32>,
        %swap3A_356 = vector.shape_cast %swap3A_355 : vector<16xi32> to vector<16xi32>
        %swap3A_357 = vector.shape_cast %get3A_346 : vector<16xi32> to vector<16xi32>
        tpu.vector_store %arg8[%swap3A_354], %swap3A_357 {strides = array<i32>} : memref<800xi32, #tpu.memory_space<vmem>>, vector<16xi32>,
      }
      %scan3A_322 = arith.constant 50 : i32
      %lt3A = arith.constant 11 : i32
      %lt3A_323 = arith.cmpi slt, %scan3A_282, %lt3A : i32
      %convert_element_type3A_324 = arith.extui %lt3A_323 : i1 to i32
      %cond3A_325 = arith.constant 0 : i32
      %cond3A_326 = arith.cmpi ne, %convert_element_type3A_324, %cond3A_325 : i32
      scf.if %cond3A_326 {
        %mul3A_333 = arith.constant 2 : i32
        %mul3A_334 = arith.muli %mul3A_333, %scan3A_282 : i32
        %add3A_335 = arith.constant 3 : i32
        %add3A_336 = arith.addi %mul3A_334, %add3A_335 : i32
        %mul3A_337 = arith.constant 800 : i32
        %mul3A_338 = arith.muli %add3A_336, %mul3A_337 : i32
        %add3A_339 = arith.addi %mul3A_5, %mul3A_338 : i32
        %multiple_of3A_340 = tpu.assume_multiple %add3A_339, 8 : i32
        %dma_start3A_341 = arith.constant 0 : i32
        %dma_start3A_342 = tpu.memref_slice %arg3[%dma_start3A_341, %multiple_of3A_340] : memref<2x320000xi32, #tpu.memory_space<hbm>> -> memref<2x800xi32, #tpu.memory_space<hbm>>
        %dma_start3A_343 = arith.constant 0 : i32
        %dma_start3A_344 = tpu.memref_slice %arg3[%dma_start3A_343, %multiple_of3A_340] : memref<2x320000xi32, #tpu.memory_space<hbm>> -> memref<2x800xi32, #tpu.memory_space<hbm>>
        tpu.enqueue_dma source(%dma_start3A_344 : memref<2x800xi32, #tpu.memory_space<hbm>>) target(%arg6 : memref<2x800xi32, #tpu.memory_space<vmem>>) target_semaphore(%arg17 : memref<!tpu.dma_semaphore, #tpu.memory_space<semaphore_mem>>)
      } else {
      }
      %dma_wait3A_327 = arith.constant 0 : i32
      %dma_wait3A_328 = arith.constant 0 : i32
      %dma_wait3A_329 = tpu.memref_slice %arg15[%dma_wait3A_327, %dma_wait3A_328] : memref<10000x16xf32, #tpu.memory_space<vmem_shared>> -> memref<10000x16xf32, #tpu.memory_space<vmem_shared>>
      tpu.wait_indirect_dma semaphore(%arg19 : memref<!tpu.dma_semaphore, #tpu.memory_space<semaphore_mem>>) src(%dma_wait3A_329 : memref<10000x16xf32, #tpu.memory_space<vmem_shared>>) dst(%arg12 : memref<800x16xf32, #tpu.memory_space<vmem>>)
      %dma_start3A_330 = arith.constant 0 : i32
      %dma_start3A_331 = arith.constant 0 : i32
      %dma_start3A_332 = tpu.memref_slice %arg15[%dma_start3A_330, %dma_start3A_331] : memref<10000x16xf32, #tpu.memory_space<vmem_shared>> -> memref<10000x16xf32, #tpu.memory_space<vmem_shared>>
      tpu.enqueue_indirect_dma source(%dma_start3A_332 : memref<10000x16xf32, #tpu.memory_space<vmem_shared>>) target(%arg11 : memref<800x16xf32, #tpu.memory_space<vmem>>) offsets(%arg7 : memref<800xi32, #tpu.memory_space<vmem>>) semaphore(%arg18 : memref<!tpu.dma_semaphore, #tpu.memory_space<semaphore_mem>>)
      "tpu.region"() ({
        %run_scoped3A = tpu.sem_alloc : memref<!tpu.dma_semaphore, #tpu.memory_space<semaphore_mem>>
        %dma_start3A_333 = arith.constant 0 : i32
        %dma_start3A_334 = arith.constant 0 : i32
        %dma_start3A_335 = tpu.memref_slice %arg14[%dma_start3A_333, %dma_start3A_334] : memref<60000x16xf32, #tpu.memory_space<vmem_shared>> -> memref<60000x16xf32, #tpu.memory_space<vmem_shared>>
        tpu.enqueue_indirect_dma source(%arg12 : memref<800x16xf32, #tpu.memory_space<vmem>>) target(%dma_start3A_335 : memref<60000x16xf32, #tpu.memory_space<vmem_shared>>) offsets(%arg10 : memref<800xi32, #tpu.memory_space<vmem>>) semaphore(%run_scoped3A : memref<!tpu.dma_semaphore, #tpu.memory_space<semaphore_mem>>) {add = true}
        %dma_wait3A_336 = arith.constant 0 : i32
        %dma_wait3A_337 = arith.constant 0 : i32
        %dma_wait3A_338 = tpu.memref_slice %arg14[%dma_wait3A_336, %dma_wait3A_337] : memref<60000x16xf32, #tpu.memory_space<vmem_shared>> -> memref<60000x16xf32, #tpu.memory_space<vmem_shared>>
        tpu.wait_indirect_dma semaphore(%run_scoped3A : memref<!tpu.dma_semaphore, #tpu.memory_space<semaphore_mem>>) src(%arg12 : memref<800x16xf32, #tpu.memory_space<vmem>>) dst(%dma_wait3A_338 : memref<60000x16xf32, #tpu.memory_space<vmem_shared>>)
        tpu.yield
      }) : () -> ()
    }
    %scan3A_204 = arith.constant 12 : i32
    %dma_wait3A_205 = arith.constant 0 : i32
    %dma_wait3A_206 = arith.constant 0 : i32
    %dma_wait3A_207 = tpu.memref_slice %arg15[%dma_wait3A_205, %dma_wait3A_206] : memref<10000x16xf32, #tpu.memory_space<vmem_shared>> -> memref<10000x16xf32, #tpu.memory_space<vmem_shared>>
    tpu.wait_indirect_dma semaphore(%arg18 : memref<!tpu.dma_semaphore, #tpu.memory_space<semaphore_mem>>) src(%dma_wait3A_207 : memref<10000x16xf32, #tpu.memory_space<vmem_shared>>) dst(%arg11 : memref<800x16xf32, #tpu.memory_space<vmem>>)
    "tpu.region"() ({
      %run_scoped3A = tpu.sem_alloc : memref<!tpu.dma_semaphore, #tpu.memory_space<semaphore_mem>>
      %dma_start3A_282 = arith.constant 0 : i32
      %dma_start3A_283 = arith.constant 0 : i32
      %dma_start3A_284 = tpu.memref_slice %arg14[%dma_start3A_282, %dma_start3A_283] : memref<60000x16xf32, #tpu.memory_space<vmem_shared>> -> memref<60000x16xf32, #tpu.memory_space<vmem_shared>>
      tpu.enqueue_indirect_dma source(%arg11 : memref<800x16xf32, #tpu.memory_space<vmem>>) target(%dma_start3A_284 : memref<60000x16xf32, #tpu.memory_space<vmem_shared>>) offsets(%arg8 : memref<800xi32, #tpu.memory_space<vmem>>) semaphore(%run_scoped3A : memref<!tpu.dma_semaphore, #tpu.memory_space<semaphore_mem>>) {add = true}
      %dma_wait3A_285 = arith.constant 0 : i32
      %dma_wait3A_286 = arith.constant 0 : i32
      %dma_wait3A_287 = tpu.memref_slice %arg14[%dma_wait3A_285, %dma_wait3A_286] : memref<60000x16xf32, #tpu.memory_space<vmem_shared>> -> memref<60000x16xf32, #tpu.memory_space<vmem_shared>>
      tpu.wait_indirect_dma semaphore(%run_scoped3A : memref<!tpu.dma_semaphore, #tpu.memory_space<semaphore_mem>>) src(%arg11 : memref<800x16xf32, #tpu.memory_space<vmem>>) dst(%dma_wait3A_287 : memref<60000x16xf32, #tpu.memory_space<vmem_shared>>)
      tpu.yield
    }) : () -> ()
    %barrier3A_208 = arith.constant 0 : index
    tpu.barrier barrier_id(%barrier3A_208)
    %mul3A_209 = arith.constant 3750 : i32
    %mul3A_210 = arith.muli %arg1, %mul3A_209 : i32
    "tpu.region"() ({
      %run_scoped3A = tpu.sem_alloc : memref<!tpu.dma_semaphore, #tpu.memory_space<semaphore_mem>>
      %dma_start3A_282 = tpu.memref_slice %arg4[%mul3A_210, %mul3A_170] : memref<60000x128xf32, #tpu.memory_space<hbm>> -> memref<3750x16xf32, #tpu.memory_space<hbm>>
      %dma_start3A_283 = arith.constant 0 : i32
      %dma_start3A_284 = tpu.memref_slice %arg14[%mul3A_210, %dma_start3A_283] : memref<60000x16xf32, #tpu.memory_space<vmem_shared>> -> memref<3750x16xf32, #tpu.memory_space<vmem_shared>>
      tpu.enqueue_dma source(%dma_start3A_284 : memref<3750x16xf32, #tpu.memory_space<vmem_shared>>) target(%dma_start3A_282 : memref<3750x16xf32, #tpu.memory_space<hbm>>) target_semaphore(%run_scoped3A : memref<!tpu.dma_semaphore, #tpu.memory_space<semaphore_mem>>)
      %dma_wait3A_285 = tpu.memref_slice %arg4[%mul3A_210, %mul3A_170] : memref<60000x128xf32, #tpu.memory_space<hbm>> -> memref<3750x16xf32, #tpu.memory_space<hbm>>
      %dma_wait3A_286 = arith.constant 0 : i32
      %dma_wait3A_287 = tpu.memref_slice %arg14[%mul3A_210, %dma_wait3A_286] : memref<60000x16xf32, #tpu.memory_space<vmem_shared>> -> memref<3750x16xf32, #tpu.memory_space<vmem_shared>>
      tpu.wait_dma2 semaphore(%run_scoped3A : memref<!tpu.dma_semaphore, #tpu.memory_space<semaphore_mem>>) src(%dma_wait3A_287 : memref<3750x16xf32, #tpu.memory_space<vmem_shared>>) dst(%dma_wait3A_285 : memref<3750x16xf32, #tpu.memory_space<hbm>>)
      tpu.yield
    }) : () -> ()
    %mul3A_211 = arith.constant 3750 : i32
    %mul3A_212 = arith.muli %arg1, %mul3A_211 : i32
    %add3A_213 = arith.constant 0 : i32
    %add3A_214 = arith.addi %mul3A_212, %add3A_213 : i32
    "tpu.region"() ({
      %run_scoped3A = tpu.sem_alloc : memref<!tpu.dma_semaphore, #tpu.memory_space<semaphore_mem>>
      %dma_start3A_282 = arith.constant 0 : i32
      %dma_start3A_283 = tpu.memref_slice %arg14[%add3A_214, %dma_start3A_282] : memref<60000x16xf32, #tpu.memory_space<vmem_shared>> -> memref<750x16xf32, #tpu.memory_space<vmem_shared>>
      %dma_start3A_284 = arith.constant 0 : i32
      %dma_start3A_285 = tpu.memref_slice %arg14[%add3A_214, %dma_start3A_284] : memref<60000x16xf32, #tpu.memory_space<vmem_shared>> -> memref<750x16xf32, #tpu.memory_space<vmem_shared>>
      tpu.enqueue_dma source(%arg13 : memref<750x16xf32, #tpu.memory_space<vmem>>) target(%dma_start3A_285 : memref<750x16xf32, #tpu.memory_space<vmem_shared>>) target_semaphore(%run_scoped3A : memref<!tpu.dma_semaphore, #tpu.memory_space<semaphore_mem>>)
      %dma_wait3A_286 = arith.constant 0 : i32
      %dma_wait3A_287 = tpu.memref_slice %arg14[%add3A_214, %dma_wait3A_286] : memref<60000x16xf32, #tpu.memory_space<vmem_shared>> -> memref<750x16xf32, #tpu.memory_space<vmem_shared>>
      %dma_wait3A_288 = arith.constant 0 : i32
      %dma_wait3A_289 = tpu.memref_slice %arg14[%add3A_214, %dma_wait3A_288] : memref<60000x16xf32, #tpu.memory_space<vmem_shared>> -> memref<750x16xf32, #tpu.memory_space<vmem_shared>>
      tpu.wait_dma2 semaphore(%run_scoped3A : memref<!tpu.dma_semaphore, #tpu.memory_space<semaphore_mem>>) src(%arg13 : memref<750x16xf32, #tpu.memory_space<vmem>>) dst(%dma_wait3A_289 : memref<750x16xf32, #tpu.memory_space<vmem_shared>>)
      tpu.yield
    }) : () -> ()
    %mul3A_215 = arith.constant 3750 : i32
    %mul3A_216 = arith.muli %arg1, %mul3A_215 : i32
    %add3A_217 = arith.constant 750 : i32
    %add3A_218 = arith.addi %mul3A_216, %add3A_217 : i32
    "tpu.region"() ({
      %run_scoped3A = tpu.sem_alloc : memref<!tpu.dma_semaphore, #tpu.memory_space<semaphore_mem>>
      %dma_start3A_282 = arith.constant 0 : i32
      %dma_start3A_283 = tpu.memref_slice %arg14[%add3A_218, %dma_start3A_282] : memref<60000x16xf32, #tpu.memory_space<vmem_shared>> -> memref<750x16xf32, #tpu.memory_space<vmem_shared>>
      %dma_start3A_284 = arith.constant 0 : i32
      %dma_start3A_285 = tpu.memref_slice %arg14[%add3A_218, %dma_start3A_284] : memref<60000x16xf32, #tpu.memory_space<vmem_shared>> -> memref<750x16xf32, #tpu.memory_space<vmem_shared>>
      tpu.enqueue_dma source(%arg13 : memref<750x16xf32, #tpu.memory_space<vmem>>) target(%dma_start3A_285 : memref<750x16xf32, #tpu.memory_space<vmem_shared>>) target_semaphore(%run_scoped3A : memref<!tpu.dma_semaphore, #tpu.memory_space<semaphore_mem>>)
      %dma_wait3A_286 = arith.constant 0 : i32
      %dma_wait3A_287 = tpu.memref_slice %arg14[%add3A_218, %dma_wait3A_286] : memref<60000x16xf32, #tpu.memory_space<vmem_shared>> -> memref<750x16xf32, #tpu.memory_space<vmem_shared>>
      %dma_wait3A_288 = arith.constant 0 : i32
      %dma_wait3A_289 = tpu.memref_slice %arg14[%add3A_218, %dma_wait3A_288] : memref<60000x16xf32, #tpu.memory_space<vmem_shared>> -> memref<750x16xf32, #tpu.memory_space<vmem_shared>>
      tpu.wait_dma2 semaphore(%run_scoped3A : memref<!tpu.dma_semaphore, #tpu.memory_space<semaphore_mem>>) src(%arg13 : memref<750x16xf32, #tpu.memory_space<vmem>>) dst(%dma_wait3A_289 : memref<750x16xf32, #tpu.memory_space<vmem_shared>>)
      tpu.yield
    }) : () -> ()
    %mul3A_219 = arith.constant 3750 : i32
    %mul3A_220 = arith.muli %arg1, %mul3A_219 : i32
    %add3A_221 = arith.constant 1500 : i32
    %add3A_222 = arith.addi %mul3A_220, %add3A_221 : i32
    "tpu.region"() ({
      %run_scoped3A = tpu.sem_alloc : memref<!tpu.dma_semaphore, #tpu.memory_space<semaphore_mem>>
      %dma_start3A_282 = arith.constant 0 : i32
      %dma_start3A_283 = tpu.memref_slice %arg14[%add3A_222, %dma_start3A_282] : memref<60000x16xf32, #tpu.memory_space<vmem_shared>> -> memref<750x16xf32, #tpu.memory_space<vmem_shared>>
      %dma_start3A_284 = arith.constant 0 : i32
      %dma_start3A_285 = tpu.memref_slice %arg14[%add3A_222, %dma_start3A_284] : memref<60000x16xf32, #tpu.memory_space<vmem_shared>> -> memref<750x16xf32, #tpu.memory_space<vmem_shared>>
      tpu.enqueue_dma source(%arg13 : memref<750x16xf32, #tpu.memory_space<vmem>>) target(%dma_start3A_285 : memref<750x16xf32, #tpu.memory_space<vmem_shared>>) target_semaphore(%run_scoped3A : memref<!tpu.dma_semaphore, #tpu.memory_space<semaphore_mem>>)
      %dma_wait3A_286 = arith.constant 0 : i32
      %dma_wait3A_287 = tpu.memref_slice %arg14[%add3A_222, %dma_wait3A_286] : memref<60000x16xf32, #tpu.memory_space<vmem_shared>> -> memref<750x16xf32, #tpu.memory_space<vmem_shared>>
      %dma_wait3A_288 = arith.constant 0 : i32
      %dma_wait3A_289 = tpu.memref_slice %arg14[%add3A_222, %dma_wait3A_288] : memref<60000x16xf32, #tpu.memory_space<vmem_shared>> -> memref<750x16xf32, #tpu.memory_space<vmem_shared>>
      tpu.wait_dma2 semaphore(%run_scoped3A : memref<!tpu.dma_semaphore, #tpu.memory_space<semaphore_mem>>) src(%arg13 : memref<750x16xf32, #tpu.memory_space<vmem>>) dst(%dma_wait3A_289 : memref<750x16xf32, #tpu.memory_space<vmem_shared>>)
      tpu.yield
    }) : () -> ()
    %mul3A_223 = arith.constant 3750 : i32
    %mul3A_224 = arith.muli %arg1, %mul3A_223 : i32
    %add3A_225 = arith.constant 2250 : i32
    %add3A_226 = arith.addi %mul3A_224, %add3A_225 : i32
    "tpu.region"() ({
      %run_scoped3A = tpu.sem_alloc : memref<!tpu.dma_semaphore, #tpu.memory_space<semaphore_mem>>
      %dma_start3A_282 = arith.constant 0 : i32
      %dma_start3A_283 = tpu.memref_slice %arg14[%add3A_226, %dma_start3A_282] : memref<60000x16xf32, #tpu.memory_space<vmem_shared>> -> memref<750x16xf32, #tpu.memory_space<vmem_shared>>
      %dma_start3A_284 = arith.constant 0 : i32
      %dma_start3A_285 = tpu.memref_slice %arg14[%add3A_226, %dma_start3A_284] : memref<60000x16xf32, #tpu.memory_space<vmem_shared>> -> memref<750x16xf32, #tpu.memory_space<vmem_shared>>
      tpu.enqueue_dma source(%arg13 : memref<750x16xf32, #tpu.memory_space<vmem>>) target(%dma_start3A_285 : memref<750x16xf32, #tpu.memory_space<vmem_shared>>) target_semaphore(%run_scoped3A : memref<!tpu.dma_semaphore, #tpu.memory_space<semaphore_mem>>)
      %dma_wait3A_286 = arith.constant 0 : i32
      %dma_wait3A_287 = tpu.memref_slice %arg14[%add3A_226, %dma_wait3A_286] : memref<60000x16xf32, #tpu.memory_space<vmem_shared>> -> memref<750x16xf32, #tpu.memory_space<vmem_shared>>
      %dma_wait3A_288 = arith.constant 0 : i32
      %dma_wait3A_289 = tpu.memref_slice %arg14[%add3A_226, %dma_wait3A_288] : memref<60000x16xf32, #tpu.memory_space<vmem_shared>> -> memref<750x16xf32, #tpu.memory_space<vmem_shared>>
      tpu.wait_dma2 semaphore(%run_scoped3A : memref<!tpu.dma_semaphore, #tpu.memory_space<semaphore_mem>>) src(%arg13 : memref<750x16xf32, #tpu.memory_space<vmem>>) dst(%dma_wait3A_289 : memref<750x16xf32, #tpu.memory_space<vmem_shared>>)
      tpu.yield
    }) : () -> ()
    %mul3A_227 = arith.constant 3750 : i32
    %mul3A_228 = arith.muli %arg1, %mul3A_227 : i32
    %add3A_229 = arith.constant 3000 : i32
    %add3A_230 = arith.addi %mul3A_228, %add3A_229 : i32
    "tpu.region"() ({
      %run_scoped3A = tpu.sem_alloc : memref<!tpu.dma_semaphore, #tpu.memory_space<semaphore_mem>>
      %dma_start3A_282 = arith.constant 0 : i32
      %dma_start3A_283 = tpu.memref_slice %arg14[%add3A_230, %dma_start3A_282] : memref<60000x16xf32, #tpu.memory_space<vmem_shared>> -> memref<750x16xf32, #tpu.memory_space<vmem_shared>>
      %dma_start3A_284 = arith.constant 0 : i32
      %dma_start3A_285 = tpu.memref_slice %arg14[%add3A_230, %dma_start3A_284] : memref<60000x16xf32, #tpu.memory_space<vmem_shared>> -> memref<750x16xf32, #tpu.memory_space<vmem_shared>>
      tpu.enqueue_dma source(%arg13 : memref<750x16xf32, #tpu.memory_space<vmem>>) target(%dma_start3A_285 : memref<750x16xf32, #tpu.memory_space<vmem_shared>>) target_semaphore(%run_scoped3A : memref<!tpu.dma_semaphore, #tpu.memory_space<semaphore_mem>>)
      %dma_wait3A_286 = arith.constant 0 : i32
      %dma_wait3A_287 = tpu.memref_slice %arg14[%add3A_230, %dma_wait3A_286] : memref<60000x16xf32, #tpu.memory_space<vmem_shared>> -> memref<750x16xf32, #tpu.memory_space<vmem_shared>>
      %dma_wait3A_288 = arith.constant 0 : i32
      %dma_wait3A_289 = tpu.memref_slice %arg14[%add3A_230, %dma_wait3A_288] : memref<60000x16xf32, #tpu.memory_space<vmem_shared>> -> memref<750x16xf32, #tpu.memory_space<vmem_shared>>
      tpu.wait_dma2 semaphore(%run_scoped3A : memref<!tpu.dma_semaphore, #tpu.memory_space<semaphore_mem>>) src(%arg13 : memref<750x16xf32, #tpu.memory_space<vmem>>) dst(%dma_wait3A_289 : memref<750x16xf32, #tpu.memory_space<vmem_shared>>)
      tpu.yield
    }) : () -> ()
    %eq3A_231 = arith.constant 0 : i32
    %eq3A_232 = arith.cmpi eq, %arg1, %eq3A_231 : i32
    %convert_element_type3A_233 = arith.extui %eq3A_232 : i1 to i32
    %cond3A_234 = arith.constant 0 : i32
    %cond3A_235 = arith.cmpi ne, %convert_element_type3A_233, %cond3A_234 : i32
    scf.if %cond3A_235 {
      %add3A_282 = arith.constant 1 : i32
      %add3A_283 = arith.addi %add3A_168, %add3A_282 : i32
      %mul3A_284 = arith.constant 16 : i32
      %mul3A_285 = arith.muli %add3A_283, %mul3A_284 : i32
      "tpu.region"() ({
        %run_scoped3A = tpu.sem_alloc : memref<!tpu.dma_semaphore, #tpu.memory_space<semaphore_mem>>
        %dma_start3A_286 = arith.constant 0 : i32
        %dma_start3A_287 = tpu.memref_slice %arg2[%dma_start3A_286, %mul3A_285] : memref<10000x128xf32, #tpu.memory_space<hbm>> -> memref<10000x16xf32, #tpu.memory_space<hbm>>
        tpu.enqueue_dma source(%dma_start3A_287 : memref<10000x16xf32, #tpu.memory_space<hbm>>) target(%arg15 : memref<10000x16xf32, #tpu.memory_space<vmem_shared>>) target_semaphore(%run_scoped3A : memref<!tpu.dma_semaphore, #tpu.memory_space<semaphore_mem>>)
        %dma_wait3A_288 = arith.constant 0 : i32
        %dma_wait3A_289 = tpu.memref_slice %arg2[%dma_wait3A_288, %mul3A_285] : memref<10000x128xf32, #tpu.memory_space<hbm>> -> memref<10000x16xf32, #tpu.memory_space<hbm>>
        tpu.wait_dma2 semaphore(%run_scoped3A : memref<!tpu.dma_semaphore, #tpu.memory_space<semaphore_mem>>) src(%dma_wait3A_289 : memref<10000x16xf32, #tpu.memory_space<hbm>>) dst(%arg15 : memref<10000x16xf32, #tpu.memory_space<vmem_shared>>)
        tpu.yield
      }) : () -> ()
    } else {
    }
    %mul3A_236 = arith.constant 4 : i32
    %mul3A_237 = arith.muli %mul3A_236, %arg0 : i32
    %add3A_238 = arith.constant 3 : i32
    %add3A_239 = arith.addi %mul3A_237, %add3A_238 : i32
    %mul3A_240 = arith.constant 16 : i32
    %mul3A_241 = arith.muli %add3A_239, %mul3A_240 : i32
    %add3A_242 = arith.constant 0 : i32
    %add3A_243 = arith.addi %mul3A_5, %add3A_242 : i32
    %multiple_of3A_244 = tpu.assume_multiple %add3A_243, 8 : i32
    %dma_start3A_245 = arith.constant 0 : i32
    %dma_start3A_246 = tpu.memref_slice %arg3[%dma_start3A_245, %multiple_of3A_244] : memref<2x320000xi32, #tpu.memory_space<hbm>> -> memref<2x800xi32, #tpu.memory_space<hbm>>
    %dma_start3A_247 = arith.constant 0 : i32
    %dma_start3A_248 = tpu.memref_slice %arg3[%dma_start3A_247, %multiple_of3A_244] : memref<2x320000xi32, #tpu.memory_space<hbm>> -> memref<2x800xi32, #tpu.memory_space<hbm>>
    tpu.enqueue_dma source(%dma_start3A_248 : memref<2x800xi32, #tpu.memory_space<hbm>>) target(%arg5 : memref<2x800xi32, #tpu.memory_space<vmem>>) target_semaphore(%arg16 : memref<!tpu.dma_semaphore, #tpu.memory_space<semaphore_mem>>)
    %barrier3A_249 = arith.constant 0 : index
    tpu.barrier barrier_id(%barrier3A_249)
    %dma_wait3A_250 = arith.constant 0 : i32
    %dma_wait3A_251 = arith.constant 0 : i32
    %dma_wait3A_252 = tpu.memref_slice %arg3[%dma_wait3A_250, %dma_wait3A_251] : memref<2x320000xi32, #tpu.memory_space<hbm>> -> memref<2x800xi32, #tpu.memory_space<hbm>>
    %dma_wait3A_253 = arith.constant 0 : i32
    %dma_wait3A_254 = arith.constant 0 : i32
    %dma_wait3A_255 = tpu.memref_slice %arg3[%dma_wait3A_253, %dma_wait3A_254] : memref<2x320000xi32, #tpu.memory_space<hbm>> -> memref<2x800xi32, #tpu.memory_space<hbm>>
    tpu.wait_dma2 semaphore(%arg16 : memref<!tpu.dma_semaphore, #tpu.memory_space<semaphore_mem>>) src(%dma_wait3A_255 : memref<2x800xi32, #tpu.memory_space<hbm>>) dst(%arg5 : memref<2x800xi32, #tpu.memory_space<vmem>>)
    %scan3A_256 = arith.constant 0 : i32
    %scan3A_257 = arith.constant 50 : i32
    %scan3A_258 = arith.addi %scan3A_256, %scan3A_257 : i32
    %scan3A_259 = arith.constant 1 : i32
    scf.for %scan3A_282 = %scan3A_256 to %scan3A_258 step %scan3A_259  : i32 {
      %mul3A_283 = arith.constant 16 : i32
      %mul3A_284 = arith.muli %scan3A_282, %mul3A_283 : i32
      %get3A = arith.constant 0 : i32
      %get3A_285 = arith.index_cast %get3A : i32 to index
      %get3A_286 = arith.index_cast %mul3A_284 : i32 to index
      %get3A_287 = tpu.vector_load %arg5[%get3A_285, %get3A_286] {strides = array<i32>} : memref<2x800xi32, #tpu.memory_space<vmem>>, vector<1x16xi32>,
      %get3A_288 = vector.shape_cast %get3A_287 : vector<1x16xi32> to vector<16xi32>
      %mul3A_289 = arith.constant 16 : i32
      %mul3A_290 = arith.muli %scan3A_282, %mul3A_289 : i32
      %get3A_291 = arith.constant 1 : i32
      %get3A_292 = arith.index_cast %get3A_291 : i32 to index
      %get3A_293 = arith.index_cast %mul3A_290 : i32 to index
      %get3A_294 = tpu.vector_load %arg5[%get3A_292, %get3A_293] {strides = array<i32>} : memref<2x800xi32, #tpu.memory_space<vmem>>, vector<1x16xi32>,
      %get3A_295 = vector.shape_cast %get3A_294 : vector<1x16xi32> to vector<16xi32>
      %mul3A_296 = arith.constant 16 : i32
      %mul3A_297 = arith.muli %scan3A_282, %mul3A_296 : i32
      %swap3A = arith.index_cast %mul3A_297 : i32 to index
      %swap3A_298 = tpu.vector_load %arg7[%swap3A] {strides = array<i32>} : memref<800xi32, #tpu.memory_space<vmem>>, vector<16xi32>,
      %swap3A_299 = vector.shape_cast %swap3A_298 : vector<16xi32> to vector<16xi32>
      %swap3A_300 = vector.shape_cast %get3A_288 : vector<16xi32> to vector<16xi32>
      tpu.vector_store %arg7[%swap3A], %swap3A_300 {strides = array<i32>} : memref<800xi32, #tpu.memory_space<vmem>>, vector<16xi32>,
      %mul3A_301 = arith.constant 16 : i32
      %mul3A_302 = arith.muli %scan3A_282, %mul3A_301 : i32
      %swap3A_303 = arith.index_cast %mul3A_302 : i32 to index
      %swap3A_304 = tpu.vector_load %arg8[%swap3A_303] {strides = array<i32>} : memref<800xi32, #tpu.memory_space<vmem>>, vector<16xi32>,
      %swap3A_305 = vector.shape_cast %swap3A_304 : vector<16xi32> to vector<16xi32>
      %swap3A_306 = vector.shape_cast %get3A_295 : vector<16xi32> to vector<16xi32>
      tpu.vector_store %arg8[%swap3A_303], %swap3A_306 {strides = array<i32>} : memref<800xi32, #tpu.memory_space<vmem>>, vector<16xi32>,
    }
    %scan3A_260 = arith.constant 50 : i32
    %add3A_261 = arith.constant 800 : i32
    %add3A_262 = arith.addi %mul3A_5, %add3A_261 : i32
    %multiple_of3A_263 = tpu.assume_multiple %add3A_262, 8 : i32
    %dma_start3A_264 = arith.constant 0 : i32
    %dma_start3A_265 = tpu.memref_slice %arg3[%dma_start3A_264, %multiple_of3A_263] : memref<2x320000xi32, #tpu.memory_space<hbm>> -> memref<2x800xi32, #tpu.memory_space<hbm>>
    %dma_start3A_266 = arith.constant 0 : i32
    %dma_start3A_267 = tpu.memref_slice %arg3[%dma_start3A_266, %multiple_of3A_263] : memref<2x320000xi32, #tpu.memory_space<hbm>> -> memref<2x800xi32, #tpu.memory_space<hbm>>
    tpu.enqueue_dma source(%dma_start3A_267 : memref<2x800xi32, #tpu.memory_space<hbm>>) target(%arg6 : memref<2x800xi32, #tpu.memory_space<vmem>>) target_semaphore(%arg17 : memref<!tpu.dma_semaphore, #tpu.memory_space<semaphore_mem>>)
    %dma_start3A_268 = arith.constant 0 : i32
    %dma_start3A_269 = arith.constant 0 : i32
    %dma_start3A_270 = tpu.memref_slice %arg15[%dma_start3A_268, %dma_start3A_269] : memref<10000x16xf32, #tpu.memory_space<vmem_shared>> -> memref<10000x16xf32, #tpu.memory_space<vmem_shared>>
    tpu.enqueue_indirect_dma source(%dma_start3A_270 : memref<10000x16xf32, #tpu.memory_space<vmem_shared>>) target(%arg11 : memref<800x16xf32, #tpu.memory_space<vmem>>) offsets(%arg7 : memref<800xi32, #tpu.memory_space<vmem>>) semaphore(%arg18 : memref<!tpu.dma_semaphore, #tpu.memory_space<semaphore_mem>>)
    %scan3A_271 = arith.constant 0 : i32
    %scan3A_272 = arith.constant 12 : i32
    %scan3A_273 = arith.addi %scan3A_271, %scan3A_272 : i32
    %scan3A_274 = arith.constant 1 : i32
    scf.for %scan3A_282 = %scan3A_271 to %scan3A_273 step %scan3A_274  : i32 {
      %dma_wait3A_283 = arith.constant 0 : i32
      %dma_wait3A_284 = arith.constant 0 : i32
      %dma_wait3A_285 = tpu.memref_slice %arg3[%dma_wait3A_283, %dma_wait3A_284] : memref<2x320000xi32, #tpu.memory_space<hbm>> -> memref<2x800xi32, #tpu.memory_space<hbm>>
      %dma_wait3A_286 = arith.constant 0 : i32
      %dma_wait3A_287 = arith.constant 0 : i32
      %dma_wait3A_288 = tpu.memref_slice %arg3[%dma_wait3A_286, %dma_wait3A_287] : memref<2x320000xi32, #tpu.memory_space<hbm>> -> memref<2x800xi32, #tpu.memory_space<hbm>>
      tpu.wait_dma2 semaphore(%arg17 : memref<!tpu.dma_semaphore, #tpu.memory_space<semaphore_mem>>) src(%dma_wait3A_288 : memref<2x800xi32, #tpu.memory_space<hbm>>) dst(%arg6 : memref<2x800xi32, #tpu.memory_space<vmem>>)
      %scan3A_289 = arith.constant 0 : i32
      %scan3A_290 = arith.constant 50 : i32
      %scan3A_291 = arith.addi %scan3A_289, %scan3A_290 : i32
      %scan3A_292 = arith.constant 1 : i32
      scf.for %scan3A_333 = %scan3A_289 to %scan3A_291 step %scan3A_292  : i32 {
        %mul3A_334 = arith.constant 16 : i32
        %mul3A_335 = arith.muli %scan3A_333, %mul3A_334 : i32
        %get3A = arith.constant 0 : i32
        %get3A_336 = arith.index_cast %get3A : i32 to index
        %get3A_337 = arith.index_cast %mul3A_335 : i32 to index
        %get3A_338 = tpu.vector_load %arg6[%get3A_336, %get3A_337] {strides = array<i32>} : memref<2x800xi32, #tpu.memory_space<vmem>>, vector<1x16xi32>,
        %get3A_339 = vector.shape_cast %get3A_338 : vector<1x16xi32> to vector<16xi32>
        %mul3A_340 = arith.constant 16 : i32
        %mul3A_341 = arith.muli %scan3A_333, %mul3A_340 : i32
        %get3A_342 = arith.constant 1 : i32
        %get3A_343 = arith.index_cast %get3A_342 : i32 to index
        %get3A_344 = arith.index_cast %mul3A_341 : i32 to index
        %get3A_345 = tpu.vector_load %arg6[%get3A_343, %get3A_344] {strides = array<i32>} : memref<2x800xi32, #tpu.memory_space<vmem>>, vector<1x16xi32>,
        %get3A_346 = vector.shape_cast %get3A_345 : vector<1x16xi32> to vector<16xi32>
        %mul3A_347 = arith.constant 16 : i32
        %mul3A_348 = arith.muli %scan3A_333, %mul3A_347 : i32
        %swap3A = arith.index_cast %mul3A_348 : i32 to index
        %swap3A_349 = tpu.vector_load %arg9[%swap3A] {strides = array<i32>} : memref<800xi32, #tpu.memory_space<vmem>>, vector<16xi32>,
        %swap3A_350 = vector.shape_cast %swap3A_349 : vector<16xi32> to vector<16xi32>
        %swap3A_351 = vector.shape_cast %get3A_339 : vector<16xi32> to vector<16xi32>
        tpu.vector_store %arg9[%swap3A], %swap3A_351 {strides = array<i32>} : memref<800xi32, #tpu.memory_space<vmem>>, vector<16xi32>,
        %mul3A_352 = arith.constant 16 : i32
        %mul3A_353 = arith.muli %scan3A_333, %mul3A_352 : i32
        %swap3A_354 = arith.index_cast %mul3A_353 : i32 to index
        %swap3A_355 = tpu.vector_load %arg10[%swap3A_354] {strides = array<i32>} : memref<800xi32, #tpu.memory_space<vmem>>, vector<16xi32>,
        %swap3A_356 = vector.shape_cast %swap3A_355 : vector<16xi32> to vector<16xi32>
        %swap3A_357 = vector.shape_cast %get3A_346 : vector<16xi32> to vector<16xi32>
        tpu.vector_store %arg10[%swap3A_354], %swap3A_357 {strides = array<i32>} : memref<800xi32, #tpu.memory_space<vmem>>, vector<16xi32>,
      }
      %scan3A_293 = arith.constant 50 : i32
      %mul3A_294 = arith.constant 2 : i32
      %mul3A_295 = arith.muli %mul3A_294, %scan3A_282 : i32
      %add3A_296 = arith.constant 2 : i32
      %add3A_297 = arith.addi %mul3A_295, %add3A_296 : i32
      %mul3A_298 = arith.constant 800 : i32
      %mul3A_299 = arith.muli %add3A_297, %mul3A_298 : i32
      %add3A_300 = arith.addi %mul3A_5, %mul3A_299 : i32
      %multiple_of3A_301 = tpu.assume_multiple %add3A_300, 8 : i32
      %dma_start3A_302 = arith.constant 0 : i32
      %dma_start3A_303 = tpu.memref_slice %arg3[%dma_start3A_302, %multiple_of3A_301] : memref<2x320000xi32, #tpu.memory_space<hbm>> -> memref<2x800xi32, #tpu.memory_space<hbm>>
      %dma_start3A_304 = arith.constant 0 : i32
      %dma_start3A_305 = tpu.memref_slice %arg3[%dma_start3A_304, %multiple_of3A_301] : memref<2x320000xi32, #tpu.memory_space<hbm>> -> memref<2x800xi32, #tpu.memory_space<hbm>>
      tpu.enqueue_dma source(%dma_start3A_305 : memref<2x800xi32, #tpu.memory_space<hbm>>) target(%arg5 : memref<2x800xi32, #tpu.memory_space<vmem>>) target_semaphore(%arg16 : memref<!tpu.dma_semaphore, #tpu.memory_space<semaphore_mem>>)
      %dma_wait3A_306 = arith.constant 0 : i32
      %dma_wait3A_307 = arith.constant 0 : i32
      %dma_wait3A_308 = tpu.memref_slice %arg15[%dma_wait3A_306, %dma_wait3A_307] : memref<10000x16xf32, #tpu.memory_space<vmem_shared>> -> memref<10000x16xf32, #tpu.memory_space<vmem_shared>>
      tpu.wait_indirect_dma semaphore(%arg18 : memref<!tpu.dma_semaphore, #tpu.memory_space<semaphore_mem>>) src(%dma_wait3A_308 : memref<10000x16xf32, #tpu.memory_space<vmem_shared>>) dst(%arg11 : memref<800x16xf32, #tpu.memory_space<vmem>>)
      %dma_start3A_309 = arith.constant 0 : i32
      %dma_start3A_310 = arith.constant 0 : i32
      %dma_start3A_311 = tpu.memref_slice %arg15[%dma_start3A_309, %dma_start3A_310] : memref<10000x16xf32, #tpu.memory_space<vmem_shared>> -> memref<10000x16xf32, #tpu.memory_space<vmem_shared>>
      tpu.enqueue_indirect_dma source(%dma_start3A_311 : memref<10000x16xf32, #tpu.memory_space<vmem_shared>>) target(%arg12 : memref<800x16xf32, #tpu.memory_space<vmem>>) offsets(%arg9 : memref<800xi32, #tpu.memory_space<vmem>>) semaphore(%arg19 : memref<!tpu.dma_semaphore, #tpu.memory_space<semaphore_mem>>)
      "tpu.region"() ({
        %run_scoped3A = tpu.sem_alloc : memref<!tpu.dma_semaphore, #tpu.memory_space<semaphore_mem>>
        %dma_start3A_333 = arith.constant 0 : i32
        %dma_start3A_334 = arith.constant 0 : i32
        %dma_start3A_335 = tpu.memref_slice %arg14[%dma_start3A_333, %dma_start3A_334] : memref<60000x16xf32, #tpu.memory_space<vmem_shared>> -> memref<60000x16xf32, #tpu.memory_space<vmem_shared>>
        tpu.enqueue_indirect_dma source(%arg11 : memref<800x16xf32, #tpu.memory_space<vmem>>) target(%dma_start3A_335 : memref<60000x16xf32, #tpu.memory_space<vmem_shared>>) offsets(%arg8 : memref<800xi32, #tpu.memory_space<vmem>>) semaphore(%run_scoped3A : memref<!tpu.dma_semaphore, #tpu.memory_space<semaphore_mem>>) {add = true}
        %dma_wait3A_336 = arith.constant 0 : i32
        %dma_wait3A_337 = arith.constant 0 : i32
        %dma_wait3A_338 = tpu.memref_slice %arg14[%dma_wait3A_336, %dma_wait3A_337] : memref<60000x16xf32, #tpu.memory_space<vmem_shared>> -> memref<60000x16xf32, #tpu.memory_space<vmem_shared>>
        tpu.wait_indirect_dma semaphore(%run_scoped3A : memref<!tpu.dma_semaphore, #tpu.memory_space<semaphore_mem>>) src(%arg11 : memref<800x16xf32, #tpu.memory_space<vmem>>) dst(%dma_wait3A_338 : memref<60000x16xf32, #tpu.memory_space<vmem_shared>>)
        tpu.yield
      }) : () -> ()
      %dma_wait3A_312 = arith.constant 0 : i32
      %dma_wait3A_313 = arith.constant 0 : i32
      %dma_wait3A_314 = tpu.memref_slice %arg3[%dma_wait3A_312, %dma_wait3A_313] : memref<2x320000xi32, #tpu.memory_space<hbm>> -> memref<2x800xi32, #tpu.memory_space<hbm>>
      %dma_wait3A_315 = arith.constant 0 : i32
      %dma_wait3A_316 = arith.constant 0 : i32
      %dma_wait3A_317 = tpu.memref_slice %arg3[%dma_wait3A_315, %dma_wait3A_316] : memref<2x320000xi32, #tpu.memory_space<hbm>> -> memref<2x800xi32, #tpu.memory_space<hbm>>
      tpu.wait_dma2 semaphore(%arg16 : memref<!tpu.dma_semaphore, #tpu.memory_space<semaphore_mem>>) src(%dma_wait3A_317 : memref<2x800xi32, #tpu.memory_space<hbm>>) dst(%arg5 : memref<2x800xi32, #tpu.memory_space<vmem>>)
      %scan3A_318 = arith.constant 0 : i32
      %scan3A_319 = arith.constant 50 : i32
      %scan3A_320 = arith.addi %scan3A_318, %scan3A_319 : i32
      %scan3A_321 = arith.constant 1 : i32
      scf.for %scan3A_333 = %scan3A_318 to %scan3A_320 step %scan3A_321  : i32 {
        %mul3A_334 = arith.constant 16 : i32
        %mul3A_335 = arith.muli %scan3A_333, %mul3A_334 : i32
        %get3A = arith.constant 0 : i32
        %get3A_336 = arith.index_cast %get3A : i32 to index
        %get3A_337 = arith.index_cast %mul3A_335 : i32 to index
        %get3A_338 = tpu.vector_load %arg5[%get3A_336, %get3A_337] {strides = array<i32>} : memref<2x800xi32, #tpu.memory_space<vmem>>, vector<1x16xi32>,
        %get3A_339 = vector.shape_cast %get3A_338 : vector<1x16xi32> to vector<16xi32>
        %mul3A_340 = arith.constant 16 : i32
        %mul3A_341 = arith.muli %scan3A_333, %mul3A_340 : i32
        %get3A_342 = arith.constant 1 : i32
        %get3A_343 = arith.index_cast %get3A_342 : i32 to index
        %get3A_344 = arith.index_cast %mul3A_341 : i32 to index
        %get3A_345 = tpu.vector_load %arg5[%get3A_343, %get3A_344] {strides = array<i32>} : memref<2x800xi32, #tpu.memory_space<vmem>>, vector<1x16xi32>,
        %get3A_346 = vector.shape_cast %get3A_345 : vector<1x16xi32> to vector<16xi32>
        %mul3A_347 = arith.constant 16 : i32
        %mul3A_348 = arith.muli %scan3A_333, %mul3A_347 : i32
        %swap3A = arith.index_cast %mul3A_348 : i32 to index
        %swap3A_349 = tpu.vector_load %arg7[%swap3A] {strides = array<i32>} : memref<800xi32, #tpu.memory_space<vmem>>, vector<16xi32>,
        %swap3A_350 = vector.shape_cast %swap3A_349 : vector<16xi32> to vector<16xi32>
        %swap3A_351 = vector.shape_cast %get3A_339 : vector<16xi32> to vector<16xi32>
        tpu.vector_store %arg7[%swap3A], %swap3A_351 {strides = array<i32>} : memref<800xi32, #tpu.memory_space<vmem>>, vector<16xi32>,
        %mul3A_352 = arith.constant 16 : i32
        %mul3A_353 = arith.muli %scan3A_333, %mul3A_352 : i32
        %swap3A_354 = arith.index_cast %mul3A_353 : i32 to index
        %swap3A_355 = tpu.vector_load %arg8[%swap3A_354] {strides = array<i32>} : memref<800xi32, #tpu.memory_space<vmem>>, vector<16xi32>,
        %swap3A_356 = vector.shape_cast %swap3A_355 : vector<16xi32> to vector<16xi32>
        %swap3A_357 = vector.shape_cast %get3A_346 : vector<16xi32> to vector<16xi32>
        tpu.vector_store %arg8[%swap3A_354], %swap3A_357 {strides = array<i32>} : memref<800xi32, #tpu.memory_space<vmem>>, vector<16xi32>,
      }
      %scan3A_322 = arith.constant 50 : i32
      %lt3A = arith.constant 11 : i32
      %lt3A_323 = arith.cmpi slt, %scan3A_282, %lt3A : i32
      %convert_element_type3A_324 = arith.extui %lt3A_323 : i1 to i32
      %cond3A_325 = arith.constant 0 : i32
      %cond3A_326 = arith.cmpi ne, %convert_element_type3A_324, %cond3A_325 : i32
      scf.if %cond3A_326 {
        %mul3A_333 = arith.constant 2 : i32
        %mul3A_334 = arith.muli %mul3A_333, %scan3A_282 : i32
        %add3A_335 = arith.constant 3 : i32
        %add3A_336 = arith.addi %mul3A_334, %add3A_335 : i32
        %mul3A_337 = arith.constant 800 : i32
        %mul3A_338 = arith.muli %add3A_336, %mul3A_337 : i32
        %add3A_339 = arith.addi %mul3A_5, %mul3A_338 : i32
        %multiple_of3A_340 = tpu.assume_multiple %add3A_339, 8 : i32
        %dma_start3A_341 = arith.constant 0 : i32
        %dma_start3A_342 = tpu.memref_slice %arg3[%dma_start3A_341, %multiple_of3A_340] : memref<2x320000xi32, #tpu.memory_space<hbm>> -> memref<2x800xi32, #tpu.memory_space<hbm>>
        %dma_start3A_343 = arith.constant 0 : i32
        %dma_start3A_344 = tpu.memref_slice %arg3[%dma_start3A_343, %multiple_of3A_340] : memref<2x320000xi32, #tpu.memory_space<hbm>> -> memref<2x800xi32, #tpu.memory_space<hbm>>
        tpu.enqueue_dma source(%dma_start3A_344 : memref<2x800xi32, #tpu.memory_space<hbm>>) target(%arg6 : memref<2x800xi32, #tpu.memory_space<vmem>>) target_semaphore(%arg17 : memref<!tpu.dma_semaphore, #tpu.memory_space<semaphore_mem>>)
      } else {
      }
      %dma_wait3A_327 = arith.constant 0 : i32
      %dma_wait3A_328 = arith.constant 0 : i32
      %dma_wait3A_329 = tpu.memref_slice %arg15[%dma_wait3A_327, %dma_wait3A_328] : memref<10000x16xf32, #tpu.memory_space<vmem_shared>> -> memref<10000x16xf32, #tpu.memory_space<vmem_shared>>
      tpu.wait_indirect_dma semaphore(%arg19 : memref<!tpu.dma_semaphore, #tpu.memory_space<semaphore_mem>>) src(%dma_wait3A_329 : memref<10000x16xf32, #tpu.memory_space<vmem_shared>>) dst(%arg12 : memref<800x16xf32, #tpu.memory_space<vmem>>)
      %dma_start3A_330 = arith.constant 0 : i32
      %dma_start3A_331 = arith.constant 0 : i32
      %dma_start3A_332 = tpu.memref_slice %arg15[%dma_start3A_330, %dma_start3A_331] : memref<10000x16xf32, #tpu.memory_space<vmem_shared>> -> memref<10000x16xf32, #tpu.memory_space<vmem_shared>>
      tpu.enqueue_indirect_dma source(%dma_start3A_332 : memref<10000x16xf32, #tpu.memory_space<vmem_shared>>) target(%arg11 : memref<800x16xf32, #tpu.memory_space<vmem>>) offsets(%arg7 : memref<800xi32, #tpu.memory_space<vmem>>) semaphore(%arg18 : memref<!tpu.dma_semaphore, #tpu.memory_space<semaphore_mem>>)
      "tpu.region"() ({
        %run_scoped3A = tpu.sem_alloc : memref<!tpu.dma_semaphore, #tpu.memory_space<semaphore_mem>>
        %dma_start3A_333 = arith.constant 0 : i32
        %dma_start3A_334 = arith.constant 0 : i32
        %dma_start3A_335 = tpu.memref_slice %arg14[%dma_start3A_333, %dma_start3A_334] : memref<60000x16xf32, #tpu.memory_space<vmem_shared>> -> memref<60000x16xf32, #tpu.memory_space<vmem_shared>>
        tpu.enqueue_indirect_dma source(%arg12 : memref<800x16xf32, #tpu.memory_space<vmem>>) target(%dma_start3A_335 : memref<60000x16xf32, #tpu.memory_space<vmem_shared>>) offsets(%arg10 : memref<800xi32, #tpu.memory_space<vmem>>) semaphore(%run_scoped3A : memref<!tpu.dma_semaphore, #tpu.memory_space<semaphore_mem>>) {add = true}
        %dma_wait3A_336 = arith.constant 0 : i32
        %dma_wait3A_337 = arith.constant 0 : i32
        %dma_wait3A_338 = tpu.memref_slice %arg14[%dma_wait3A_336, %dma_wait3A_337] : memref<60000x16xf32, #tpu.memory_space<vmem_shared>> -> memref<60000x16xf32, #tpu.memory_space<vmem_shared>>
        tpu.wait_indirect_dma semaphore(%run_scoped3A : memref<!tpu.dma_semaphore, #tpu.memory_space<semaphore_mem>>) src(%arg12 : memref<800x16xf32, #tpu.memory_space<vmem>>) dst(%dma_wait3A_338 : memref<60000x16xf32, #tpu.memory_space<vmem_shared>>)
        tpu.yield
      }) : () -> ()
    }
    %scan3A_275 = arith.constant 12 : i32
    %dma_wait3A_276 = arith.constant 0 : i32
    %dma_wait3A_277 = arith.constant 0 : i32
    %dma_wait3A_278 = tpu.memref_slice %arg15[%dma_wait3A_276, %dma_wait3A_277] : memref<10000x16xf32, #tpu.memory_space<vmem_shared>> -> memref<10000x16xf32, #tpu.memory_space<vmem_shared>>
    tpu.wait_indirect_dma semaphore(%arg18 : memref<!tpu.dma_semaphore, #tpu.memory_space<semaphore_mem>>) src(%dma_wait3A_278 : memref<10000x16xf32, #tpu.memory_space<vmem_shared>>) dst(%arg11 : memref<800x16xf32, #tpu.memory_space<vmem>>)
    "tpu.region"() ({
      %run_scoped3A = tpu.sem_alloc : memref<!tpu.dma_semaphore, #tpu.memory_space<semaphore_mem>>
      %dma_start3A_282 = arith.constant 0 : i32
      %dma_start3A_283 = arith.constant 0 : i32
      %dma_start3A_284 = tpu.memref_slice %arg14[%dma_start3A_282, %dma_start3A_283] : memref<60000x16xf32, #tpu.memory_space<vmem_shared>> -> memref<60000x16xf32, #tpu.memory_space<vmem_shared>>
      tpu.enqueue_indirect_dma source(%arg11 : memref<800x16xf32, #tpu.memory_space<vmem>>) target(%dma_start3A_284 : memref<60000x16xf32, #tpu.memory_space<vmem_shared>>) offsets(%arg8 : memref<800xi32, #tpu.memory_space<vmem>>) semaphore(%run_scoped3A : memref<!tpu.dma_semaphore, #tpu.memory_space<semaphore_mem>>) {add = true}
      %dma_wait3A_285 = arith.constant 0 : i32
      %dma_wait3A_286 = arith.constant 0 : i32
      %dma_wait3A_287 = tpu.memref_slice %arg14[%dma_wait3A_285, %dma_wait3A_286] : memref<60000x16xf32, #tpu.memory_space<vmem_shared>> -> memref<60000x16xf32, #tpu.memory_space<vmem_shared>>
      tpu.wait_indirect_dma semaphore(%run_scoped3A : memref<!tpu.dma_semaphore, #tpu.memory_space<semaphore_mem>>) src(%arg11 : memref<800x16xf32, #tpu.memory_space<vmem>>) dst(%dma_wait3A_287 : memref<60000x16xf32, #tpu.memory_space<vmem_shared>>)
      tpu.yield
    }) : () -> ()
    %barrier3A_279 = arith.constant 0 : index
    tpu.barrier barrier_id(%barrier3A_279)
    %mul3A_280 = arith.constant 3750 : i32
    %mul3A_281 = arith.muli %arg1, %mul3A_280 : i32
    "tpu.region"() ({
      %run_scoped3A = tpu.sem_alloc : memref<!tpu.dma_semaphore, #tpu.memory_space<semaphore_mem>>
      %dma_start3A_282 = tpu.memref_slice %arg4[%mul3A_281, %mul3A_241] : memref<60000x128xf32, #tpu.memory_space<hbm>> -> memref<3750x16xf32, #tpu.memory_space<hbm>>
      %dma_start3A_283 = arith.constant 0 : i32
      %dma_start3A_284 = tpu.memref_slice %arg14[%mul3A_281, %dma_start3A_283] : memref<60000x16xf32, #tpu.memory_space<vmem_shared>> -> memref<3750x16xf32, #tpu.memory_space<vmem_shared>>
      tpu.enqueue_dma source(%dma_start3A_284 : memref<3750x16xf32, #tpu.memory_space<vmem_shared>>) target(%dma_start3A_282 : memref<3750x16xf32, #tpu.memory_space<hbm>>) target_semaphore(%run_scoped3A : memref<!tpu.dma_semaphore, #tpu.memory_space<semaphore_mem>>)
      %dma_wait3A_285 = tpu.memref_slice %arg4[%mul3A_281, %mul3A_241] : memref<60000x128xf32, #tpu.memory_space<hbm>> -> memref<3750x16xf32, #tpu.memory_space<hbm>>
      %dma_wait3A_286 = arith.constant 0 : i32
      %dma_wait3A_287 = tpu.memref_slice %arg14[%mul3A_281, %dma_wait3A_286] : memref<60000x16xf32, #tpu.memory_space<vmem_shared>> -> memref<3750x16xf32, #tpu.memory_space<vmem_shared>>
      tpu.wait_dma2 semaphore(%run_scoped3A : memref<!tpu.dma_semaphore, #tpu.memory_space<semaphore_mem>>) src(%dma_wait3A_287 : memref<3750x16xf32, #tpu.memory_space<vmem_shared>>) dst(%dma_wait3A_285 : memref<3750x16xf32, #tpu.memory_space<hbm>>)
      tpu.yield
    }) : () -> ()
    return
  }
}

module attributes {stable_mosaic.version = 14 : i64} {
  func.func @_l1_body(%arg0: i32, %arg1: memref<1000x128xf32, #tpu.memory_space<vmem>>, %arg2: memref<6x1000x128xf32, #tpu.memory_space<vmem>>, %arg3: memref<2x6x1000x16xf32, #tpu.memory_space<vmem>>, %arg4: memref<128x128xf32, #tpu.memory_space<vmem>>, %arg5: memref<6x128x128xf32, #tpu.memory_space<vmem>>, %arg6: memref<1x128xf32, #tpu.memory_space<vmem>>, %arg7: memref<1000x128xf32, #tpu.memory_space<vmem>>) attributes {dimension_semantics = [#tpu.dimension_semantics<arbitrary>], iteration_bounds = array<i64: 10>, scalar_prefetch = 0 : i64, scratch_operands = 0 : i64, tpu.core_type = #tpu.core_type<tc>, window_params = [{transform_indices = @transform_0, window_bounds = array<i64: 1000, 128>}, {transform_indices = @transform_1, window_bounds = array<i64: 6, 1000, 128>}, {transform_indices = @transform_2, window_bounds = array<i64: 2, 6, 1000, 16>}, {pipeline_mode = #tpu.pipeline_mode<synchronous>, transform_indices = @transform_3, window_bounds = array<i64: 128, 128>}, {pipeline_mode = #tpu.pipeline_mode<synchronous>, transform_indices = @transform_4, window_bounds = array<i64: 6, 128, 128>}, {pipeline_mode = #tpu.pipeline_mode<synchronous>, transform_indices = @transform_5, window_bounds = array<i64: 1, 128>}, {transform_indices = @transform_6, window_bounds = array<i64: 1000, 128>}]} {
    %get3A = arith.constant 0 : index
    %get3A_0 = arith.constant 0 : index
    %get3A_1 = vector.load %arg1[%get3A, %get3A_0] : memref<1000x128xf32, #tpu.memory_space<vmem>>, vector<1000x128xf32>
    %get3A_2 = arith.constant 0 : index
    %get3A_3 = arith.constant 0 : index
    %get3A_4 = vector.load %arg4[%get3A_2, %get3A_3] : memref<128x128xf32, #tpu.memory_space<vmem>>, vector<128x128xf32>
    %dot_general3A = arith.constant dense<0.000000e+00> : vector<1000x128xf32>
    %dot_general3A_5 = tpu.matmul %get3A_1, %get3A_4, %dot_general3A {dimension_numbers = #tpu.dot_dimension_numbers<[1], [0], [0], [1], [0, 0, 1, 1], [], []>, transpose_lhs_hint = false} : vector<1000x128xf32>, vector<128x128xf32>, vector<1000x128xf32> -> vector<1000x128xf32>
    %get3A_6 = arith.constant 0 : index
    %get3A_7 = arith.constant 0 : index
    %get3A_8 = vector.load %arg6[%get3A_6, %get3A_7] : memref<1x128xf32, #tpu.memory_space<vmem>>, vector<1x128xf32>
    %add3A = vector.broadcast %get3A_8 : vector<1x128xf32> to vector<1000x128xf32>
    %add3A_9 = arith.addf %dot_general3A_5, %add3A : vector<1000x128xf32>
    %get3A_10 = arith.constant 0 : index
    %get3A_11 = arith.constant 0 : index
    %get3A_12 = arith.constant 0 : index
    %get3A_13 = arith.constant 0 : index
    %get3A_14 = vector.load %arg3[%get3A_10, %get3A_11, %get3A_12, %get3A_13] : memref<2x6x1000x16xf32, #tpu.memory_space<vmem>>, vector<1x1x1000x16xf32>
    %get3A_15 = vector.shape_cast %get3A_14 : vector<1x1x1000x16xf32> to vector<1000x16xf32>
    %slice3A = vector.extract_strided_slice %get3A_15 {offsets = [0, 0], sizes = [1000, 1], strides = [1, 1]} : vector<1000x16xf32> to vector<1000x1xf32>
    %get3A_16 = arith.constant 1 : index
    %get3A_17 = arith.constant 0 : index
    %get3A_18 = arith.constant 0 : index
    %get3A_19 = arith.constant 0 : index
    %get3A_20 = vector.load %arg3[%get3A_16, %get3A_17, %get3A_18, %get3A_19] : memref<2x6x1000x16xf32, #tpu.memory_space<vmem>>, vector<1x1x1000x16xf32>
    %get3A_21 = vector.shape_cast %get3A_20 : vector<1x1x1000x16xf32> to vector<1000x16xf32>
    %slice3A_22 = vector.extract_strided_slice %get3A_21 {offsets = [0, 0], sizes = [1000, 1], strides = [1, 1]} : vector<1000x16xf32> to vector<1000x1xf32>
    %add3A_23 = arith.addf %slice3A, %slice3A_22 : vector<1000x1xf32>
    %max3A = arith.constant 1.000000e+00 : f32
    %max3A_24 = vector.broadcast %max3A : f32 to vector<1000x1xf32>
    %max3A_25 = arith.maximumf %add3A_23, %max3A_24 : vector<1000x1xf32>
    %div3A = arith.constant 1.000000e+00 : f32
    %div3A_26 = vector.broadcast %div3A : f32 to vector<1000x1xf32>
    %div3A_27 = arith.divf %div3A_26, %max3A_25 : vector<1000x1xf32>
    %get3A_28 = arith.constant 0 : index
    %get3A_29 = arith.constant 0 : index
    %get3A_30 = arith.constant 0 : index
    %get3A_31 = vector.load %arg2[%get3A_28, %get3A_29, %get3A_30] : memref<6x1000x128xf32, #tpu.memory_space<vmem>>, vector<1x1000x128xf32>
    %get3A_32 = vector.shape_cast %get3A_31 : vector<1x1000x128xf32> to vector<1000x128xf32>
    %mul3A = vector.broadcast %div3A_27 : vector<1000x1xf32> to vector<1000x128xf32>
    %mul3A_33 = arith.mulf %get3A_32, %mul3A : vector<1000x128xf32>
    %get3A_34 = arith.constant 0 : index
    %get3A_35 = arith.constant 0 : index
    %get3A_36 = arith.constant 0 : index
    %get3A_37 = vector.load %arg5[%get3A_34, %get3A_35, %get3A_36] : memref<6x128x128xf32, #tpu.memory_space<vmem>>, vector<1x128x128xf32>
    %get3A_38 = vector.shape_cast %get3A_37 : vector<1x128x128xf32> to vector<128x128xf32>
    %dot_general3A_39 = arith.constant dense<0.000000e+00> : vector<1000x128xf32>
    %dot_general3A_40 = tpu.matmul %mul3A_33, %get3A_38, %dot_general3A_39 {dimension_numbers = #tpu.dot_dimension_numbers<[1], [0], [0], [1], [0, 0, 1, 1], [], []>, transpose_lhs_hint = false} : vector<1000x128xf32>, vector<128x128xf32>, vector<1000x128xf32> -> vector<1000x128xf32>
    %add3A_41 = arith.addf %add3A_9, %dot_general3A_40 : vector<1000x128xf32>
    %get3A_42 = arith.constant 0 : index
    %get3A_43 = arith.constant 1 : index
    %get3A_44 = arith.constant 0 : index
    %get3A_45 = arith.constant 0 : index
    %get3A_46 = vector.load %arg3[%get3A_42, %get3A_43, %get3A_44, %get3A_45] : memref<2x6x1000x16xf32, #tpu.memory_space<vmem>>, vector<1x1x1000x16xf32>
    %get3A_47 = vector.shape_cast %get3A_46 : vector<1x1x1000x16xf32> to vector<1000x16xf32>
    %slice3A_48 = vector.extract_strided_slice %get3A_47 {offsets = [0, 0], sizes = [1000, 1], strides = [1, 1]} : vector<1000x16xf32> to vector<1000x1xf32>
    %get3A_49 = arith.constant 1 : index
    %get3A_50 = arith.constant 1 : index
    %get3A_51 = arith.constant 0 : index
    %get3A_52 = arith.constant 0 : index
    %get3A_53 = vector.load %arg3[%get3A_49, %get3A_50, %get3A_51, %get3A_52] : memref<2x6x1000x16xf32, #tpu.memory_space<vmem>>, vector<1x1x1000x16xf32>
    %get3A_54 = vector.shape_cast %get3A_53 : vector<1x1x1000x16xf32> to vector<1000x16xf32>
    %slice3A_55 = vector.extract_strided_slice %get3A_54 {offsets = [0, 0], sizes = [1000, 1], strides = [1, 1]} : vector<1000x16xf32> to vector<1000x1xf32>
    %add3A_56 = arith.addf %slice3A_48, %slice3A_55 : vector<1000x1xf32>
    %max3A_57 = arith.constant 1.000000e+00 : f32
    %max3A_58 = vector.broadcast %max3A_57 : f32 to vector<1000x1xf32>
    %max3A_59 = arith.maximumf %add3A_56, %max3A_58 : vector<1000x1xf32>
    %div3A_60 = arith.constant 1.000000e+00 : f32
    %div3A_61 = vector.broadcast %div3A_60 : f32 to vector<1000x1xf32>
    %div3A_62 = arith.divf %div3A_61, %max3A_59 : vector<1000x1xf32>
    %get3A_63 = arith.constant 1 : index
    %get3A_64 = arith.constant 0 : index
    %get3A_65 = arith.constant 0 : index
    %get3A_66 = vector.load %arg2[%get3A_63, %get3A_64, %get3A_65] : memref<6x1000x128xf32, #tpu.memory_space<vmem>>, vector<1x1000x128xf32>
    %get3A_67 = vector.shape_cast %get3A_66 : vector<1x1000x128xf32> to vector<1000x128xf32>
    %mul3A_68 = vector.broadcast %div3A_62 : vector<1000x1xf32> to vector<1000x128xf32>
    %mul3A_69 = arith.mulf %get3A_67, %mul3A_68 : vector<1000x128xf32>
    %get3A_70 = arith.constant 1 : index
    %get3A_71 = arith.constant 0 : index
    %get3A_72 = arith.constant 0 : index
    %get3A_73 = vector.load %arg5[%get3A_70, %get3A_71, %get3A_72] : memref<6x128x128xf32, #tpu.memory_space<vmem>>, vector<1x128x128xf32>
    %get3A_74 = vector.shape_cast %get3A_73 : vector<1x128x128xf32> to vector<128x128xf32>
    %dot_general3A_75 = arith.constant dense<0.000000e+00> : vector<1000x128xf32>
    %dot_general3A_76 = tpu.matmul %mul3A_69, %get3A_74, %dot_general3A_75 {dimension_numbers = #tpu.dot_dimension_numbers<[1], [0], [0], [1], [0, 0, 1, 1], [], []>, transpose_lhs_hint = false} : vector<1000x128xf32>, vector<128x128xf32>, vector<1000x128xf32> -> vector<1000x128xf32>
    %add3A_77 = arith.addf %add3A_41, %dot_general3A_76 : vector<1000x128xf32>
    %get3A_78 = arith.constant 0 : index
    %get3A_79 = arith.constant 2 : index
    %get3A_80 = arith.constant 0 : index
    %get3A_81 = arith.constant 0 : index
    %get3A_82 = vector.load %arg3[%get3A_78, %get3A_79, %get3A_80, %get3A_81] : memref<2x6x1000x16xf32, #tpu.memory_space<vmem>>, vector<1x1x1000x16xf32>
    %get3A_83 = vector.shape_cast %get3A_82 : vector<1x1x1000x16xf32> to vector<1000x16xf32>
    %slice3A_84 = vector.extract_strided_slice %get3A_83 {offsets = [0, 0], sizes = [1000, 1], strides = [1, 1]} : vector<1000x16xf32> to vector<1000x1xf32>
    %get3A_85 = arith.constant 1 : index
    %get3A_86 = arith.constant 2 : index
    %get3A_87 = arith.constant 0 : index
    %get3A_88 = arith.constant 0 : index
    %get3A_89 = vector.load %arg3[%get3A_85, %get3A_86, %get3A_87, %get3A_88] : memref<2x6x1000x16xf32, #tpu.memory_space<vmem>>, vector<1x1x1000x16xf32>
    %get3A_90 = vector.shape_cast %get3A_89 : vector<1x1x1000x16xf32> to vector<1000x16xf32>
    %slice3A_91 = vector.extract_strided_slice %get3A_90 {offsets = [0, 0], sizes = [1000, 1], strides = [1, 1]} : vector<1000x16xf32> to vector<1000x1xf32>
    %add3A_92 = arith.addf %slice3A_84, %slice3A_91 : vector<1000x1xf32>
    %max3A_93 = arith.constant 1.000000e+00 : f32
    %max3A_94 = vector.broadcast %max3A_93 : f32 to vector<1000x1xf32>
    %max3A_95 = arith.maximumf %add3A_92, %max3A_94 : vector<1000x1xf32>
    %div3A_96 = arith.constant 1.000000e+00 : f32
    %div3A_97 = vector.broadcast %div3A_96 : f32 to vector<1000x1xf32>
    %div3A_98 = arith.divf %div3A_97, %max3A_95 : vector<1000x1xf32>
    %get3A_99 = arith.constant 2 : index
    %get3A_100 = arith.constant 0 : index
    %get3A_101 = arith.constant 0 : index
    %get3A_102 = vector.load %arg2[%get3A_99, %get3A_100, %get3A_101] : memref<6x1000x128xf32, #tpu.memory_space<vmem>>, vector<1x1000x128xf32>
    %get3A_103 = vector.shape_cast %get3A_102 : vector<1x1000x128xf32> to vector<1000x128xf32>
    %mul3A_104 = vector.broadcast %div3A_98 : vector<1000x1xf32> to vector<1000x128xf32>
    %mul3A_105 = arith.mulf %get3A_103, %mul3A_104 : vector<1000x128xf32>
    %get3A_106 = arith.constant 2 : index
    %get3A_107 = arith.constant 0 : index
    %get3A_108 = arith.constant 0 : index
    %get3A_109 = vector.load %arg5[%get3A_106, %get3A_107, %get3A_108] : memref<6x128x128xf32, #tpu.memory_space<vmem>>, vector<1x128x128xf32>
    %get3A_110 = vector.shape_cast %get3A_109 : vector<1x128x128xf32> to vector<128x128xf32>
    %dot_general3A_111 = arith.constant dense<0.000000e+00> : vector<1000x128xf32>
    %dot_general3A_112 = tpu.matmul %mul3A_105, %get3A_110, %dot_general3A_111 {dimension_numbers = #tpu.dot_dimension_numbers<[1], [0], [0], [1], [0, 0, 1, 1], [], []>, transpose_lhs_hint = false} : vector<1000x128xf32>, vector<128x128xf32>, vector<1000x128xf32> -> vector<1000x128xf32>
    %add3A_113 = arith.addf %add3A_77, %dot_general3A_112 : vector<1000x128xf32>
    %get3A_114 = arith.constant 0 : index
    %get3A_115 = arith.constant 3 : index
    %get3A_116 = arith.constant 0 : index
    %get3A_117 = arith.constant 0 : index
    %get3A_118 = vector.load %arg3[%get3A_114, %get3A_115, %get3A_116, %get3A_117] : memref<2x6x1000x16xf32, #tpu.memory_space<vmem>>, vector<1x1x1000x16xf32>
    %get3A_119 = vector.shape_cast %get3A_118 : vector<1x1x1000x16xf32> to vector<1000x16xf32>
    %slice3A_120 = vector.extract_strided_slice %get3A_119 {offsets = [0, 0], sizes = [1000, 1], strides = [1, 1]} : vector<1000x16xf32> to vector<1000x1xf32>
    %get3A_121 = arith.constant 1 : index
    %get3A_122 = arith.constant 3 : index
    %get3A_123 = arith.constant 0 : index
    %get3A_124 = arith.constant 0 : index
    %get3A_125 = vector.load %arg3[%get3A_121, %get3A_122, %get3A_123, %get3A_124] : memref<2x6x1000x16xf32, #tpu.memory_space<vmem>>, vector<1x1x1000x16xf32>
    %get3A_126 = vector.shape_cast %get3A_125 : vector<1x1x1000x16xf32> to vector<1000x16xf32>
    %slice3A_127 = vector.extract_strided_slice %get3A_126 {offsets = [0, 0], sizes = [1000, 1], strides = [1, 1]} : vector<1000x16xf32> to vector<1000x1xf32>
    %add3A_128 = arith.addf %slice3A_120, %slice3A_127 : vector<1000x1xf32>
    %max3A_129 = arith.constant 1.000000e+00 : f32
    %max3A_130 = vector.broadcast %max3A_129 : f32 to vector<1000x1xf32>
    %max3A_131 = arith.maximumf %add3A_128, %max3A_130 : vector<1000x1xf32>
    %div3A_132 = arith.constant 1.000000e+00 : f32
    %div3A_133 = vector.broadcast %div3A_132 : f32 to vector<1000x1xf32>
    %div3A_134 = arith.divf %div3A_133, %max3A_131 : vector<1000x1xf32>
    %get3A_135 = arith.constant 3 : index
    %get3A_136 = arith.constant 0 : index
    %get3A_137 = arith.constant 0 : index
    %get3A_138 = vector.load %arg2[%get3A_135, %get3A_136, %get3A_137] : memref<6x1000x128xf32, #tpu.memory_space<vmem>>, vector<1x1000x128xf32>
    %get3A_139 = vector.shape_cast %get3A_138 : vector<1x1000x128xf32> to vector<1000x128xf32>
    %mul3A_140 = vector.broadcast %div3A_134 : vector<1000x1xf32> to vector<1000x128xf32>
    %mul3A_141 = arith.mulf %get3A_139, %mul3A_140 : vector<1000x128xf32>
    %get3A_142 = arith.constant 3 : index
    %get3A_143 = arith.constant 0 : index
    %get3A_144 = arith.constant 0 : index
    %get3A_145 = vector.load %arg5[%get3A_142, %get3A_143, %get3A_144] : memref<6x128x128xf32, #tpu.memory_space<vmem>>, vector<1x128x128xf32>
    %get3A_146 = vector.shape_cast %get3A_145 : vector<1x128x128xf32> to vector<128x128xf32>
    %dot_general3A_147 = arith.constant dense<0.000000e+00> : vector<1000x128xf32>
    %dot_general3A_148 = tpu.matmul %mul3A_141, %get3A_146, %dot_general3A_147 {dimension_numbers = #tpu.dot_dimension_numbers<[1], [0], [0], [1], [0, 0, 1, 1], [], []>, transpose_lhs_hint = false} : vector<1000x128xf32>, vector<128x128xf32>, vector<1000x128xf32> -> vector<1000x128xf32>
    %add3A_149 = arith.addf %add3A_113, %dot_general3A_148 : vector<1000x128xf32>
    %get3A_150 = arith.constant 0 : index
    %get3A_151 = arith.constant 4 : index
    %get3A_152 = arith.constant 0 : index
    %get3A_153 = arith.constant 0 : index
    %get3A_154 = vector.load %arg3[%get3A_150, %get3A_151, %get3A_152, %get3A_153] : memref<2x6x1000x16xf32, #tpu.memory_space<vmem>>, vector<1x1x1000x16xf32>
    %get3A_155 = vector.shape_cast %get3A_154 : vector<1x1x1000x16xf32> to vector<1000x16xf32>
    %slice3A_156 = vector.extract_strided_slice %get3A_155 {offsets = [0, 0], sizes = [1000, 1], strides = [1, 1]} : vector<1000x16xf32> to vector<1000x1xf32>
    %get3A_157 = arith.constant 1 : index
    %get3A_158 = arith.constant 4 : index
    %get3A_159 = arith.constant 0 : index
    %get3A_160 = arith.constant 0 : index
    %get3A_161 = vector.load %arg3[%get3A_157, %get3A_158, %get3A_159, %get3A_160] : memref<2x6x1000x16xf32, #tpu.memory_space<vmem>>, vector<1x1x1000x16xf32>
    %get3A_162 = vector.shape_cast %get3A_161 : vector<1x1x1000x16xf32> to vector<1000x16xf32>
    %slice3A_163 = vector.extract_strided_slice %get3A_162 {offsets = [0, 0], sizes = [1000, 1], strides = [1, 1]} : vector<1000x16xf32> to vector<1000x1xf32>
    %add3A_164 = arith.addf %slice3A_156, %slice3A_163 : vector<1000x1xf32>
    %max3A_165 = arith.constant 1.000000e+00 : f32
    %max3A_166 = vector.broadcast %max3A_165 : f32 to vector<1000x1xf32>
    %max3A_167 = arith.maximumf %add3A_164, %max3A_166 : vector<1000x1xf32>
    %div3A_168 = arith.constant 1.000000e+00 : f32
    %div3A_169 = vector.broadcast %div3A_168 : f32 to vector<1000x1xf32>
    %div3A_170 = arith.divf %div3A_169, %max3A_167 : vector<1000x1xf32>
    %get3A_171 = arith.constant 4 : index
    %get3A_172 = arith.constant 0 : index
    %get3A_173 = arith.constant 0 : index
    %get3A_174 = vector.load %arg2[%get3A_171, %get3A_172, %get3A_173] : memref<6x1000x128xf32, #tpu.memory_space<vmem>>, vector<1x1000x128xf32>
    %get3A_175 = vector.shape_cast %get3A_174 : vector<1x1000x128xf32> to vector<1000x128xf32>
    %mul3A_176 = vector.broadcast %div3A_170 : vector<1000x1xf32> to vector<1000x128xf32>
    %mul3A_177 = arith.mulf %get3A_175, %mul3A_176 : vector<1000x128xf32>
    %get3A_178 = arith.constant 4 : index
    %get3A_179 = arith.constant 0 : index
    %get3A_180 = arith.constant 0 : index
    %get3A_181 = vector.load %arg5[%get3A_178, %get3A_179, %get3A_180] : memref<6x128x128xf32, #tpu.memory_space<vmem>>, vector<1x128x128xf32>
    %get3A_182 = vector.shape_cast %get3A_181 : vector<1x128x128xf32> to vector<128x128xf32>
    %dot_general3A_183 = arith.constant dense<0.000000e+00> : vector<1000x128xf32>
    %dot_general3A_184 = tpu.matmul %mul3A_177, %get3A_182, %dot_general3A_183 {dimension_numbers = #tpu.dot_dimension_numbers<[1], [0], [0], [1], [0, 0, 1, 1], [], []>, transpose_lhs_hint = false} : vector<1000x128xf32>, vector<128x128xf32>, vector<1000x128xf32> -> vector<1000x128xf32>
    %add3A_185 = arith.addf %add3A_149, %dot_general3A_184 : vector<1000x128xf32>
    %get3A_186 = arith.constant 0 : index
    %get3A_187 = arith.constant 5 : index
    %get3A_188 = arith.constant 0 : index
    %get3A_189 = arith.constant 0 : index
    %get3A_190 = vector.load %arg3[%get3A_186, %get3A_187, %get3A_188, %get3A_189] : memref<2x6x1000x16xf32, #tpu.memory_space<vmem>>, vector<1x1x1000x16xf32>
    %get3A_191 = vector.shape_cast %get3A_190 : vector<1x1x1000x16xf32> to vector<1000x16xf32>
    %slice3A_192 = vector.extract_strided_slice %get3A_191 {offsets = [0, 0], sizes = [1000, 1], strides = [1, 1]} : vector<1000x16xf32> to vector<1000x1xf32>
    %get3A_193 = arith.constant 1 : index
    %get3A_194 = arith.constant 5 : index
    %get3A_195 = arith.constant 0 : index
    %get3A_196 = arith.constant 0 : index
    %get3A_197 = vector.load %arg3[%get3A_193, %get3A_194, %get3A_195, %get3A_196] : memref<2x6x1000x16xf32, #tpu.memory_space<vmem>>, vector<1x1x1000x16xf32>
    %get3A_198 = vector.shape_cast %get3A_197 : vector<1x1x1000x16xf32> to vector<1000x16xf32>
    %slice3A_199 = vector.extract_strided_slice %get3A_198 {offsets = [0, 0], sizes = [1000, 1], strides = [1, 1]} : vector<1000x16xf32> to vector<1000x1xf32>
    %add3A_200 = arith.addf %slice3A_192, %slice3A_199 : vector<1000x1xf32>
    %max3A_201 = arith.constant 1.000000e+00 : f32
    %max3A_202 = vector.broadcast %max3A_201 : f32 to vector<1000x1xf32>
    %max3A_203 = arith.maximumf %add3A_200, %max3A_202 : vector<1000x1xf32>
    %div3A_204 = arith.constant 1.000000e+00 : f32
    %div3A_205 = vector.broadcast %div3A_204 : f32 to vector<1000x1xf32>
    %div3A_206 = arith.divf %div3A_205, %max3A_203 : vector<1000x1xf32>
    %get3A_207 = arith.constant 5 : index
    %get3A_208 = arith.constant 0 : index
    %get3A_209 = arith.constant 0 : index
    %get3A_210 = vector.load %arg2[%get3A_207, %get3A_208, %get3A_209] : memref<6x1000x128xf32, #tpu.memory_space<vmem>>, vector<1x1000x128xf32>
    %get3A_211 = vector.shape_cast %get3A_210 : vector<1x1000x128xf32> to vector<1000x128xf32>
    %mul3A_212 = vector.broadcast %div3A_206 : vector<1000x1xf32> to vector<1000x128xf32>
    %mul3A_213 = arith.mulf %get3A_211, %mul3A_212 : vector<1000x128xf32>
    %get3A_214 = arith.constant 5 : index
    %get3A_215 = arith.constant 0 : index
    %get3A_216 = arith.constant 0 : index
    %get3A_217 = vector.load %arg5[%get3A_214, %get3A_215, %get3A_216] : memref<6x128x128xf32, #tpu.memory_space<vmem>>, vector<1x128x128xf32>
    %get3A_218 = vector.shape_cast %get3A_217 : vector<1x128x128xf32> to vector<128x128xf32>
    %dot_general3A_219 = arith.constant dense<0.000000e+00> : vector<1000x128xf32>
    %dot_general3A_220 = tpu.matmul %mul3A_213, %get3A_218, %dot_general3A_219 {dimension_numbers = #tpu.dot_dimension_numbers<[1], [0], [0], [1], [0, 0, 1, 1], [], []>, transpose_lhs_hint = false} : vector<1000x128xf32>, vector<128x128xf32>, vector<1000x128xf32> -> vector<1000x128xf32>
    %add3A_221 = arith.addf %add3A_185, %dot_general3A_220 : vector<1000x128xf32>
    %max3A_222 = arith.constant 0.000000e+00 : f32
    %max3A_223 = vector.broadcast %max3A_222 : f32 to vector<1000x128xf32>
    %max3A_224 = arith.maximumf %add3A_221, %max3A_223 : vector<1000x128xf32>
    %swap3A = arith.constant 0 : index
    %swap3A_225 = arith.constant 0 : index
    %swap3A_226 = vector.load %arg7[%swap3A, %swap3A_225] : memref<1000x128xf32, #tpu.memory_space<vmem>>, vector<1000x128xf32>
    tpu.vector_store %arg7[%swap3A, %swap3A_225], %max3A_224 {strides = array<i32>} : memref<1000x128xf32, #tpu.memory_space<vmem>>, vector<1000x128xf32>,
    return
  }
  func.func @transform_0(%arg0: i32) -> (i32, i32) {
    %c0_i32 = arith.constant 0 : i32
    %c0_i32_0 = arith.constant 0 : i32
    return %arg0, %c0_i32 : i32, i32
  }
  func.func @transform_1(%arg0: i32) -> (i32, i32, i32) {
    %c0_i32 = arith.constant 0 : i32
    %c0_i32_0 = arith.constant 0 : i32
    %c0_i32_1 = arith.constant 0 : i32
    return %c0_i32, %arg0, %c0_i32_0 : i32, i32, i32
  }
  func.func @transform_2(%arg0: i32) -> (i32, i32, i32, i32) {
    %c0_i32 = arith.constant 0 : i32
    %c0_i32_0 = arith.constant 0 : i32
    %c0_i32_1 = arith.constant 0 : i32
    %c0_i32_2 = arith.constant 0 : i32
    return %c0_i32, %c0_i32_0, %arg0, %c0_i32_1 : i32, i32, i32, i32
  }
  func.func @transform_3(%arg0: i32) -> (i32, i32) {
    %c0_i32 = arith.constant 0 : i32
    %c0_i32_0 = arith.constant 0 : i32
    %c0_i32_1 = arith.constant 0 : i32
    return %c0_i32, %c0_i32_0 : i32, i32
  }
  func.func @transform_4(%arg0: i32) -> (i32, i32, i32) {
    %c0_i32 = arith.constant 0 : i32
    %c0_i32_0 = arith.constant 0 : i32
    %c0_i32_1 = arith.constant 0 : i32
    %c0_i32_2 = arith.constant 0 : i32
    return %c0_i32, %c0_i32_0, %c0_i32_1 : i32, i32, i32
  }
  func.func @transform_5(%arg0: i32) -> (i32, i32) {
    %c0_i32 = arith.constant 0 : i32
    %c0_i32_0 = arith.constant 0 : i32
    %c0_i32_1 = arith.constant 0 : i32
    return %c0_i32, %c0_i32_0 : i32, i32
  }
  func.func @transform_6(%arg0: i32) -> (i32, i32) {
    %c0_i32 = arith.constant 0 : i32
    %c0_i32_0 = arith.constant 0 : i32
    return %arg0, %c0_i32 : i32, i32
  }
}

module attributes {stable_mosaic.version = 14 : i64} {
  func.func @_l2_body(%arg0: i32, %arg1: memref<1000x128xf32, #tpu.memory_space<vmem>>, %arg2: memref<6x1000x128xf32, #tpu.memory_space<vmem>>, %arg3: memref<2x6x1000x16xf32, #tpu.memory_space<vmem>>, %arg4: memref<128x128xf32, #tpu.memory_space<vmem>>, %arg5: memref<6x128x128xf32, #tpu.memory_space<vmem>>, %arg6: memref<1x128xf32, #tpu.memory_space<vmem>>, %arg7: memref<1x1x1000xi32, #tpu.memory_space<vmem>>, %arg8: memref<128x128xf32, #tpu.memory_space<vmem>>, %arg9: memref<128x128xf32, #tpu.memory_space<vmem>>, %arg10: memref<128x1xf32, #tpu.memory_space<vmem>>) attributes {dimension_semantics = [#tpu.dimension_semantics<arbitrary>], iteration_bounds = array<i64: 10>, scalar_prefetch = 0 : i64, scratch_operands = 2 : i64, tpu.core_type = #tpu.core_type<tc>, window_params = [{transform_indices = @transform_0, window_bounds = array<i64: 1000, 128>}, {transform_indices = @transform_1, window_bounds = array<i64: 6, 1000, 128>}, {transform_indices = @transform_2, window_bounds = array<i64: 2, 6, 1000, 16>}, {pipeline_mode = #tpu.pipeline_mode<synchronous>, transform_indices = @transform_3, window_bounds = array<i64: 128, 128>}, {pipeline_mode = #tpu.pipeline_mode<synchronous>, transform_indices = @transform_4, window_bounds = array<i64: 6, 128, 128>}, {pipeline_mode = #tpu.pipeline_mode<synchronous>, transform_indices = @transform_5, window_bounds = array<i64: 1, 128>}, {transform_indices = @transform_6, window_bounds = array<i64: 1, 1, 1000>}, {pipeline_mode = #tpu.pipeline_mode<synchronous>, transform_indices = @transform_7, window_bounds = array<i64: 128, 128>}]} {
    %get3A = arith.constant 0 : index
    %get3A_0 = arith.constant 0 : index
    %get3A_1 = vector.load %arg1[%get3A, %get3A_0] : memref<1000x128xf32, #tpu.memory_space<vmem>>, vector<1000x128xf32>
    %get3A_2 = arith.constant 0 : index
    %get3A_3 = arith.constant 0 : index
    %get3A_4 = vector.load %arg4[%get3A_2, %get3A_3] : memref<128x128xf32, #tpu.memory_space<vmem>>, vector<128x128xf32>
    %dot_general3A = arith.constant dense<0.000000e+00> : vector<1000x128xf32>
    %dot_general3A_5 = tpu.matmul %get3A_1, %get3A_4, %dot_general3A {dimension_numbers = #tpu.dot_dimension_numbers<[1], [0], [0], [1], [0, 0, 1, 1], [], []>, transpose_lhs_hint = false} : vector<1000x128xf32>, vector<128x128xf32>, vector<1000x128xf32> -> vector<1000x128xf32>
    %get3A_6 = arith.constant 0 : index
    %get3A_7 = arith.constant 0 : index
    %get3A_8 = vector.load %arg6[%get3A_6, %get3A_7] : memref<1x128xf32, #tpu.memory_space<vmem>>, vector<1x128xf32>
    %add3A = vector.broadcast %get3A_8 : vector<1x128xf32> to vector<1000x128xf32>
    %add3A_9 = arith.addf %dot_general3A_5, %add3A : vector<1000x128xf32>
    %get3A_10 = arith.constant 0 : index
    %get3A_11 = arith.constant 0 : index
    %get3A_12 = arith.constant 0 : index
    %get3A_13 = arith.constant 0 : index
    %get3A_14 = vector.load %arg3[%get3A_10, %get3A_11, %get3A_12, %get3A_13] : memref<2x6x1000x16xf32, #tpu.memory_space<vmem>>, vector<1x1x1000x16xf32>
    %get3A_15 = vector.shape_cast %get3A_14 : vector<1x1x1000x16xf32> to vector<1000x16xf32>
    %slice3A = vector.extract_strided_slice %get3A_15 {offsets = [0, 0], sizes = [1000, 1], strides = [1, 1]} : vector<1000x16xf32> to vector<1000x1xf32>
    %get3A_16 = arith.constant 1 : index
    %get3A_17 = arith.constant 0 : index
    %get3A_18 = arith.constant 0 : index
    %get3A_19 = arith.constant 0 : index
    %get3A_20 = vector.load %arg3[%get3A_16, %get3A_17, %get3A_18, %get3A_19] : memref<2x6x1000x16xf32, #tpu.memory_space<vmem>>, vector<1x1x1000x16xf32>
    %get3A_21 = vector.shape_cast %get3A_20 : vector<1x1x1000x16xf32> to vector<1000x16xf32>
    %slice3A_22 = vector.extract_strided_slice %get3A_21 {offsets = [0, 0], sizes = [1000, 1], strides = [1, 1]} : vector<1000x16xf32> to vector<1000x1xf32>
    %add3A_23 = arith.addf %slice3A, %slice3A_22 : vector<1000x1xf32>
    %max3A = arith.constant 1.000000e+00 : f32
    %max3A_24 = vector.broadcast %max3A : f32 to vector<1000x1xf32>
    %max3A_25 = arith.maximumf %add3A_23, %max3A_24 : vector<1000x1xf32>
    %div3A = arith.constant 1.000000e+00 : f32
    %div3A_26 = vector.broadcast %div3A : f32 to vector<1000x1xf32>
    %div3A_27 = arith.divf %div3A_26, %max3A_25 : vector<1000x1xf32>
    %get3A_28 = arith.constant 0 : index
    %get3A_29 = arith.constant 0 : index
    %get3A_30 = arith.constant 0 : index
    %get3A_31 = vector.load %arg2[%get3A_28, %get3A_29, %get3A_30] : memref<6x1000x128xf32, #tpu.memory_space<vmem>>, vector<1x1000x128xf32>
    %get3A_32 = vector.shape_cast %get3A_31 : vector<1x1000x128xf32> to vector<1000x128xf32>
    %mul3A = vector.broadcast %div3A_27 : vector<1000x1xf32> to vector<1000x128xf32>
    %mul3A_33 = arith.mulf %get3A_32, %mul3A : vector<1000x128xf32>
    %get3A_34 = arith.constant 0 : index
    %get3A_35 = arith.constant 0 : index
    %get3A_36 = arith.constant 0 : index
    %get3A_37 = vector.load %arg5[%get3A_34, %get3A_35, %get3A_36] : memref<6x128x128xf32, #tpu.memory_space<vmem>>, vector<1x128x128xf32>
    %get3A_38 = vector.shape_cast %get3A_37 : vector<1x128x128xf32> to vector<128x128xf32>
    %dot_general3A_39 = arith.constant dense<0.000000e+00> : vector<1000x128xf32>
    %dot_general3A_40 = tpu.matmul %mul3A_33, %get3A_38, %dot_general3A_39 {dimension_numbers = #tpu.dot_dimension_numbers<[1], [0], [0], [1], [0, 0, 1, 1], [], []>, transpose_lhs_hint = false} : vector<1000x128xf32>, vector<128x128xf32>, vector<1000x128xf32> -> vector<1000x128xf32>
    %add3A_41 = arith.addf %add3A_9, %dot_general3A_40 : vector<1000x128xf32>
    %get3A_42 = arith.constant 0 : index
    %get3A_43 = arith.constant 1 : index
    %get3A_44 = arith.constant 0 : index
    %get3A_45 = arith.constant 0 : index
    %get3A_46 = vector.load %arg3[%get3A_42, %get3A_43, %get3A_44, %get3A_45] : memref<2x6x1000x16xf32, #tpu.memory_space<vmem>>, vector<1x1x1000x16xf32>
    %get3A_47 = vector.shape_cast %get3A_46 : vector<1x1x1000x16xf32> to vector<1000x16xf32>
    %slice3A_48 = vector.extract_strided_slice %get3A_47 {offsets = [0, 0], sizes = [1000, 1], strides = [1, 1]} : vector<1000x16xf32> to vector<1000x1xf32>
    %get3A_49 = arith.constant 1 : index
    %get3A_50 = arith.constant 1 : index
    %get3A_51 = arith.constant 0 : index
    %get3A_52 = arith.constant 0 : index
    %get3A_53 = vector.load %arg3[%get3A_49, %get3A_50, %get3A_51, %get3A_52] : memref<2x6x1000x16xf32, #tpu.memory_space<vmem>>, vector<1x1x1000x16xf32>
    %get3A_54 = vector.shape_cast %get3A_53 : vector<1x1x1000x16xf32> to vector<1000x16xf32>
    %slice3A_55 = vector.extract_strided_slice %get3A_54 {offsets = [0, 0], sizes = [1000, 1], strides = [1, 1]} : vector<1000x16xf32> to vector<1000x1xf32>
    %add3A_56 = arith.addf %slice3A_48, %slice3A_55 : vector<1000x1xf32>
    %max3A_57 = arith.constant 1.000000e+00 : f32
    %max3A_58 = vector.broadcast %max3A_57 : f32 to vector<1000x1xf32>
    %max3A_59 = arith.maximumf %add3A_56, %max3A_58 : vector<1000x1xf32>
    %div3A_60 = arith.constant 1.000000e+00 : f32
    %div3A_61 = vector.broadcast %div3A_60 : f32 to vector<1000x1xf32>
    %div3A_62 = arith.divf %div3A_61, %max3A_59 : vector<1000x1xf32>
    %get3A_63 = arith.constant 1 : index
    %get3A_64 = arith.constant 0 : index
    %get3A_65 = arith.constant 0 : index
    %get3A_66 = vector.load %arg2[%get3A_63, %get3A_64, %get3A_65] : memref<6x1000x128xf32, #tpu.memory_space<vmem>>, vector<1x1000x128xf32>
    %get3A_67 = vector.shape_cast %get3A_66 : vector<1x1000x128xf32> to vector<1000x128xf32>
    %mul3A_68 = vector.broadcast %div3A_62 : vector<1000x1xf32> to vector<1000x128xf32>
    %mul3A_69 = arith.mulf %get3A_67, %mul3A_68 : vector<1000x128xf32>
    %get3A_70 = arith.constant 1 : index
    %get3A_71 = arith.constant 0 : index
    %get3A_72 = arith.constant 0 : index
    %get3A_73 = vector.load %arg5[%get3A_70, %get3A_71, %get3A_72] : memref<6x128x128xf32, #tpu.memory_space<vmem>>, vector<1x128x128xf32>
    %get3A_74 = vector.shape_cast %get3A_73 : vector<1x128x128xf32> to vector<128x128xf32>
    %dot_general3A_75 = arith.constant dense<0.000000e+00> : vector<1000x128xf32>
    %dot_general3A_76 = tpu.matmul %mul3A_69, %get3A_74, %dot_general3A_75 {dimension_numbers = #tpu.dot_dimension_numbers<[1], [0], [0], [1], [0, 0, 1, 1], [], []>, transpose_lhs_hint = false} : vector<1000x128xf32>, vector<128x128xf32>, vector<1000x128xf32> -> vector<1000x128xf32>
    %add3A_77 = arith.addf %add3A_41, %dot_general3A_76 : vector<1000x128xf32>
    %get3A_78 = arith.constant 0 : index
    %get3A_79 = arith.constant 2 : index
    %get3A_80 = arith.constant 0 : index
    %get3A_81 = arith.constant 0 : index
    %get3A_82 = vector.load %arg3[%get3A_78, %get3A_79, %get3A_80, %get3A_81] : memref<2x6x1000x16xf32, #tpu.memory_space<vmem>>, vector<1x1x1000x16xf32>
    %get3A_83 = vector.shape_cast %get3A_82 : vector<1x1x1000x16xf32> to vector<1000x16xf32>
    %slice3A_84 = vector.extract_strided_slice %get3A_83 {offsets = [0, 0], sizes = [1000, 1], strides = [1, 1]} : vector<1000x16xf32> to vector<1000x1xf32>
    %get3A_85 = arith.constant 1 : index
    %get3A_86 = arith.constant 2 : index
    %get3A_87 = arith.constant 0 : index
    %get3A_88 = arith.constant 0 : index
    %get3A_89 = vector.load %arg3[%get3A_85, %get3A_86, %get3A_87, %get3A_88] : memref<2x6x1000x16xf32, #tpu.memory_space<vmem>>, vector<1x1x1000x16xf32>
    %get3A_90 = vector.shape_cast %get3A_89 : vector<1x1x1000x16xf32> to vector<1000x16xf32>
    %slice3A_91 = vector.extract_strided_slice %get3A_90 {offsets = [0, 0], sizes = [1000, 1], strides = [1, 1]} : vector<1000x16xf32> to vector<1000x1xf32>
    %add3A_92 = arith.addf %slice3A_84, %slice3A_91 : vector<1000x1xf32>
    %max3A_93 = arith.constant 1.000000e+00 : f32
    %max3A_94 = vector.broadcast %max3A_93 : f32 to vector<1000x1xf32>
    %max3A_95 = arith.maximumf %add3A_92, %max3A_94 : vector<1000x1xf32>
    %div3A_96 = arith.constant 1.000000e+00 : f32
    %div3A_97 = vector.broadcast %div3A_96 : f32 to vector<1000x1xf32>
    %div3A_98 = arith.divf %div3A_97, %max3A_95 : vector<1000x1xf32>
    %get3A_99 = arith.constant 2 : index
    %get3A_100 = arith.constant 0 : index
    %get3A_101 = arith.constant 0 : index
    %get3A_102 = vector.load %arg2[%get3A_99, %get3A_100, %get3A_101] : memref<6x1000x128xf32, #tpu.memory_space<vmem>>, vector<1x1000x128xf32>
    %get3A_103 = vector.shape_cast %get3A_102 : vector<1x1000x128xf32> to vector<1000x128xf32>
    %mul3A_104 = vector.broadcast %div3A_98 : vector<1000x1xf32> to vector<1000x128xf32>
    %mul3A_105 = arith.mulf %get3A_103, %mul3A_104 : vector<1000x128xf32>
    %get3A_106 = arith.constant 2 : index
    %get3A_107 = arith.constant 0 : index
    %get3A_108 = arith.constant 0 : index
    %get3A_109 = vector.load %arg5[%get3A_106, %get3A_107, %get3A_108] : memref<6x128x128xf32, #tpu.memory_space<vmem>>, vector<1x128x128xf32>
    %get3A_110 = vector.shape_cast %get3A_109 : vector<1x128x128xf32> to vector<128x128xf32>
    %dot_general3A_111 = arith.constant dense<0.000000e+00> : vector<1000x128xf32>
    %dot_general3A_112 = tpu.matmul %mul3A_105, %get3A_110, %dot_general3A_111 {dimension_numbers = #tpu.dot_dimension_numbers<[1], [0], [0], [1], [0, 0, 1, 1], [], []>, transpose_lhs_hint = false} : vector<1000x128xf32>, vector<128x128xf32>, vector<1000x128xf32> -> vector<1000x128xf32>
    %add3A_113 = arith.addf %add3A_77, %dot_general3A_112 : vector<1000x128xf32>
    %get3A_114 = arith.constant 0 : index
    %get3A_115 = arith.constant 3 : index
    %get3A_116 = arith.constant 0 : index
    %get3A_117 = arith.constant 0 : index
    %get3A_118 = vector.load %arg3[%get3A_114, %get3A_115, %get3A_116, %get3A_117] : memref<2x6x1000x16xf32, #tpu.memory_space<vmem>>, vector<1x1x1000x16xf32>
    %get3A_119 = vector.shape_cast %get3A_118 : vector<1x1x1000x16xf32> to vector<1000x16xf32>
    %slice3A_120 = vector.extract_strided_slice %get3A_119 {offsets = [0, 0], sizes = [1000, 1], strides = [1, 1]} : vector<1000x16xf32> to vector<1000x1xf32>
    %get3A_121 = arith.constant 1 : index
    %get3A_122 = arith.constant 3 : index
    %get3A_123 = arith.constant 0 : index
    %get3A_124 = arith.constant 0 : index
    %get3A_125 = vector.load %arg3[%get3A_121, %get3A_122, %get3A_123, %get3A_124] : memref<2x6x1000x16xf32, #tpu.memory_space<vmem>>, vector<1x1x1000x16xf32>
    %get3A_126 = vector.shape_cast %get3A_125 : vector<1x1x1000x16xf32> to vector<1000x16xf32>
    %slice3A_127 = vector.extract_strided_slice %get3A_126 {offsets = [0, 0], sizes = [1000, 1], strides = [1, 1]} : vector<1000x16xf32> to vector<1000x1xf32>
    %add3A_128 = arith.addf %slice3A_120, %slice3A_127 : vector<1000x1xf32>
    %max3A_129 = arith.constant 1.000000e+00 : f32
    %max3A_130 = vector.broadcast %max3A_129 : f32 to vector<1000x1xf32>
    %max3A_131 = arith.maximumf %add3A_128, %max3A_130 : vector<1000x1xf32>
    %div3A_132 = arith.constant 1.000000e+00 : f32
    %div3A_133 = vector.broadcast %div3A_132 : f32 to vector<1000x1xf32>
    %div3A_134 = arith.divf %div3A_133, %max3A_131 : vector<1000x1xf32>
    %get3A_135 = arith.constant 3 : index
    %get3A_136 = arith.constant 0 : index
    %get3A_137 = arith.constant 0 : index
    %get3A_138 = vector.load %arg2[%get3A_135, %get3A_136, %get3A_137] : memref<6x1000x128xf32, #tpu.memory_space<vmem>>, vector<1x1000x128xf32>
    %get3A_139 = vector.shape_cast %get3A_138 : vector<1x1000x128xf32> to vector<1000x128xf32>
    %mul3A_140 = vector.broadcast %div3A_134 : vector<1000x1xf32> to vector<1000x128xf32>
    %mul3A_141 = arith.mulf %get3A_139, %mul3A_140 : vector<1000x128xf32>
    %get3A_142 = arith.constant 3 : index
    %get3A_143 = arith.constant 0 : index
    %get3A_144 = arith.constant 0 : index
    %get3A_145 = vector.load %arg5[%get3A_142, %get3A_143, %get3A_144] : memref<6x128x128xf32, #tpu.memory_space<vmem>>, vector<1x128x128xf32>
    %get3A_146 = vector.shape_cast %get3A_145 : vector<1x128x128xf32> to vector<128x128xf32>
    %dot_general3A_147 = arith.constant dense<0.000000e+00> : vector<1000x128xf32>
    %dot_general3A_148 = tpu.matmul %mul3A_141, %get3A_146, %dot_general3A_147 {dimension_numbers = #tpu.dot_dimension_numbers<[1], [0], [0], [1], [0, 0, 1, 1], [], []>, transpose_lhs_hint = false} : vector<1000x128xf32>, vector<128x128xf32>, vector<1000x128xf32> -> vector<1000x128xf32>
    %add3A_149 = arith.addf %add3A_113, %dot_general3A_148 : vector<1000x128xf32>
    %get3A_150 = arith.constant 0 : index
    %get3A_151 = arith.constant 4 : index
    %get3A_152 = arith.constant 0 : index
    %get3A_153 = arith.constant 0 : index
    %get3A_154 = vector.load %arg3[%get3A_150, %get3A_151, %get3A_152, %get3A_153] : memref<2x6x1000x16xf32, #tpu.memory_space<vmem>>, vector<1x1x1000x16xf32>
    %get3A_155 = vector.shape_cast %get3A_154 : vector<1x1x1000x16xf32> to vector<1000x16xf32>
    %slice3A_156 = vector.extract_strided_slice %get3A_155 {offsets = [0, 0], sizes = [1000, 1], strides = [1, 1]} : vector<1000x16xf32> to vector<1000x1xf32>
    %get3A_157 = arith.constant 1 : index
    %get3A_158 = arith.constant 4 : index
    %get3A_159 = arith.constant 0 : index
    %get3A_160 = arith.constant 0 : index
    %get3A_161 = vector.load %arg3[%get3A_157, %get3A_158, %get3A_159, %get3A_160] : memref<2x6x1000x16xf32, #tpu.memory_space<vmem>>, vector<1x1x1000x16xf32>
    %get3A_162 = vector.shape_cast %get3A_161 : vector<1x1x1000x16xf32> to vector<1000x16xf32>
    %slice3A_163 = vector.extract_strided_slice %get3A_162 {offsets = [0, 0], sizes = [1000, 1], strides = [1, 1]} : vector<1000x16xf32> to vector<1000x1xf32>
    %add3A_164 = arith.addf %slice3A_156, %slice3A_163 : vector<1000x1xf32>
    %max3A_165 = arith.constant 1.000000e+00 : f32
    %max3A_166 = vector.broadcast %max3A_165 : f32 to vector<1000x1xf32>
    %max3A_167 = arith.maximumf %add3A_164, %max3A_166 : vector<1000x1xf32>
    %div3A_168 = arith.constant 1.000000e+00 : f32
    %div3A_169 = vector.broadcast %div3A_168 : f32 to vector<1000x1xf32>
    %div3A_170 = arith.divf %div3A_169, %max3A_167 : vector<1000x1xf32>
    %get3A_171 = arith.constant 4 : index
    %get3A_172 = arith.constant 0 : index
    %get3A_173 = arith.constant 0 : index
    %get3A_174 = vector.load %arg2[%get3A_171, %get3A_172, %get3A_173] : memref<6x1000x128xf32, #tpu.memory_space<vmem>>, vector<1x1000x128xf32>
    %get3A_175 = vector.shape_cast %get3A_174 : vector<1x1000x128xf32> to vector<1000x128xf32>
    %mul3A_176 = vector.broadcast %div3A_170 : vector<1000x1xf32> to vector<1000x128xf32>
    %mul3A_177 = arith.mulf %get3A_175, %mul3A_176 : vector<1000x128xf32>
    %get3A_178 = arith.constant 4 : index
    %get3A_179 = arith.constant 0 : index
    %get3A_180 = arith.constant 0 : index
    %get3A_181 = vector.load %arg5[%get3A_178, %get3A_179, %get3A_180] : memref<6x128x128xf32, #tpu.memory_space<vmem>>, vector<1x128x128xf32>
    %get3A_182 = vector.shape_cast %get3A_181 : vector<1x128x128xf32> to vector<128x128xf32>
    %dot_general3A_183 = arith.constant dense<0.000000e+00> : vector<1000x128xf32>
    %dot_general3A_184 = tpu.matmul %mul3A_177, %get3A_182, %dot_general3A_183 {dimension_numbers = #tpu.dot_dimension_numbers<[1], [0], [0], [1], [0, 0, 1, 1], [], []>, transpose_lhs_hint = false} : vector<1000x128xf32>, vector<128x128xf32>, vector<1000x128xf32> -> vector<1000x128xf32>
    %add3A_185 = arith.addf %add3A_149, %dot_general3A_184 : vector<1000x128xf32>
    %get3A_186 = arith.constant 0 : index
    %get3A_187 = arith.constant 5 : index
    %get3A_188 = arith.constant 0 : index
    %get3A_189 = arith.constant 0 : index
    %get3A_190 = vector.load %arg3[%get3A_186, %get3A_187, %get3A_188, %get3A_189] : memref<2x6x1000x16xf32, #tpu.memory_space<vmem>>, vector<1x1x1000x16xf32>
    %get3A_191 = vector.shape_cast %get3A_190 : vector<1x1x1000x16xf32> to vector<1000x16xf32>
    %slice3A_192 = vector.extract_strided_slice %get3A_191 {offsets = [0, 0], sizes = [1000, 1], strides = [1, 1]} : vector<1000x16xf32> to vector<1000x1xf32>
    %get3A_193 = arith.constant 1 : index
    %get3A_194 = arith.constant 5 : index
    %get3A_195 = arith.constant 0 : index
    %get3A_196 = arith.constant 0 : index
    %get3A_197 = vector.load %arg3[%get3A_193, %get3A_194, %get3A_195, %get3A_196] : memref<2x6x1000x16xf32, #tpu.memory_space<vmem>>, vector<1x1x1000x16xf32>
    %get3A_198 = vector.shape_cast %get3A_197 : vector<1x1x1000x16xf32> to vector<1000x16xf32>
    %slice3A_199 = vector.extract_strided_slice %get3A_198 {offsets = [0, 0], sizes = [1000, 1], strides = [1, 1]} : vector<1000x16xf32> to vector<1000x1xf32>
    %add3A_200 = arith.addf %slice3A_192, %slice3A_199 : vector<1000x1xf32>
    %max3A_201 = arith.constant 1.000000e+00 : f32
    %max3A_202 = vector.broadcast %max3A_201 : f32 to vector<1000x1xf32>
    %max3A_203 = arith.maximumf %add3A_200, %max3A_202 : vector<1000x1xf32>
    %div3A_204 = arith.constant 1.000000e+00 : f32
    %div3A_205 = vector.broadcast %div3A_204 : f32 to vector<1000x1xf32>
    %div3A_206 = arith.divf %div3A_205, %max3A_203 : vector<1000x1xf32>
    %get3A_207 = arith.constant 5 : index
    %get3A_208 = arith.constant 0 : index
    %get3A_209 = arith.constant 0 : index
    %get3A_210 = vector.load %arg2[%get3A_207, %get3A_208, %get3A_209] : memref<6x1000x128xf32, #tpu.memory_space<vmem>>, vector<1x1000x128xf32>
    %get3A_211 = vector.shape_cast %get3A_210 : vector<1x1000x128xf32> to vector<1000x128xf32>
    %mul3A_212 = vector.broadcast %div3A_206 : vector<1000x1xf32> to vector<1000x128xf32>
    %mul3A_213 = arith.mulf %get3A_211, %mul3A_212 : vector<1000x128xf32>
    %get3A_214 = arith.constant 5 : index
    %get3A_215 = arith.constant 0 : index
    %get3A_216 = arith.constant 0 : index
    %get3A_217 = vector.load %arg5[%get3A_214, %get3A_215, %get3A_216] : memref<6x128x128xf32, #tpu.memory_space<vmem>>, vector<1x128x128xf32>
    %get3A_218 = vector.shape_cast %get3A_217 : vector<1x128x128xf32> to vector<128x128xf32>
    %dot_general3A_219 = arith.constant dense<0.000000e+00> : vector<1000x128xf32>
    %dot_general3A_220 = tpu.matmul %mul3A_213, %get3A_218, %dot_general3A_219 {dimension_numbers = #tpu.dot_dimension_numbers<[1], [0], [0], [1], [0, 0, 1, 1], [], []>, transpose_lhs_hint = false} : vector<1000x128xf32>, vector<128x128xf32>, vector<1000x128xf32> -> vector<1000x128xf32>
    %add3A_221 = arith.addf %add3A_185, %dot_general3A_220 : vector<1000x128xf32>
    %max3A_222 = arith.constant 0.000000e+00 : f32
    %max3A_223 = vector.broadcast %max3A_222 : f32 to vector<1000x128xf32>
    %max3A_224 = arith.maximumf %add3A_221, %max3A_223 : vector<1000x128xf32>
    %get3A_225 = arith.constant 0 : index
    %get3A_226 = arith.constant 0 : index
    %get3A_227 = arith.constant 0 : index
    %get3A_228 = vector.load %arg7[%get3A_225, %get3A_226, %get3A_227] : memref<1x1x1000xi32, #tpu.memory_space<vmem>>, vector<1x1x1000xi32>
    %get3A_229 = vector.shape_cast %get3A_228 : vector<1x1x1000xi32> to vector<1x1000xi32>
    %iota3A = tpu.iota {dimensions = array<i32: 0>} : vector<128x1000xi32>
    %eq3A = vector.broadcast %get3A_229 : vector<1x1000xi32> to vector<128x1000xi32>
    %eq3A_230 = arith.cmpi eq, %eq3A, %iota3A : vector<128x1000xi32>
    %convert_element_type3A = arith.extui %eq3A_230 : vector<128x1000xi1> to vector<128x1000xi32>
    %convert_element_type3A_231 = arith.sitofp %convert_element_type3A : vector<128x1000xi32> to vector<128x1000xf32>
    %eq3A_232 = arith.constant 0 : i32
    %eq3A_233 = arith.cmpi eq, %arg0, %eq3A_232 : i32
    %convert_element_type3A_234 = arith.extui %eq3A_233 : i1 to i32
    %cond3A = arith.constant 0 : i32
    %cond3A_235 = arith.cmpi ne, %convert_element_type3A_234, %cond3A : i32
    scf.if %cond3A_235 {
      %broadcast_in_dim3A_257 = arith.constant 0.000000e+00 : f32
      %broadcast_in_dim3A_258 = vector.broadcast %broadcast_in_dim3A_257 : f32 to vector<128x128xf32>
      %swap3A_259 = arith.constant 0 : index
      %swap3A_260 = arith.constant 0 : index
      %swap3A_261 = vector.load %arg9[%swap3A_259, %swap3A_260] : memref<128x128xf32, #tpu.memory_space<vmem>>, vector<128x128xf32>
      tpu.vector_store %arg9[%swap3A_259, %swap3A_260], %broadcast_in_dim3A_258 {strides = array<i32>} : memref<128x128xf32, #tpu.memory_space<vmem>>, vector<128x128xf32>,
      %broadcast_in_dim3A_262 = arith.constant 0.000000e+00 : f32
      %broadcast_in_dim3A_263 = vector.broadcast %broadcast_in_dim3A_262 : f32 to vector<128x1xf32>
      %swap3A_264 = arith.constant 0 : index
      %swap3A_265 = arith.constant 0 : index
      %swap3A_266 = vector.load %arg10[%swap3A_264, %swap3A_265] : memref<128x1xf32, #tpu.memory_space<vmem>>, vector<128x1xf32>
      tpu.vector_store %arg10[%swap3A_264, %swap3A_265], %broadcast_in_dim3A_263 {strides = array<i32>} : memref<128x1xf32, #tpu.memory_space<vmem>>, vector<128x1xf32>,
    } else {
    }
    %get3A_236 = arith.constant 0 : index
    %get3A_237 = arith.constant 0 : index
    %get3A_238 = vector.load %arg9[%get3A_236, %get3A_237] : memref<128x128xf32, #tpu.memory_space<vmem>>, vector<128x128xf32>
    %dot_general3A_239 = arith.constant dense<0.000000e+00> : vector<128x128xf32>
    %dot_general3A_240 = tpu.matmul %convert_element_type3A_231, %max3A_224, %dot_general3A_239 {dimension_numbers = #tpu.dot_dimension_numbers<[1], [0], [0], [1], [0, 0, 1, 1], [], []>, transpose_lhs_hint = false} : vector<128x1000xf32>, vector<1000x128xf32>, vector<128x128xf32> -> vector<128x128xf32>
    %add3A_241 = arith.addf %get3A_238, %dot_general3A_240 : vector<128x128xf32>
    %swap3A = arith.constant 0 : index
    %swap3A_242 = arith.constant 0 : index
    %swap3A_243 = vector.load %arg9[%swap3A, %swap3A_242] : memref<128x128xf32, #tpu.memory_space<vmem>>, vector<128x128xf32>
    tpu.vector_store %arg9[%swap3A, %swap3A_242], %add3A_241 {strides = array<i32>} : memref<128x128xf32, #tpu.memory_space<vmem>>, vector<128x128xf32>,
    %get3A_244 = arith.constant 0 : index
    %get3A_245 = arith.constant 0 : index
    %get3A_246 = vector.load %arg10[%get3A_244, %get3A_245] : memref<128x1xf32, #tpu.memory_space<vmem>>, vector<128x1xf32>
    %reduce_sum3A = arith.constant dense<0.000000e+00> : vector<128xf32>
    %reduce_sum3A_247 = vector.multi_reduction <add>, %convert_element_type3A_231, %reduce_sum3A [1] : vector<128x1000xf32> to vector<128xf32>
    %broadcast_in_dim3A = vector.shape_cast %reduce_sum3A_247 : vector<128xf32> to vector<128x1xf32>
    %add3A_248 = arith.addf %get3A_246, %broadcast_in_dim3A : vector<128x1xf32>
    %swap3A_249 = arith.constant 0 : index
    %swap3A_250 = arith.constant 0 : index
    %swap3A_251 = vector.load %arg10[%swap3A_249, %swap3A_250] : memref<128x1xf32, #tpu.memory_space<vmem>>, vector<128x1xf32>
    tpu.vector_store %arg10[%swap3A_249, %swap3A_250], %add3A_248 {strides = array<i32>} : memref<128x1xf32, #tpu.memory_space<vmem>>, vector<128x1xf32>,
    %eq3A_252 = arith.constant 9 : i32
    %eq3A_253 = arith.cmpi eq, %arg0, %eq3A_252 : i32
    %convert_element_type3A_254 = arith.extui %eq3A_253 : i1 to i32
    %cond3A_255 = arith.constant 0 : i32
    %cond3A_256 = arith.cmpi ne, %convert_element_type3A_254, %cond3A_255 : i32
    scf.if %cond3A_256 {
      %get3A_257 = arith.constant 0 : index
      %get3A_258 = arith.constant 0 : index
      %get3A_259 = vector.load %arg9[%get3A_257, %get3A_258] : memref<128x128xf32, #tpu.memory_space<vmem>>, vector<128x128xf32>
      %get3A_260 = arith.constant 0 : index
      %get3A_261 = arith.constant 0 : index
      %get3A_262 = vector.load %arg10[%get3A_260, %get3A_261] : memref<128x1xf32, #tpu.memory_space<vmem>>, vector<128x1xf32>
      %max3A_263 = arith.constant 1.000000e+00 : f32
      %max3A_264 = vector.broadcast %max3A_263 : f32 to vector<128x1xf32>
      %max3A_265 = arith.maximumf %get3A_262, %max3A_264 : vector<128x1xf32>
      %div3A_266 = vector.broadcast %max3A_265 : vector<128x1xf32> to vector<128x128xf32>
      %div3A_267 = arith.divf %get3A_259, %div3A_266 : vector<128x128xf32>
      %swap3A_268 = arith.constant 0 : index
      %swap3A_269 = arith.constant 0 : index
      %swap3A_270 = vector.load %arg8[%swap3A_268, %swap3A_269] : memref<128x128xf32, #tpu.memory_space<vmem>>, vector<128x128xf32>
      tpu.vector_store %arg8[%swap3A_268, %swap3A_269], %div3A_267 {strides = array<i32>} : memref<128x128xf32, #tpu.memory_space<vmem>>, vector<128x128xf32>,
    } else {
    }
    return
  }
  func.func @transform_0(%arg0: i32) -> (i32, i32) {
    %c0_i32 = arith.constant 0 : i32
    %c0_i32_0 = arith.constant 0 : i32
    return %arg0, %c0_i32 : i32, i32
  }
  func.func @transform_1(%arg0: i32) -> (i32, i32, i32) {
    %c0_i32 = arith.constant 0 : i32
    %c0_i32_0 = arith.constant 0 : i32
    %c0_i32_1 = arith.constant 0 : i32
    return %c0_i32, %arg0, %c0_i32_0 : i32, i32, i32
  }
  func.func @transform_2(%arg0: i32) -> (i32, i32, i32, i32) {
    %c0_i32 = arith.constant 0 : i32
    %c0_i32_0 = arith.constant 0 : i32
    %c0_i32_1 = arith.constant 0 : i32
    %c0_i32_2 = arith.constant 0 : i32
    return %c0_i32, %c0_i32_0, %arg0, %c0_i32_1 : i32, i32, i32, i32
  }
  func.func @transform_3(%arg0: i32) -> (i32, i32) {
    %c0_i32 = arith.constant 0 : i32
    %c0_i32_0 = arith.constant 0 : i32
    %c0_i32_1 = arith.constant 0 : i32
    return %c0_i32, %c0_i32_0 : i32, i32
  }
  func.func @transform_4(%arg0: i32) -> (i32, i32, i32) {
    %c0_i32 = arith.constant 0 : i32
    %c0_i32_0 = arith.constant 0 : i32
    %c0_i32_1 = arith.constant 0 : i32
    %c0_i32_2 = arith.constant 0 : i32
    return %c0_i32, %c0_i32_0, %c0_i32_1 : i32, i32, i32
  }
  func.func @transform_5(%arg0: i32) -> (i32, i32) {
    %c0_i32 = arith.constant 0 : i32
    %c0_i32_0 = arith.constant 0 : i32
    %c0_i32_1 = arith.constant 0 : i32
    return %c0_i32, %c0_i32_0 : i32, i32
  }
  func.func @transform_6(%arg0: i32) -> (i32, i32, i32) {
    %c0_i32 = arith.constant 0 : i32
    %c0_i32_0 = arith.constant 0 : i32
    %c0_i32_1 = arith.constant 0 : i32
    return %arg0, %c0_i32, %c0_i32_0 : i32, i32, i32
  }
  func.func @transform_7(%arg0: i32) -> (i32, i32) {
    %c0_i32 = arith.constant 0 : i32
    %c0_i32_0 = arith.constant 0 : i32
    %c0_i32_1 = arith.constant 0 : i32
    return %c0_i32, %c0_i32_0 : i32, i32
  }
}

</mosaic_0001>

<sc_bundles>
// kernel: kernel.10.cloned.1.call-start
scs
__scs_entry_jumppad:
0x0: {  	(pc) =	sbr.rel $0x88, $3  }
0x1: {  	(tag) =	ssettag $0x0;
	lr =	simm.s32 $0x1  }
0x2: {  	[smem:$0x3F97] =	sst lr;
	_ =	strace $0xD0000000  }
0x3: {  	_ = 	snop  }
0x4: {  	_ = 	snop  }
0x5: {  	_ = 	snop  }
0x6: {  	_ = 	snop  }
0x7: {  	_ = 	snop  }
__scs_overlays_trampoline_lowered:
0x8: {  	[smem:$0x3FA6] =	sst s0  }
0x9: {  	[smem:$0x3FA7] =	sst s1  }
0xa: {  	[smem:$0x3FA8] =	sst s2  }
0xb: {  	[smem:$0x3FA9] =	sst s3  }
0xc: {  	[smem:$0x3FAA] =	sst s4  }
0xd: {  	[smem:$0x3FAB] =	sst s5  }
0xe: {  	[smem:$0x3FAC] =	sst s6  }
0xf: {  	[smem:$0x3FAD] =	sst s7  }
0x10: {  	[smem:$0x3FAE] =	sst s8  }
0x11: {  	[smem:$0x3FAF] =	sst s9;
	s0 =	simm.s32 @!p0 $0x0  }
0x12: {  	s1 =	sld [smem:$0x3F95];
	s0 =	simm.s32 @p0 $0x1  }
0x13: {  	[smem:$0x3FB0] =	sst s0;
	s0 =	simm.s32 @!p1 $0x0  }
0x14: {  	s2 =	sld [smem:$0x3F94];
	s0 =	simm.s32 @p1 $0x1  }
0x15: {  	[smem:$0x3FB1] =	sst s0;
	s0 =	simm.s32 @!p2 $0x0  }
0x16: {  	s3 =	sld [smem:$0x3FDB];
	s0 =	simm.s32 @p2 $0x1  }
0x17: {  	s4 =	simm.s32 $0x1BF5;
	[smem:$0x3FB3] =	sst s0  }
0x18: {  	s0 =	sld [smem:$0x3F96];
	_ =	swait.ge [sflag:s4], $0x0  }
0x19: {  	s7 =	sld [smem:$0x3F97]  }
0x1a: {  	s8 =	sadd.s32 $0xFFFFE003, lr  }
0x1b: {  	s9 =	sadd.s32 $0xFFFFFEF7, lr;
	s5 =	simm.s32 $0xFFFFFFFF;
	p2 =	slt.u32 s8, $0xFFFFF086  }
0x1c: {  	p1 =	slt.u32 s9, $0xF7A;
	s5 =	simm.s32 @!p2 $0x0  }
0x1d: {  	s5 =	simm.s32 @p1 $0x1;
	p0 =	seq.s32 s7, s2  }
0x1e: {  	s7 =	smul.u32 @!p0 $0xF7A, s2;
	p2 =	seq.s32 @!p0 s5, $0x0  }
0x1f: {  	s9 =	smul.u32 $0xF7A, s1;
	s8 =	simm.s32 @!p0 $0x1BF5;
	p2 =	por !p2, p0  }
0x20: {  	[sflag:s8] =	ssyncset.s32 @!p0 $0xFFFFF086;
	s6 =	sadd.s32 @!p0 s3, s7;
	s7 =	simm.s32 @!p0 $0x108  }
0x21: {  	s3 =	sadd.s32 s3, s9;
	s6 =	sadd.s32 @!p0 $0x88, s6;
	s7 =	simm.s32 @p2 $0x1082  }
0x22: {  	[simem:s7], [sflag:s8] =	dma.local @!p0 [hbm:s6], $0xF7A  }
0x23: {  	s9 =	sor.u32 $0xD0000000, s2;
	s6 =	simm.s32 $0x108;
	_ =	swait.ge @!p0 [sflag:s8], $0x0  }
0x24: {  	s3 =	sadd.s32 $0x88, s3;
	s6 =	simm.s32 @!p1 $0x1082;
	[sflag:s4] =	ssyncset.s32 $0xFFFFF086  }
0x25: {  	[simem:s6], [sflag:s4] =	dma.local [hbm:s3], $0xF7A  }
0x26: {  	[smem:$0x3F97] =	sst s1;
	(tag) =	ssettag s2;
	_ =	strace s9  }
0x27: {  	s1 =	sld [smem:$0x3FA7]  }
0x28: {  	s2 =	sld [smem:$0x3FA8]  }
0x29: {  	s4 =	sld [smem:$0x3FAA]  }
0x2a: {  	p0 =	seq.s32 s5, $0x0;
	s5 =	sld [smem:$0x3FAB]  }
0x2b: {  	s6 =	sld [smem:$0x3FAC]  }
0x2c: {  	s7 =	sld [smem:$0x3FAD]  }
0x2d: {  	s3 =	simm.s32 $0x108;
	s8 =	sld [smem:$0x3FAE]  }
0x2e: {  	s3 =	simm.s32 @!p0 $0x1082;
	s9 =	sld [smem:$0x3FAF]  }
0x2f: {  	lr =	sadd.s32 s0, s3;
	s0 =	sld [smem:$0x3FA6]  }
0x30: {  	s3 =	sld [smem:$0x3FA9]  }
0x31: {  	[smem:$0x3FB2] =	sst s10  }
0x32: {  	s10 =	sld [smem:$0x3FB0];
	_ =	sdelay $0x3  }
0x33: {  	p0 =	seq.s32 s10, $0x1;
	s10 =	sld [smem:$0x3FB2];
	_ =	sdelay $0x3  }
0x34: {  	[smem:$0x3FB2] =	sst s10  }
0x35: {  	s10 =	sld [smem:$0x3FB1];
	_ =	sdelay $0x3  }
0x36: {  	p1 =	seq.s32 s10, $0x1;
	s10 =	sld [smem:$0x3FB2];
	_ =	sdelay $0x3  }
0x37: {  	[smem:$0x3FB2] =	sst s10  }
0x38: {  	s10 =	sld [smem:$0x3FB3]  }
0x39: {  	_ = 	snop;
	(pc) =	sbr.ind lr, $3  }
0x3a: {  	_ = 	snop  }
0x3b: {  	_ = 	snop  }
0x3c: {  	p2 =	seq.s32 s10, $0x1;
	s10 =	sld [smem:$0x3FB2]  }
0x3d: {  	_ =	shalt  }
0x3e: {  	_ =	shalt  }
0x3f: {  	_ =	shalt  }
0x40: {  	_ =	shalt  }
0x41: {  	_ =	shalt  }
0x42: {  	_ =	shalt  }
0x43: {  	_ =	shalt  }
0x44: {  	_ =	shalt  }
0x45: {  	_ =	shalt  }
0x46: {  	_ =	shalt  }
0x47: {  	_ =	shalt  }
0x48: {  	_ =	shalt  }
0x49: {  	_ =	shalt  }
0x4a: {  	_ =	shalt  }
0x4b: {  	_ =	shalt  }
0x4c: {  	_ =	shalt  }
0x4d: {  	_ =	shalt  }
0x4e: {  	_ =	shalt  }
0x4f: {  	_ =	shalt  }
0x50: {  	_ =	shalt  }
0x51: {  	_ =	shalt  }
0x52: {  	_ =	shalt  }
0x53: {  	_ =	shalt  }
0x54: {  	_ =	shalt  }
0x55: {  	_ =	shalt  }
0x56: {  	_ =	shalt  }
0x57: {  	_ =	shalt  }
0x58: {  	_ =	shalt  }
0x59: {  	_ =	shalt  }
0x5a: {  	_ =	shalt  }
0x5b: {  	_ =	shalt  }
0x5c: {  	_ =	shalt  }
0x5d: {  	_ =	shalt  }
0x5e: {  	_ =	shalt  }
0x5f: {  	_ =	shalt  }
0x60: {  	_ =	shalt  }
0x61: {  	_ =	shalt  }
0x62: {  	_ =	shalt  }
0x63: {  	_ =	shalt  }
0x64: {  	_ =	shalt  }
0x65: {  	_ =	shalt  }
0x66: {  	_ =	shalt  }
0x67: {  	_ =	shalt  }
0x68: {  	_ =	shalt  }
0x69: {  	_ =	shalt  }
0x6a: {  	_ =	shalt  }
0x6b: {  	_ =	shalt  }
0x6c: {  	_ =	shalt  }
0x6d: {  	_ =	shalt  }
0x6e: {  	_ =	shalt  }
0x6f: {  	_ =	shalt  }
0x70: {  	_ =	shalt  }
0x71: {  	_ =	shalt  }
0x72: {  	_ =	shalt  }
0x73: {  	_ =	shalt  }
0x74: {  	_ =	shalt  }
0x75: {  	_ =	shalt  }
0x76: {  	_ =	shalt  }
0x77: {  	_ =	shalt  }
0x78: {  	_ =	shalt  }
0x79: {  	_ =	shalt  }
0x7a: {  	_ =	shalt  }
0x7b: {  	_ =	shalt  }
0x7c: {  	_ =	shalt  }
0x7d: {  	_ =	shalt  }
0x7e: {  	_ =	shalt  }
0x7f: {  	_ =	shalt  }
0x80: {  	_ =	shalt  }
0x81: {  	_ =	shalt  }
0x82: {  	_ =	shalt  }
0x83: {  	_ =	shalt  }
0x84: {  	_ =	shalt  }
0x85: {  	_ =	shalt  }
0x86: {  	_ =	shalt  }
0x87: {  	_ =	shalt  }
.Lfunc_end0:
.L_simem_size_0:
called_computation.1_lowered:
.L_overlay_start_0:
0x88: {  	s2 =	sld [smem:$0x3FD9]  }
0x89: {  	s3 =	sld [smem:$0x3FFE];
	_ =	sdelay $0x1  }
0x8a: {  	s1 =	srdreg.scid  }
0x8b: {  	s0 =	sand.u32 $0x1, s1  }
0x8c: {  	s17 =	sshll.u32 s0, $0xA;
	s2 =	sadd.s32 s3, s2  }
0x8d: {  	s2 =	sadd.s32 s2, s17  }
0x8e: {  	[smem:$0x3FBE] =	sst s2  }
0x8f: {  	_ = 	snop  }
0x90: {  	s18 =	sld [smem:$0x3FC9];
	(tm) =	ssettm $0x1  }
0x91: {  	s19 =	sld [smem:$0x3FFB];
	_ =	sdelay $0x3  }
0x92: {  	_ =	strace s19  }
0x93: {  	s2 =	sld [smem:$0x3FFC];
	_ =	sdelay $0x3  }
0x94: {  	_ =	strace s2  }
0x95: {  	s2 =	sld [smem:$0x3FFD];
	_ =	sdelay $0x3  }
0x96: {  	_ =	strace s2  }
0x97: {  	_ =	strace $0x8FFFFFFF  }
0x98: {  	s20 =	sld [smem:$0x3FDB];
	_ =	sdelay $0x1  }
0x99: {  	s4 =	simm.s32 $_scs_section_size  }
0x9a: {  	s5 =	simm.s32 $_size__tile_overlayer_lowered;
	s6 =	simm.s32 $_tile_overlayer_lowered  }
0x9b: {  	s7 =	simm.s32 $0x1BFF;
	s21 =	sshll.u32 s6, $0x1;
	s4 =	sadd.s32 s4, s20  }
0x9c: {  	s22 =	simm.s32 $0x0;
	s5 =	sshll.u32 s5, $0x1;
	s6 =	sadd.s32 s21, s4  }
0x9d: {  	[timem:s22], [sflag:s7] =	dma.local [hbm:s6], s5  }
0x9e: {  	_ =	swait.ge [sflag:s7], s5  }
0x9f: {  	s5 =	ssub.s32 $0x0, s5;
	[sflag:s7] =	ssyncset.done $0x0  }
0xa0: {  	[sflag:s7] =	ssyncadd.s32 s5;
	_ =	sdelay $0x1  }
0xa1: {  	s23 =	simm.s32 $0x1B8B  }
0xa2: {  	_ =	swait.ge [sflag:s23], $0x1  }
0xa3: {  	[sflag:s23] =	ssyncset.done $0x0  }
0xa4: {  	[sflag:s23] =	ssyncadd.s32 $0xFFFFFFFF  }
0xa5: {  	s5 =	sld [smem:$0x0]  }
0xa6: {  	s6 =	sand.u32 $0xFFFFFFFE, s1  }
0xa7: {  	p0 =	sne.s32 s1, s6  }
0xa8: {  	s6 =	sshll.u32 @p0 s6, $0xE  }
0xa9: {  	s6 =	sadd.s32 @p0 $0x11B8D, s6;
	s7 =	sshll.u32 @p0 s5, $0x11  }
0xaa: {  	s6 =	sor.u32 @p0 s7, s6  }
0xab: {  	[sflag:s6] =	ssyncadd.remote.s32 @p0 $0x1;
	_ =	sdelay $0x1  }
0xac: {  	s6 =	simm.s32 @p0 $0x1B8D  }
0xad: {  	_ =	swait.eq @p0 [sflag:s6], $0x1  }
0xae: {  	[sflag:s6] =	ssyncadd.s32 @p0 $0xFFFFFFFF  }
0xaf: {  	s7 =	sshll.u32 @!p0 s1, $0xE  }
0xb0: {  	s7 =	sor.u32 @!p0 $0x4000, s7;
	s6 =	simm.s32 @!p0 $0x1B8D  }
0xb1: {  	s5 =	sshll.u32 @!p0 s5, $0x11;
	s7 =	sadd.s32 @!p0 $0x11B8D, s7;
	_ =	swait.eq @!p0 [sflag:s6], $0x1  }
0xb2: {  	s5 =	sor.u32 @!p0 s5, s7;
	[sflag:s6] =	ssyncadd.s32 @!p0 $0xFFFFFFFF  }
0xb3: {  	s25 =	simm.s32 $0x1B8E;
	s24 =	sld [smem:$0x3FFE];
	[sflag:s5] =	ssyncadd.remote.s32 @!p0 $0x1  }
0xb4: {  	s26 =	simm.s32 $execute0_lowered;
	[smem:$0x3FD2] =	sst s25  }
0xb5: {  	s6 =	sshll.u32 s26, $0x1;
	_ =	strace $0x80000049;
	[dreg:$0x1] =	wrdreg $0xFFFFFFFF  }
0xb6: {  	s28 =	simm.s32 $_size_execute0_lowered;
	s4 =	sadd.s32 s4, s6;
	[dreg:$0x0] =	wrdreg $0x0  }
0xb7: {  	s6 =	sshll.u32 s28, $0x1;
	[dreg:$0x2] =	wrdreg s4  }
0xb8: {  	[dreg:$0x3] =	wrdreg s6  }
0xb9: {  	[dreg:$0x4] =	wrdreg $0xC0  }
0xba: {  	_ =	task [dreg:s22], $0x5FFFF  }
0xbb: {  	[dreg:$0x1] =	wrdreg $0xFFFFFFFF  }
0xbc: {  	[dreg:$0x0] =	wrdreg $0x60  }
0xbd: {  	[dreg:$0x2] =	wrdreg s18  }
0xbe: {  	[dreg:$0x3] =	wrdreg s24  }
0xbf: {  	[dreg:$0x4] =	wrdreg $0x196400  }
0xc0: {  	[dreg:$0x5] =	wrdreg $0xABE00  }
0xc1: {  	[dreg:$0x6] =	wrdreg $0xA  }
0xc2: {  	_ =	task.clear_ibuf [dreg:s22], $0x7FFFF;
	_ =	strace $0x90000049  }
0xc3: {  	s29 =	simm.s32 $0xA;
	_ =	strace $0x8000004B  }
0xc4: {  	_ =	swait.ge [sflag:s29], $0x1  }
0xc5: {  	[sflag:s29] =	ssyncadd.s32 $0xFFFFFFFF  }
0xc6: {  	_ =	strace $0x9000004B  }
0xc7: {  	_ =	sfence  }
0xc8: {  	s30 =	sld [smem:$0x0];
	_ =	sdelay $0x2  }
0xc9: {  	s31 =	sshll.u32 s1, $0xD;
	s1 =	sshrl.u32 s1, $0x2  }
0xca: {  	s4 =	sand.u32 $0x4000, s31;
	s1 =	sadd.s32 s1, s30  }
0xcb: {  	s0 =	sor.u32 s4, s0;
	s1 =	sshll.u32 s1, $0x11  }
0xcc: {  	s0 =	sor.u32 s1, s0  }
0xcd: {  	s0 =	sadd.s32 $0x8F2B, s0  }
0xce: {  	[sflag:s0] =	ssyncadd.remote.s32 $0x1  }
0xcf: {  	_ =	sfence.sel $0xFFFF  }
0xd0: {  	[dreg:$0x0] =	wrdreg $0xFFFFFFFF;
	(pc) =	sbr.abs _section_cstart, $3  }
0xd1: {  	[dreg:$0x1] =	wrdreg $0xFFFFFFFF  }
0xd2: {  	_ =	task.clear_ibuf [dreg:s22], $0x2FFFF;
	_ =	strace $0x9FFFFFFF  }
0xd3: {  	(tm) =	ssettm $0x7FFFFFFF  }
tec
execute0_lowered:
.L_overlay_start_1:
0x0: {  	(tag) =	ssettag $0x1  }
0x1: {  	s0 =	rddreg [dreg:$0x0]  }
0x2: {  	s3 =	rddreg [dreg:$0x1]  }
0x3: {  	s1 =	rddreg [dreg:$0x2]  }
0x4: {  	s2 =	rddreg [dreg:$0x3];
	s5 =	simm.s32 $0x0;
	s11 =	stileid.u32  }
0x5: {  	s4 =	srdreg.scid;
	s28 =	simm.s32 $0x5;
	s13 =	smul.u32 $0x75300, s11  }
0x6: {  	s29 =	simm.s32 $0x1;
	s31 =	simm.s32 $0xC80;
	s7 =	smul.u32 $0x4E20, s11  }
0x7: {  	[smem:$0x7FF] =	sst s5;
	s4 =	sand.u32 $0x1, s4;
	s10 =	smul.u32 $0x3A980, s11  }
0x8: {  	p0 =	sne.s32 s11, $0x0;
	_ =	strace $0x8000004A;
	s6 =	sshll.u32 s4, $0x6  }
0x9: {  	s14 =	ssub.s32 $0x2, s4;
	s4 =	sshll.u32 s4, $0x3;
	s5 =	sor.u32 s6, s13  }
0xa: {  	s9 =	sshrl.u32 s14, $0x1;
	s15 =	sshrl.u32 s7, $0x3;
	s16 =	sshrl.u32 s10, $0x2  }
0xb: {  	s0 =	sadd.s32 s0, s4;
	s4 =	simm.s32 $0x3;
	s8 =	sshrl.u32 s5, $0x3  }
0xc: {  	s5 =	sadd.s32 $0x2C00, s3;
	s22 =	sadd.s32 $0x2, s0;
	[dreg:$0x5] =	wrdreg s0  }
0xd: {  	s9 =	ssub.s32 s14, s9;
	s24 =	sadd.s32 $0x4, s0;
	[dreg:$0xb] =	wrdreg s22  }
0xe: {  	s0 =	sadd.s32 $0x6, s0;
	s3 =	sadd.s32 s8, s3;
	[dreg:$0xd] =	wrdreg s24  }
0xf: {  	s8 =	sadd.s32 s16, s2;
	[dreg:$0xf] =	wrdreg s0;
	s30 =	smax.u32 s9, $0x1  }
0x10: {  	s14 =	sadd.s32 $0x640, s7;
	s17 =	sadd.s32 $0x2EE0, s8;
	[dreg:$0x11] =	wrdreg s30  }
0x11: {  	s6 =	sadd.s32 s5, s15;
	s18 =	sadd.s32 $0x5DC0, s8;
	[dreg:$0x6] =	wrdreg s17  }
0x12: {  	s15 =	sadd.s32 $0x960, s7;
	s19 =	sadd.s32 $0x8CA0, s8;
	[dreg:$0x7] =	wrdreg s18  }
0x13: {  	s24 =	simm.s32 $0x320;
	s20 =	sadd.s32 $0xBB80, s8;
	[dreg:$0x8] =	wrdreg s19  }
0x14: {  	s0 =	simm.s32 $0x1900;
	s21 =	sadd.s32 $0x51000, s3;
	[dreg:$0x9] =	wrdreg s20  }
0x15: {  	s16 =	simm.s32 $0x12C0;
	s23 =	sadd.s32 $0x51002, s3;
	[dreg:$0xa] =	wrdreg s21  }
0x16: {  	s22 =	simm.s32 $0x0;
	s25 =	sadd.s32 $0x51004, s3;
	[dreg:$0xc] =	wrdreg s23  }
0x17: {  	s12 =	smov.u32 s6;
	s26 =	sadd.s32 $0x51006, s3;
	[dreg:$0xe] =	wrdreg s25  }
0x18: {  	s13 =	sadd.s32 $0x64, s6;
	s3 =	simm.s32 $0x2;
	[dreg:$0x10] =	wrdreg s26  }
0x19: {  	s25 =	simm.s32 $0x4E200;
	s26 =	simm.s32 $0x7D00;
	s17 =	simm.s32 $0x4B00  }
0x1a: {  	v0 =	vimm.f32 $0.0e+00;
	s18 =	simm.s32 $0xFA0;
	s19 =	simm.s32 $0x4;
	s20 =	simm.s32 $0x15E0  }
.LBB2_1:
0x1b: {  	s7 =	simm.s32 $0x40;
	s9 =	simm.s32 $0x0  }
.LBB2_2:
0x1c: {  	p1 =	sne.s32 s7, $0xBB40;
	[tilespmem:s9+$0x7D00] =	vst v0;
	s9 =	smov.u32 s7;
	s7 =	sadd.s32 $0x40, s7  }
.Ltmp0:
0x1d: {  	(pc) =	sbr.rel @p1 .LBB2_2-.Ltmp0, $2  }
0x1e: {  	_ =	sdelay $0x2  }
0x1f: {  	s9 =	sshra.s32 s9, $0x2  }
0x20: {  	s6 =	simm.s32 $0x0  }
0x21: {  	[tilespmem:s9+$0x7D00] =	vst v0;
	s23 =	sshrl.u32 @!p0 s1, $0x3;
	s7 =	simm.s32 @!p0 $0x1;
	s9 =	simm.s32 @!p0 $0x2  }
0x22: {  	[tilespmem:s6], [sflag:$0x1] =	stream.strided.gather [hbm4b:s12+s24], $0x640, s25, s24, $0x38;
	[tilespmem:$0x1BD50] =	vst v63  }
0x23: {  	s10 =	simm.s32 @!p0 $0x10;
	s11 =	simm.s32 @!p0 $0x1C05;
	s6 =	rddreg [dreg:$0x5]  }
0x24: {  	[spmem:s23@s9], [sflag:s11] =	dma.strided @!p0 [hbm:s6@s10], $0x4E20, s7, $0x2   }
0x25: {  	s7 =	simm.s32 @!p0 $0x5  }
0x26: {  	_ =	swait.ge @!p0 [sflag:s7], $0x4E20  }
0x27: {  	[sflag:s7] =	ssyncset.done @!p0 $0x0  }
0x28: {  	[sflag:s7] =	ssyncadd.s32 @!p0 $0xFFFFB1E0  }
0x29: {  	[spmem:s8] =	stream.linear.scatter [tilespmem:s26], [sflag:$0x5], $0x2EE0, $0x38;
	[tilespmem:$0x1BD50] =	vst v63  }
0x2a: {  	_ =	swait.ge [sflag:s28], $0x2EE0  }
0x2b: {  	[sflag:s28] =	ssyncset.done $0x0  }
0x2c: {  	s10 =	rddreg [dreg:$0x6];
	[sflag:s28] =	ssyncadd.s32 $0xFFFFD120  }
0x2d: {  	[spmem:s10] =	stream.linear.scatter [tilespmem:s26], [sflag:$0x5], $0x2EE0, $0x38;
	[tilespmem:$0x1BD50] =	vst v63  }
0x2e: {  	_ =	swait.ge [sflag:s28], $0x2EE0  }
0x2f: {  	[sflag:s28] =	ssyncset.done $0x0  }
0x30: {  	s11 =	rddreg [dreg:$0x7];
	[sflag:s28] =	ssyncadd.s32 $0xFFFFD120  }
0x31: {  	[spmem:s11] =	stream.linear.scatter [tilespmem:s26], [sflag:$0x5], $0x2EE0, $0x38;
	[tilespmem:$0x1BD50] =	vst v63  }
0x32: {  	_ =	swait.ge [sflag:s28], $0x2EE0  }
0x33: {  	[sflag:s28] =	ssyncset.done $0x0  }
0x34: {  	s21 =	rddreg [dreg:$0x8];
	[sflag:s28] =	ssyncadd.s32 $0xFFFFD120  }
0x35: {  	[spmem:s21] =	stream.linear.scatter [tilespmem:s26], [sflag:$0x5], $0x2EE0, $0x38;
	[tilespmem:$0x1BD50] =	vst v63  }
0x36: {  	_ =	swait.ge [sflag:s28], $0x2EE0  }
0x37: {  	[sflag:s28] =	ssyncset.done $0x0  }
0x38: {  	s30 =	rddreg [dreg:$0x9];
	[sflag:s28] =	ssyncadd.s32 $0xFFFFD120  }
0x39: {  	[spmem:s30] =	stream.linear.scatter [tilespmem:s26], [sflag:$0x5], $0x2EE0, $0x38;
	[tilespmem:$0x1BD50] =	vst v63  }
0x3a: {  	_ =	swait.ge [sflag:s28], $0x2EE0  }
0x3b: {  	[sflag:s28] =	ssyncset.done $0x0  }
0x3c: {  	[sflag:s28] =	ssyncadd.s32 $0xFFFFD120  }
0x3d: {  	[bflag:$0x0] =	sbarrier.arrive $0xFFFF  }
0x3e: {  	_ =	swait.ge [sflag:s29], $0x640  }
0x3f: {  	[sflag:s29] =	ssyncset.done $0x0  }
0x40: {  	s7 =	simm.s32 $0x0;
	[sflag:s29] =	ssyncadd.s32 $0xFFFFF9C0  }
0x41: {  	v1 =	vld [tilespmem:s7+$0x320]  }
0x42: {  	s9 =	simm.s32 $0x40;
	v2 =	vld [tilespmem:s7+$0x0]  }
.LBB2_4:
0x43: {  	p1 =	sne.s32 s9, $0xC40  }
.Ltmp1:
0x44: {  	_ = 	snop;
	(pc) =	sbr.rel @p1 .LBB2_4-.Ltmp1, $4  }
0x45: {  	_ = 	snop  }
0x46: {  	s10 =	sshra.s32 s9, $0x2;
	s9 =	sadd.s32 $0x40, s9;
	[tilespmem:s7+$0xFA0] =	vst v1  }
0x47: {  	v1 =	vld [tilespmem:s10+$0x320];
	[tilespmem:s7+$0xC80] =	vst v2;
	s7 =	smov.u32 s10  }
0x48: {  	v2 =	vld [tilespmem:s7+$0x0]  }
0x49: {  	_ =	sdelay $0x2  }
0x4a: {  	[tilespmem:s7+$0xFA0] =	vst v1  }
0x4b: {  	s6 =	simm.s32 $0x640;
	[tilespmem:s7+$0xC80] =	vst v2  }
0x4c: {  	[tilespmem:s6], [sflag:$0x2] =	stream.strided.gather [hbm4b:s13+s24], $0x640, s25, s24, $0x38;
	[tilespmem:$0x1BD50] =	vst v63  }
0x4d: {  	s7 =	simm.s32 $0x0  }
0x4e: {  	[tilespmem:s0], [sflag:$0x3] =	stream.indirect.gather [spmem:s1], $0x10, s31, s24, $0xb8;
	[tilespmem:$0x1BD50] =	vst v63  }
.LBB2_6:
0x4f: {  	_ =	swait.ge [sflag:s3], $0x640  }
0x50: {  	[sflag:s3] =	ssyncset.done $0x0  }
0x51: {  	s9 =	simm.s32 $0x0;
	[sflag:s3] =	ssyncadd.s32 $0xFFFFF9C0  }
0x52: {  	v1 =	vld [tilespmem:s9+$0x960]  }
0x53: {  	s10 =	simm.s32 $0x40;
	v2 =	vld [tilespmem:s9+$0x640]  }
.LBB2_7:
0x54: {  	p1 =	sne.s32 s10, $0xC40  }
.Ltmp2:
0x55: {  	_ = 	snop;
	(pc) =	sbr.rel @p1 .LBB2_7-.Ltmp2, $4  }
0x56: {  	_ = 	snop  }
0x57: {  	s11 =	sshra.s32 s10, $0x2;
	s10 =	sadd.s32 $0x40, s10;
	[tilespmem:s9+$0x15E0] =	vst v1  }
0x58: {  	v1 =	vld [tilespmem:s11+$0x960];
	[tilespmem:s9+$0x12C0] =	vst v2;
	s9 =	smov.u32 s11  }
0x59: {  	v2 =	vld [tilespmem:s9+$0x640]  }
0x5a: {  	s21 =	smul.u32 $0x640, s7;
	_ =	sdelay $0x1  }
0x5b: {  	s10 =	sadd.s32 s21, s14  }
0x5c: {  	[tilespmem:s9+$0x15E0] =	vst v1;
	s10 =	sshrl.u32 s10, $0x3  }
0x5d: {  	s30 =	simm.s32 $0x0;
	[tilespmem:s9+$0x12C0] =	vst v2;
	s11 =	sadd.s32 s5, s10  }
0x5e: {  	[tilespmem:s30], [sflag:$0x1] =	stream.strided.gather [hbm4b:s11+s24], $0x640, s25, s24, $0x38;
	[tilespmem:$0x1BD50] =	vst v63  }
0x5f: {  	_ =	swait.ge [sflag:s4], $0x3200  }
0x60: {  	[sflag:s4] =	ssyncset.done $0x0  }
0x61: {  	[sflag:s4] =	ssyncadd.s32 $0xFFFFCE00  }
0x62: {  	[tilespmem:s17], [sflag:$0x4] =	stream.indirect.gather [spmem:s1], $0x10, s16, s24, $0xb8;
	[tilespmem:$0x1BD50] =	vst v63  }
0x63: {  	_ = 	snop  }
0x64: {  	[spmem:s2] =	stream.indirect.scatter.add.f32 [tilespmem:s0], [sflag:$0x5], $0x10, s18, s24, $0xb8;
	[tilespmem:$0x1BD50] =	vst v63  }
0x65: {  	_ =	swait.ge [sflag:s28], $0x3200  }
0x66: {  	[sflag:s28] =	ssyncset.done $0x0  }
0x67: {  	[sflag:s28] =	ssyncadd.s32 $0xFFFFCE00  }
0x68: {  	_ =	swait.ge [sflag:s29], $0x640  }
0x69: {  	[sflag:s29] =	ssyncset.done $0x0  }
0x6a: {  	s9 =	simm.s32 $0x0;
	[sflag:s29] =	ssyncadd.s32 $0xFFFFF9C0  }
0x6b: {  	v1 =	vld [tilespmem:s9+$0x320]  }
0x6c: {  	s10 =	simm.s32 $0x40;
	v2 =	vld [tilespmem:s9+$0x0]  }
.LBB2_9:
0x6d: {  	p1 =	sne.s32 s10, $0xC40  }
.Ltmp3:
0x6e: {  	_ = 	snop;
	(pc) =	sbr.rel @p1 .LBB2_9-.Ltmp3, $4  }
0x6f: {  	_ = 	snop  }
0x70: {  	s11 =	sshra.s32 s10, $0x2;
	s10 =	sadd.s32 $0x40, s10;
	[tilespmem:s9+$0xFA0] =	vst v1  }
0x71: {  	v1 =	vld [tilespmem:s11+$0x320];
	[tilespmem:s9+$0xC80] =	vst v2;
	s9 =	smov.u32 s11  }
0x72: {  	v2 =	vld [tilespmem:s9+$0x0]  }
0x73: {  	_ = 	snop  }
0x74: {  	p1 =	seq.s32 s7, $0xB  }
0x75: {  	s10 =	sadd.s32 @!p1 s21, s15  }
0x76: {  	s11 =	simm.s32 @!p1 $0x4E200;
	s10 =	sshrl.u32 @!p1 s10, $0x3;
	[tilespmem:s9+$0xFA0] =	vst v1  }
0x77: {  	s21 =	simm.s32 @!p1 $0x640;
	s10 =	sadd.s32 @!p1 s5, s10;
	[tilespmem:s9+$0xC80] =	vst v2;
	s9 =	simm.s32 @!p1 $0x320  }
0x78: {  	[tilespmem:s21], [sflag:$0x2] =	stream.strided.gather @!p1 [hbm4b:s10+s9], $0x640, s11, s9, $0x38;
	[tilespmem:$0x1BD50] =	vst v63  }
0x79: {  	_ =	swait.ge [sflag:s19], $0x3200  }
0x7a: {  	s7 =	sadd.s32 $0x1, s7;
	[sflag:s19] =	ssyncset.done $0x0  }
0x7b: {  	p1 =	sne.s32 s7, $0xC;
	[sflag:s19] =	ssyncadd.s32 $0xFFFFCE00  }
0x7c: {  	[tilespmem:s0], [sflag:$0x3] =	stream.indirect.gather [spmem:s1], $0x10, s31, s24, $0xb8;
	[tilespmem:$0x1BD50] =	vst v63  }
.Ltmp4:
0x7d: {  	_ = 	snop;
	(pc) =	sbr.rel @p1 .LBB2_6-.Ltmp4, $4  }
0x7e: {  	[spmem:s2] =	stream.indirect.scatter.add.f32 [tilespmem:s17], [sflag:$0x5], $0x10, s20, s24, $0xb8;
	[tilespmem:$0x1BD50] =	vst v63  }
0x7f: {  	_ =	swait.ge [sflag:s28], $0x3200  }
0x80: {  	[sflag:s28] =	ssyncset.done $0x0  }
0x81: {  	[sflag:s28] =	ssyncadd.s32 $0xFFFFCE00  }
0x82: {  	_ =	swait.ge [sflag:s4], $0x3200  }
0x83: {  	[sflag:s4] =	ssyncset.done $0x0  }
0x84: {  	[sflag:s4] =	ssyncadd.s32 $0xFFFFCE00  }
0x85: {  	[spmem:s2] =	stream.indirect.scatter.add.f32 [tilespmem:s0], [sflag:$0x5], $0x10, s18, s24, $0xb8;
	[tilespmem:$0x1BD50] =	vst v63  }
0x86: {  	_ =	swait.ge [sflag:s28], $0x3200  }
0x87: {  	[sflag:s28] =	ssyncset.done $0x0  }
0x88: {  	s6 =	stileid.u32;
	[sflag:s28] =	ssyncadd.s32 $0xFFFFCE00  }
0x89: {  	s30 =	sshrl.u32 s8, $0x3;
	s7 =	sshll.u32 s6, $0x6;
	[bflag:$0x0] =	sbarrier.arrive $0xFFFF  }
0x8a: {  	s9 =	simm.s32 $0x10;
	s7 =	sor.u32 $0x1C05, s7;
	s11 =	rddreg [dreg:$0xa]  }
0x8b: {  	[hbm:s11@s9], [sflag:s7] =	dma.strided [spmem:s30@s3], $0x1D4C, s29, $0x2   }
0x8c: {  	_ =	swait.ge [sflag:s28], $0x1D4C  }
0x8d: {  	[sflag:s28] =	ssyncset.done $0x0  }
0x8e: {  	[sflag:s28] =	ssyncadd.s32 $0xFFFFE2B4  }
0x8f: {  	[spmem:s8] =	stream.linear.scatter [tilespmem:s26], [sflag:$0x5], $0x2EE0, $0x38;
	[tilespmem:$0x1BD50] =	vst v63  }
0x90: {  	_ =	swait.ge [sflag:s28], $0x2EE0  }
0x91: {  	[sflag:s28] =	ssyncset.done $0x0  }
0x92: {  	s21 =	rddreg [dreg:$0x6];
	[sflag:s28] =	ssyncadd.s32 $0xFFFFD120  }
0x93: {  	[spmem:s21] =	stream.linear.scatter [tilespmem:s26], [sflag:$0x5], $0x2EE0, $0x38;
	[tilespmem:$0x1BD50] =	vst v63  }
0x94: {  	_ =	swait.ge [sflag:s28], $0x2EE0  }
0x95: {  	[sflag:s28] =	ssyncset.done $0x0  }
0x96: {  	s9 =	rddreg [dreg:$0x7];
	[sflag:s28] =	ssyncadd.s32 $0xFFFFD120  }
0x97: {  	[spmem:s9] =	stream.linear.scatter [tilespmem:s26], [sflag:$0x5], $0x2EE0, $0x38;
	[tilespmem:$0x1BD50] =	vst v63  }
0x98: {  	_ =	swait.ge [sflag:s28], $0x2EE0  }
0x99: {  	[sflag:s28] =	ssyncset.done $0x0  }
0x9a: {  	s10 =	rddreg [dreg:$0x8];
	[sflag:s28] =	ssyncadd.s32 $0xFFFFD120  }
0x9b: {  	[spmem:s10] =	stream.linear.scatter [tilespmem:s26], [sflag:$0x5], $0x2EE0, $0x38;
	[tilespmem:$0x1BD50] =	vst v63  }
0x9c: {  	_ =	swait.ge [sflag:s28], $0x2EE0  }
0x9d: {  	[sflag:s28] =	ssyncset.done $0x0  }
0x9e: {  	s11 =	rddreg [dreg:$0x9];
	[sflag:s28] =	ssyncadd.s32 $0xFFFFD120  }
0x9f: {  	[spmem:s11] =	stream.linear.scatter [tilespmem:s26], [sflag:$0x5], $0x2EE0, $0x38;
	[tilespmem:$0x1BD50] =	vst v63  }
0xa0: {  	_ =	swait.ge [sflag:s28], $0x2EE0  }
0xa1: {  	s9 =	simm.s32 @!p0 $0x1;
	s10 =	simm.s32 @!p0 $0x2;
	[sflag:s28] =	ssyncset.done $0x0  }
0xa2: {  	s11 =	simm.s32 @!p0 $0x10;
	s6 =	rddreg [dreg:$0xb];
	[sflag:s28] =	ssyncadd.s32 $0xFFFFD120  }
0xa3: {  	[spmem:s23@s10], [sflag:s7] =	dma.strided @!p0 [hbm:s6@s11], $0x4E20, s9, $0x2   }
0xa4: {  	s9 =	simm.s32 @!p0 $0x5  }
0xa5: {  	_ =	swait.ge @!p0 [sflag:s9], $0x4E20  }
0xa6: {  	[sflag:s9] =	ssyncset.done @!p0 $0x0  }
0xa7: {  	s21 =	simm.s32 $0x0;
	[sflag:s9] =	ssyncadd.s32 @!p0 $0xFFFFB1E0  }
0xa8: {  	[tilespmem:s21], [sflag:$0x1] =	stream.strided.gather [hbm4b:s12+s24], $0x640, s25, s24, $0x38;
	[tilespmem:$0x1BD50] =	vst v63  }
0xa9: {  	[bflag:$0x0] =	sbarrier.arrive $0xFFFF  }
0xaa: {  	_ =	swait.ge [sflag:s29], $0x640  }
0xab: {  	[sflag:s29] =	ssyncset.done $0x0  }
0xac: {  	s9 =	simm.s32 $0x0;
	[sflag:s29] =	ssyncadd.s32 $0xFFFFF9C0  }
0xad: {  	v1 =	vld [tilespmem:s9+$0x320]  }
0xae: {  	s10 =	simm.s32 $0x40;
	v2 =	vld [tilespmem:s9+$0x0]  }
.LBB2_12:
0xaf: {  	p1 =	sne.s32 s10, $0xC40  }
.Ltmp5:
0xb0: {  	_ = 	snop;
	(pc) =	sbr.rel @p1 .LBB2_12-.Ltmp5, $4  }
0xb1: {  	_ = 	snop  }
0xb2: {  	s11 =	sshra.s32 s10, $0x2;
	s10 =	sadd.s32 $0x40, s10;
	[tilespmem:s9+$0xFA0] =	vst v1  }
0xb3: {  	v1 =	vld [tilespmem:s11+$0x320];
	[tilespmem:s9+$0xC80] =	vst v2;
	s9 =	smov.u32 s11  }
0xb4: {  	v2 =	vld [tilespmem:s9+$0x0]  }
0xb5: {  	_ =	sdelay $0x2  }
0xb6: {  	[tilespmem:s9+$0xFA0] =	vst v1  }
0xb7: {  	s6 =	simm.s32 $0x640;
	[tilespmem:s9+$0xC80] =	vst v2  }
0xb8: {  	[tilespmem:s6], [sflag:$0x2] =	stream.strided.gather [hbm4b:s13+s24], $0x640, s25, s24, $0x38;
	[tilespmem:$0x1BD50] =	vst v63  }
0xb9: {  	s21 =	simm.s32 $0x0  }
0xba: {  	[tilespmem:s0], [sflag:$0x3] =	stream.indirect.gather [spmem:s1], $0x10, s31, s24, $0xb8;
	[tilespmem:$0x1BD50] =	vst v63  }
.LBB2_14:
0xbb: {  	_ =	swait.ge [sflag:s3], $0x640  }
0xbc: {  	[sflag:s3] =	ssyncset.done $0x0  }
0xbd: {  	s10 =	simm.s32 $0x0;
	[sflag:s3] =	ssyncadd.s32 $0xFFFFF9C0  }
0xbe: {  	v1 =	vld [tilespmem:s10+$0x960]  }
0xbf: {  	s9 =	simm.s32 $0x40;
	v2 =	vld [tilespmem:s10+$0x640]  }
.LBB2_15:
0xc0: {  	p1 =	sne.s32 s9, $0xC40  }
.Ltmp6:
0xc1: {  	_ = 	snop;
	(pc) =	sbr.rel @p1 .LBB2_15-.Ltmp6, $4  }
0xc2: {  	_ = 	snop  }
0xc3: {  	s11 =	sshra.s32 s9, $0x2;
	s9 =	sadd.s32 $0x40, s9;
	[tilespmem:s10+$0x15E0] =	vst v1  }
0xc4: {  	v1 =	vld [tilespmem:s11+$0x960];
	[tilespmem:s10+$0x12C0] =	vst v2;
	s10 =	smov.u32 s11  }
0xc5: {  	v2 =	vld [tilespmem:s10+$0x640]  }
0xc6: {  	s9 =	smul.u32 $0x640, s21;
	_ =	sdelay $0x1  }
0xc7: {  	s11 =	sadd.s32 s9, s14  }
0xc8: {  	[tilespmem:s10+$0x15E0] =	vst v1;
	s11 =	sshrl.u32 s11, $0x3  }
0xc9: {  	s6 =	simm.s32 $0x0;
	[tilespmem:s10+$0x12C0] =	vst v2;
	s11 =	sadd.s32 s5, s11  }
0xca: {  	[tilespmem:s6], [sflag:$0x1] =	stream.strided.gather [hbm4b:s11+s24], $0x640, s25, s24, $0x38;
	[tilespmem:$0x1BD50] =	vst v63  }
0xcb: {  	_ =	swait.ge [sflag:s4], $0x3200  }
0xcc: {  	[sflag:s4] =	ssyncset.done $0x0  }
0xcd: {  	[sflag:s4] =	ssyncadd.s32 $0xFFFFCE00  }
0xce: {  	[tilespmem:s17], [sflag:$0x4] =	stream.indirect.gather [spmem:s1], $0x10, s16, s24, $0xb8;
	[tilespmem:$0x1BD50] =	vst v63  }
0xcf: {  	_ = 	snop  }
0xd0: {  	[spmem:s2] =	stream.indirect.scatter.add.f32 [tilespmem:s0], [sflag:$0x5], $0x10, s18, s24, $0xb8;
	[tilespmem:$0x1BD50] =	vst v63  }
0xd1: {  	_ =	swait.ge [sflag:s28], $0x3200  }
0xd2: {  	[sflag:s28] =	ssyncset.done $0x0  }
0xd3: {  	[sflag:s28] =	ssyncadd.s32 $0xFFFFCE00  }
0xd4: {  	_ =	swait.ge [sflag:s29], $0x640  }
0xd5: {  	[sflag:s29] =	ssyncset.done $0x0  }
0xd6: {  	s10 =	simm.s32 $0x0;
	[sflag:s29] =	ssyncadd.s32 $0xFFFFF9C0  }
0xd7: {  	v1 =	vld [tilespmem:s10+$0x320]  }
0xd8: {  	s11 =	simm.s32 $0x40;
	v2 =	vld [tilespmem:s10+$0x0]  }
.LBB2_17:
0xd9: {  	p1 =	sne.s32 s11, $0xC40  }
.Ltmp7:
0xda: {  	_ = 	snop;
	(pc) =	sbr.rel @p1 .LBB2_17-.Ltmp7, $4  }
0xdb: {  	_ = 	snop  }
0xdc: {  	s6 =	sshra.s32 s11, $0x2;
	s11 =	sadd.s32 $0x40, s11;
	[tilespmem:s10+$0xFA0] =	vst v1  }
0xdd: {  	v1 =	vld [tilespmem:s6+$0x320];
	[tilespmem:s10+$0xC80] =	vst v2;
	s10 =	smov.u32 s6  }
0xde: {  	v2 =	vld [tilespmem:s10+$0x0]  }
0xdf: {  	_ = 	snop  }
0xe0: {  	p1 =	seq.s32 s21, $0xB  }
0xe1: {  	s6 =	sadd.s32 @!p1 s9, s15  }
0xe2: {  	s9 =	simm.s32 @!p1 $0x320;
	s6 =	sshrl.u32 @!p1 s6, $0x3;
	[tilespmem:s10+$0xFA0] =	vst v1  }
0xe3: {  	s11 =	simm.s32 @!p1 $0x640;
	s6 =	sadd.s32 @!p1 s5, s6;
	[tilespmem:s10+$0xC80] =	vst v2;
	s10 =	simm.s32 @!p1 $0x4E200  }
0xe4: {  	[tilespmem:s11], [sflag:$0x2] =	stream.strided.gather @!p1 [hbm4b:s6+s9], $0x640, s10, s9, $0x38;
	[tilespmem:$0x1BD50] =	vst v63  }
0xe5: {  	_ =	swait.ge [sflag:s19], $0x3200  }
0xe6: {  	s21 =	sadd.s32 $0x1, s21;
	[sflag:s19] =	ssyncset.done $0x0  }
0xe7: {  	p1 =	sne.s32 s21, $0xC;
	[sflag:s19] =	ssyncadd.s32 $0xFFFFCE00  }
0xe8: {  	[tilespmem:s0], [sflag:$0x3] =	stream.indirect.gather [spmem:s1], $0x10, s31, s24, $0xb8;
	[tilespmem:$0x1BD50] =	vst v63  }
.Ltmp8:
0xe9: {  	_ = 	snop;
	(pc) =	sbr.rel @p1 .LBB2_14-.Ltmp8, $4  }
0xea: {  	[spmem:s2] =	stream.indirect.scatter.add.f32 [tilespmem:s17], [sflag:$0x5], $0x10, s20, s24, $0xb8;
	[tilespmem:$0x1BD50] =	vst v63  }
0xeb: {  	_ =	swait.ge [sflag:s28], $0x3200  }
0xec: {  	[sflag:s28] =	ssyncset.done $0x0  }
0xed: {  	[sflag:s28] =	ssyncadd.s32 $0xFFFFCE00  }
0xee: {  	_ =	swait.ge [sflag:s4], $0x3200  }
0xef: {  	[sflag:s4] =	ssyncset.done $0x0  }
0xf0: {  	[sflag:s4] =	ssyncadd.s32 $0xFFFFCE00  }
0xf1: {  	[spmem:s2] =	stream.indirect.scatter.add.f32 [tilespmem:s0], [sflag:$0x5], $0x10, s18, s24, $0xb8;
	[tilespmem:$0x1BD50] =	vst v63  }
0xf2: {  	_ =	swait.ge [sflag:s28], $0x3200  }
0xf3: {  	[sflag:s28] =	ssyncset.done $0x0  }
0xf4: {  	[sflag:s28] =	ssyncadd.s32 $0xFFFFCE00  }
0xf5: {  	[bflag:$0x0] =	sbarrier.arrive $0xFFFF  }
0xf6: {  	s9 =	simm.s32 $0x10;
	s6 =	rddreg [dreg:$0xc]  }
0xf7: {  	[hbm:s6@s9], [sflag:s7] =	dma.strided [spmem:s30@s3], $0x1D4C, s29, $0x2   }
0xf8: {  	_ =	swait.ge [sflag:s28], $0x1D4C  }
0xf9: {  	[sflag:s28] =	ssyncset.done $0x0  }
0xfa: {  	[sflag:s28] =	ssyncadd.s32 $0xFFFFE2B4  }
0xfb: {  	[spmem:s8] =	stream.linear.scatter [tilespmem:s26], [sflag:$0x5], $0x2EE0, $0x38;
	[tilespmem:$0x1BD50] =	vst v63  }
0xfc: {  	_ =	swait.ge [sflag:s28], $0x2EE0  }
0xfd: {  	[sflag:s28] =	ssyncset.done $0x0  }
0xfe: {  	s21 =	rddreg [dreg:$0x6];
	[sflag:s28] =	ssyncadd.s32 $0xFFFFD120  }
0xff: {  	[spmem:s21] =	stream.linear.scatter [tilespmem:s26], [sflag:$0x5], $0x2EE0, $0x38;
	[tilespmem:$0x1BD50] =	vst v63  }
0x100: {  	_ =	swait.ge [sflag:s28], $0x2EE0  }
0x101: {  	[sflag:s28] =	ssyncset.done $0x0  }
0x102: {  	s9 =	rddreg [dreg:$0x7];
	[sflag:s28] =	ssyncadd.s32 $0xFFFFD120  }
0x103: {  	[spmem:s9] =	stream.linear.scatter [tilespmem:s26], [sflag:$0x5], $0x2EE0, $0x38;
	[tilespmem:$0x1BD50] =	vst v63  }
0x104: {  	_ =	swait.ge [sflag:s28], $0x2EE0  }
0x105: {  	[sflag:s28] =	ssyncset.done $0x0  }
0x106: {  	s10 =	rddreg [dreg:$0x8];
	[sflag:s28] =	ssyncadd.s32 $0xFFFFD120  }
0x107: {  	[spmem:s10] =	stream.linear.scatter [tilespmem:s26], [sflag:$0x5], $0x2EE0, $0x38;
	[tilespmem:$0x1BD50] =	vst v63  }
0x108: {  	_ =	swait.ge [sflag:s28], $0x2EE0  }
0x109: {  	[sflag:s28] =	ssyncset.done $0x0  }
0x10a: {  	s11 =	rddreg [dreg:$0x9];
	[sflag:s28] =	ssyncadd.s32 $0xFFFFD120  }
0x10b: {  	[spmem:s11] =	stream.linear.scatter [tilespmem:s26], [sflag:$0x5], $0x2EE0, $0x38;
	[tilespmem:$0x1BD50] =	vst v63  }
0x10c: {  	_ =	swait.ge [sflag:s28], $0x2EE0  }
0x10d: {  	s6 =	simm.s32 @!p0 $0x1;
	s9 =	simm.s32 @!p0 $0x2;
	[sflag:s28] =	ssyncset.done $0x0  }
0x10e: {  	s10 =	simm.s32 @!p0 $0x10;
	s11 =	rddreg [dreg:$0xd];
	[sflag:s28] =	ssyncadd.s32 $0xFFFFD120  }
0x10f: {  	[spmem:s23@s9], [sflag:s7] =	dma.strided @!p0 [hbm:s11@s10], $0x4E20, s6, $0x2   }
0x110: {  	s6 =	simm.s32 @!p0 $0x5  }
0x111: {  	_ =	swait.ge @!p0 [sflag:s6], $0x4E20  }
0x112: {  	[sflag:s6] =	ssyncset.done @!p0 $0x0  }
0x113: {  	s21 =	simm.s32 $0x0;
	[sflag:s6] =	ssyncadd.s32 @!p0 $0xFFFFB1E0  }
0x114: {  	[tilespmem:s21], [sflag:$0x1] =	stream.strided.gather [hbm4b:s12+s24], $0x640, s25, s24, $0x38;
	[tilespmem:$0x1BD50] =	vst v63  }
0x115: {  	[bflag:$0x0] =	sbarrier.arrive $0xFFFF  }
0x116: {  	_ =	swait.ge [sflag:s29], $0x640  }
0x117: {  	[sflag:s29] =	ssyncset.done $0x0  }
0x118: {  	s9 =	simm.s32 $0x0;
	[sflag:s29] =	ssyncadd.s32 $0xFFFFF9C0  }
0x119: {  	v1 =	vld [tilespmem:s9+$0x320]  }
0x11a: {  	s10 =	simm.s32 $0x40;
	v2 =	vld [tilespmem:s9+$0x0]  }
.LBB2_20:
0x11b: {  	p1 =	sne.s32 s10, $0xC40  }
.Ltmp9:
0x11c: {  	_ = 	snop;
	(pc) =	sbr.rel @p1 .LBB2_20-.Ltmp9, $4  }
0x11d: {  	_ = 	snop  }
0x11e: {  	s6 =	sshra.s32 s10, $0x2;
	s10 =	sadd.s32 $0x40, s10;
	[tilespmem:s9+$0xFA0] =	vst v1  }
0x11f: {  	v1 =	vld [tilespmem:s6+$0x320];
	[tilespmem:s9+$0xC80] =	vst v2;
	s9 =	smov.u32 s6  }
0x120: {  	v2 =	vld [tilespmem:s9+$0x0]  }
0x121: {  	_ =	sdelay $0x2  }
0x122: {  	[tilespmem:s9+$0xFA0] =	vst v1  }
0x123: {  	s6 =	simm.s32 $0x640;
	[tilespmem:s9+$0xC80] =	vst v2  }
0x124: {  	[tilespmem:s6], [sflag:$0x2] =	stream.strided.gather [hbm4b:s13+s24], $0x640, s25, s24, $0x38;
	[tilespmem:$0x1BD50] =	vst v63  }
0x125: {  	s21 =	simm.s32 $0x0  }
0x126: {  	[tilespmem:s0], [sflag:$0x3] =	stream.indirect.gather [spmem:s1], $0x10, s31, s24, $0xb8;
	[tilespmem:$0x1BD50] =	vst v63  }
.LBB2_22:
0x127: {  	_ =	swait.ge [sflag:s3], $0x640  }
0x128: {  	[sflag:s3] =	ssyncset.done $0x0  }
0x129: {  	s10 =	simm.s32 $0x0;
	[sflag:s3] =	ssyncadd.s32 $0xFFFFF9C0  }
0x12a: {  	v1 =	vld [tilespmem:s10+$0x960]  }
0x12b: {  	s9 =	simm.s32 $0x40;
	v2 =	vld [tilespmem:s10+$0x640]  }
.LBB2_23:
0x12c: {  	p1 =	sne.s32 s9, $0xC40  }
.Ltmp10:
0x12d: {  	_ = 	snop;
	(pc) =	sbr.rel @p1 .LBB2_23-.Ltmp10, $4  }
0x12e: {  	_ = 	snop  }
0x12f: {  	s6 =	sshra.s32 s9, $0x2;
	s9 =	sadd.s32 $0x40, s9;
	[tilespmem:s10+$0x15E0] =	vst v1  }
0x130: {  	v1 =	vld [tilespmem:s6+$0x960];
	[tilespmem:s10+$0x12C0] =	vst v2;
	s10 =	smov.u32 s6  }
0x131: {  	v2 =	vld [tilespmem:s10+$0x640]  }
0x132: {  	s9 =	smul.u32 $0x640, s21;
	_ =	sdelay $0x1  }
0x133: {  	s6 =	sadd.s32 s9, s14  }
0x134: {  	[tilespmem:s10+$0x15E0] =	vst v1;
	s6 =	sshrl.u32 s6, $0x3  }
0x135: {  	s11 =	simm.s32 $0x0;
	[tilespmem:s10+$0x12C0] =	vst v2;
	s6 =	sadd.s32 s5, s6  }
0x136: {  	[tilespmem:s11], [sflag:$0x1] =	stream.strided.gather [hbm4b:s6+s24], $0x640, s25, s24, $0x38;
	[tilespmem:$0x1BD50] =	vst v63  }
0x137: {  	_ =	swait.ge [sflag:s4], $0x3200  }
0x138: {  	[sflag:s4] =	ssyncset.done $0x0  }
0x139: {  	[sflag:s4] =	ssyncadd.s32 $0xFFFFCE00  }
0x13a: {  	[tilespmem:s17], [sflag:$0x4] =	stream.indirect.gather [spmem:s1], $0x10, s16, s24, $0xb8;
	[tilespmem:$0x1BD50] =	vst v63  }
0x13b: {  	_ = 	snop  }
0x13c: {  	[spmem:s2] =	stream.indirect.scatter.add.f32 [tilespmem:s0], [sflag:$0x5], $0x10, s18, s24, $0xb8;
	[tilespmem:$0x1BD50] =	vst v63  }
0x13d: {  	_ =	swait.ge [sflag:s28], $0x3200  }
0x13e: {  	[sflag:s28] =	ssyncset.done $0x0  }
0x13f: {  	[sflag:s28] =	ssyncadd.s32 $0xFFFFCE00  }
0x140: {  	_ =	swait.ge [sflag:s29], $0x640  }
0x141: {  	[sflag:s29] =	ssyncset.done $0x0  }
0x142: {  	s10 =	simm.s32 $0x0;
	[sflag:s29] =	ssyncadd.s32 $0xFFFFF9C0  }
0x143: {  	v1 =	vld [tilespmem:s10+$0x320]  }
0x144: {  	s11 =	simm.s32 $0x40;
	v2 =	vld [tilespmem:s10+$0x0]  }
.LBB2_25:
0x145: {  	p1 =	sne.s32 s11, $0xC40  }
.Ltmp11:
0x146: {  	_ = 	snop;
	(pc) =	sbr.rel @p1 .LBB2_25-.Ltmp11, $4  }
0x147: {  	_ = 	snop  }
0x148: {  	s6 =	sshra.s32 s11, $0x2;
	s11 =	sadd.s32 $0x40, s11;
	[tilespmem:s10+$0xFA0] =	vst v1  }
0x149: {  	v1 =	vld [tilespmem:s6+$0x320];
	[tilespmem:s10+$0xC80] =	vst v2;
	s10 =	smov.u32 s6  }
0x14a: {  	v2 =	vld [tilespmem:s10+$0x0]  }
0x14b: {  	_ = 	snop  }
0x14c: {  	p1 =	seq.s32 s21, $0xB  }
0x14d: {  	s6 =	sadd.s32 @!p1 s9, s15  }
0x14e: {  	s9 =	simm.s32 @!p1 $0x320;
	s6 =	sshrl.u32 @!p1 s6, $0x3;
	[tilespmem:s10+$0xFA0] =	vst v1  }
0x14f: {  	s11 =	simm.s32 @!p1 $0x640;
	s6 =	sadd.s32 @!p1 s5, s6;
	[tilespmem:s10+$0xC80] =	vst v2;
	s10 =	simm.s32 @!p1 $0x4E200  }
0x150: {  	[tilespmem:s11], [sflag:$0x2] =	stream.strided.gather @!p1 [hbm4b:s6+s9], $0x640, s10, s9, $0x38;
	[tilespmem:$0x1BD50] =	vst v63  }
0x151: {  	_ =	swait.ge [sflag:s19], $0x3200  }
0x152: {  	s21 =	sadd.s32 $0x1, s21;
	[sflag:s19] =	ssyncset.done $0x0  }
0x153: {  	p1 =	sne.s32 s21, $0xC;
	[sflag:s19] =	ssyncadd.s32 $0xFFFFCE00  }
0x154: {  	[tilespmem:s0], [sflag:$0x3] =	stream.indirect.gather [spmem:s1], $0x10, s31, s24, $0xb8;
	[tilespmem:$0x1BD50] =	vst v63  }
.Ltmp12:
0x155: {  	_ = 	snop;
	(pc) =	sbr.rel @p1 .LBB2_22-.Ltmp12, $4  }
0x156: {  	[spmem:s2] =	stream.indirect.scatter.add.f32 [tilespmem:s17], [sflag:$0x5], $0x10, s20, s24, $0xb8;
	[tilespmem:$0x1BD50] =	vst v63  }
0x157: {  	_ =	swait.ge [sflag:s28], $0x3200  }
0x158: {  	[sflag:s28] =	ssyncset.done $0x0  }
0x159: {  	[sflag:s28] =	ssyncadd.s32 $0xFFFFCE00  }
0x15a: {  	_ =	swait.ge [sflag:s4], $0x3200  }
0x15b: {  	[sflag:s4] =	ssyncset.done $0x0  }
0x15c: {  	[sflag:s4] =	ssyncadd.s32 $0xFFFFCE00  }
0x15d: {  	[spmem:s2] =	stream.indirect.scatter.add.f32 [tilespmem:s0], [sflag:$0x5], $0x10, s18, s24, $0xb8;
	[tilespmem:$0x1BD50] =	vst v63  }
0x15e: {  	_ =	swait.ge [sflag:s28], $0x3200  }
0x15f: {  	[sflag:s28] =	ssyncset.done $0x0  }
0x160: {  	[sflag:s28] =	ssyncadd.s32 $0xFFFFCE00  }
0x161: {  	[bflag:$0x0] =	sbarrier.arrive $0xFFFF  }
0x162: {  	s9 =	simm.s32 $0x10;
	s6 =	rddreg [dreg:$0xe]  }
0x163: {  	[hbm:s6@s9], [sflag:s7] =	dma.strided [spmem:s30@s3], $0x1D4C, s29, $0x2   }
0x164: {  	_ =	swait.ge [sflag:s28], $0x1D4C  }
0x165: {  	[sflag:s28] =	ssyncset.done $0x0  }
0x166: {  	[sflag:s28] =	ssyncadd.s32 $0xFFFFE2B4  }
0x167: {  	[spmem:s8] =	stream.linear.scatter [tilespmem:s26], [sflag:$0x5], $0x2EE0, $0x38;
	[tilespmem:$0x1BD50] =	vst v63  }
0x168: {  	_ =	swait.ge [sflag:s28], $0x2EE0  }
0x169: {  	[sflag:s28] =	ssyncset.done $0x0  }
0x16a: {  	s9 =	rddreg [dreg:$0x6];
	[sflag:s28] =	ssyncadd.s32 $0xFFFFD120  }
0x16b: {  	[spmem:s9] =	stream.linear.scatter [tilespmem:s26], [sflag:$0x5], $0x2EE0, $0x38;
	[tilespmem:$0x1BD50] =	vst v63  }
0x16c: {  	_ =	swait.ge [sflag:s28], $0x2EE0  }
0x16d: {  	[sflag:s28] =	ssyncset.done $0x0  }
0x16e: {  	s10 =	rddreg [dreg:$0x7];
	[sflag:s28] =	ssyncadd.s32 $0xFFFFD120  }
0x16f: {  	[spmem:s10] =	stream.linear.scatter [tilespmem:s26], [sflag:$0x5], $0x2EE0, $0x38;
	[tilespmem:$0x1BD50] =	vst v63  }
0x170: {  	_ =	swait.ge [sflag:s28], $0x2EE0  }
0x171: {  	[sflag:s28] =	ssyncset.done $0x0  }
0x172: {  	s11 =	rddreg [dreg:$0x8];
	[sflag:s28] =	ssyncadd.s32 $0xFFFFD120  }
0x173: {  	[spmem:s11] =	stream.linear.scatter [tilespmem:s26], [sflag:$0x5], $0x2EE0, $0x38;
	[tilespmem:$0x1BD50] =	vst v63  }
0x174: {  	_ =	swait.ge [sflag:s28], $0x2EE0  }
0x175: {  	[sflag:s28] =	ssyncset.done $0x0  }
0x176: {  	s21 =	rddreg [dreg:$0x9];
	[sflag:s28] =	ssyncadd.s32 $0xFFFFD120  }
0x177: {  	[spmem:s21] =	stream.linear.scatter [tilespmem:s26], [sflag:$0x5], $0x2EE0, $0x38;
	[tilespmem:$0x1BD50] =	vst v63  }
0x178: {  	_ =	swait.ge [sflag:s28], $0x2EE0  }
0x179: {  	s6 =	simm.s32 @!p0 $0x1;
	s9 =	simm.s32 @!p0 $0x2;
	[sflag:s28] =	ssyncset.done $0x0  }
0x17a: {  	s10 =	simm.s32 @!p0 $0x10;
	s11 =	rddreg [dreg:$0xf];
	[sflag:s28] =	ssyncadd.s32 $0xFFFFD120  }
0x17b: {  	[spmem:s23@s9], [sflag:s7] =	dma.strided @!p0 [hbm:s11@s10], $0x4E20, s6, $0x2   }
0x17c: {  	s6 =	simm.s32 @!p0 $0x5  }
0x17d: {  	_ =	swait.ge @!p0 [sflag:s6], $0x4E20  }
0x17e: {  	[sflag:s6] =	ssyncset.done @!p0 $0x0  }
0x17f: {  	s23 =	simm.s32 $0x0;
	[sflag:s6] =	ssyncadd.s32 @!p0 $0xFFFFB1E0  }
0x180: {  	[tilespmem:s23], [sflag:$0x1] =	stream.strided.gather [hbm4b:s12+s24], $0x640, s25, s24, $0x38;
	[tilespmem:$0x1BD50] =	vst v63  }
0x181: {  	[bflag:$0x0] =	sbarrier.arrive $0xFFFF  }
0x182: {  	_ =	swait.ge [sflag:s29], $0x640  }
0x183: {  	[sflag:s29] =	ssyncset.done $0x0  }
0x184: {  	s9 =	simm.s32 $0x0;
	[sflag:s29] =	ssyncadd.s32 $0xFFFFF9C0  }
0x185: {  	v1 =	vld [tilespmem:s9+$0x320]  }
0x186: {  	s10 =	simm.s32 $0x40;
	v2 =	vld [tilespmem:s9+$0x0]  }
.LBB2_28:
0x187: {  	p1 =	sne.s32 s10, $0xC40  }
.Ltmp13:
0x188: {  	_ = 	snop;
	(pc) =	sbr.rel @p1 .LBB2_28-.Ltmp13, $4  }
0x189: {  	_ = 	snop  }
0x18a: {  	s6 =	sshra.s32 s10, $0x2;
	s10 =	sadd.s32 $0x40, s10;
	[tilespmem:s9+$0xFA0] =	vst v1  }
0x18b: {  	v1 =	vld [tilespmem:s6+$0x320];
	[tilespmem:s9+$0xC80] =	vst v2;
	s9 =	smov.u32 s6  }
0x18c: {  	v2 =	vld [tilespmem:s9+$0x0]  }
0x18d: {  	_ =	sdelay $0x2  }
0x18e: {  	[tilespmem:s9+$0xFA0] =	vst v1  }
0x18f: {  	s6 =	simm.s32 $0x640;
	[tilespmem:s9+$0xC80] =	vst v2  }
0x190: {  	[tilespmem:s6], [sflag:$0x2] =	stream.strided.gather [hbm4b:s13+s24], $0x640, s25, s24, $0x38;
	[tilespmem:$0x1BD50] =	vst v63  }
0x191: {  	s21 =	simm.s32 $0x0  }
0x192: {  	[tilespmem:s0], [sflag:$0x3] =	stream.indirect.gather [spmem:s1], $0x10, s31, s24, $0xb8;
	[tilespmem:$0x1BD50] =	vst v63  }
.LBB2_30:
0x193: {  	_ =	swait.ge [sflag:s3], $0x640  }
0x194: {  	[sflag:s3] =	ssyncset.done $0x0  }
0x195: {  	s10 =	simm.s32 $0x0;
	[sflag:s3] =	ssyncadd.s32 $0xFFFFF9C0  }
0x196: {  	v1 =	vld [tilespmem:s10+$0x960]  }
0x197: {  	s9 =	simm.s32 $0x40;
	v2 =	vld [tilespmem:s10+$0x640]  }
.LBB2_31:
0x198: {  	p1 =	sne.s32 s9, $0xC40  }
.Ltmp14:
0x199: {  	_ = 	snop;
	(pc) =	sbr.rel @p1 .LBB2_31-.Ltmp14, $4  }
0x19a: {  	_ = 	snop  }
0x19b: {  	s6 =	sshra.s32 s9, $0x2;
	s9 =	sadd.s32 $0x40, s9;
	[tilespmem:s10+$0x15E0] =	vst v1  }
0x19c: {  	v1 =	vld [tilespmem:s6+$0x960];
	[tilespmem:s10+$0x12C0] =	vst v2;
	s10 =	smov.u32 s6  }
0x19d: {  	v2 =	vld [tilespmem:s10+$0x640]  }
0x19e: {  	s9 =	smul.u32 $0x640, s21;
	_ =	sdelay $0x1  }
0x19f: {  	s6 =	sadd.s32 s9, s14  }
0x1a0: {  	[tilespmem:s10+$0x15E0] =	vst v1;
	s6 =	sshrl.u32 s6, $0x3  }
0x1a1: {  	s23 =	simm.s32 $0x0;
	[tilespmem:s10+$0x12C0] =	vst v2;
	s6 =	sadd.s32 s5, s6  }
0x1a2: {  	[tilespmem:s23], [sflag:$0x1] =	stream.strided.gather [hbm4b:s6+s24], $0x640, s25, s24, $0x38;
	[tilespmem:$0x1BD50] =	vst v63  }
0x1a3: {  	_ =	swait.ge [sflag:s4], $0x3200  }
0x1a4: {  	[sflag:s4] =	ssyncset.done $0x0  }
0x1a5: {  	[sflag:s4] =	ssyncadd.s32 $0xFFFFCE00  }
0x1a6: {  	[tilespmem:s17], [sflag:$0x4] =	stream.indirect.gather [spmem:s1], $0x10, s16, s24, $0xb8;
	[tilespmem:$0x1BD50] =	vst v63  }
0x1a7: {  	_ = 	snop  }
0x1a8: {  	[spmem:s2] =	stream.indirect.scatter.add.f32 [tilespmem:s0], [sflag:$0x5], $0x10, s18, s24, $0xb8;
	[tilespmem:$0x1BD50] =	vst v63  }
0x1a9: {  	_ =	swait.ge [sflag:s28], $0x3200  }
0x1aa: {  	[sflag:s28] =	ssyncset.done $0x0  }
0x1ab: {  	[sflag:s28] =	ssyncadd.s32 $0xFFFFCE00  }
0x1ac: {  	_ =	swait.ge [sflag:s29], $0x640  }
0x1ad: {  	[sflag:s29] =	ssyncset.done $0x0  }
0x1ae: {  	s10 =	simm.s32 $0x0;
	[sflag:s29] =	ssyncadd.s32 $0xFFFFF9C0  }
0x1af: {  	v1 =	vld [tilespmem:s10+$0x320]  }
0x1b0: {  	s11 =	simm.s32 $0x40;
	v2 =	vld [tilespmem:s10+$0x0]  }
.LBB2_33:
0x1b1: {  	p1 =	sne.s32 s11, $0xC40  }
.Ltmp15:
0x1b2: {  	_ = 	snop;
	(pc) =	sbr.rel @p1 .LBB2_33-.Ltmp15, $4  }
0x1b3: {  	_ = 	snop  }
0x1b4: {  	s6 =	sshra.s32 s11, $0x2;
	s11 =	sadd.s32 $0x40, s11;
	[tilespmem:s10+$0xFA0] =	vst v1  }
0x1b5: {  	v1 =	vld [tilespmem:s6+$0x320];
	[tilespmem:s10+$0xC80] =	vst v2;
	s10 =	smov.u32 s6  }
0x1b6: {  	v2 =	vld [tilespmem:s10+$0x0]  }
0x1b7: {  	_ = 	snop  }
0x1b8: {  	p1 =	seq.s32 s21, $0xB  }
0x1b9: {  	s6 =	sadd.s32 @!p1 s9, s15  }
0x1ba: {  	s9 =	simm.s32 @!p1 $0x320;
	s6 =	sshrl.u32 @!p1 s6, $0x3;
	[tilespmem:s10+$0xFA0] =	vst v1  }
0x1bb: {  	s11 =	simm.s32 @!p1 $0x640;
	s6 =	sadd.s32 @!p1 s5, s6;
	[tilespmem:s10+$0xC80] =	vst v2;
	s10 =	simm.s32 @!p1 $0x4E200  }
0x1bc: {  	[tilespmem:s11], [sflag:$0x2] =	stream.strided.gather @!p1 [hbm4b:s6+s9], $0x640, s10, s9, $0x38;
	[tilespmem:$0x1BD50] =	vst v63  }
0x1bd: {  	_ =	swait.ge [sflag:s19], $0x3200  }
0x1be: {  	s21 =	sadd.s32 $0x1, s21;
	[sflag:s19] =	ssyncset.done $0x0  }
0x1bf: {  	p1 =	sne.s32 s21, $0xC;
	[sflag:s19] =	ssyncadd.s32 $0xFFFFCE00  }
0x1c0: {  	[tilespmem:s0], [sflag:$0x3] =	stream.indirect.gather [spmem:s1], $0x10, s31, s24, $0xb8;
	[tilespmem:$0x1BD50] =	vst v63  }
.Ltmp16:
0x1c1: {  	_ = 	snop;
	(pc) =	sbr.rel @p1 .LBB2_30-.Ltmp16, $4  }
0x1c2: {  	[spmem:s2] =	stream.indirect.scatter.add.f32 [tilespmem:s17], [sflag:$0x5], $0x10, s20, s24, $0xb8;
	[tilespmem:$0x1BD50] =	vst v63  }
0x1c3: {  	_ =	swait.ge [sflag:s28], $0x3200  }
0x1c4: {  	[sflag:s28] =	ssyncset.done $0x0  }
0x1c5: {  	[sflag:s28] =	ssyncadd.s32 $0xFFFFCE00  }
0x1c6: {  	_ =	swait.ge [sflag:s4], $0x3200  }
0x1c7: {  	[sflag:s4] =	ssyncset.done $0x0  }
0x1c8: {  	[sflag:s4] =	ssyncadd.s32 $0xFFFFCE00  }
0x1c9: {  	[spmem:s2] =	stream.indirect.scatter.add.f32 [tilespmem:s0], [sflag:$0x5], $0x10, s18, s24, $0xb8;
	[tilespmem:$0x1BD50] =	vst v63  }
0x1ca: {  	_ =	swait.ge [sflag:s28], $0x3200  }
0x1cb: {  	[sflag:s28] =	ssyncset.done $0x0  }
0x1cc: {  	[sflag:s28] =	ssyncadd.s32 $0xFFFFCE00  }
0x1cd: {  	[bflag:$0x0] =	sbarrier.arrive $0xFFFF  }
0x1ce: {  	s9 =	simm.s32 $0x10;
	s6 =	rddreg [dreg:$0x10]  }
0x1cf: {  	[hbm:s6@s9], [sflag:s7] =	dma.strided [spmem:s30@s3], $0x1D4C, s29, $0x2   }
0x1d0: {  	_ =	swait.ge [sflag:s28], $0x1D4C  }
0x1d1: {  	s22 =	sadd.s32 $0x1, s22;
	s30 =	rddreg [dreg:$0x11]  }
0x1d2: {  	p1 =	sne.s32 s22, s30  }
.Ltmp17:
0x1d3: {  	_ = 	snop;
	(pc) =	sbr.rel @p1 .LBB2_1-.Ltmp17, $3  }
0x1d4: {  	_ =	sdelay $0x1  }
0x1d5: {  	[sflag:s28] =	ssyncset.done $0x0  }
0x1d6: {  	[sflag:s28] =	ssyncadd.s32 $0xFFFFE2B4  }
0x1d7: {  	_ =	sfence.sel $0x180000  }
0x1d8: {  	[bflag:$0x0] =	sbarrier.arrive $0xFFFF  }
0x1d9: {  	_ =	strace $0x9000004A  }
0x1da: {  	[bflag:$0x2] =	sbarrier.arrive $0xFFFF  }
0x1db: {  	s0 =	rddreg [dreg:$0x4]  }
0x1dc: {  	s0 =	sadd.s32 @!p0 $0x100000, s0  }
0x1dd: {  	[sflag:s0] =	ssyncadd.tile.s32 @!p0 $0x1;
	_ =	shalt  }
.Lfunc_end2:
_tile_overlayer_lowered:
.L_overlay_start_2:
0x1de: {  	(tag) =	ssettag $0x2  }
0x1df: {  	s0 =	rddreg [dreg:$0x0];
	s2 =	stileid.u32  }
0x1e0: {  	s1 =	rddreg [dreg:$0x1];
	p0 =	sne.s32 s2, $0x0  }
0x1e1: {  	s3 =	rddreg [dreg:$0x2];
	[bflag:$0x3] =	sbarrier.arrive $0xFFFF;
	s2 =	simm.s32 @!p0 $0x1C05  }
0x1e2: {  	[timem:s3], [sflag:s2] =	dma.local @!p0 [hbm:s0], s1  }
0x1e3: {  	s0 =	simm.s32 @!p0 $0x5  }
0x1e4: {  	_ =	swait.ge @!p0 [sflag:s0], s1  }
0x1e5: {  	s1 =	ssub.s32 @!p0 $0x0, s1;
	[sflag:s0] =	ssyncset.done @!p0 $0x0  }
0x1e6: {  	[sflag:s0] =	ssyncadd.s32 @!p0 s1  }
0x1e7: {  	[bflag:$0x3] =	sbarrier.arrive $0xFFFF  }
0x1e8: {  	_ =	shalt  }

// kernel: kernel.13.cloned.1.call-start
scs
__scs_entry_jumppad:
0x0: {  	(pc) =	sbr.rel $0x88, $3  }
0x1: {  	(tag) =	ssettag $0x0;
	lr =	simm.s32 $0x1  }
0x2: {  	[smem:$0x3F97] =	sst lr;
	_ =	strace $0xD0000000  }
0x3: {  	_ = 	snop  }
0x4: {  	_ = 	snop  }
0x5: {  	_ = 	snop  }
0x6: {  	_ = 	snop  }
0x7: {  	_ = 	snop  }
__scs_overlays_trampoline_lowered:
0x8: {  	[smem:$0x3FA6] =	sst s0  }
0x9: {  	[smem:$0x3FA7] =	sst s1  }
0xa: {  	[smem:$0x3FA8] =	sst s2  }
0xb: {  	[smem:$0x3FA9] =	sst s3  }
0xc: {  	[smem:$0x3FAA] =	sst s4  }
0xd: {  	[smem:$0x3FAB] =	sst s5  }
0xe: {  	[smem:$0x3FAC] =	sst s6  }
0xf: {  	[smem:$0x3FAD] =	sst s7  }
0x10: {  	[smem:$0x3FAE] =	sst s8  }
0x11: {  	[smem:$0x3FAF] =	sst s9;
	s0 =	simm.s32 @!p0 $0x0  }
0x12: {  	s1 =	sld [smem:$0x3F95];
	s0 =	simm.s32 @p0 $0x1  }
0x13: {  	[smem:$0x3FB0] =	sst s0;
	s0 =	simm.s32 @!p1 $0x0  }
0x14: {  	s2 =	sld [smem:$0x3F94];
	s0 =	simm.s32 @p1 $0x1  }
0x15: {  	[smem:$0x3FB1] =	sst s0;
	s0 =	simm.s32 @!p2 $0x0  }
0x16: {  	s3 =	sld [smem:$0x3FDB];
	s0 =	simm.s32 @p2 $0x1  }
0x17: {  	s4 =	simm.s32 $0x1BF5;
	[smem:$0x3FB3] =	sst s0  }
0x18: {  	s0 =	sld [smem:$0x3F96];
	_ =	swait.ge [sflag:s4], $0x0  }
0x19: {  	s7 =	sld [smem:$0x3F97]  }
0x1a: {  	s8 =	sadd.s32 $0xFFFFE003, lr  }
0x1b: {  	s9 =	sadd.s32 $0xFFFFFEF7, lr;
	s5 =	simm.s32 $0xFFFFFFFF;
	p2 =	slt.u32 s8, $0xFFFFF086  }
0x1c: {  	p1 =	slt.u32 s9, $0xF7A;
	s5 =	simm.s32 @!p2 $0x0  }
0x1d: {  	s5 =	simm.s32 @p1 $0x1;
	p0 =	seq.s32 s7, s2  }
0x1e: {  	s7 =	smul.u32 @!p0 $0xF7A, s2;
	p2 =	seq.s32 @!p0 s5, $0x0  }
0x1f: {  	s9 =	smul.u32 $0xF7A, s1;
	s8 =	simm.s32 @!p0 $0x1BF5;
	p2 =	por !p2, p0  }
0x20: {  	[sflag:s8] =	ssyncset.s32 @!p0 $0xFFFFF086;
	s6 =	sadd.s32 @!p0 s3, s7;
	s7 =	simm.s32 @!p0 $0x108  }
0x21: {  	s3 =	sadd.s32 s3, s9;
	s6 =	sadd.s32 @!p0 $0x88, s6;
	s7 =	simm.s32 @p2 $0x1082  }
0x22: {  	[simem:s7], [sflag:s8] =	dma.local @!p0 [hbm:s6], $0xF7A  }
0x23: {  	s9 =	sor.u32 $0xD0000000, s2;
	s6 =	simm.s32 $0x108;
	_ =	swait.ge @!p0 [sflag:s8], $0x0  }
0x24: {  	s3 =	sadd.s32 $0x88, s3;
	s6 =	simm.s32 @!p1 $0x1082;
	[sflag:s4] =	ssyncset.s32 $0xFFFFF086  }
0x25: {  	[simem:s6], [sflag:s4] =	dma.local [hbm:s3], $0xF7A  }
0x26: {  	[smem:$0x3F97] =	sst s1;
	(tag) =	ssettag s2;
	_ =	strace s9  }
0x27: {  	s1 =	sld [smem:$0x3FA7]  }
0x28: {  	s2 =	sld [smem:$0x3FA8]  }
0x29: {  	s4 =	sld [smem:$0x3FAA]  }
0x2a: {  	p0 =	seq.s32 s5, $0x0;
	s5 =	sld [smem:$0x3FAB]  }
0x2b: {  	s6 =	sld [smem:$0x3FAC]  }
0x2c: {  	s7 =	sld [smem:$0x3FAD]  }
0x2d: {  	s3 =	simm.s32 $0x108;
	s8 =	sld [smem:$0x3FAE]  }
0x2e: {  	s3 =	simm.s32 @!p0 $0x1082;
	s9 =	sld [smem:$0x3FAF]  }
0x2f: {  	lr =	sadd.s32 s0, s3;
	s0 =	sld [smem:$0x3FA6]  }
0x30: {  	s3 =	sld [smem:$0x3FA9]  }
0x31: {  	[smem:$0x3FB2] =	sst s10  }
0x32: {  	s10 =	sld [smem:$0x3FB0];
	_ =	sdelay $0x3  }
0x33: {  	p0 =	seq.s32 s10, $0x1;
	s10 =	sld [smem:$0x3FB2];
	_ =	sdelay $0x3  }
0x34: {  	[smem:$0x3FB2] =	sst s10  }
0x35: {  	s10 =	sld [smem:$0x3FB1];
	_ =	sdelay $0x3  }
0x36: {  	p1 =	seq.s32 s10, $0x1;
	s10 =	sld [smem:$0x3FB2];
	_ =	sdelay $0x3  }
0x37: {  	[smem:$0x3FB2] =	sst s10  }
0x38: {  	s10 =	sld [smem:$0x3FB3]  }
0x39: {  	_ = 	snop;
	(pc) =	sbr.ind lr, $3  }
0x3a: {  	_ = 	snop  }
0x3b: {  	_ = 	snop  }
0x3c: {  	p2 =	seq.s32 s10, $0x1;
	s10 =	sld [smem:$0x3FB2]  }
0x3d: {  	_ =	shalt  }
0x3e: {  	_ =	shalt  }
0x3f: {  	_ =	shalt  }
0x40: {  	_ =	shalt  }
0x41: {  	_ =	shalt  }
0x42: {  	_ =	shalt  }
0x43: {  	_ =	shalt  }
0x44: {  	_ =	shalt  }
0x45: {  	_ =	shalt  }
0x46: {  	_ =	shalt  }
0x47: {  	_ =	shalt  }
0x48: {  	_ =	shalt  }
0x49: {  	_ =	shalt  }
0x4a: {  	_ =	shalt  }
0x4b: {  	_ =	shalt  }
0x4c: {  	_ =	shalt  }
0x4d: {  	_ =	shalt  }
0x4e: {  	_ =	shalt  }
0x4f: {  	_ =	shalt  }
0x50: {  	_ =	shalt  }
0x51: {  	_ =	shalt  }
0x52: {  	_ =	shalt  }
0x53: {  	_ =	shalt  }
0x54: {  	_ =	shalt  }
0x55: {  	_ =	shalt  }
0x56: {  	_ =	shalt  }
0x57: {  	_ =	shalt  }
0x58: {  	_ =	shalt  }
0x59: {  	_ =	shalt  }
0x5a: {  	_ =	shalt  }
0x5b: {  	_ =	shalt  }
0x5c: {  	_ =	shalt  }
0x5d: {  	_ =	shalt  }
0x5e: {  	_ =	shalt  }
0x5f: {  	_ =	shalt  }
0x60: {  	_ =	shalt  }
0x61: {  	_ =	shalt  }
0x62: {  	_ =	shalt  }
0x63: {  	_ =	shalt  }
0x64: {  	_ =	shalt  }
0x65: {  	_ =	shalt  }
0x66: {  	_ =	shalt  }
0x67: {  	_ =	shalt  }
0x68: {  	_ =	shalt  }
0x69: {  	_ =	shalt  }
0x6a: {  	_ =	shalt  }
0x6b: {  	_ =	shalt  }
0x6c: {  	_ =	shalt  }
0x6d: {  	_ =	shalt  }
0x6e: {  	_ =	shalt  }
0x6f: {  	_ =	shalt  }
0x70: {  	_ =	shalt  }
0x71: {  	_ =	shalt  }
0x72: {  	_ =	shalt  }
0x73: {  	_ =	shalt  }
0x74: {  	_ =	shalt  }
0x75: {  	_ =	shalt  }
0x76: {  	_ =	shalt  }
0x77: {  	_ =	shalt  }
0x78: {  	_ =	shalt  }
0x79: {  	_ =	shalt  }
0x7a: {  	_ =	shalt  }
0x7b: {  	_ =	shalt  }
0x7c: {  	_ =	shalt  }
0x7d: {  	_ =	shalt  }
0x7e: {  	_ =	shalt  }
0x7f: {  	_ =	shalt  }
0x80: {  	_ =	shalt  }
0x81: {  	_ =	shalt  }
0x82: {  	_ =	shalt  }
0x83: {  	_ =	shalt  }
0x84: {  	_ =	shalt  }
0x85: {  	_ =	shalt  }
0x86: {  	_ =	shalt  }
0x87: {  	_ =	shalt  }
.Lfunc_end0:
.L_simem_size_0:
called_computation.2_lowered:
.L_overlay_start_0:
0x88: {  	s2 =	sld [smem:$0x3FD9]  }
0x89: {  	s3 =	sld [smem:$0x3FFE];
	_ =	sdelay $0x1  }
0x8a: {  	s1 =	srdreg.scid  }
0x8b: {  	s0 =	sand.u32 $0x1, s1  }
0x8c: {  	s16 =	sshll.u32 s0, $0xA;
	s2 =	sadd.s32 s3, s2  }
0x8d: {  	s2 =	sadd.s32 s2, s16  }
0x8e: {  	[smem:$0x3FBE] =	sst s2  }
0x8f: {  	_ = 	snop  }
0x90: {  	(tm) =	ssettm $0x1  }
0x91: {  	s17 =	sld [smem:$0x3FFB];
	_ =	sdelay $0x3  }
0x92: {  	_ =	strace s17  }
0x93: {  	s2 =	sld [smem:$0x3FFC];
	_ =	sdelay $0x3  }
0x94: {  	_ =	strace s2  }
0x95: {  	s2 =	sld [smem:$0x3FFD];
	_ =	sdelay $0x3  }
0x96: {  	_ =	strace s2  }
0x97: {  	_ =	strace $0x8FFFFFFF  }
0x98: {  	s18 =	sld [smem:$0x3FDB];
	_ =	sdelay $0x1  }
0x99: {  	s19 =	simm.s32 $_scs_section_size  }
0x9a: {  	s4 =	simm.s32 $_size__tile_overlayer_lowered;
	s5 =	simm.s32 $_tile_overlayer_lowered  }
0x9b: {  	s22 =	simm.s32 $0x1BFF;
	s21 =	sshll.u32 s5, $0x1;
	s2 =	sadd.s32 s19, s18  }
0x9c: {  	s6 =	simm.s32 $0x0;
	s20 =	sshll.u32 s4, $0x1;
	s4 =	sadd.s32 s21, s2  }
0x9d: {  	[timem:s6], [sflag:s22] =	dma.local [hbm:s4], s20  }
0x9e: {  	_ =	swait.ge [sflag:s22], s20  }
0x9f: {  	s3 =	ssub.s32 $0x0, s20;
	[sflag:s22] =	ssyncset.done $0x0  }
0xa0: {  	[sflag:s22] =	ssyncadd.s32 s3;
	_ =	sdelay $0x1  }
0xa1: {  	s23 =	simm.s32 $0x1B8B  }
0xa2: {  	_ =	swait.ge [sflag:s23], $0x1  }
0xa3: {  	[sflag:s23] =	ssyncset.done $0x0  }
0xa4: {  	s25 =	simm.s32 $0x1B8E;
	s24 =	sld [smem:$0x3FFE];
	[sflag:s23] =	ssyncadd.s32 $0xFFFFFFFF  }
0xa5: {  	s26 =	simm.s32 $execute0_lowered;
	[smem:$0x3FD2] =	sst s25  }
0xa6: {  	s4 =	sshll.u32 s26, $0x1;
	_ =	strace $0x8000004C;
	[dreg:$0x1] =	wrdreg $0xFFFFFFFF  }
0xa7: {  	s28 =	simm.s32 $_size_execute0_lowered;
	s2 =	sadd.s32 s2, s4;
	[dreg:$0x0] =	wrdreg $0x0  }
0xa8: {  	s4 =	sshll.u32 s28, $0x1;
	[dreg:$0x2] =	wrdreg s2  }
0xa9: {  	[dreg:$0x3] =	wrdreg s4  }
0xaa: {  	[dreg:$0x4] =	wrdreg $0xC0  }
0xab: {  	_ =	task [dreg:s6], $0x5FFFF  }
0xac: {  	[dreg:$0x1] =	wrdreg $0xFFFFFFFF  }
0xad: {  	[dreg:$0x0] =	wrdreg $0x60  }
0xae: {  	[dreg:$0x2] =	wrdreg s24  }
0xaf: {  	[dreg:$0x3] =	wrdreg $0x196400  }
0xb0: {  	[dreg:$0x4] =	wrdreg $0xABE00  }
0xb1: {  	[dreg:$0x5] =	wrdreg $0x9  }
0xb2: {  	_ =	task.clear_ibuf [dreg:s6], $0x6FFFF;
	_ =	strace $0x9000004C  }
0xb3: {  	s29 =	simm.s32 $0x9;
	_ =	strace $0x8000004E  }
0xb4: {  	_ =	swait.ge [sflag:s29], $0x1  }
0xb5: {  	[sflag:s29] =	ssyncadd.s32 $0xFFFFFFFF  }
0xb6: {  	_ =	strace $0x9000004E  }
0xb7: {  	_ =	sfence  }
0xb8: {  	s30 =	sld [smem:$0x0];
	_ =	sdelay $0x2  }
0xb9: {  	s31 =	sshll.u32 s1, $0xD;
	s1 =	sshrl.u32 s1, $0x2  }
0xba: {  	s3 =	sand.u32 $0x4000, s31;
	s1 =	sadd.s32 s1, s30  }
0xbb: {  	s0 =	sor.u32 s3, s0;
	s1 =	sshll.u32 s1, $0x11  }
0xbc: {  	s0 =	sor.u32 s1, s0  }
0xbd: {  	s0 =	sadd.s32 $0x8F2B, s0  }
0xbe: {  	[sflag:s0] =	ssyncadd.remote.s32 $0x1  }
0xbf: {  	_ =	sfence.sel $0xFFFF  }
0xc0: {  	[dreg:$0x0] =	wrdreg $0xFFFFFFFF;
	(pc) =	sbr.abs _section_cstart, $3  }
0xc1: {  	[dreg:$0x1] =	wrdreg $0xFFFFFFFF  }
0xc2: {  	_ =	task.clear_ibuf [dreg:s6], $0x2FFFF;
	_ =	strace $0x9FFFFFFF  }
0xc3: {  	(tm) =	ssettm $0x7FFFFFFF  }
tec
execute0_lowered:
.L_overlay_start_1:
0x0: {  	(tag) =	ssettag $0x1  }
0x1: {  	s0 =	rddreg [dreg:$0x0]  }
0x2: {  	s1 =	rddreg [dreg:$0x1]  }
0x3: {  	s2 =	rddreg [dreg:$0x2]  }
0x4: {  	s4 =	simm.s32 $0x0;
	s3 =	srdreg.scid;
	s10 =	stileid.u32  }
0x5: {  	s28 =	simm.s32 $0x5;
	s29 =	simm.s32 $0x1;
	s12 =	smul.u32 $0x75300, s10  }
0x6: {  	s31 =	simm.s32 $0xC80;
	[smem:$0x7FF] =	sst s4;
	s9 =	smul.u32 $0x4E20, s10  }
0x7: {  	s3 =	sand.u32 $0x1, s3;
	s13 =	smul.u32 $0x3A980, s10;
	p0 =	sne.s32 s10, $0x0  }
0x8: {  	_ =	strace $0x8000004D;
	s5 =	sshll.u32 s3, $0x3;
	s6 =	sshll.u32 s3, $0x6  }
0x9: {  	s3 =	ssub.s32 $0x2, s3;
	s7 =	sadd.s32 s5, s0;
	s4 =	sor.u32 s6, s12  }
0xa: {  	s5 =	sadd.s32 $0x2C00, s0;
	s14 =	sshrl.u32 s3, $0x1;
	s15 =	sshrl.u32 s9, $0x3  }
0xb: {  	s8 =	sshrl.u32 s13, $0x2;
	s4 =	sshrl.u32 s4, $0x3;
	s3 =	ssub.s32 s3, s14  }
0xc: {  	s16 =	sadd.s32 $0x16600, s7;
	s8 =	sadd.s32 s8, s2;
	s14 =	sadd.s32 $0x640, s9  }
0xd: {  	s22 =	sadd.s32 $0x16602, s7;
	s24 =	sadd.s32 $0x16604, s7;
	[dreg:$0x4] =	wrdreg s16  }
0xe: {  	s26 =	sadd.s32 $0x16606, s7;
	s7 =	simm.s32 $0x12C0;
	[dreg:$0xa] =	wrdreg s22  }
0xf: {  	s0 =	sadd.s32 s4, s0;
	s4 =	sadd.s32 s5, s15;
	[dreg:$0xc] =	wrdreg s24  }
0x10: {  	s17 =	sadd.s32 $0x2EE0, s8;
	s18 =	sadd.s32 $0x5DC0, s8;
	[dreg:$0xe] =	wrdreg s26  }
0x11: {  	s19 =	sadd.s32 $0x8CA0, s8;
	s20 =	sadd.s32 $0xBB80, s8;
	[dreg:$0x5] =	wrdreg s17  }
0x12: {  	s15 =	sadd.s32 $0x960, s9;
	s30 =	smax.u32 s3, $0x1;
	[dreg:$0x6] =	wrdreg s18  }
0x13: {  	s24 =	simm.s32 $0x320;
	s26 =	simm.s32 $0x7D00;
	[dreg:$0x7] =	wrdreg s19  }
0x14: {  	s3 =	simm.s32 $0x2;
	s16 =	simm.s32 $0x4B00;
	[dreg:$0x8] =	wrdreg s20  }
0x15: {  	s12 =	smov.u32 s4;
	s21 =	sadd.s32 $0x3D800, s0;
	[dreg:$0x10] =	wrdreg s30  }
0x16: {  	s13 =	sadd.s32 $0x64, s4;
	s23 =	sadd.s32 $0x3D802, s0;
	[dreg:$0x9] =	wrdreg s21  }
0x17: {  	s25 =	sadd.s32 $0x3D804, s0;
	s0 =	sadd.s32 $0x3D806, s0;
	[dreg:$0xb] =	wrdreg s23  }
0x18: {  	s4 =	simm.s32 $0x3;
	s17 =	simm.s32 $0xFA0;
	[dreg:$0xd] =	wrdreg s25  }
0x19: {  	s18 =	simm.s32 $0x4;
	s19 =	simm.s32 $0x15E0;
	[dreg:$0xf] =	wrdreg s0  }
0x1a: {  	v0 =	vimm.f32 $0.0e+00;
	s25 =	simm.s32 $0x4E200;
	s0 =	simm.s32 $0x1900;
	s21 =	simm.s32 $0x0  }
.LBB2_1:
0x1b: {  	s9 =	simm.s32 $0x40;
	s10 =	simm.s32 $0x0  }
.LBB2_2:
0x1c: {  	p1 =	sne.s32 s9, $0xBB40;
	[tilespmem:s10+$0x7D00] =	vst v0;
	s10 =	smov.u32 s9;
	s9 =	sadd.s32 $0x40, s9  }
.Ltmp0:
0x1d: {  	(pc) =	sbr.rel @p1 .LBB2_2-.Ltmp0, $2  }
0x1e: {  	_ =	sdelay $0x2  }
0x1f: {  	s10 =	sshra.s32 s10, $0x2  }
0x20: {  	s6 =	simm.s32 $0x0  }
0x21: {  	[tilespmem:s10+$0x7D00] =	vst v0;
	s22 =	sshrl.u32 @!p0 s1, $0x3;
	s9 =	simm.s32 @!p0 $0x1;
	s10 =	simm.s32 @!p0 $0x2  }
0x22: {  	[tilespmem:s6], [sflag:$0x1] =	stream.strided.gather [hbm4b:s12+s24], $0x640, s25, s24, $0x38;
	[tilespmem:$0x1BD50] =	vst v63  }
0x23: {  	s11 =	simm.s32 @!p0 $0x10;
	s20 =	simm.s32 @!p0 $0x1C05;
	s6 =	rddreg [dreg:$0x4]  }
0x24: {  	[spmem:s22@s10], [sflag:s20] =	dma.strided @!p0 [hbm:s6@s11], $0x4E20, s9, $0x2   }
0x25: {  	s9 =	simm.s32 @!p0 $0x5  }
0x26: {  	_ =	swait.ge @!p0 [sflag:s9], $0x4E20  }
0x27: {  	[sflag:s9] =	ssyncset.done @!p0 $0x0  }
0x28: {  	[sflag:s9] =	ssyncadd.s32 @!p0 $0xFFFFB1E0  }
0x29: {  	[spmem:s8] =	stream.linear.scatter [tilespmem:s26], [sflag:$0x5], $0x2EE0, $0x38;
	[tilespmem:$0x1BD50] =	vst v63  }
0x2a: {  	_ =	swait.ge [sflag:s28], $0x2EE0  }
0x2b: {  	[sflag:s28] =	ssyncset.done $0x0  }
0x2c: {  	s11 =	rddreg [dreg:$0x5];
	[sflag:s28] =	ssyncadd.s32 $0xFFFFD120  }
0x2d: {  	[spmem:s11] =	stream.linear.scatter [tilespmem:s26], [sflag:$0x5], $0x2EE0, $0x38;
	[tilespmem:$0x1BD50] =	vst v63  }
0x2e: {  	_ =	swait.ge [sflag:s28], $0x2EE0  }
0x2f: {  	[sflag:s28] =	ssyncset.done $0x0  }
0x30: {  	s20 =	rddreg [dreg:$0x6];
	[sflag:s28] =	ssyncadd.s32 $0xFFFFD120  }
0x31: {  	[spmem:s20] =	stream.linear.scatter [tilespmem:s26], [sflag:$0x5], $0x2EE0, $0x38;
	[tilespmem:$0x1BD50] =	vst v63  }
0x32: {  	_ =	swait.ge [sflag:s28], $0x2EE0  }
0x33: {  	[sflag:s28] =	ssyncset.done $0x0  }
0x34: {  	s23 =	rddreg [dreg:$0x7];
	[sflag:s28] =	ssyncadd.s32 $0xFFFFD120  }
0x35: {  	[spmem:s23] =	stream.linear.scatter [tilespmem:s26], [sflag:$0x5], $0x2EE0, $0x38;
	[tilespmem:$0x1BD50] =	vst v63  }
0x36: {  	_ =	swait.ge [sflag:s28], $0x2EE0  }
0x37: {  	[sflag:s28] =	ssyncset.done $0x0  }
0x38: {  	s30 =	rddreg [dreg:$0x8];
	[sflag:s28] =	ssyncadd.s32 $0xFFFFD120  }
0x39: {  	[spmem:s30] =	stream.linear.scatter [tilespmem:s26], [sflag:$0x5], $0x2EE0, $0x38;
	[tilespmem:$0x1BD50] =	vst v63  }
0x3a: {  	_ =	swait.ge [sflag:s28], $0x2EE0  }
0x3b: {  	[sflag:s28] =	ssyncset.done $0x0  }
0x3c: {  	[sflag:s28] =	ssyncadd.s32 $0xFFFFD120  }
0x3d: {  	[bflag:$0x0] =	sbarrier.arrive $0xFFFF  }
0x3e: {  	_ =	swait.ge [sflag:s29], $0x640  }
0x3f: {  	[sflag:s29] =	ssyncset.done $0x0  }
0x40: {  	s9 =	simm.s32 $0x0;
	[sflag:s29] =	ssyncadd.s32 $0xFFFFF9C0  }
0x41: {  	v1 =	vld [tilespmem:s9+$0x320]  }
0x42: {  	s10 =	simm.s32 $0x40;
	v2 =	vld [tilespmem:s9+$0x0]  }
.LBB2_4:
0x43: {  	p1 =	sne.s32 s10, $0xC40  }
.Ltmp1:
0x44: {  	_ = 	snop;
	(pc) =	sbr.rel @p1 .LBB2_4-.Ltmp1, $4  }
0x45: {  	_ = 	snop  }
0x46: {  	s11 =	sshra.s32 s10, $0x2;
	s10 =	sadd.s32 $0x40, s10;
	[tilespmem:s9+$0xFA0] =	vst v1  }
0x47: {  	v1 =	vld [tilespmem:s11+$0x320];
	[tilespmem:s9+$0xC80] =	vst v2;
	s9 =	smov.u32 s11  }
0x48: {  	v2 =	vld [tilespmem:s9+$0x0]  }
0x49: {  	_ =	sdelay $0x2  }
0x4a: {  	[tilespmem:s9+$0xFA0] =	vst v1  }
0x4b: {  	s6 =	simm.s32 $0x640;
	[tilespmem:s9+$0xC80] =	vst v2  }
0x4c: {  	[tilespmem:s6], [sflag:$0x2] =	stream.strided.gather [hbm4b:s13+s24], $0x640, s25, s24, $0x38;
	[tilespmem:$0x1BD50] =	vst v63  }
0x4d: {  	s23 =	simm.s32 $0x0  }
0x4e: {  	[tilespmem:s0], [sflag:$0x3] =	stream.indirect.gather [spmem:s1], $0x10, s31, s24, $0xb8;
	[tilespmem:$0x1BD50] =	vst v63  }
.LBB2_6:
0x4f: {  	_ =	swait.ge [sflag:s3], $0x640  }
0x50: {  	[sflag:s3] =	ssyncset.done $0x0  }
0x51: {  	s9 =	simm.s32 $0x0;
	[sflag:s3] =	ssyncadd.s32 $0xFFFFF9C0  }
0x52: {  	v1 =	vld [tilespmem:s9+$0x960]  }
0x53: {  	s10 =	simm.s32 $0x40;
	v2 =	vld [tilespmem:s9+$0x640]  }
.LBB2_7:
0x54: {  	p1 =	sne.s32 s10, $0xC40  }
.Ltmp2:
0x55: {  	_ = 	snop;
	(pc) =	sbr.rel @p1 .LBB2_7-.Ltmp2, $4  }
0x56: {  	_ = 	snop  }
0x57: {  	s11 =	sshra.s32 s10, $0x2;
	s10 =	sadd.s32 $0x40, s10;
	[tilespmem:s9+$0x15E0] =	vst v1  }
0x58: {  	v1 =	vld [tilespmem:s11+$0x960];
	[tilespmem:s9+$0x12C0] =	vst v2;
	s9 =	smov.u32 s11  }
0x59: {  	v2 =	vld [tilespmem:s9+$0x640]  }
0x5a: {  	s20 =	smul.u32 $0x640, s23;
	_ =	sdelay $0x1  }
0x5b: {  	s10 =	sadd.s32 s20, s14  }
0x5c: {  	[tilespmem:s9+$0x15E0] =	vst v1;
	s10 =	sshrl.u32 s10, $0x3  }
0x5d: {  	s30 =	simm.s32 $0x0;
	[tilespmem:s9+$0x12C0] =	vst v2;
	s11 =	sadd.s32 s5, s10  }
0x5e: {  	[tilespmem:s30], [sflag:$0x1] =	stream.strided.gather [hbm4b:s11+s24], $0x640, s25, s24, $0x38;
	[tilespmem:$0x1BD50] =	vst v63  }
0x5f: {  	_ =	swait.ge [sflag:s4], $0x3200  }
0x60: {  	[sflag:s4] =	ssyncset.done $0x0  }
0x61: {  	[sflag:s4] =	ssyncadd.s32 $0xFFFFCE00  }
0x62: {  	[tilespmem:s16], [sflag:$0x4] =	stream.indirect.gather [spmem:s1], $0x10, s7, s24, $0xb8;
	[tilespmem:$0x1BD50] =	vst v63  }
0x63: {  	_ = 	snop  }
0x64: {  	[spmem:s2] =	stream.indirect.scatter.add.f32 [tilespmem:s0], [sflag:$0x5], $0x10, s17, s24, $0xb8;
	[tilespmem:$0x1BD50] =	vst v63  }
0x65: {  	_ =	swait.ge [sflag:s28], $0x3200  }
0x66: {  	[sflag:s28] =	ssyncset.done $0x0  }
0x67: {  	[sflag:s28] =	ssyncadd.s32 $0xFFFFCE00  }
0x68: {  	_ =	swait.ge [sflag:s29], $0x640  }
0x69: {  	[sflag:s29] =	ssyncset.done $0x0  }
0x6a: {  	s9 =	simm.s32 $0x0;
	[sflag:s29] =	ssyncadd.s32 $0xFFFFF9C0  }
0x6b: {  	v1 =	vld [tilespmem:s9+$0x320]  }
0x6c: {  	s10 =	simm.s32 $0x40;
	v2 =	vld [tilespmem:s9+$0x0]  }
.LBB2_9:
0x6d: {  	p1 =	sne.s32 s10, $0xC40  }
.Ltmp3:
0x6e: {  	_ = 	snop;
	(pc) =	sbr.rel @p1 .LBB2_9-.Ltmp3, $4  }
0x6f: {  	_ = 	snop  }
0x70: {  	s11 =	sshra.s32 s10, $0x2;
	s10 =	sadd.s32 $0x40, s10;
	[tilespmem:s9+$0xFA0] =	vst v1  }
0x71: {  	v1 =	vld [tilespmem:s11+$0x320];
	[tilespmem:s9+$0xC80] =	vst v2;
	s9 =	smov.u32 s11  }
0x72: {  	v2 =	vld [tilespmem:s9+$0x0]  }
0x73: {  	_ = 	snop  }
0x74: {  	p1 =	seq.s32 s23, $0xB  }
0x75: {  	s10 =	sadd.s32 @!p1 s20, s15  }
0x76: {  	s11 =	simm.s32 @!p1 $0x4E200;
	s10 =	sshrl.u32 @!p1 s10, $0x3;
	[tilespmem:s9+$0xFA0] =	vst v1  }
0x77: {  	s20 =	simm.s32 @!p1 $0x640;
	s10 =	sadd.s32 @!p1 s5, s10;
	[tilespmem:s9+$0xC80] =	vst v2;
	s9 =	simm.s32 @!p1 $0x320  }
0x78: {  	[tilespmem:s20], [sflag:$0x2] =	stream.strided.gather @!p1 [hbm4b:s10+s9], $0x640, s11, s9, $0x38;
	[tilespmem:$0x1BD50] =	vst v63  }
0x79: {  	_ =	swait.ge [sflag:s18], $0x3200  }
0x7a: {  	s23 =	sadd.s32 $0x1, s23;
	[sflag:s18] =	ssyncset.done $0x0  }
0x7b: {  	p1 =	sne.s32 s23, $0xC;
	[sflag:s18] =	ssyncadd.s32 $0xFFFFCE00  }
0x7c: {  	[tilespmem:s0], [sflag:$0x3] =	stream.indirect.gather [spmem:s1], $0x10, s31, s24, $0xb8;
	[tilespmem:$0x1BD50] =	vst v63  }
.Ltmp4:
0x7d: {  	_ = 	snop;
	(pc) =	sbr.rel @p1 .LBB2_6-.Ltmp4, $4  }
0x7e: {  	[spmem:s2] =	stream.indirect.scatter.add.f32 [tilespmem:s16], [sflag:$0x5], $0x10, s19, s24, $0xb8;
	[tilespmem:$0x1BD50] =	vst v63  }
0x7f: {  	_ =	swait.ge [sflag:s28], $0x3200  }
0x80: {  	[sflag:s28] =	ssyncset.done $0x0  }
0x81: {  	[sflag:s28] =	ssyncadd.s32 $0xFFFFCE00  }
0x82: {  	_ =	swait.ge [sflag:s4], $0x3200  }
0x83: {  	[sflag:s4] =	ssyncset.done $0x0  }
0x84: {  	[sflag:s4] =	ssyncadd.s32 $0xFFFFCE00  }
0x85: {  	[spmem:s2] =	stream.indirect.scatter.add.f32 [tilespmem:s0], [sflag:$0x5], $0x10, s17, s24, $0xb8;
	[tilespmem:$0x1BD50] =	vst v63  }
0x86: {  	_ =	swait.ge [sflag:s28], $0x3200  }
0x87: {  	[sflag:s28] =	ssyncset.done $0x0  }
0x88: {  	s6 =	stileid.u32;
	[sflag:s28] =	ssyncadd.s32 $0xFFFFCE00  }
0x89: {  	s30 =	sshrl.u32 s8, $0x3;
	s9 =	sshll.u32 s6, $0x6;
	[bflag:$0x0] =	sbarrier.arrive $0xFFFF  }
0x8a: {  	s11 =	simm.s32 $0x10;
	s23 =	sor.u32 $0x1C05, s9;
	s10 =	rddreg [dreg:$0x9]  }
0x8b: {  	[hbm:s10@s11], [sflag:s23] =	dma.strided [spmem:s30@s3], $0x1D4C, s29, $0x2   }
0x8c: {  	_ =	swait.ge [sflag:s28], $0x1D4C  }
0x8d: {  	[sflag:s28] =	ssyncset.done $0x0  }
0x8e: {  	[sflag:s28] =	ssyncadd.s32 $0xFFFFE2B4  }
0x8f: {  	[spmem:s8] =	stream.linear.scatter [tilespmem:s26], [sflag:$0x5], $0x2EE0, $0x38;
	[tilespmem:$0x1BD50] =	vst v63  }
0x90: {  	_ =	swait.ge [sflag:s28], $0x2EE0  }
0x91: {  	[sflag:s28] =	ssyncset.done $0x0  }
0x92: {  	s20 =	rddreg [dreg:$0x5];
	[sflag:s28] =	ssyncadd.s32 $0xFFFFD120  }
0x93: {  	[spmem:s20] =	stream.linear.scatter [tilespmem:s26], [sflag:$0x5], $0x2EE0, $0x38;
	[tilespmem:$0x1BD50] =	vst v63  }
0x94: {  	_ =	swait.ge [sflag:s28], $0x2EE0  }
0x95: {  	[sflag:s28] =	ssyncset.done $0x0  }
0x96: {  	s9 =	rddreg [dreg:$0x6];
	[sflag:s28] =	ssyncadd.s32 $0xFFFFD120  }
0x97: {  	[spmem:s9] =	stream.linear.scatter [tilespmem:s26], [sflag:$0x5], $0x2EE0, $0x38;
	[tilespmem:$0x1BD50] =	vst v63  }
0x98: {  	_ =	swait.ge [sflag:s28], $0x2EE0  }
0x99: {  	[sflag:s28] =	ssyncset.done $0x0  }
0x9a: {  	s10 =	rddreg [dreg:$0x7];
	[sflag:s28] =	ssyncadd.s32 $0xFFFFD120  }
0x9b: {  	[spmem:s10] =	stream.linear.scatter [tilespmem:s26], [sflag:$0x5], $0x2EE0, $0x38;
	[tilespmem:$0x1BD50] =	vst v63  }
0x9c: {  	_ =	swait.ge [sflag:s28], $0x2EE0  }
0x9d: {  	[sflag:s28] =	ssyncset.done $0x0  }
0x9e: {  	s11 =	rddreg [dreg:$0x8];
	[sflag:s28] =	ssyncadd.s32 $0xFFFFD120  }
0x9f: {  	[spmem:s11] =	stream.linear.scatter [tilespmem:s26], [sflag:$0x5], $0x2EE0, $0x38;
	[tilespmem:$0x1BD50] =	vst v63  }
0xa0: {  	_ =	swait.ge [sflag:s28], $0x2EE0  }
0xa1: {  	s9 =	simm.s32 @!p0 $0x1;
	s10 =	simm.s32 @!p0 $0x2;
	[sflag:s28] =	ssyncset.done $0x0  }
0xa2: {  	s11 =	simm.s32 @!p0 $0x10;
	s6 =	rddreg [dreg:$0xa];
	[sflag:s28] =	ssyncadd.s32 $0xFFFFD120  }
0xa3: {  	[spmem:s22@s10], [sflag:s23] =	dma.strided @!p0 [hbm:s6@s11], $0x4E20, s9, $0x2   }
0xa4: {  	s9 =	simm.s32 @!p0 $0x5  }
0xa5: {  	_ =	swait.ge @!p0 [sflag:s9], $0x4E20  }
0xa6: {  	[sflag:s9] =	ssyncset.done @!p0 $0x0  }
0xa7: {  	s20 =	simm.s32 $0x0;
	[sflag:s9] =	ssyncadd.s32 @!p0 $0xFFFFB1E0  }
0xa8: {  	[tilespmem:s20], [sflag:$0x1] =	stream.strided.gather [hbm4b:s12+s24], $0x640, s25, s24, $0x38;
	[tilespmem:$0x1BD50] =	vst v63  }
0xa9: {  	[bflag:$0x0] =	sbarrier.arrive $0xFFFF  }
0xaa: {  	_ =	swait.ge [sflag:s29], $0x640  }
0xab: {  	[sflag:s29] =	ssyncset.done $0x0  }
0xac: {  	s9 =	simm.s32 $0x0;
	[sflag:s29] =	ssyncadd.s32 $0xFFFFF9C0  }
0xad: {  	v1 =	vld [tilespmem:s9+$0x320]  }
0xae: {  	s10 =	simm.s32 $0x40;
	v2 =	vld [tilespmem:s9+$0x0]  }
.LBB2_12:
0xaf: {  	p1 =	sne.s32 s10, $0xC40  }
.Ltmp5:
0xb0: {  	_ = 	snop;
	(pc) =	sbr.rel @p1 .LBB2_12-.Ltmp5, $4  }
0xb1: {  	_ = 	snop  }
0xb2: {  	s11 =	sshra.s32 s10, $0x2;
	s10 =	sadd.s32 $0x40, s10;
	[tilespmem:s9+$0xFA0] =	vst v1  }
0xb3: {  	v1 =	vld [tilespmem:s11+$0x320];
	[tilespmem:s9+$0xC80] =	vst v2;
	s9 =	smov.u32 s11  }
0xb4: {  	v2 =	vld [tilespmem:s9+$0x0]  }
0xb5: {  	_ =	sdelay $0x2  }
0xb6: {  	[tilespmem:s9+$0xFA0] =	vst v1  }
0xb7: {  	s6 =	simm.s32 $0x640;
	[tilespmem:s9+$0xC80] =	vst v2  }
0xb8: {  	[tilespmem:s6], [sflag:$0x2] =	stream.strided.gather [hbm4b:s13+s24], $0x640, s25, s24, $0x38;
	[tilespmem:$0x1BD50] =	vst v63  }
0xb9: {  	s20 =	simm.s32 $0x0  }
0xba: {  	[tilespmem:s0], [sflag:$0x3] =	stream.indirect.gather [spmem:s1], $0x10, s31, s24, $0xb8;
	[tilespmem:$0x1BD50] =	vst v63  }
.LBB2_14:
0xbb: {  	_ =	swait.ge [sflag:s3], $0x640  }
0xbc: {  	[sflag:s3] =	ssyncset.done $0x0  }
0xbd: {  	s10 =	simm.s32 $0x0;
	[sflag:s3] =	ssyncadd.s32 $0xFFFFF9C0  }
0xbe: {  	v1 =	vld [tilespmem:s10+$0x960]  }
0xbf: {  	s9 =	simm.s32 $0x40;
	v2 =	vld [tilespmem:s10+$0x640]  }
.LBB2_15:
0xc0: {  	p1 =	sne.s32 s9, $0xC40  }
.Ltmp6:
0xc1: {  	_ = 	snop;
	(pc) =	sbr.rel @p1 .LBB2_15-.Ltmp6, $4  }
0xc2: {  	_ = 	snop  }
0xc3: {  	s11 =	sshra.s32 s9, $0x2;
	s9 =	sadd.s32 $0x40, s9;
	[tilespmem:s10+$0x15E0] =	vst v1  }
0xc4: {  	v1 =	vld [tilespmem:s11+$0x960];
	[tilespmem:s10+$0x12C0] =	vst v2;
	s10 =	smov.u32 s11  }
0xc5: {  	v2 =	vld [tilespmem:s10+$0x640]  }
0xc6: {  	s9 =	smul.u32 $0x640, s20;
	_ =	sdelay $0x1  }
0xc7: {  	s11 =	sadd.s32 s9, s14  }
0xc8: {  	[tilespmem:s10+$0x15E0] =	vst v1;
	s11 =	sshrl.u32 s11, $0x3  }
0xc9: {  	s6 =	simm.s32 $0x0;
	[tilespmem:s10+$0x12C0] =	vst v2;
	s11 =	sadd.s32 s5, s11  }
0xca: {  	[tilespmem:s6], [sflag:$0x1] =	stream.strided.gather [hbm4b:s11+s24], $0x640, s25, s24, $0x38;
	[tilespmem:$0x1BD50] =	vst v63  }
0xcb: {  	_ =	swait.ge [sflag:s4], $0x3200  }
0xcc: {  	[sflag:s4] =	ssyncset.done $0x0  }
0xcd: {  	[sflag:s4] =	ssyncadd.s32 $0xFFFFCE00  }
0xce: {  	[tilespmem:s16], [sflag:$0x4] =	stream.indirect.gather [spmem:s1], $0x10, s7, s24, $0xb8;
	[tilespmem:$0x1BD50] =	vst v63  }
0xcf: {  	_ = 	snop  }
0xd0: {  	[spmem:s2] =	stream.indirect.scatter.add.f32 [tilespmem:s0], [sflag:$0x5], $0x10, s17, s24, $0xb8;
	[tilespmem:$0x1BD50] =	vst v63  }
0xd1: {  	_ =	swait.ge [sflag:s28], $0x3200  }
0xd2: {  	[sflag:s28] =	ssyncset.done $0x0  }
0xd3: {  	[sflag:s28] =	ssyncadd.s32 $0xFFFFCE00  }
0xd4: {  	_ =	swait.ge [sflag:s29], $0x640  }
0xd5: {  	[sflag:s29] =	ssyncset.done $0x0  }
0xd6: {  	s10 =	simm.s32 $0x0;
	[sflag:s29] =	ssyncadd.s32 $0xFFFFF9C0  }
0xd7: {  	v1 =	vld [tilespmem:s10+$0x320]  }
0xd8: {  	s11 =	simm.s32 $0x40;
	v2 =	vld [tilespmem:s10+$0x0]  }
.LBB2_17:
0xd9: {  	p1 =	sne.s32 s11, $0xC40  }
.Ltmp7:
0xda: {  	_ = 	snop;
	(pc) =	sbr.rel @p1 .LBB2_17-.Ltmp7, $4  }
0xdb: {  	_ = 	snop  }
0xdc: {  	s6 =	sshra.s32 s11, $0x2;
	s11 =	sadd.s32 $0x40, s11;
	[tilespmem:s10+$0xFA0] =	vst v1  }
0xdd: {  	v1 =	vld [tilespmem:s6+$0x320];
	[tilespmem:s10+$0xC80] =	vst v2;
	s10 =	smov.u32 s6  }
0xde: {  	v2 =	vld [tilespmem:s10+$0x0]  }
0xdf: {  	_ = 	snop  }
0xe0: {  	p1 =	seq.s32 s20, $0xB  }
0xe1: {  	s6 =	sadd.s32 @!p1 s9, s15  }
0xe2: {  	s9 =	simm.s32 @!p1 $0x320;
	s6 =	sshrl.u32 @!p1 s6, $0x3;
	[tilespmem:s10+$0xFA0] =	vst v1  }
0xe3: {  	s11 =	simm.s32 @!p1 $0x640;
	s6 =	sadd.s32 @!p1 s5, s6;
	[tilespmem:s10+$0xC80] =	vst v2;
	s10 =	simm.s32 @!p1 $0x4E200  }
0xe4: {  	[tilespmem:s11], [sflag:$0x2] =	stream.strided.gather @!p1 [hbm4b:s6+s9], $0x640, s10, s9, $0x38;
	[tilespmem:$0x1BD50] =	vst v63  }
0xe5: {  	_ =	swait.ge [sflag:s18], $0x3200  }
0xe6: {  	s20 =	sadd.s32 $0x1, s20;
	[sflag:s18] =	ssyncset.done $0x0  }
0xe7: {  	p1 =	sne.s32 s20, $0xC;
	[sflag:s18] =	ssyncadd.s32 $0xFFFFCE00  }
0xe8: {  	[tilespmem:s0], [sflag:$0x3] =	stream.indirect.gather [spmem:s1], $0x10, s31, s24, $0xb8;
	[tilespmem:$0x1BD50] =	vst v63  }
.Ltmp8:
0xe9: {  	_ = 	snop;
	(pc) =	sbr.rel @p1 .LBB2_14-.Ltmp8, $4  }
0xea: {  	[spmem:s2] =	stream.indirect.scatter.add.f32 [tilespmem:s16], [sflag:$0x5], $0x10, s19, s24, $0xb8;
	[tilespmem:$0x1BD50] =	vst v63  }
0xeb: {  	_ =	swait.ge [sflag:s28], $0x3200  }
0xec: {  	[sflag:s28] =	ssyncset.done $0x0  }
0xed: {  	[sflag:s28] =	ssyncadd.s32 $0xFFFFCE00  }
0xee: {  	_ =	swait.ge [sflag:s4], $0x3200  }
0xef: {  	[sflag:s4] =	ssyncset.done $0x0  }
0xf0: {  	[sflag:s4] =	ssyncadd.s32 $0xFFFFCE00  }
0xf1: {  	[spmem:s2] =	stream.indirect.scatter.add.f32 [tilespmem:s0], [sflag:$0x5], $0x10, s17, s24, $0xb8;
	[tilespmem:$0x1BD50] =	vst v63  }
0xf2: {  	_ =	swait.ge [sflag:s28], $0x3200  }
0xf3: {  	[sflag:s28] =	ssyncset.done $0x0  }
0xf4: {  	[sflag:s28] =	ssyncadd.s32 $0xFFFFCE00  }
0xf5: {  	[bflag:$0x0] =	sbarrier.arrive $0xFFFF  }
0xf6: {  	s9 =	simm.s32 $0x10;
	s6 =	rddreg [dreg:$0xb]  }
0xf7: {  	[hbm:s6@s9], [sflag:s23] =	dma.strided [spmem:s30@s3], $0x1D4C, s29, $0x2   }
0xf8: {  	_ =	swait.ge [sflag:s28], $0x1D4C  }
0xf9: {  	[sflag:s28] =	ssyncset.done $0x0  }
0xfa: {  	[sflag:s28] =	ssyncadd.s32 $0xFFFFE2B4  }
0xfb: {  	[spmem:s8] =	stream.linear.scatter [tilespmem:s26], [sflag:$0x5], $0x2EE0, $0x38;
	[tilespmem:$0x1BD50] =	vst v63  }
0xfc: {  	_ =	swait.ge [sflag:s28], $0x2EE0  }
0xfd: {  	[sflag:s28] =	ssyncset.done $0x0  }
0xfe: {  	s20 =	rddreg [dreg:$0x5];
	[sflag:s28] =	ssyncadd.s32 $0xFFFFD120  }
0xff: {  	[spmem:s20] =	stream.linear.scatter [tilespmem:s26], [sflag:$0x5], $0x2EE0, $0x38;
	[tilespmem:$0x1BD50] =	vst v63  }
0x100: {  	_ =	swait.ge [sflag:s28], $0x2EE0  }
0x101: {  	[sflag:s28] =	ssyncset.done $0x0  }
0x102: {  	s9 =	rddreg [dreg:$0x6];
	[sflag:s28] =	ssyncadd.s32 $0xFFFFD120  }
0x103: {  	[spmem:s9] =	stream.linear.scatter [tilespmem:s26], [sflag:$0x5], $0x2EE0, $0x38;
	[tilespmem:$0x1BD50] =	vst v63  }
0x104: {  	_ =	swait.ge [sflag:s28], $0x2EE0  }
0x105: {  	[sflag:s28] =	ssyncset.done $0x0  }
0x106: {  	s10 =	rddreg [dreg:$0x7];
	[sflag:s28] =	ssyncadd.s32 $0xFFFFD120  }
0x107: {  	[spmem:s10] =	stream.linear.scatter [tilespmem:s26], [sflag:$0x5], $0x2EE0, $0x38;
	[tilespmem:$0x1BD50] =	vst v63  }
0x108: {  	_ =	swait.ge [sflag:s28], $0x2EE0  }
0x109: {  	[sflag:s28] =	ssyncset.done $0x0  }
0x10a: {  	s11 =	rddreg [dreg:$0x8];
	[sflag:s28] =	ssyncadd.s32 $0xFFFFD120  }
0x10b: {  	[spmem:s11] =	stream.linear.scatter [tilespmem:s26], [sflag:$0x5], $0x2EE0, $0x38;
	[tilespmem:$0x1BD50] =	vst v63  }
0x10c: {  	_ =	swait.ge [sflag:s28], $0x2EE0  }
0x10d: {  	s6 =	simm.s32 @!p0 $0x1;
	s9 =	simm.s32 @!p0 $0x2;
	[sflag:s28] =	ssyncset.done $0x0  }
0x10e: {  	s10 =	simm.s32 @!p0 $0x10;
	s11 =	rddreg [dreg:$0xc];
	[sflag:s28] =	ssyncadd.s32 $0xFFFFD120  }
0x10f: {  	[spmem:s22@s9], [sflag:s23] =	dma.strided @!p0 [hbm:s11@s10], $0x4E20, s6, $0x2   }
0x110: {  	s6 =	simm.s32 @!p0 $0x5  }
0x111: {  	_ =	swait.ge @!p0 [sflag:s6], $0x4E20  }
0x112: {  	[sflag:s6] =	ssyncset.done @!p0 $0x0  }
0x113: {  	s20 =	simm.s32 $0x0;
	[sflag:s6] =	ssyncadd.s32 @!p0 $0xFFFFB1E0  }
0x114: {  	[tilespmem:s20], [sflag:$0x1] =	stream.strided.gather [hbm4b:s12+s24], $0x640, s25, s24, $0x38;
	[tilespmem:$0x1BD50] =	vst v63  }
0x115: {  	[bflag:$0x0] =	sbarrier.arrive $0xFFFF  }
0x116: {  	_ =	swait.ge [sflag:s29], $0x640  }
0x117: {  	[sflag:s29] =	ssyncset.done $0x0  }
0x118: {  	s9 =	simm.s32 $0x0;
	[sflag:s29] =	ssyncadd.s32 $0xFFFFF9C0  }
0x119: {  	v1 =	vld [tilespmem:s9+$0x320]  }
0x11a: {  	s10 =	simm.s32 $0x40;
	v2 =	vld [tilespmem:s9+$0x0]  }
.LBB2_20:
0x11b: {  	p1 =	sne.s32 s10, $0xC40  }
.Ltmp9:
0x11c: {  	_ = 	snop;
	(pc) =	sbr.rel @p1 .LBB2_20-.Ltmp9, $4  }
0x11d: {  	_ = 	snop  }
0x11e: {  	s6 =	sshra.s32 s10, $0x2;
	s10 =	sadd.s32 $0x40, s10;
	[tilespmem:s9+$0xFA0] =	vst v1  }
0x11f: {  	v1 =	vld [tilespmem:s6+$0x320];
	[tilespmem:s9+$0xC80] =	vst v2;
	s9 =	smov.u32 s6  }
0x120: {  	v2 =	vld [tilespmem:s9+$0x0]  }
0x121: {  	_ =	sdelay $0x2  }
0x122: {  	[tilespmem:s9+$0xFA0] =	vst v1  }
0x123: {  	s6 =	simm.s32 $0x640;
	[tilespmem:s9+$0xC80] =	vst v2  }
0x124: {  	[tilespmem:s6], [sflag:$0x2] =	stream.strided.gather [hbm4b:s13+s24], $0x640, s25, s24, $0x38;
	[tilespmem:$0x1BD50] =	vst v63  }
0x125: {  	s20 =	simm.s32 $0x0  }
0x126: {  	[tilespmem:s0], [sflag:$0x3] =	stream.indirect.gather [spmem:s1], $0x10, s31, s24, $0xb8;
	[tilespmem:$0x1BD50] =	vst v63  }
.LBB2_22:
0x127: {  	_ =	swait.ge [sflag:s3], $0x640  }
0x128: {  	[sflag:s3] =	ssyncset.done $0x0  }
0x129: {  	s10 =	simm.s32 $0x0;
	[sflag:s3] =	ssyncadd.s32 $0xFFFFF9C0  }
0x12a: {  	v1 =	vld [tilespmem:s10+$0x960]  }
0x12b: {  	s9 =	simm.s32 $0x40;
	v2 =	vld [tilespmem:s10+$0x640]  }
.LBB2_23:
0x12c: {  	p1 =	sne.s32 s9, $0xC40  }
.Ltmp10:
0x12d: {  	_ = 	snop;
	(pc) =	sbr.rel @p1 .LBB2_23-.Ltmp10, $4  }
0x12e: {  	_ = 	snop  }
0x12f: {  	s6 =	sshra.s32 s9, $0x2;
	s9 =	sadd.s32 $0x40, s9;
	[tilespmem:s10+$0x15E0] =	vst v1  }
0x130: {  	v1 =	vld [tilespmem:s6+$0x960];
	[tilespmem:s10+$0x12C0] =	vst v2;
	s10 =	smov.u32 s6  }
0x131: {  	v2 =	vld [tilespmem:s10+$0x640]  }
0x132: {  	s9 =	smul.u32 $0x640, s20;
	_ =	sdelay $0x1  }
0x133: {  	s6 =	sadd.s32 s9, s14  }
0x134: {  	[tilespmem:s10+$0x15E0] =	vst v1;
	s6 =	sshrl.u32 s6, $0x3  }
0x135: {  	s11 =	simm.s32 $0x0;
	[tilespmem:s10+$0x12C0] =	vst v2;
	s6 =	sadd.s32 s5, s6  }
0x136: {  	[tilespmem:s11], [sflag:$0x1] =	stream.strided.gather [hbm4b:s6+s24], $0x640, s25, s24, $0x38;
	[tilespmem:$0x1BD50] =	vst v63  }
0x137: {  	_ =	swait.ge [sflag:s4], $0x3200  }
0x138: {  	[sflag:s4] =	ssyncset.done $0x0  }
0x139: {  	[sflag:s4] =	ssyncadd.s32 $0xFFFFCE00  }
0x13a: {  	[tilespmem:s16], [sflag:$0x4] =	stream.indirect.gather [spmem:s1], $0x10, s7, s24, $0xb8;
	[tilespmem:$0x1BD50] =	vst v63  }
0x13b: {  	_ = 	snop  }
0x13c: {  	[spmem:s2] =	stream.indirect.scatter.add.f32 [tilespmem:s0], [sflag:$0x5], $0x10, s17, s24, $0xb8;
	[tilespmem:$0x1BD50] =	vst v63  }
0x13d: {  	_ =	swait.ge [sflag:s28], $0x3200  }
0x13e: {  	[sflag:s28] =	ssyncset.done $0x0  }
0x13f: {  	[sflag:s28] =	ssyncadd.s32 $0xFFFFCE00  }
0x140: {  	_ =	swait.ge [sflag:s29], $0x640  }
0x141: {  	[sflag:s29] =	ssyncset.done $0x0  }
0x142: {  	s10 =	simm.s32 $0x0;
	[sflag:s29] =	ssyncadd.s32 $0xFFFFF9C0  }
0x143: {  	v1 =	vld [tilespmem:s10+$0x320]  }
0x144: {  	s11 =	simm.s32 $0x40;
	v2 =	vld [tilespmem:s10+$0x0]  }
.LBB2_25:
0x145: {  	p1 =	sne.s32 s11, $0xC40  }
.Ltmp11:
0x146: {  	_ = 	snop;
	(pc) =	sbr.rel @p1 .LBB2_25-.Ltmp11, $4  }
0x147: {  	_ = 	snop  }
0x148: {  	s6 =	sshra.s32 s11, $0x2;
	s11 =	sadd.s32 $0x40, s11;
	[tilespmem:s10+$0xFA0] =	vst v1  }
0x149: {  	v1 =	vld [tilespmem:s6+$0x320];
	[tilespmem:s10+$0xC80] =	vst v2;
	s10 =	smov.u32 s6  }
0x14a: {  	v2 =	vld [tilespmem:s10+$0x0]  }
0x14b: {  	_ = 	snop  }
0x14c: {  	p1 =	seq.s32 s20, $0xB  }
0x14d: {  	s6 =	sadd.s32 @!p1 s9, s15  }
0x14e: {  	s9 =	simm.s32 @!p1 $0x320;
	s6 =	sshrl.u32 @!p1 s6, $0x3;
	[tilespmem:s10+$0xFA0] =	vst v1  }
0x14f: {  	s11 =	simm.s32 @!p1 $0x640;
	s6 =	sadd.s32 @!p1 s5, s6;
	[tilespmem:s10+$0xC80] =	vst v2;
	s10 =	simm.s32 @!p1 $0x4E200  }
0x150: {  	[tilespmem:s11], [sflag:$0x2] =	stream.strided.gather @!p1 [hbm4b:s6+s9], $0x640, s10, s9, $0x38;
	[tilespmem:$0x1BD50] =	vst v63  }
0x151: {  	_ =	swait.ge [sflag:s18], $0x3200  }
0x152: {  	s20 =	sadd.s32 $0x1, s20;
	[sflag:s18] =	ssyncset.done $0x0  }
0x153: {  	p1 =	sne.s32 s20, $0xC;
	[sflag:s18] =	ssyncadd.s32 $0xFFFFCE00  }
0x154: {  	[tilespmem:s0], [sflag:$0x3] =	stream.indirect.gather [spmem:s1], $0x10, s31, s24, $0xb8;
	[tilespmem:$0x1BD50] =	vst v63  }
.Ltmp12:
0x155: {  	_ = 	snop;
	(pc) =	sbr.rel @p1 .LBB2_22-.Ltmp12, $4  }
0x156: {  	[spmem:s2] =	stream.indirect.scatter.add.f32 [tilespmem:s16], [sflag:$0x5], $0x10, s19, s24, $0xb8;
	[tilespmem:$0x1BD50] =	vst v63  }
0x157: {  	_ =	swait.ge [sflag:s28], $0x3200  }
0x158: {  	[sflag:s28] =	ssyncset.done $0x0  }
0x159: {  	[sflag:s28] =	ssyncadd.s32 $0xFFFFCE00  }
0x15a: {  	_ =	swait.ge [sflag:s4], $0x3200  }
0x15b: {  	[sflag:s4] =	ssyncset.done $0x0  }
0x15c: {  	[sflag:s4] =	ssyncadd.s32 $0xFFFFCE00  }
0x15d: {  	[spmem:s2] =	stream.indirect.scatter.add.f32 [tilespmem:s0], [sflag:$0x5], $0x10, s17, s24, $0xb8;
	[tilespmem:$0x1BD50] =	vst v63  }
0x15e: {  	_ =	swait.ge [sflag:s28], $0x3200  }
0x15f: {  	[sflag:s28] =	ssyncset.done $0x0  }
0x160: {  	[sflag:s28] =	ssyncadd.s32 $0xFFFFCE00  }
0x161: {  	[bflag:$0x0] =	sbarrier.arrive $0xFFFF  }
0x162: {  	s9 =	simm.s32 $0x10;
	s6 =	rddreg [dreg:$0xd]  }
0x163: {  	[hbm:s6@s9], [sflag:s23] =	dma.strided [spmem:s30@s3], $0x1D4C, s29, $0x2   }
0x164: {  	_ =	swait.ge [sflag:s28], $0x1D4C  }
0x165: {  	[sflag:s28] =	ssyncset.done $0x0  }
0x166: {  	[sflag:s28] =	ssyncadd.s32 $0xFFFFE2B4  }
0x167: {  	[spmem:s8] =	stream.linear.scatter [tilespmem:s26], [sflag:$0x5], $0x2EE0, $0x38;
	[tilespmem:$0x1BD50] =	vst v63  }
0x168: {  	_ =	swait.ge [sflag:s28], $0x2EE0  }
0x169: {  	[sflag:s28] =	ssyncset.done $0x0  }
0x16a: {  	s9 =	rddreg [dreg:$0x5];
	[sflag:s28] =	ssyncadd.s32 $0xFFFFD120  }
0x16b: {  	[spmem:s9] =	stream.linear.scatter [tilespmem:s26], [sflag:$0x5], $0x2EE0, $0x38;
	[tilespmem:$0x1BD50] =	vst v63  }
0x16c: {  	_ =	swait.ge [sflag:s28], $0x2EE0  }
0x16d: {  	[sflag:s28] =	ssyncset.done $0x0  }
0x16e: {  	s10 =	rddreg [dreg:$0x6];
	[sflag:s28] =	ssyncadd.s32 $0xFFFFD120  }
0x16f: {  	[spmem:s10] =	stream.linear.scatter [tilespmem:s26], [sflag:$0x5], $0x2EE0, $0x38;
	[tilespmem:$0x1BD50] =	vst v63  }
0x170: {  	_ =	swait.ge [sflag:s28], $0x2EE0  }
0x171: {  	[sflag:s28] =	ssyncset.done $0x0  }
0x172: {  	s11 =	rddreg [dreg:$0x7];
	[sflag:s28] =	ssyncadd.s32 $0xFFFFD120  }
0x173: {  	[spmem:s11] =	stream.linear.scatter [tilespmem:s26], [sflag:$0x5], $0x2EE0, $0x38;
	[tilespmem:$0x1BD50] =	vst v63  }
0x174: {  	_ =	swait.ge [sflag:s28], $0x2EE0  }
0x175: {  	[sflag:s28] =	ssyncset.done $0x0  }
0x176: {  	s20 =	rddreg [dreg:$0x8];
	[sflag:s28] =	ssyncadd.s32 $0xFFFFD120  }
0x177: {  	[spmem:s20] =	stream.linear.scatter [tilespmem:s26], [sflag:$0x5], $0x2EE0, $0x38;
	[tilespmem:$0x1BD50] =	vst v63  }
0x178: {  	_ =	swait.ge [sflag:s28], $0x2EE0  }
0x179: {  	s6 =	simm.s32 @!p0 $0x1;
	s9 =	simm.s32 @!p0 $0x2;
	[sflag:s28] =	ssyncset.done $0x0  }
0x17a: {  	s10 =	simm.s32 @!p0 $0x10;
	s11 =	rddreg [dreg:$0xe];
	[sflag:s28] =	ssyncadd.s32 $0xFFFFD120  }
0x17b: {  	[spmem:s22@s9], [sflag:s23] =	dma.strided @!p0 [hbm:s11@s10], $0x4E20, s6, $0x2   }
0x17c: {  	s6 =	simm.s32 @!p0 $0x5  }
0x17d: {  	_ =	swait.ge @!p0 [sflag:s6], $0x4E20  }
0x17e: {  	[sflag:s6] =	ssyncset.done @!p0 $0x0  }
0x17f: {  	s22 =	simm.s32 $0x0;
	[sflag:s6] =	ssyncadd.s32 @!p0 $0xFFFFB1E0  }
0x180: {  	[tilespmem:s22], [sflag:$0x1] =	stream.strided.gather [hbm4b:s12+s24], $0x640, s25, s24, $0x38;
	[tilespmem:$0x1BD50] =	vst v63  }
0x181: {  	[bflag:$0x0] =	sbarrier.arrive $0xFFFF  }
0x182: {  	_ =	swait.ge [sflag:s29], $0x640  }
0x183: {  	[sflag:s29] =	ssyncset.done $0x0  }
0x184: {  	s9 =	simm.s32 $0x0;
	[sflag:s29] =	ssyncadd.s32 $0xFFFFF9C0  }
0x185: {  	v1 =	vld [tilespmem:s9+$0x320]  }
0x186: {  	s10 =	simm.s32 $0x40;
	v2 =	vld [tilespmem:s9+$0x0]  }
.LBB2_28:
0x187: {  	p1 =	sne.s32 s10, $0xC40  }
.Ltmp13:
0x188: {  	_ = 	snop;
	(pc) =	sbr.rel @p1 .LBB2_28-.Ltmp13, $4  }
0x189: {  	_ = 	snop  }
0x18a: {  	s6 =	sshra.s32 s10, $0x2;
	s10 =	sadd.s32 $0x40, s10;
	[tilespmem:s9+$0xFA0] =	vst v1  }
0x18b: {  	v1 =	vld [tilespmem:s6+$0x320];
	[tilespmem:s9+$0xC80] =	vst v2;
	s9 =	smov.u32 s6  }
0x18c: {  	v2 =	vld [tilespmem:s9+$0x0]  }
0x18d: {  	_ =	sdelay $0x2  }
0x18e: {  	[tilespmem:s9+$0xFA0] =	vst v1  }
0x18f: {  	s6 =	simm.s32 $0x640;
	[tilespmem:s9+$0xC80] =	vst v2  }
0x190: {  	[tilespmem:s6], [sflag:$0x2] =	stream.strided.gather [hbm4b:s13+s24], $0x640, s25, s24, $0x38;
	[tilespmem:$0x1BD50] =	vst v63  }
0x191: {  	s20 =	simm.s32 $0x0  }
0x192: {  	[tilespmem:s0], [sflag:$0x3] =	stream.indirect.gather [spmem:s1], $0x10, s31, s24, $0xb8;
	[tilespmem:$0x1BD50] =	vst v63  }
.LBB2_30:
0x193: {  	_ =	swait.ge [sflag:s3], $0x640  }
0x194: {  	[sflag:s3] =	ssyncset.done $0x0  }
0x195: {  	s10 =	simm.s32 $0x0;
	[sflag:s3] =	ssyncadd.s32 $0xFFFFF9C0  }
0x196: {  	v1 =	vld [tilespmem:s10+$0x960]  }
0x197: {  	s9 =	simm.s32 $0x40;
	v2 =	vld [tilespmem:s10+$0x640]  }
.LBB2_31:
0x198: {  	p1 =	sne.s32 s9, $0xC40  }
.Ltmp14:
0x199: {  	_ = 	snop;
	(pc) =	sbr.rel @p1 .LBB2_31-.Ltmp14, $4  }
0x19a: {  	_ = 	snop  }
0x19b: {  	s6 =	sshra.s32 s9, $0x2;
	s9 =	sadd.s32 $0x40, s9;
	[tilespmem:s10+$0x15E0] =	vst v1  }
0x19c: {  	v1 =	vld [tilespmem:s6+$0x960];
	[tilespmem:s10+$0x12C0] =	vst v2;
	s10 =	smov.u32 s6  }
0x19d: {  	v2 =	vld [tilespmem:s10+$0x640]  }
0x19e: {  	s9 =	smul.u32 $0x640, s20;
	_ =	sdelay $0x1  }
0x19f: {  	s6 =	sadd.s32 s9, s14  }
0x1a0: {  	[tilespmem:s10+$0x15E0] =	vst v1;
	s6 =	sshrl.u32 s6, $0x3  }
0x1a1: {  	s22 =	simm.s32 $0x0;
	[tilespmem:s10+$0x12C0] =	vst v2;
	s6 =	sadd.s32 s5, s6  }
0x1a2: {  	[tilespmem:s22], [sflag:$0x1] =	stream.strided.gather [hbm4b:s6+s24], $0x640, s25, s24, $0x38;
	[tilespmem:$0x1BD50] =	vst v63  }
0x1a3: {  	_ =	swait.ge [sflag:s4], $0x3200  }
0x1a4: {  	[sflag:s4] =	ssyncset.done $0x0  }
0x1a5: {  	[sflag:s4] =	ssyncadd.s32 $0xFFFFCE00  }
0x1a6: {  	[tilespmem:s16], [sflag:$0x4] =	stream.indirect.gather [spmem:s1], $0x10, s7, s24, $0xb8;
	[tilespmem:$0x1BD50] =	vst v63  }
0x1a7: {  	_ = 	snop  }
0x1a8: {  	[spmem:s2] =	stream.indirect.scatter.add.f32 [tilespmem:s0], [sflag:$0x5], $0x10, s17, s24, $0xb8;
	[tilespmem:$0x1BD50] =	vst v63  }
0x1a9: {  	_ =	swait.ge [sflag:s28], $0x3200  }
0x1aa: {  	[sflag:s28] =	ssyncset.done $0x0  }
0x1ab: {  	[sflag:s28] =	ssyncadd.s32 $0xFFFFCE00  }
0x1ac: {  	_ =	swait.ge [sflag:s29], $0x640  }
0x1ad: {  	[sflag:s29] =	ssyncset.done $0x0  }
0x1ae: {  	s10 =	simm.s32 $0x0;
	[sflag:s29] =	ssyncadd.s32 $0xFFFFF9C0  }
0x1af: {  	v1 =	vld [tilespmem:s10+$0x320]  }
0x1b0: {  	s11 =	simm.s32 $0x40;
	v2 =	vld [tilespmem:s10+$0x0]  }
.LBB2_33:
0x1b1: {  	p1 =	sne.s32 s11, $0xC40  }
.Ltmp15:
0x1b2: {  	_ = 	snop;
	(pc) =	sbr.rel @p1 .LBB2_33-.Ltmp15, $4  }
0x1b3: {  	_ = 	snop  }
0x1b4: {  	s6 =	sshra.s32 s11, $0x2;
	s11 =	sadd.s32 $0x40, s11;
	[tilespmem:s10+$0xFA0] =	vst v1  }
0x1b5: {  	v1 =	vld [tilespmem:s6+$0x320];
	[tilespmem:s10+$0xC80] =	vst v2;
	s10 =	smov.u32 s6  }
0x1b6: {  	v2 =	vld [tilespmem:s10+$0x0]  }
0x1b7: {  	_ = 	snop  }
0x1b8: {  	p1 =	seq.s32 s20, $0xB  }
0x1b9: {  	s6 =	sadd.s32 @!p1 s9, s15  }
0x1ba: {  	s9 =	simm.s32 @!p1 $0x320;
	s6 =	sshrl.u32 @!p1 s6, $0x3;
	[tilespmem:s10+$0xFA0] =	vst v1  }
0x1bb: {  	s11 =	simm.s32 @!p1 $0x640;
	s6 =	sadd.s32 @!p1 s5, s6;
	[tilespmem:s10+$0xC80] =	vst v2;
	s10 =	simm.s32 @!p1 $0x4E200  }
0x1bc: {  	[tilespmem:s11], [sflag:$0x2] =	stream.strided.gather @!p1 [hbm4b:s6+s9], $0x640, s10, s9, $0x38;
	[tilespmem:$0x1BD50] =	vst v63  }
0x1bd: {  	_ =	swait.ge [sflag:s18], $0x3200  }
0x1be: {  	s20 =	sadd.s32 $0x1, s20;
	[sflag:s18] =	ssyncset.done $0x0  }
0x1bf: {  	p1 =	sne.s32 s20, $0xC;
	[sflag:s18] =	ssyncadd.s32 $0xFFFFCE00  }
0x1c0: {  	[tilespmem:s0], [sflag:$0x3] =	stream.indirect.gather [spmem:s1], $0x10, s31, s24, $0xb8;
	[tilespmem:$0x1BD50] =	vst v63  }
.Ltmp16:
0x1c1: {  	_ = 	snop;
	(pc) =	sbr.rel @p1 .LBB2_30-.Ltmp16, $4  }
0x1c2: {  	[spmem:s2] =	stream.indirect.scatter.add.f32 [tilespmem:s16], [sflag:$0x5], $0x10, s19, s24, $0xb8;
	[tilespmem:$0x1BD50] =	vst v63  }
0x1c3: {  	_ =	swait.ge [sflag:s28], $0x3200  }
0x1c4: {  	[sflag:s28] =	ssyncset.done $0x0  }
0x1c5: {  	[sflag:s28] =	ssyncadd.s32 $0xFFFFCE00  }
0x1c6: {  	_ =	swait.ge [sflag:s4], $0x3200  }
0x1c7: {  	[sflag:s4] =	ssyncset.done $0x0  }
0x1c8: {  	[sflag:s4] =	ssyncadd.s32 $0xFFFFCE00  }
0x1c9: {  	[spmem:s2] =	stream.indirect.scatter.add.f32 [tilespmem:s0], [sflag:$0x5], $0x10, s17, s24, $0xb8;
	[tilespmem:$0x1BD50] =	vst v63  }
0x1ca: {  	_ =	swait.ge [sflag:s28], $0x3200  }
0x1cb: {  	[sflag:s28] =	ssyncset.done $0x0  }
0x1cc: {  	[sflag:s28] =	ssyncadd.s32 $0xFFFFCE00  }
0x1cd: {  	[bflag:$0x0] =	sbarrier.arrive $0xFFFF  }
0x1ce: {  	s9 =	simm.s32 $0x10;
	s6 =	rddreg [dreg:$0xf]  }
0x1cf: {  	[hbm:s6@s9], [sflag:s23] =	dma.strided [spmem:s30@s3], $0x1D4C, s29, $0x2   }
0x1d0: {  	_ =	swait.ge [sflag:s28], $0x1D4C  }
0x1d1: {  	s21 =	sadd.s32 $0x1, s21;
	s30 =	rddreg [dreg:$0x10]  }
0x1d2: {  	p1 =	sne.s32 s21, s30  }
.Ltmp17:
0x1d3: {  	_ = 	snop;
	(pc) =	sbr.rel @p1 .LBB2_1-.Ltmp17, $3  }
0x1d4: {  	_ =	sdelay $0x1  }
0x1d5: {  	[sflag:s28] =	ssyncset.done $0x0  }
0x1d6: {  	[sflag:s28] =	ssyncadd.s32 $0xFFFFE2B4  }
0x1d7: {  	_ =	sfence.sel $0x180000  }
0x1d8: {  	[bflag:$0x0] =	sbarrier.arrive $0xFFFF  }
0x1d9: {  	_ =	strace $0x9000004D  }
0x1da: {  	[bflag:$0x2] =	sbarrier.arrive $0xFFFF  }
0x1db: {  	s0 =	rddreg [dreg:$0x3]  }
0x1dc: {  	s0 =	sadd.s32 @!p0 $0x100000, s0  }
0x1dd: {  	[sflag:s0] =	ssyncadd.tile.s32 @!p0 $0x1;
	_ =	shalt  }
.Lfunc_end2:
_tile_overlayer_lowered:
.L_overlay_start_2:
0x1de: {  	(tag) =	ssettag $0x2  }
0x1df: {  	s0 =	rddreg [dreg:$0x0];
	s2 =	stileid.u32  }
0x1e0: {  	s1 =	rddreg [dreg:$0x1];
	p0 =	sne.s32 s2, $0x0  }
0x1e1: {  	s3 =	rddreg [dreg:$0x2];
	[bflag:$0x3] =	sbarrier.arrive $0xFFFF;
	s2 =	simm.s32 @!p0 $0x1C05  }
0x1e2: {  	[timem:s3], [sflag:s2] =	dma.local @!p0 [hbm:s0], s1  }
0x1e3: {  	s0 =	simm.s32 @!p0 $0x5  }
0x1e4: {  	_ =	swait.ge @!p0 [sflag:s0], s1  }
0x1e5: {  	s1 =	ssub.s32 @!p0 $0x0, s1;
	[sflag:s0] =	ssyncset.done @!p0 $0x0  }
0x1e6: {  	[sflag:s0] =	ssyncadd.s32 @!p0 s1  }
0x1e7: {  	[bflag:$0x3] =	sbarrier.arrive $0xFFFF  }
0x1e8: {  	_ =	shalt  }

// kernel: kernel.7.cloned.1.call-start
scs
__scs_entry_jumppad:
0x0: {  	(pc) =	sbr.rel $0x88, $3  }
0x1: {  	(tag) =	ssettag $0x0;
	lr =	simm.s32 $0x1  }
0x2: {  	[smem:$0x3F97] =	sst lr;
	_ =	strace $0xD0000000  }
0x3: {  	_ = 	snop  }
0x4: {  	_ = 	snop  }
0x5: {  	_ = 	snop  }
0x6: {  	_ = 	snop  }
0x7: {  	_ = 	snop  }
__scs_overlays_trampoline_lowered:
0x8: {  	[smem:$0x3FA6] =	sst s0  }
0x9: {  	[smem:$0x3FA7] =	sst s1  }
0xa: {  	[smem:$0x3FA8] =	sst s2  }
0xb: {  	[smem:$0x3FA9] =	sst s3  }
0xc: {  	[smem:$0x3FAA] =	sst s4  }
0xd: {  	[smem:$0x3FAB] =	sst s5  }
0xe: {  	[smem:$0x3FAC] =	sst s6  }
0xf: {  	[smem:$0x3FAD] =	sst s7  }
0x10: {  	[smem:$0x3FAE] =	sst s8  }
0x11: {  	[smem:$0x3FAF] =	sst s9;
	s0 =	simm.s32 @!p0 $0x0  }
0x12: {  	s1 =	sld [smem:$0x3F95];
	s0 =	simm.s32 @p0 $0x1  }
0x13: {  	[smem:$0x3FB0] =	sst s0;
	s0 =	simm.s32 @!p1 $0x0  }
0x14: {  	s2 =	sld [smem:$0x3F94];
	s0 =	simm.s32 @p1 $0x1  }
0x15: {  	[smem:$0x3FB1] =	sst s0;
	s0 =	simm.s32 @!p2 $0x0  }
0x16: {  	s3 =	sld [smem:$0x3FDB];
	s0 =	simm.s32 @p2 $0x1  }
0x17: {  	s4 =	simm.s32 $0x1BF5;
	[smem:$0x3FB3] =	sst s0  }
0x18: {  	s0 =	sld [smem:$0x3F96];
	_ =	swait.ge [sflag:s4], $0x0  }
0x19: {  	s7 =	sld [smem:$0x3F97]  }
0x1a: {  	s8 =	sadd.s32 $0xFFFFE003, lr  }
0x1b: {  	s9 =	sadd.s32 $0xFFFFFEF7, lr;
	s5 =	simm.s32 $0xFFFFFFFF;
	p2 =	slt.u32 s8, $0xFFFFF086  }
0x1c: {  	p1 =	slt.u32 s9, $0xF7A;
	s5 =	simm.s32 @!p2 $0x0  }
0x1d: {  	s5 =	simm.s32 @p1 $0x1;
	p0 =	seq.s32 s7, s2  }
0x1e: {  	s7 =	smul.u32 @!p0 $0xF7A, s2;
	p2 =	seq.s32 @!p0 s5, $0x0  }
0x1f: {  	s9 =	smul.u32 $0xF7A, s1;
	s8 =	simm.s32 @!p0 $0x1BF5;
	p2 =	por !p2, p0  }
0x20: {  	[sflag:s8] =	ssyncset.s32 @!p0 $0xFFFFF086;
	s6 =	sadd.s32 @!p0 s3, s7;
	s7 =	simm.s32 @!p0 $0x108  }
0x21: {  	s3 =	sadd.s32 s3, s9;
	s6 =	sadd.s32 @!p0 $0x88, s6;
	s7 =	simm.s32 @p2 $0x1082  }
0x22: {  	[simem:s7], [sflag:s8] =	dma.local @!p0 [hbm:s6], $0xF7A  }
0x23: {  	s9 =	sor.u32 $0xD0000000, s2;
	s6 =	simm.s32 $0x108;
	_ =	swait.ge @!p0 [sflag:s8], $0x0  }
0x24: {  	s3 =	sadd.s32 $0x88, s3;
	s6 =	simm.s32 @!p1 $0x1082;
	[sflag:s4] =	ssyncset.s32 $0xFFFFF086  }
0x25: {  	[simem:s6], [sflag:s4] =	dma.local [hbm:s3], $0xF7A  }
0x26: {  	[smem:$0x3F97] =	sst s1;
	(tag) =	ssettag s2;
	_ =	strace s9  }
0x27: {  	s1 =	sld [smem:$0x3FA7]  }
0x28: {  	s2 =	sld [smem:$0x3FA8]  }
0x29: {  	s4 =	sld [smem:$0x3FAA]  }
0x2a: {  	p0 =	seq.s32 s5, $0x0;
	s5 =	sld [smem:$0x3FAB]  }
0x2b: {  	s6 =	sld [smem:$0x3FAC]  }
0x2c: {  	s7 =	sld [smem:$0x3FAD]  }
0x2d: {  	s3 =	simm.s32 $0x108;
	s8 =	sld [smem:$0x3FAE]  }
0x2e: {  	s3 =	simm.s32 @!p0 $0x1082;
	s9 =	sld [smem:$0x3FAF]  }
0x2f: {  	lr =	sadd.s32 s0, s3;
	s0 =	sld [smem:$0x3FA6]  }
0x30: {  	s3 =	sld [smem:$0x3FA9]  }
0x31: {  	[smem:$0x3FB2] =	sst s10  }
0x32: {  	s10 =	sld [smem:$0x3FB0];
	_ =	sdelay $0x3  }
0x33: {  	p0 =	seq.s32 s10, $0x1;
	s10 =	sld [smem:$0x3FB2];
	_ =	sdelay $0x3  }
0x34: {  	[smem:$0x3FB2] =	sst s10  }
0x35: {  	s10 =	sld [smem:$0x3FB1];
	_ =	sdelay $0x3  }
0x36: {  	p1 =	seq.s32 s10, $0x1;
	s10 =	sld [smem:$0x3FB2];
	_ =	sdelay $0x3  }
0x37: {  	[smem:$0x3FB2] =	sst s10  }
0x38: {  	s10 =	sld [smem:$0x3FB3]  }
0x39: {  	_ = 	snop;
	(pc) =	sbr.ind lr, $3  }
0x3a: {  	_ = 	snop  }
0x3b: {  	_ = 	snop  }
0x3c: {  	p2 =	seq.s32 s10, $0x1;
	s10 =	sld [smem:$0x3FB2]  }
0x3d: {  	_ =	shalt  }
0x3e: {  	_ =	shalt  }
0x3f: {  	_ =	shalt  }
0x40: {  	_ =	shalt  }
0x41: {  	_ =	shalt  }
0x42: {  	_ =	shalt  }
0x43: {  	_ =	shalt  }
0x44: {  	_ =	shalt  }
0x45: {  	_ =	shalt  }
0x46: {  	_ =	shalt  }
0x47: {  	_ =	shalt  }
0x48: {  	_ =	shalt  }
0x49: {  	_ =	shalt  }
0x4a: {  	_ =	shalt  }
0x4b: {  	_ =	shalt  }
0x4c: {  	_ =	shalt  }
0x4d: {  	_ =	shalt  }
0x4e: {  	_ =	shalt  }
0x4f: {  	_ =	shalt  }
0x50: {  	_ =	shalt  }
0x51: {  	_ =	shalt  }
0x52: {  	_ =	shalt  }
0x53: {  	_ =	shalt  }
0x54: {  	_ =	shalt  }
0x55: {  	_ =	shalt  }
0x56: {  	_ =	shalt  }
0x57: {  	_ =	shalt  }
0x58: {  	_ =	shalt  }
0x59: {  	_ =	shalt  }
0x5a: {  	_ =	shalt  }
0x5b: {  	_ =	shalt  }
0x5c: {  	_ =	shalt  }
0x5d: {  	_ =	shalt  }
0x5e: {  	_ =	shalt  }
0x5f: {  	_ =	shalt  }
0x60: {  	_ =	shalt  }
0x61: {  	_ =	shalt  }
0x62: {  	_ =	shalt  }
0x63: {  	_ =	shalt  }
0x64: {  	_ =	shalt  }
0x65: {  	_ =	shalt  }
0x66: {  	_ =	shalt  }
0x67: {  	_ =	shalt  }
0x68: {  	_ =	shalt  }
0x69: {  	_ =	shalt  }
0x6a: {  	_ =	shalt  }
0x6b: {  	_ =	shalt  }
0x6c: {  	_ =	shalt  }
0x6d: {  	_ =	shalt  }
0x6e: {  	_ =	shalt  }
0x6f: {  	_ =	shalt  }
0x70: {  	_ =	shalt  }
0x71: {  	_ =	shalt  }
0x72: {  	_ =	shalt  }
0x73: {  	_ =	shalt  }
0x74: {  	_ =	shalt  }
0x75: {  	_ =	shalt  }
0x76: {  	_ =	shalt  }
0x77: {  	_ =	shalt  }
0x78: {  	_ =	shalt  }
0x79: {  	_ =	shalt  }
0x7a: {  	_ =	shalt  }
0x7b: {  	_ =	shalt  }
0x7c: {  	_ =	shalt  }
0x7d: {  	_ =	shalt  }
0x7e: {  	_ =	shalt  }
0x7f: {  	_ =	shalt  }
0x80: {  	_ =	shalt  }
0x81: {  	_ =	shalt  }
0x82: {  	_ =	shalt  }
0x83: {  	_ =	shalt  }
0x84: {  	_ =	shalt  }
0x85: {  	_ =	shalt  }
0x86: {  	_ =	shalt  }
0x87: {  	_ =	shalt  }
.Lfunc_end0:
.L_simem_size_0:
called_computation_lowered:
.L_overlay_start_0:
0x88: {  	s2 =	sld [smem:$0x3FD9]  }
0x89: {  	s3 =	sld [smem:$0x3FFE];
	_ =	sdelay $0x1  }
0x8a: {  	s1 =	srdreg.scid  }
0x8b: {  	s0 =	sand.u32 $0x1, s1  }
0x8c: {  	s16 =	sshll.u32 s0, $0xA;
	s2 =	sadd.s32 s3, s2  }
0x8d: {  	s2 =	sadd.s32 s2, s16  }
0x8e: {  	[smem:$0x3FBE] =	sst s2  }
0x8f: {  	_ = 	snop  }
0x90: {  	(tm) =	ssettm $0x1  }
0x91: {  	s17 =	sld [smem:$0x3FFB];
	_ =	sdelay $0x3  }
0x92: {  	_ =	strace s17  }
0x93: {  	s2 =	sld [smem:$0x3FFC];
	_ =	sdelay $0x3  }
0x94: {  	_ =	strace s2  }
0x95: {  	s2 =	sld [smem:$0x3FFD];
	_ =	sdelay $0x3  }
0x96: {  	_ =	strace s2  }
0x97: {  	_ =	strace $0x8FFFFFFF  }
0x98: {  	s18 =	sld [smem:$0x3FDB];
	_ =	sdelay $0x1  }
0x99: {  	s19 =	simm.s32 $_scs_section_size  }
0x9a: {  	s4 =	simm.s32 $_size__tile_overlayer_lowered;
	s5 =	simm.s32 $_tile_overlayer_lowered  }
0x9b: {  	s22 =	simm.s32 $0x1BFF;
	s21 =	sshll.u32 s5, $0x1;
	s2 =	sadd.s32 s19, s18  }
0x9c: {  	s6 =	simm.s32 $0x0;
	s20 =	sshll.u32 s4, $0x1;
	s4 =	sadd.s32 s21, s2  }
0x9d: {  	[timem:s6], [sflag:s22] =	dma.local [hbm:s4], s20  }
0x9e: {  	_ =	swait.ge [sflag:s22], s20  }
0x9f: {  	s3 =	ssub.s32 $0x0, s20;
	[sflag:s22] =	ssyncset.done $0x0  }
0xa0: {  	[sflag:s22] =	ssyncadd.s32 s3;
	_ =	sdelay $0x1  }
0xa1: {  	s23 =	simm.s32 $0x1B8B  }
0xa2: {  	_ =	swait.ge [sflag:s23], $0x1  }
0xa3: {  	[sflag:s23] =	ssyncset.done $0x0  }
0xa4: {  	s25 =	simm.s32 $0x1B8E;
	s24 =	sld [smem:$0x3FFE];
	[sflag:s23] =	ssyncadd.s32 $0xFFFFFFFF  }
0xa5: {  	s26 =	simm.s32 $execute0_lowered;
	[smem:$0x3FD2] =	sst s25  }
0xa6: {  	s4 =	sshll.u32 s26, $0x1;
	_ =	strace $0x80000046;
	[dreg:$0x1] =	wrdreg $0xFFFFFFFF  }
0xa7: {  	s28 =	simm.s32 $_size_execute0_lowered;
	s2 =	sadd.s32 s2, s4;
	[dreg:$0x0] =	wrdreg $0x0  }
0xa8: {  	s4 =	sshll.u32 s28, $0x1;
	[dreg:$0x2] =	wrdreg s2  }
0xa9: {  	[dreg:$0x3] =	wrdreg s4  }
0xaa: {  	[dreg:$0x4] =	wrdreg $0xC0  }
0xab: {  	_ =	task [dreg:s6], $0x5FFFF  }
0xac: {  	[dreg:$0x1] =	wrdreg $0xFFFFFFFF  }
0xad: {  	[dreg:$0x0] =	wrdreg $0x60  }
0xae: {  	[dreg:$0x2] =	wrdreg s24  }
0xaf: {  	[dreg:$0x3] =	wrdreg $0xBB800  }
0xb0: {  	[dreg:$0x4] =	wrdreg $0x9  }
0xb1: {  	_ =	task.clear_ibuf [dreg:s6], $0x5FFFF;
	_ =	strace $0x90000046  }
0xb2: {  	s29 =	simm.s32 $0x9;
	_ =	strace $0x80000048  }
0xb3: {  	_ =	swait.ge [sflag:s29], $0x1  }
0xb4: {  	[sflag:s29] =	ssyncadd.s32 $0xFFFFFFFF  }
0xb5: {  	_ =	strace $0x90000048  }
0xb6: {  	_ =	sfence  }
0xb7: {  	s30 =	sld [smem:$0x0];
	_ =	sdelay $0x2  }
0xb8: {  	s31 =	sshll.u32 s1, $0xD;
	s1 =	sshrl.u32 s1, $0x2  }
0xb9: {  	s3 =	sand.u32 $0x4000, s31;
	s1 =	sadd.s32 s1, s30  }
0xba: {  	s0 =	sor.u32 s3, s0;
	s1 =	sshll.u32 s1, $0x11  }
0xbb: {  	s0 =	sor.u32 s1, s0  }
0xbc: {  	s0 =	sadd.s32 $0x8F2B, s0  }
0xbd: {  	[sflag:s0] =	ssyncadd.remote.s32 $0x1  }
0xbe: {  	_ =	sfence.sel $0xFFFF  }
0xbf: {  	[dreg:$0x0] =	wrdreg $0xFFFFFFFF;
	(pc) =	sbr.abs _section_cstart, $3  }
0xc0: {  	[dreg:$0x1] =	wrdreg $0xFFFFFFFF  }
0xc1: {  	_ =	task.clear_ibuf [dreg:s6], $0x2FFFF;
	_ =	strace $0x9FFFFFFF  }
0xc2: {  	(tm) =	ssettm $0x7FFFFFFF  }
0xc3: {  	_ =	shalt  }
tec
execute0_lowered:
.L_overlay_start_1:
0x0: {  	(tag) =	ssettag $0x1  }
0x1: {  	s15 =	rddreg [dreg:$0x0]  }
0x2: {  	s0 =	srdreg.scid;
	s2 =	rddreg [dreg:$0x1]  }
0x3: {  	s1 =	rddreg [dreg:$0x2];
	s3 =	simm.s32 $0x0;
	s19 =	simm.s32 $0x1  }
0x4: {  	s20 =	simm.s32 $0x7D0;
	s21 =	simm.s32 $0xFA0;
	s16 =	sand.u32 $0x1, s0  }
0x5: {  	s22 =	simm.s32 $0x2;
	s0 =	stileid.u32;
	s4 =	smul.u32 $0x27100, s16  }
0x6: {  	s23 =	simm.s32 $0x0;
	[smem:$0x7FF] =	sst s3;
	s5 =	smul.u32 $0x2710, s0  }
0x7: {  	s31 =	smul.u32 $0x3A980, s0;
	_ =	strace $0x80000047;
	s6 =	ssub.s32 $0x2, s16  }
0x8: {  	p0 =	seq.s32 s0, $0x0;
	p1 =	seq.s32 s16, $0x1;
	s18 =	sor.u32 s16, s0  }
0x9: {  	s7 =	sshrl.u32 s6, $0x1;
	p0 =	por !p0, !p1;
	p1 =	sne.s32 s18, $0x0  }
0xa: {  	s18 =	simm.s32 $0x3;
	s4 =	sadd.s32 s5, s4;
	s5 =	sshrl.u32 s31, $0x2  }
0xb: {  	s17 =	ssub.s32 s6, s7;
	p0 =	por !p0, !p0;
	s4 =	sshrl.u32 s4, $0x3  }
0xc: {  	s5 =	sadd.s32 s5, s2;
	s16 =	smax.u32 s17, $0x1;
	s17 =	simm.s32 $0x8CA0  }
0xd: {  	s14 =	sadd.s32 s4, s15;
	s4 =	sadd.s32 $0x16600, s15;
	s7 =	sadd.s32 $0x2EE0, s5  }
0xe: {  	s8 =	sadd.s32 $0x5DC0, s5;
	s9 =	sadd.s32 $0x8CA0, s5;
	s10 =	sadd.s32 $0xBB80, s5  }
0xf: {  	s15 =	sadd.s32 $0x33AC0, s15;
	s6 =	sadd.s32 $0xC840, s14;
	s11 =	sadd.s32 $0xC93A, s14  }
0x10: {  	v0 =	vimm.f32 $0.0e+00;
	v1 =	vimm.f32 $1.000000000e+00;
	s12 =	sadd.s32 $0xCA34, s14;
	s13 =	sadd.s32 $0xCB2E, s14;
	s14 =	sadd.s32 $0xCC28, s14  }
.LBB2_1:
0x11: {  	[tilespmem:s3], [sflag:$0x1] =	stream.linear.gather [hbm4b:s6+s3], $0x7D0, $0x38;
	[tilespmem:$0x1A5E0] =	vst v63  }
0x12: {  	s24 =	simm.s32 $0x0  }
.LBB2_2:
0x13: {  	p2 =	sne.s32 s24, $0xBB40  }
.Ltmp0:
0x14: {  	_ = 	snop;
	(pc) =	sbr.rel @p2 .LBB2_2-.Ltmp0, $3  }
0x15: {  	_ =	sdelay $0x1  }
0x16: {  	s25 =	sshra.s32 s24, $0x2  }
0x17: {  	s24 =	sadd.s32 $0x40, s24;
	[tilespmem:s25+$0x8CA0] =	vst v0  }
0x18: {  	s24 =	simm.s32 $0x40;
	s25 =	simm.s32 $0x0  }
.LBB2_4:
0x19: {  	p2 =	sne.s32 s24, $0x1F3C0;
	[tilespmem:s25+$0xFA0] =	vst v1;
	s25 =	smov.u32 s24;
	s24 =	sadd.s32 $0x40, s24  }
.Ltmp1:
0x1a: {  	(pc) =	sbr.rel @p2 .LBB2_4-.Ltmp1, $2  }
0x1b: {  	_ =	sdelay $0x2  }
0x1c: {  	s25 =	sshra.s32 s25, $0x2  }
0x1d: {  	[tilespmem:s25+$0xFA0] =	vst v1  }
0x1e: {  	[spmem:s5] =	stream.linear.scatter [tilespmem:s17], [sflag:$0x3], $0x2EE0, $0x38;
	[tilespmem:$0x1A5E0] =	vst v63  }
0x1f: {  	_ =	swait.ge [sflag:s18], $0x2EE0  }
0x20: {  	[sflag:s18] =	ssyncset.done $0x0  }
0x21: {  	[sflag:s18] =	ssyncadd.s32 $0xFFFFD120  }
0x22: {  	[spmem:s7] =	stream.linear.scatter [tilespmem:s17], [sflag:$0x3], $0x2EE0, $0x38;
	[tilespmem:$0x1A5E0] =	vst v63  }
0x23: {  	_ =	swait.ge [sflag:s18], $0x2EE0  }
0x24: {  	[sflag:s18] =	ssyncset.done $0x0  }
0x25: {  	[sflag:s18] =	ssyncadd.s32 $0xFFFFD120  }
0x26: {  	[spmem:s8] =	stream.linear.scatter [tilespmem:s17], [sflag:$0x3], $0x2EE0, $0x38;
	[tilespmem:$0x1A5E0] =	vst v63  }
0x27: {  	_ =	swait.ge [sflag:s18], $0x2EE0  }
0x28: {  	[sflag:s18] =	ssyncset.done $0x0  }
0x29: {  	[sflag:s18] =	ssyncadd.s32 $0xFFFFD120  }
0x2a: {  	[spmem:s9] =	stream.linear.scatter [tilespmem:s17], [sflag:$0x3], $0x2EE0, $0x38;
	[tilespmem:$0x1A5E0] =	vst v63  }
0x2b: {  	_ =	swait.ge [sflag:s18], $0x2EE0  }
0x2c: {  	[sflag:s18] =	ssyncset.done $0x0  }
0x2d: {  	[sflag:s18] =	ssyncadd.s32 $0xFFFFD120  }
0x2e: {  	[spmem:s10] =	stream.linear.scatter [tilespmem:s17], [sflag:$0x3], $0x2EE0, $0x38;
	[tilespmem:$0x1A5E0] =	vst v63  }
0x2f: {  	_ =	swait.ge [sflag:s18], $0x2EE0  }
0x30: {  	[sflag:s18] =	ssyncset.done $0x0  }
0x31: {  	[sflag:s18] =	ssyncadd.s32 $0xFFFFD120  }
0x32: {  	[bflag:$0x0] =	sbarrier.arrive $0xFFFF  }
0x33: {  	_ =	swait.ge [sflag:s19], $0x7D0  }
0x34: {  	[sflag:s19] =	ssyncset.done $0x0  }
0x35: {  	[sflag:s19] =	ssyncadd.s32 $0xFFFFF830  }
0x36: {  	[tilespmem:s20], [sflag:$0x2] =	stream.linear.gather [hbm4b:s11+s3], $0x7D0, $0x38;
	[tilespmem:$0x1A5E0] =	vst v63  }
0x37: {  	_ = 	snop  }
0x38: {  	[spmem:s2] =	stream.indirect.scatter.add.f32 [tilespmem:s21], [sflag:$0x3], $0x10, s3, s20, $0xb8;
	[tilespmem:$0x1A5E0] =	vst v63  }
0x39: {  	_ =	swait.ge [sflag:s18], $0x7D00  }
0x3a: {  	[sflag:s18] =	ssyncset.done $0x0  }
0x3b: {  	[sflag:s18] =	ssyncadd.s32 $0xFFFF8300  }
0x3c: {  	_ =	swait.ge [sflag:s22], $0x7D0  }
0x3d: {  	[sflag:s22] =	ssyncset.done $0x0  }
0x3e: {  	[sflag:s22] =	ssyncadd.s32 $0xFFFFF830  }
0x3f: {  	[tilespmem:s3], [sflag:$0x1] =	stream.linear.gather [hbm4b:s12+s3], $0x7D0, $0x38;
	[tilespmem:$0x1A5E0] =	vst v63  }
0x40: {  	_ = 	snop  }
0x41: {  	[spmem:s2] =	stream.indirect.scatter.add.f32 [tilespmem:s21], [sflag:$0x3], $0x10, s20, s20, $0xb8;
	[tilespmem:$0x1A5E0] =	vst v63  }
0x42: {  	_ =	swait.ge [sflag:s18], $0x7D00  }
0x43: {  	[sflag:s18] =	ssyncset.done $0x0  }
0x44: {  	[sflag:s18] =	ssyncadd.s32 $0xFFFF8300  }
0x45: {  	_ =	swait.ge [sflag:s19], $0x7D0  }
0x46: {  	[sflag:s19] =	ssyncset.done $0x0  }
0x47: {  	[sflag:s19] =	ssyncadd.s32 $0xFFFFF830  }
0x48: {  	[tilespmem:s20], [sflag:$0x2] =	stream.linear.gather [hbm4b:s13+s3], $0x7D0, $0x38;
	[tilespmem:$0x1A5E0] =	vst v63  }
0x49: {  	_ = 	snop  }
0x4a: {  	[spmem:s2] =	stream.indirect.scatter.add.f32 [tilespmem:s21], [sflag:$0x3], $0x10, s3, s20, $0xb8;
	[tilespmem:$0x1A5E0] =	vst v63  }
0x4b: {  	_ =	swait.ge [sflag:s18], $0x7D00  }
0x4c: {  	[sflag:s18] =	ssyncset.done $0x0  }
0x4d: {  	[sflag:s18] =	ssyncadd.s32 $0xFFFF8300  }
0x4e: {  	_ =	swait.ge [sflag:s22], $0x7D0  }
0x4f: {  	[sflag:s22] =	ssyncset.done $0x0  }
0x50: {  	[sflag:s22] =	ssyncadd.s32 $0xFFFFF830  }
0x51: {  	[tilespmem:s3], [sflag:$0x1] =	stream.linear.gather [hbm4b:s14+s3], $0x7D0, $0x38;
	[tilespmem:$0x1A5E0] =	vst v63  }
0x52: {  	_ = 	snop  }
0x53: {  	[spmem:s2] =	stream.indirect.scatter.add.f32 [tilespmem:s21], [sflag:$0x3], $0x10, s20, s20, $0xb8;
	[tilespmem:$0x1A5E0] =	vst v63  }
0x54: {  	_ =	swait.ge [sflag:s18], $0x7D00  }
0x55: {  	[sflag:s18] =	ssyncset.done $0x0  }
0x56: {  	[sflag:s18] =	ssyncadd.s32 $0xFFFF8300  }
0x57: {  	_ =	swait.ge [sflag:s19], $0x7D0  }
0x58: {  	[sflag:s19] =	ssyncset.done $0x0  }
0x59: {  	[sflag:s19] =	ssyncadd.s32 $0xFFFFF830  }
0x5a: {  	[spmem:s2] =	stream.indirect.scatter.add.f32 [tilespmem:s21], [sflag:$0x3], $0x10, s3, s20, $0xb8;
	[tilespmem:$0x1A5E0] =	vst v63  }
0x5b: {  	_ =	swait.ge [sflag:s18], $0x7D00  }
0x5c: {  	[sflag:s18] =	ssyncset.done $0x0  }
0x5d: {  	s24 =	sshll.u32 @!p1 s0, $0x6;
	[sflag:s18] =	ssyncadd.s32 $0xFFFF8300  }
0x5e: {  	s25 =	sshrl.u32 @!p1 s2, $0x3;
	s24 =	sor.u32 @!p1 $0x1C03, s24;
	[bflag:$0x0] =	sbarrier.arrive $0xFFFF  }
0x5f: {  	[hbm:s4], [sflag:s24] =	dma.local @!p1 [spmem:s25], $0x1D4C0  }
0x60: {  	s24 =	simm.s32 @!p1 $0x3  }
0x61: {  	s23 =	sadd.s32 $0x1, s23;
	_ =	swait.ge @!p1 [sflag:s24], $0x1D4C0  }
0x62: {  	p2 =	sne.s32 s23, s16;
	[sflag:s24] =	ssyncset.done @!p1 $0x0  }
0x63: {  	s25 =	simm.s32 @p0 $0x1C03;
	[sflag:s24] =	ssyncadd.s32 @!p1 $0xFFFE2B40;
	s24 =	sshrl.u32 @p0 s2, $0x3  }
0x64: {  	[hbm:s15], [sflag:s25] =	dma.local @p0 [spmem:s24], $0x1D4C0  }
.Ltmp2:
0x65: {  	_ = 	snop;
	(pc) =	sbr.rel @p2 .LBB2_1-.Ltmp2, $4  }
0x66: {  	s24 =	simm.s32 @p0 $0x3  }
0x67: {  	_ =	swait.ge @p0 [sflag:s24], $0x1D4C0  }
0x68: {  	[sflag:s24] =	ssyncset.done @p0 $0x0  }
0x69: {  	[sflag:s24] =	ssyncadd.s32 @p0 $0xFFFE2B40  }
0x6a: {  	_ =	sfence.sel $0x180000  }
0x6b: {  	[bflag:$0x0] =	sbarrier.arrive $0xFFFF  }
0x6c: {  	p0 =	sne.s32 s0, $0x0;
	_ =	strace $0x90000047  }
0x6d: {  	s0 =	sadd.s32 @!p0 $0x100000, s1;
	[bflag:$0x2] =	sbarrier.arrive $0xFFFF  }
0x6e: {  	[sflag:s0] =	ssyncadd.tile.s32 @!p0 $0x1;
	_ =	shalt  }
.Lfunc_end2:
_tile_overlayer_lowered:
.L_overlay_start_2:
0x6f: {  	(tag) =	ssettag $0x2  }
0x70: {  	s0 =	rddreg [dreg:$0x0];
	s2 =	stileid.u32  }
0x71: {  	s1 =	rddreg [dreg:$0x1];
	p0 =	sne.s32 s2, $0x0  }
0x72: {  	s3 =	rddreg [dreg:$0x2];
	[bflag:$0x3] =	sbarrier.arrive $0xFFFF;
	s2 =	simm.s32 @!p0 $0x1C03  }
0x73: {  	[timem:s3], [sflag:s2] =	dma.local @!p0 [hbm:s0], s1  }
0x74: {  	s0 =	simm.s32 @!p0 $0x3  }
0x75: {  	_ =	swait.ge @!p0 [sflag:s0], s1  }
0x76: {  	s1 =	ssub.s32 @!p0 $0x0, s1;
	[sflag:s0] =	ssyncset.done @!p0 $0x0  }
0x77: {  	[sflag:s0] =	ssyncadd.s32 @!p0 s1  }
0x78: {  	[bflag:$0x3] =	sbarrier.arrive $0xFFFF  }
0x79: {  	_ =	shalt  }

</sc_bundles>
